<compile_context>
chip_gen: v7x
topology: tpu7x:2x2x1
jax: 0.10.2.dev20260603
libtpu: 0.0.44.dev20260713+nightly
codegen_flags: <defaults>
</compile_context>

<pallas_src>
import jax
import jax.numpy as jnp
from jax import lax
from jax.experimental import pallas as pl
from jax.experimental.pallas import tpu as pltpu
from jax.experimental.pallas import tpu_sc as plsc

N = 10000
E = 320000
D = 128

NC, NS = 2, 16
NW = NC * NS
CHUNK = 128
NCHUNK = 80
EPW = NCHUNK * CHUNK
SCH = 16
NSTAGE = NCHUNK // SCH
NBUF = 2
E_PAD = NW * EPW
NP = 10240
ACC_ROWS = NP
ZR = ACC_ROWS // NS

_mesh = plsc.VectorSubcoreMesh(core_axis_name="c", subcore_axis_name="s")


def _zero_acc(acc, zer, s):
    pltpu.sync_copy(zer, acc.at[pl.ds(s * ZR, ZR)])


def _copy_out(acc, o0, o1, c, s):
    @pl.when(c == 0)
    def _():
        pltpu.sync_copy(acc.at[pl.ds(s * ZR, ZR)], o0.at[pl.ds(s * ZR, ZR)])
    @pl.when(c == 1)
    def _():
        pltpu.sync_copy(acc.at[pl.ds(s * ZR, ZR)], o1.at[pl.ds(s * ZR, ZR)])


def _deg_body(dst2d, ones_h, zer, o0, o1, didx, ones, acc):
    c = lax.axis_index("c")
    s = lax.axis_index("s")
    wid = s * NC + c
    _zero_acc(acc, zer, s)
    pltpu.sync_copy(ones_h, ones)
    plsc.subcore_barrier()
    def body(i, carry):
        pltpu.sync_copy(dst2d.at[pl.ds(wid * NCHUNK + i, 1)], didx)
        pltpu.sync_copy(ones, acc.at[didx.at[0]], add=True)
        return carry
    lax.fori_loop(0, NCHUNK, body, 0)
    plsc.subcore_barrier()
    _copy_out(acc, o0, o1, c, s)


_deg_call = pl.kernel(
    _deg_body,
    out_type=(jax.ShapeDtypeStruct((NP, D), jnp.float32),
              jax.ShapeDtypeStruct((NP, D), jnp.float32)),
    mesh=_mesh,
    scratch_types=[
        pltpu.VMEM((1, CHUNK), jnp.int32),
        pltpu.VMEM((CHUNK, D), jnp.float32),
        pltpu.VMEM_SHARED((ACC_ROWS, D), jnp.float32),
    ],
)


def _segsum_body(g, src2d, dst2d, zer, o0, o1, sidx, didx, rows0, rows1,
                 acc, sem0, sem1):
    c = lax.axis_index("c")
    s = lax.axis_index("s")
    wid = s * NC + c
    base = wid * NCHUNK
    _zero_acc(acc, zer, s)
    plsc.subcore_barrier()
    rows = (rows0, rows1)
    sems = (sem0, sem1)
    def stage(st, carry):
        sbase = base + st * SCH
        pltpu.sync_copy(src2d.at[pl.ds(sbase, SCH)], sidx)
        pltpu.sync_copy(dst2d.at[pl.ds(sbase, SCH)], didx)
        for b in range(NBUF):
            pltpu.async_copy(g.at[sidx.at[b]], rows[b], sems[b])
        def body(gi, c2):
            for b in range(NBUF):
                i = gi * NBUF + b
                pltpu.make_async_copy(g.at[sidx.at[i]], rows[b], sems[b]).wait()
                pltpu.sync_copy(rows[b], acc.at[didx.at[i]], add=True)
                @pl.when(i + NBUF < SCH)
                def _():
                    pltpu.async_copy(g.at[sidx.at[i + NBUF]], rows[b], sems[b])
            return c2
        lax.fori_loop(0, SCH // NBUF, body, 0)
        return carry
    lax.fori_loop(0, NSTAGE, stage, 0)
    plsc.subcore_barrier()
    _copy_out(acc, o0, o1, c, s)


_segsum_call = pl.kernel(
    _segsum_body,
    out_type=(jax.ShapeDtypeStruct((NP, D), jnp.float32),
              jax.ShapeDtypeStruct((NP, D), jnp.float32)),
    mesh=_mesh,
    scratch_types=[
        pltpu.VMEM((SCH, CHUNK), jnp.int32),
        pltpu.VMEM((SCH, CHUNK), jnp.int32),
        pltpu.VMEM((CHUNK, D), jnp.float32),
        pltpu.VMEM((CHUNK, D), jnp.float32),
        pltpu.VMEM_SHARED((ACC_ROWS, D), jnp.float32),
        pltpu.SemaphoreType.DMA,
        pltpu.SemaphoreType.DMA,
    ],
)


def _gather2_body(p, q, src2d, dst2d, pa, qa, sidx, didx, pr0, pr1,
                  qr0, qr1, psem0, psem1, qsem0, qsem1):
    c = lax.axis_index("c")
    s = lax.axis_index("s")
    wid = s * NC + c
    base = wid * NCHUNK
    prows = (pr0, pr1)
    qrows = (qr0, qr1)
    psems = (psem0, psem1)
    qsems = (qsem0, qsem1)
    def stage(st, carry):
        sbase = base + st * SCH
        pltpu.sync_copy(src2d.at[pl.ds(sbase, SCH)], sidx)
        pltpu.sync_copy(dst2d.at[pl.ds(sbase, SCH)], didx)
        for b in range(NBUF):
            pltpu.async_copy(p.at[sidx.at[b]], prows[b], psems[b])
            pltpu.async_copy(q.at[didx.at[b]], qrows[b], qsems[b])
        def body(gi, c2):
            for b in range(NBUF):
                i = gi * NBUF + b
                off = (sbase + i) * CHUNK
                pltpu.make_async_copy(p.at[sidx.at[i]], prows[b], psems[b]).wait()
                pltpu.sync_copy(prows[b], pa.at[pl.ds(off, CHUNK)])
                pltpu.make_async_copy(q.at[didx.at[i]], qrows[b], qsems[b]).wait()
                pltpu.sync_copy(qrows[b], qa.at[pl.ds(off, CHUNK)])
                @pl.when(i + NBUF < SCH)
                def _():
                    pltpu.async_copy(p.at[sidx.at[i + NBUF]], prows[b], psems[b])
                    pltpu.async_copy(q.at[didx.at[i + NBUF]], qrows[b], qsems[b])
            return c2
        lax.fori_loop(0, SCH // NBUF, body, 0)
        return carry
    lax.fori_loop(0, NSTAGE, stage, 0)


_gather2_call = pl.kernel(
    _gather2_body,
    out_type=(jax.ShapeDtypeStruct((E_PAD, D), jnp.float32),
              jax.ShapeDtypeStruct((E_PAD, D), jnp.float32)),
    mesh=_mesh,
    scratch_types=(
        [pltpu.VMEM((SCH, CHUNK), jnp.int32)] * 2
        + [pltpu.VMEM((CHUNK, D), jnp.float32)] * 4
        + [pltpu.SemaphoreType.DMA] * 4
    ),
)


BN = 640
BE = 1000

_w_spec = pl.BlockSpec((D, D), lambda i: (0, 0))
_b_spec = pl.BlockSpec((1, D), lambda i: (0, 0))
_n_spec = pl.BlockSpec((BN, D), lambda i: (i, 0))
_d_spec = pl.BlockSpec((BN, 1), lambda i: (i, 0))
_e_spec = pl.BlockSpec((BE, D), lambda i: (i, 0))


def _dis_kern(d0, d1, o):
    o[...] = lax.rsqrt(d0[:, 0:1] + d1[:, 0:1] + 1.0)


def _pre_kern(x, w, d, o):
    o[...] = jnp.dot(x[...], w[...], preferred_element_type=jnp.float32) * d[...]


def _mid_kern(a0, a1, g, d, b, w, o):
    dis = d[...]
    h = jnp.maximum(dis * (a0[...] + a1[...] + g[...]) + b[...], 0.0)
    o[...] = jnp.dot(h, w[...], preferred_element_type=jnp.float32) * dis


def _final_kern(a0, a1, g, d, b3, wt, wb, bm1, po, qo):
    h3 = d[...] * (a0[...] + a1[...] + g[...]) + b3[...]
    po[...] = jnp.dot(h3, wt[...], preferred_element_type=jnp.float32) + bm1[...]
    qo[...] = jnp.dot(h3, wb[...], preferred_element_type=jnp.float32)


def _edge_kern(pa, qa, w, b, o):
    h = jnp.maximum(pa[...] + qa[...], 0.0)
    o[...] = jnp.dot(h, w[...], preferred_element_type=jnp.float32) + b[...]


_dis_call = pl.pallas_call(
    _dis_kern,
    grid=(NP // BN,),
    in_specs=[_n_spec, _n_spec],
    out_specs=_d_spec,
    out_shape=jax.ShapeDtypeStruct((NP, 1), jnp.float32),
)

_pre_call = pl.pallas_call(
    _pre_kern,
    grid=(NP // BN,),
    in_specs=[_n_spec, _w_spec, _d_spec],
    out_specs=_n_spec,
    out_shape=jax.ShapeDtypeStruct((NP, D), jnp.float32),
)

_mid_call = pl.pallas_call(
    _mid_kern,
    grid=(NP // BN,),
    in_specs=[_n_spec, _n_spec, _n_spec, _d_spec, _b_spec, _w_spec],
    out_specs=_n_spec,
    out_shape=jax.ShapeDtypeStruct((NP, D), jnp.float32),
)

_final_call = pl.pallas_call(
    _final_kern,
    grid=(NP // BN,),
    in_specs=[_n_spec, _n_spec, _n_spec, _d_spec, _b_spec, _w_spec, _w_spec,
              _b_spec],
    out_specs=(_n_spec, _n_spec),
    out_shape=(jax.ShapeDtypeStruct((NP, D), jnp.float32),
               jax.ShapeDtypeStruct((NP, D), jnp.float32)),
)

_edge_call = pl.pallas_call(
    _edge_kern,
    grid=(E // BE,),
    in_specs=[_e_spec, _e_spec, _w_spec, _b_spec],
    out_specs=_e_spec,
    out_shape=jax.ShapeDtypeStruct((E, D), jnp.float32),
)


def kernel(x, edge_index, W1, b1, W2, b2, W3, b3, Wm1, bm1, Wm2, bm2):
    pad = E_PAD - E
    src2d = jnp.concatenate(
        [edge_index[0], jnp.zeros((pad,), jnp.int32)]).reshape(-1, CHUNK)
    dst2d = jnp.concatenate(
        [edge_index[1], jnp.full((pad,), N, jnp.int32)]).reshape(-1, CHUNK)
    b1r, b2r, b3r = b1.reshape(1, D), b2.reshape(1, D), b3.reshape(1, D)
    bm1r, bm2r = bm1.reshape(1, D), bm2.reshape(1, D)
    wt, wb = Wm1[:D], Wm1[D:]
    xp = jnp.concatenate([x, jnp.zeros((NP - N, D), jnp.float32)])

    zer = jnp.zeros((ZR, D), jnp.float32)
    d0, d1 = _deg_call(dst2d, jnp.ones((CHUNK, D), jnp.float32), zer)
    dis = _dis_call(d0, d1)
    g1 = _pre_call(xp, W1, dis)
    a0, a1 = _segsum_call(g1, src2d, dst2d, zer)
    g2 = _mid_call(a0, a1, g1, dis, b1r, W2)
    a0, a1 = _segsum_call(g2, src2d, dst2d, zer)
    g3 = _mid_call(a0, a1, g2, dis, b2r, W3)
    a0, a1 = _segsum_call(g3, src2d, dst2d, zer)
    p, q = _final_call(a0, a1, g3, dis, b3r, wt, wb, bm1r)
    pa, qa = _gather2_call(p, q, src2d, dst2d)
    return _edge_call(pa, qa, Wm2, bm2r)

# --- scband reference (transcript-rebuilt; emitter-appended) ---
"""Pipeline reference for scband-food-bank-gnn-55903294325076 (READ-ONLY COPY).

The authoritative reference and input builder live on the scoring server;
editing this copy changes nothing except your own understanding.
"""

import jax, jax.numpy as jnp
import numpy as np


def _gcn(x, ei, W, b):
    n = x.shape[0]
    loop = jnp.arange(n, dtype=ei.dtype)
    src = jnp.concatenate([ei[0], loop])
    dst = jnp.concatenate([ei[1], loop])
    deg = jnp.zeros((n,), jnp.float32).at[dst].add(1.0)
    dis = jnp.where(deg > 0, deg ** -0.5, 0.0)
    norm = dis[src] * dis[dst]
    h = x @ W
    msg = h[src] * norm[:, None]
    out = jax.ops.segment_sum(msg, dst, num_segments=n)
    return out + b


def setup_inputs(seed: int = 0):
    key = jax.random.key(seed)
    ks = jax.random.split(key, 12)
    N, E = 10000, 320000
    D, H, O = 128, 128, 128
    x = jax.random.normal(ks[0], (N, D), jnp.float32)
    edge_index = jax.random.randint(ks[1], (2, E), 0, N, dtype=jnp.int32)
    s = lambda f: 1.0 / np.sqrt(f)
    W1 = jax.random.normal(ks[2], (D, H), jnp.float32) * s(D)
    b1 = jnp.zeros((H,), jnp.float32)
    W2 = jax.random.normal(ks[3], (H, H), jnp.float32) * s(H)
    b2 = jnp.zeros((H,), jnp.float32)
    W3 = jax.random.normal(ks[4], (H, O), jnp.float32) * s(H)
    b3 = jnp.zeros((O,), jnp.float32)
    Wm1 = jax.random.normal(ks[5], (2 * H, H), jnp.float32) * s(2 * H)
    bm1 = jnp.zeros((H,), jnp.float32)
    Wm2 = jax.random.normal(ks[6], (H, H), jnp.float32) * s(H)
    bm2 = jnp.zeros((H,), jnp.float32)
    return {"x": x, "edge_index": edge_index, "W1": W1, "b1": b1, "W2": W2, "b2": b2, "W3": W3, "b3": b3, "Wm1": Wm1, "bm1": bm1, "Wm2": Wm2, "bm2": bm2}


def reference(x, edge_index, W1, b1, W2, b2, W3, b3, Wm1, bm1, Wm2, bm2):
    h = jax.nn.relu(_gcn(x, edge_index, W1, b1))
    h = jax.nn.relu(_gcn(h, edge_index, W2, b2))
    h = _gcn(h, edge_index, W3, b3)
    row, col = edge_index[0], edge_index[1]
    ef = jnp.concatenate([h[row], h[col]], axis=1)
    es = jax.nn.relu(ef @ Wm1 + bm1) @ Wm2 + bm2
    return jnp.squeeze(es)

if __name__ == "__main__":
    import jax
    _d = setup_inputs()
    print(jax.jit(kernel)(*tuple(_d.values())))

</pallas_src>

<mosaic_0001>
#map = affine_map<(d0, d1) -> (0, 0)>
module attributes {stable_mosaic.version = 14 : i64} {
  func.func @_deg_body(%arg0: i32, %arg1: i32, %arg2: memref<2560x128xi32, #tpu.memory_space<hbm>>, %arg3: memref<128x128xf32, #tpu.memory_space<hbm>>, %arg4: memref<640x128xf32, #tpu.memory_space<hbm>>, %arg5: memref<10240x128xf32, #tpu.memory_space<hbm>>, %arg6: memref<10240x128xf32, #tpu.memory_space<hbm>>, %arg7: memref<1x128xi32, #tpu.memory_space<vmem>>, %arg8: memref<128x128xf32, #tpu.memory_space<vmem>>, %arg9: memref<10240x128xf32, #tpu.memory_space<vmem_shared>>) attributes {dimension_semantics = [#tpu.dimension_semantics<core_parallel>, #tpu.dimension_semantics<subcore_parallel>], iteration_bounds = array<i64: 2, 16>, scalar_prefetch = 0 : i64, scratch_operands = 3 : i64, tpu.core_type = #tpu.core_type<sc_vector_subcore>, window_params = [{transform_indices = #map}, {transform_indices = #map}, {transform_indices = #map}, {transform_indices = #map}, {transform_indices = #map}]} {
    %mul3A = arith.constant 2 : i32
    %mul3A_0 = arith.muli %arg1, %mul3A : i32
    %add3A = arith.addi %mul3A_0, %arg0 : i32
    %mul3A_1 = arith.constant 640 : i32
    %mul3A_2 = arith.muli %arg1, %mul3A_1 : i32
    "tpu.region"() ({
      %run_scoped3A = tpu.sem_alloc : memref<!tpu.dma_semaphore, #tpu.memory_space<semaphore_mem>>
      %dma_start3A = arith.constant 0 : i32
      %dma_start3A_16 = tpu.memref_slice %arg9[%mul3A_2, %dma_start3A] : memref<10240x128xf32, #tpu.memory_space<vmem_shared>> -> memref<640x128xf32, #tpu.memory_space<vmem_shared>>
      tpu.enqueue_dma source(%arg4 : memref<640x128xf32, #tpu.memory_space<hbm>>) target(%dma_start3A_16 : memref<640x128xf32, #tpu.memory_space<vmem_shared>>) target_semaphore(%run_scoped3A : memref<!tpu.dma_semaphore, #tpu.memory_space<semaphore_mem>>)
      %dma_wait3A = arith.constant 0 : i32
      %dma_wait3A_17 = tpu.memref_slice %arg9[%mul3A_2, %dma_wait3A] : memref<10240x128xf32, #tpu.memory_space<vmem_shared>> -> memref<640x128xf32, #tpu.memory_space<vmem_shared>>
      tpu.wait_dma2 semaphore(%run_scoped3A : memref<!tpu.dma_semaphore, #tpu.memory_space<semaphore_mem>>) src(%arg4 : memref<640x128xf32, #tpu.memory_space<hbm>>) dst(%dma_wait3A_17 : memref<640x128xf32, #tpu.memory_space<vmem_shared>>)
      tpu.yield
    }) : () -> ()
    "tpu.region"() ({
      %run_scoped3A = tpu.sem_alloc : memref<!tpu.dma_semaphore, #tpu.memory_space<semaphore_mem>>
      tpu.enqueue_dma source(%arg3 : memref<128x128xf32, #tpu.memory_space<hbm>>) target(%arg8 : memref<128x128xf32, #tpu.memory_space<vmem>>) target_semaphore(%run_scoped3A : memref<!tpu.dma_semaphore, #tpu.memory_space<semaphore_mem>>)
      tpu.wait_dma2 semaphore(%run_scoped3A : memref<!tpu.dma_semaphore, #tpu.memory_space<semaphore_mem>>) src(%arg3 : memref<128x128xf32, #tpu.memory_space<hbm>>) dst(%arg8 : memref<128x128xf32, #tpu.memory_space<vmem>>)
      tpu.yield
    }) : () -> ()
    %barrier3A = arith.constant 0 : index
    tpu.barrier barrier_id(%barrier3A)
    %scan3A = arith.constant 0 : i32
    %scan3A_3 = arith.constant 0 : i32
    %scan3A_4 = arith.constant 80 : i32
    %scan3A_5 = arith.addi %scan3A_3, %scan3A_4 : i32
    %scan3A_6 = arith.constant 1 : i32
    scf.for %scan3A_16 = %scan3A_3 to %scan3A_5 step %scan3A_6  : i32 {
      %mul3A_17 = arith.constant 80 : i32
      %mul3A_18 = arith.muli %add3A, %mul3A_17 : i32
      %add3A_19 = arith.addi %mul3A_18, %scan3A_16 : i32
      "tpu.region"() ({
        %run_scoped3A_20 = tpu.sem_alloc : memref<!tpu.dma_semaphore, #tpu.memory_space<semaphore_mem>>
        %dma_start3A = arith.constant 0 : i32
        %dma_start3A_21 = tpu.memref_slice %arg2[%add3A_19, %dma_start3A] : memref<2560x128xi32, #tpu.memory_space<hbm>> -> memref<1x128xi32, #tpu.memory_space<hbm>>
        %dma_start3A_22 = arith.constant 0 : i32
        %dma_start3A_23 = tpu.memref_slice %arg2[%add3A_19, %dma_start3A_22] : memref<2560x128xi32, #tpu.memory_space<hbm>> -> memref<1x128xi32, #tpu.memory_space<hbm>>
        tpu.enqueue_dma source(%dma_start3A_23 : memref<1x128xi32, #tpu.memory_space<hbm>>) target(%arg7 : memref<1x128xi32, #tpu.memory_space<vmem>>) target_semaphore(%run_scoped3A_20 : memref<!tpu.dma_semaphore, #tpu.memory_space<semaphore_mem>>)
        %dma_wait3A = arith.constant 0 : i32
        %dma_wait3A_24 = tpu.memref_slice %arg2[%add3A_19, %dma_wait3A] : memref<2560x128xi32, #tpu.memory_space<hbm>> -> memref<1x128xi32, #tpu.memory_space<hbm>>
        %dma_wait3A_25 = arith.constant 0 : i32
        %dma_wait3A_26 = tpu.memref_slice %arg2[%add3A_19, %dma_wait3A_25] : memref<2560x128xi32, #tpu.memory_space<hbm>> -> memref<1x128xi32, #tpu.memory_space<hbm>>
        tpu.wait_dma2 semaphore(%run_scoped3A_20 : memref<!tpu.dma_semaphore, #tpu.memory_space<semaphore_mem>>) src(%dma_wait3A_26 : memref<1x128xi32, #tpu.memory_space<hbm>>) dst(%arg7 : memref<1x128xi32, #tpu.memory_space<vmem>>)
        tpu.yield
      }) : () -> ()
      %run_scoped3A = arith.constant 0 : i32
      "tpu.region"() ({
        %run_scoped3A_20 = tpu.sem_alloc : memref<!tpu.dma_semaphore, #tpu.memory_space<semaphore_mem>>
        %dma_start3A = arith.constant 0 : i32
        %dma_start3A_21 = tpu.memref_slice %arg7[%run_scoped3A, %dma_start3A] : memref<1x128xi32, #tpu.memory_space<vmem>> -> memref<1x128xi32, #tpu.memory_space<vmem>>
        %dma_start3A_22 = tpu.memref_squeeze %dma_start3A_21 : memref<1x128xi32, #tpu.memory_space<vmem>> -> memref<128xi32, #tpu.memory_space<vmem>>
        %dma_start3A_23 = arith.constant 0 : i32
        %dma_start3A_24 = arith.constant 0 : i32
        %dma_start3A_25 = tpu.memref_slice %arg9[%dma_start3A_23, %dma_start3A_24] : memref<10240x128xf32, #tpu.memory_space<vmem_shared>> -> memref<10240x128xf32, #tpu.memory_space<vmem_shared>>
        tpu.enqueue_indirect_dma source(%arg8 : memref<128x128xf32, #tpu.memory_space<vmem>>) target(%dma_start3A_25 : memref<10240x128xf32, #tpu.memory_space<vmem_shared>>) offsets(%dma_start3A_22 : memref<128xi32, #tpu.memory_space<vmem>>) semaphore(%run_scoped3A_20 : memref<!tpu.dma_semaphore, #tpu.memory_space<semaphore_mem>>) {add = true}
        %dma_wait3A = arith.constant 0 : i32
        %dma_wait3A_26 = tpu.memref_slice %arg7[%run_scoped3A, %dma_wait3A] : memref<1x128xi32, #tpu.memory_space<vmem>> -> memref<1x128xi32, #tpu.memory_space<vmem>>
        %dma_wait3A_27 = tpu.memref_squeeze %dma_wait3A_26 : memref<1x128xi32, #tpu.memory_space<vmem>> -> memref<128xi32, #tpu.memory_space<vmem>>
        %dma_wait3A_28 = arith.constant 0 : i32
        %dma_wait3A_29 = arith.constant 0 : i32
        %dma_wait3A_30 = tpu.memref_slice %arg9[%dma_wait3A_28, %dma_wait3A_29] : memref<10240x128xf32, #tpu.memory_space<vmem_shared>> -> memref<10240x128xf32, #tpu.memory_space<vmem_shared>>
        tpu.wait_indirect_dma semaphore(%run_scoped3A_20 : memref<!tpu.dma_semaphore, #tpu.memory_space<semaphore_mem>>) src(%arg8 : memref<128x128xf32, #tpu.memory_space<vmem>>) dst(%dma_wait3A_30 : memref<10240x128xf32, #tpu.memory_space<vmem_shared>>)
        tpu.yield
      }) : () -> ()
    }
    %scan3A_7 = arith.constant 80 : i32
    %barrier3A_8 = arith.constant 0 : index
    tpu.barrier barrier_id(%barrier3A_8)
    %eq3A = arith.constant 0 : i32
    %eq3A_9 = arith.cmpi eq, %arg0, %eq3A : i32
    %convert_element_type3A = arith.extui %eq3A_9 : i1 to i32
    %cond3A = arith.constant 0 : i32
    %cond3A_10 = arith.cmpi ne, %convert_element_type3A, %cond3A : i32
    scf.if %cond3A_10 {
      %mul3A_16 = arith.constant 640 : i32
      %mul3A_17 = arith.muli %arg1, %mul3A_16 : i32
      %mul3A_18 = arith.constant 640 : i32
      %mul3A_19 = arith.muli %arg1, %mul3A_18 : i32
      "tpu.region"() ({
        %run_scoped3A = tpu.sem_alloc : memref<!tpu.dma_semaphore, #tpu.memory_space<semaphore_mem>>
        %dma_start3A = arith.constant 0 : i32
        %dma_start3A_20 = tpu.memref_slice %arg5[%mul3A_19, %dma_start3A] : memref<10240x128xf32, #tpu.memory_space<hbm>> -> memref<640x128xf32, #tpu.memory_space<hbm>>
        %dma_start3A_21 = arith.constant 0 : i32
        %dma_start3A_22 = tpu.memref_slice %arg9[%mul3A_17, %dma_start3A_21] : memref<10240x128xf32, #tpu.memory_space<vmem_shared>> -> memref<640x128xf32, #tpu.memory_space<vmem_shared>>
        tpu.enqueue_dma source(%dma_start3A_22 : memref<640x128xf32, #tpu.memory_space<vmem_shared>>) target(%dma_start3A_20 : memref<640x128xf32, #tpu.memory_space<hbm>>) target_semaphore(%run_scoped3A : memref<!tpu.dma_semaphore, #tpu.memory_space<semaphore_mem>>)
        %dma_wait3A = arith.constant 0 : i32
        %dma_wait3A_23 = tpu.memref_slice %arg5[%mul3A_19, %dma_wait3A] : memref<10240x128xf32, #tpu.memory_space<hbm>> -> memref<640x128xf32, #tpu.memory_space<hbm>>
        %dma_wait3A_24 = arith.constant 0 : i32
        %dma_wait3A_25 = tpu.memref_slice %arg9[%mul3A_17, %dma_wait3A_24] : memref<10240x128xf32, #tpu.memory_space<vmem_shared>> -> memref<640x128xf32, #tpu.memory_space<vmem_shared>>
        tpu.wait_dma2 semaphore(%run_scoped3A : memref<!tpu.dma_semaphore, #tpu.memory_space<semaphore_mem>>) src(%dma_wait3A_25 : memref<640x128xf32, #tpu.memory_space<vmem_shared>>) dst(%dma_wait3A_23 : memref<640x128xf32, #tpu.memory_space<hbm>>)
        tpu.yield
      }) : () -> ()
    } else {
    }
    %eq3A_11 = arith.constant 1 : i32
    %eq3A_12 = arith.cmpi eq, %arg0, %eq3A_11 : i32
    %convert_element_type3A_13 = arith.extui %eq3A_12 : i1 to i32
    %cond3A_14 = arith.constant 0 : i32
    %cond3A_15 = arith.cmpi ne, %convert_element_type3A_13, %cond3A_14 : i32
    scf.if %cond3A_15 {
      %mul3A_16 = arith.constant 640 : i32
      %mul3A_17 = arith.muli %arg1, %mul3A_16 : i32
      %mul3A_18 = arith.constant 640 : i32
      %mul3A_19 = arith.muli %arg1, %mul3A_18 : i32
      "tpu.region"() ({
        %run_scoped3A = tpu.sem_alloc : memref<!tpu.dma_semaphore, #tpu.memory_space<semaphore_mem>>
        %dma_start3A = arith.constant 0 : i32
        %dma_start3A_20 = tpu.memref_slice %arg6[%mul3A_19, %dma_start3A] : memref<10240x128xf32, #tpu.memory_space<hbm>> -> memref<640x128xf32, #tpu.memory_space<hbm>>
        %dma_start3A_21 = arith.constant 0 : i32
        %dma_start3A_22 = tpu.memref_slice %arg9[%mul3A_17, %dma_start3A_21] : memref<10240x128xf32, #tpu.memory_space<vmem_shared>> -> memref<640x128xf32, #tpu.memory_space<vmem_shared>>
        tpu.enqueue_dma source(%dma_start3A_22 : memref<640x128xf32, #tpu.memory_space<vmem_shared>>) target(%dma_start3A_20 : memref<640x128xf32, #tpu.memory_space<hbm>>) target_semaphore(%run_scoped3A : memref<!tpu.dma_semaphore, #tpu.memory_space<semaphore_mem>>)
        %dma_wait3A = arith.constant 0 : i32
        %dma_wait3A_23 = tpu.memref_slice %arg6[%mul3A_19, %dma_wait3A] : memref<10240x128xf32, #tpu.memory_space<hbm>> -> memref<640x128xf32, #tpu.memory_space<hbm>>
        %dma_wait3A_24 = arith.constant 0 : i32
        %dma_wait3A_25 = tpu.memref_slice %arg9[%mul3A_17, %dma_wait3A_24] : memref<10240x128xf32, #tpu.memory_space<vmem_shared>> -> memref<640x128xf32, #tpu.memory_space<vmem_shared>>
        tpu.wait_dma2 semaphore(%run_scoped3A : memref<!tpu.dma_semaphore, #tpu.memory_space<semaphore_mem>>) src(%dma_wait3A_25 : memref<640x128xf32, #tpu.memory_space<vmem_shared>>) dst(%dma_wait3A_23 : memref<640x128xf32, #tpu.memory_space<hbm>>)
        tpu.yield
      }) : () -> ()
    } else {
    }
    return
  }
}

#map = affine_map<(d0, d1) -> (0, 0)>
module attributes {stable_mosaic.version = 14 : i64} {
  func.func @_segsum_body(%arg0: i32, %arg1: i32, %arg2: memref<10240x128xf32, #tpu.memory_space<hbm>>, %arg3: memref<2560x128xi32, #tpu.memory_space<hbm>>, %arg4: memref<2560x128xi32, #tpu.memory_space<hbm>>, %arg5: memref<640x128xf32, #tpu.memory_space<hbm>>, %arg6: memref<10240x128xf32, #tpu.memory_space<hbm>>, %arg7: memref<10240x128xf32, #tpu.memory_space<hbm>>, %arg8: memref<16x128xi32, #tpu.memory_space<vmem>>, %arg9: memref<16x128xi32, #tpu.memory_space<vmem>>, %arg10: memref<128x128xf32, #tpu.memory_space<vmem>>, %arg11: memref<128x128xf32, #tpu.memory_space<vmem>>, %arg12: memref<10240x128xf32, #tpu.memory_space<vmem_shared>>, %arg13: memref<!tpu.dma_semaphore, #tpu.memory_space<semaphore_mem>>, %arg14: memref<!tpu.dma_semaphore, #tpu.memory_space<semaphore_mem>>) attributes {dimension_semantics = [#tpu.dimension_semantics<core_parallel>, #tpu.dimension_semantics<subcore_parallel>], iteration_bounds = array<i64: 2, 16>, scalar_prefetch = 0 : i64, scratch_operands = 7 : i64, tpu.core_type = #tpu.core_type<sc_vector_subcore>, window_params = [{transform_indices = #map}, {transform_indices = #map}, {transform_indices = #map}, {transform_indices = #map}, {transform_indices = #map}, {transform_indices = #map}]} {
    %mul3A = arith.constant 2 : i32
    %mul3A_0 = arith.muli %arg1, %mul3A : i32
    %add3A = arith.addi %mul3A_0, %arg0 : i32
    %mul3A_1 = arith.constant 80 : i32
    %mul3A_2 = arith.muli %add3A, %mul3A_1 : i32
    %mul3A_3 = arith.constant 640 : i32
    %mul3A_4 = arith.muli %arg1, %mul3A_3 : i32
    "tpu.region"() ({
      %run_scoped3A = tpu.sem_alloc : memref<!tpu.dma_semaphore, #tpu.memory_space<semaphore_mem>>
      %dma_start3A = arith.constant 0 : i32
      %dma_start3A_18 = tpu.memref_slice %arg12[%mul3A_4, %dma_start3A] : memref<10240x128xf32, #tpu.memory_space<vmem_shared>> -> memref<640x128xf32, #tpu.memory_space<vmem_shared>>
      tpu.enqueue_dma source(%arg5 : memref<640x128xf32, #tpu.memory_space<hbm>>) target(%dma_start3A_18 : memref<640x128xf32, #tpu.memory_space<vmem_shared>>) target_semaphore(%run_scoped3A : memref<!tpu.dma_semaphore, #tpu.memory_space<semaphore_mem>>)
      %dma_wait3A = arith.constant 0 : i32
      %dma_wait3A_19 = tpu.memref_slice %arg12[%mul3A_4, %dma_wait3A] : memref<10240x128xf32, #tpu.memory_space<vmem_shared>> -> memref<640x128xf32, #tpu.memory_space<vmem_shared>>
      tpu.wait_dma2 semaphore(%run_scoped3A : memref<!tpu.dma_semaphore, #tpu.memory_space<semaphore_mem>>) src(%arg5 : memref<640x128xf32, #tpu.memory_space<hbm>>) dst(%dma_wait3A_19 : memref<640x128xf32, #tpu.memory_space<vmem_shared>>)
      tpu.yield
    }) : () -> ()
    %barrier3A = arith.constant 0 : index
    tpu.barrier barrier_id(%barrier3A)
    %scan3A = arith.constant 0 : i32
    %scan3A_5 = arith.constant 0 : i32
    %scan3A_6 = arith.constant 5 : i32
    %scan3A_7 = arith.addi %scan3A_5, %scan3A_6 : i32
    %scan3A_8 = arith.constant 1 : i32
    scf.for %scan3A_18 = %scan3A_5 to %scan3A_7 step %scan3A_8  : i32 {
      %mul3A_19 = arith.constant 16 : i32
      %mul3A_20 = arith.muli %scan3A_18, %mul3A_19 : i32
      %add3A_21 = arith.addi %mul3A_2, %mul3A_20 : i32
      "tpu.region"() ({
        %run_scoped3A = tpu.sem_alloc : memref<!tpu.dma_semaphore, #tpu.memory_space<semaphore_mem>>
        %dma_start3A_41 = arith.constant 0 : i32
        %dma_start3A_42 = tpu.memref_slice %arg3[%add3A_21, %dma_start3A_41] : memref<2560x128xi32, #tpu.memory_space<hbm>> -> memref<16x128xi32, #tpu.memory_space<hbm>>
        %dma_start3A_43 = arith.constant 0 : i32
        %dma_start3A_44 = tpu.memref_slice %arg3[%add3A_21, %dma_start3A_43] : memref<2560x128xi32, #tpu.memory_space<hbm>> -> memref<16x128xi32, #tpu.memory_space<hbm>>
        tpu.enqueue_dma source(%dma_start3A_44 : memref<16x128xi32, #tpu.memory_space<hbm>>) target(%arg8 : memref<16x128xi32, #tpu.memory_space<vmem>>) target_semaphore(%run_scoped3A : memref<!tpu.dma_semaphore, #tpu.memory_space<semaphore_mem>>)
        %dma_wait3A = arith.constant 0 : i32
        %dma_wait3A_45 = tpu.memref_slice %arg3[%add3A_21, %dma_wait3A] : memref<2560x128xi32, #tpu.memory_space<hbm>> -> memref<16x128xi32, #tpu.memory_space<hbm>>
        %dma_wait3A_46 = arith.constant 0 : i32
        %dma_wait3A_47 = tpu.memref_slice %arg3[%add3A_21, %dma_wait3A_46] : memref<2560x128xi32, #tpu.memory_space<hbm>> -> memref<16x128xi32, #tpu.memory_space<hbm>>
        tpu.wait_dma2 semaphore(%run_scoped3A : memref<!tpu.dma_semaphore, #tpu.memory_space<semaphore_mem>>) src(%dma_wait3A_47 : memref<16x128xi32, #tpu.memory_space<hbm>>) dst(%arg8 : memref<16x128xi32, #tpu.memory_space<vmem>>)
        tpu.yield
      }) : () -> ()
      "tpu.region"() ({
        %run_scoped3A = tpu.sem_alloc : memref<!tpu.dma_semaphore, #tpu.memory_space<semaphore_mem>>
        %dma_start3A_41 = arith.constant 0 : i32
        %dma_start3A_42 = tpu.memref_slice %arg4[%add3A_21, %dma_start3A_41] : memref<2560x128xi32, #tpu.memory_space<hbm>> -> memref<16x128xi32, #tpu.memory_space<hbm>>
        %dma_start3A_43 = arith.constant 0 : i32
        %dma_start3A_44 = tpu.memref_slice %arg4[%add3A_21, %dma_start3A_43] : memref<2560x128xi32, #tpu.memory_space<hbm>> -> memref<16x128xi32, #tpu.memory_space<hbm>>
        tpu.enqueue_dma source(%dma_start3A_44 : memref<16x128xi32, #tpu.memory_space<hbm>>) target(%arg9 : memref<16x128xi32, #tpu.memory_space<vmem>>) target_semaphore(%run_scoped3A : memref<!tpu.dma_semaphore, #tpu.memory_space<semaphore_mem>>)
        %dma_wait3A = arith.constant 0 : i32
        %dma_wait3A_45 = tpu.memref_slice %arg4[%add3A_21, %dma_wait3A] : memref<2560x128xi32, #tpu.memory_space<hbm>> -> memref<16x128xi32, #tpu.memory_space<hbm>>
        %dma_wait3A_46 = arith.constant 0 : i32
        %dma_wait3A_47 = tpu.memref_slice %arg4[%add3A_21, %dma_wait3A_46] : memref<2560x128xi32, #tpu.memory_space<hbm>> -> memref<16x128xi32, #tpu.memory_space<hbm>>
        tpu.wait_dma2 semaphore(%run_scoped3A : memref<!tpu.dma_semaphore, #tpu.memory_space<semaphore_mem>>) src(%dma_wait3A_47 : memref<16x128xi32, #tpu.memory_space<hbm>>) dst(%arg9 : memref<16x128xi32, #tpu.memory_space<vmem>>)
        tpu.yield
      }) : () -> ()
      %dma_start3A = arith.constant 0 : i32
      %dma_start3A_22 = arith.constant 0 : i32
      %dma_start3A_23 = tpu.memref_slice %arg8[%dma_start3A, %dma_start3A_22] : memref<16x128xi32, #tpu.memory_space<vmem>> -> memref<1x128xi32, #tpu.memory_space<vmem>>
      %dma_start3A_24 = tpu.memref_squeeze %dma_start3A_23 : memref<1x128xi32, #tpu.memory_space<vmem>> -> memref<128xi32, #tpu.memory_space<vmem>>
      %dma_start3A_25 = arith.constant 0 : i32
      %dma_start3A_26 = arith.constant 0 : i32
      %dma_start3A_27 = tpu.memref_slice %arg2[%dma_start3A_25, %dma_start3A_26] : memref<10240x128xf32, #tpu.memory_space<hbm>> -> memref<10240x128xf32, #tpu.memory_space<hbm>>
      tpu.enqueue_indirect_dma source(%dma_start3A_27 : memref<10240x128xf32, #tpu.memory_space<hbm>>) target(%arg10 : memref<128x128xf32, #tpu.memory_space<vmem>>) offsets(%dma_start3A_24 : memref<128xi32, #tpu.memory_space<vmem>>) semaphore(%arg13 : memref<!tpu.dma_semaphore, #tpu.memory_space<semaphore_mem>>)
      %dma_start3A_28 = arith.constant 1 : i32
      %dma_start3A_29 = arith.constant 0 : i32
      %dma_start3A_30 = tpu.memref_slice %arg8[%dma_start3A_28, %dma_start3A_29] : memref<16x128xi32, #tpu.memory_space<vmem>> -> memref<1x128xi32, #tpu.memory_space<vmem>>
      %dma_start3A_31 = tpu.memref_squeeze %dma_start3A_30 : memref<1x128xi32, #tpu.memory_space<vmem>> -> memref<128xi32, #tpu.memory_space<vmem>>
      %dma_start3A_32 = arith.constant 0 : i32
      %dma_start3A_33 = arith.constant 0 : i32
      %dma_start3A_34 = tpu.memref_slice %arg2[%dma_start3A_32, %dma_start3A_33] : memref<10240x128xf32, #tpu.memory_space<hbm>> -> memref<10240x128xf32, #tpu.memory_space<hbm>>
      tpu.enqueue_indirect_dma source(%dma_start3A_34 : memref<10240x128xf32, #tpu.memory_space<hbm>>) target(%arg11 : memref<128x128xf32, #tpu.memory_space<vmem>>) offsets(%dma_start3A_31 : memref<128xi32, #tpu.memory_space<vmem>>) semaphore(%arg14 : memref<!tpu.dma_semaphore, #tpu.memory_space<semaphore_mem>>)
      %scan3A_35 = arith.constant 0 : i32
      %scan3A_36 = arith.constant 0 : i32
      %scan3A_37 = arith.constant 8 : i32
      %scan3A_38 = arith.addi %scan3A_36, %scan3A_37 : i32
      %scan3A_39 = arith.constant 1 : i32
      scf.for %scan3A_41 = %scan3A_36 to %scan3A_38 step %scan3A_39  : i32 {
        %mul3A_42 = arith.constant 2 : i32
        %mul3A_43 = arith.muli %scan3A_41, %mul3A_42 : i32
        %add3A_44 = arith.constant 0 : i32
        %add3A_45 = arith.addi %mul3A_43, %add3A_44 : i32
        %dma_wait3A = arith.constant 0 : i32
        %dma_wait3A_46 = tpu.memref_slice %arg8[%add3A_45, %dma_wait3A] : memref<16x128xi32, #tpu.memory_space<vmem>> -> memref<1x128xi32, #tpu.memory_space<vmem>>
        %dma_wait3A_47 = tpu.memref_squeeze %dma_wait3A_46 : memref<1x128xi32, #tpu.memory_space<vmem>> -> memref<128xi32, #tpu.memory_space<vmem>>
        %dma_wait3A_48 = arith.constant 0 : i32
        %dma_wait3A_49 = arith.constant 0 : i32
        %dma_wait3A_50 = tpu.memref_slice %arg2[%dma_wait3A_48, %dma_wait3A_49] : memref<10240x128xf32, #tpu.memory_space<hbm>> -> memref<10240x128xf32, #tpu.memory_space<hbm>>
        tpu.wait_indirect_dma semaphore(%arg13 : memref<!tpu.dma_semaphore, #tpu.memory_space<semaphore_mem>>) src(%dma_wait3A_50 : memref<10240x128xf32, #tpu.memory_space<hbm>>) dst(%arg10 : memref<128x128xf32, #tpu.memory_space<vmem>>)
        "tpu.region"() ({
          %run_scoped3A = tpu.sem_alloc : memref<!tpu.dma_semaphore, #tpu.memory_space<semaphore_mem>>
          %dma_start3A_74 = arith.constant 0 : i32
          %dma_start3A_75 = tpu.memref_slice %arg9[%add3A_45, %dma_start3A_74] : memref<16x128xi32, #tpu.memory_space<vmem>> -> memref<1x128xi32, #tpu.memory_space<vmem>>
          %dma_start3A_76 = tpu.memref_squeeze %dma_start3A_75 : memref<1x128xi32, #tpu.memory_space<vmem>> -> memref<128xi32, #tpu.memory_space<vmem>>
          %dma_start3A_77 = arith.constant 0 : i32
          %dma_start3A_78 = arith.constant 0 : i32
          %dma_start3A_79 = tpu.memref_slice %arg12[%dma_start3A_77, %dma_start3A_78] : memref<10240x128xf32, #tpu.memory_space<vmem_shared>> -> memref<10240x128xf32, #tpu.memory_space<vmem_shared>>
          tpu.enqueue_indirect_dma source(%arg10 : memref<128x128xf32, #tpu.memory_space<vmem>>) target(%dma_start3A_79 : memref<10240x128xf32, #tpu.memory_space<vmem_shared>>) offsets(%dma_start3A_76 : memref<128xi32, #tpu.memory_space<vmem>>) semaphore(%run_scoped3A : memref<!tpu.dma_semaphore, #tpu.memory_space<semaphore_mem>>) {add = true}
          %dma_wait3A_80 = arith.constant 0 : i32
          %dma_wait3A_81 = tpu.memref_slice %arg9[%add3A_45, %dma_wait3A_80] : memref<16x128xi32, #tpu.memory_space<vmem>> -> memref<1x128xi32, #tpu.memory_space<vmem>>
          %dma_wait3A_82 = tpu.memref_squeeze %dma_wait3A_81 : memref<1x128xi32, #tpu.memory_space<vmem>> -> memref<128xi32, #tpu.memory_space<vmem>>
          %dma_wait3A_83 = arith.constant 0 : i32
          %dma_wait3A_84 = arith.constant 0 : i32
          %dma_wait3A_85 = tpu.memref_slice %arg12[%dma_wait3A_83, %dma_wait3A_84] : memref<10240x128xf32, #tpu.memory_space<vmem_shared>> -> memref<10240x128xf32, #tpu.memory_space<vmem_shared>>
          tpu.wait_indirect_dma semaphore(%run_scoped3A : memref<!tpu.dma_semaphore, #tpu.memory_space<semaphore_mem>>) src(%arg10 : memref<128x128xf32, #tpu.memory_space<vmem>>) dst(%dma_wait3A_85 : memref<10240x128xf32, #tpu.memory_space<vmem_shared>>)
          tpu.yield
        }) : () -> ()
        %add3A_51 = arith.constant 2 : i32
        %add3A_52 = arith.addi %add3A_45, %add3A_51 : i32
        %lt3A = arith.constant 16 : i32
        %lt3A_53 = arith.cmpi slt, %add3A_52, %lt3A : i32
        %convert_element_type3A_54 = arith.extui %lt3A_53 : i1 to i32
        %cond3A_55 = arith.constant 0 : i32
        %cond3A_56 = arith.cmpi ne, %convert_element_type3A_54, %cond3A_55 : i32
        scf.if %cond3A_56 {
          %add3A_74 = arith.constant 2 : i32
          %add3A_75 = arith.addi %add3A_45, %add3A_74 : i32
          %dma_start3A_76 = arith.constant 0 : i32
          %dma_start3A_77 = tpu.memref_slice %arg8[%add3A_75, %dma_start3A_76] : memref<16x128xi32, #tpu.memory_space<vmem>> -> memref<1x128xi32, #tpu.memory_space<vmem>>
          %dma_start3A_78 = tpu.memref_squeeze %dma_start3A_77 : memref<1x128xi32, #tpu.memory_space<vmem>> -> memref<128xi32, #tpu.memory_space<vmem>>
          %dma_start3A_79 = arith.constant 0 : i32
          %dma_start3A_80 = arith.constant 0 : i32
          %dma_start3A_81 = tpu.memref_slice %arg2[%dma_start3A_79, %dma_start3A_80] : memref<10240x128xf32, #tpu.memory_space<hbm>> -> memref<10240x128xf32, #tpu.memory_space<hbm>>
          tpu.enqueue_indirect_dma source(%dma_start3A_81 : memref<10240x128xf32, #tpu.memory_space<hbm>>) target(%arg10 : memref<128x128xf32, #tpu.memory_space<vmem>>) offsets(%dma_start3A_78 : memref<128xi32, #tpu.memory_space<vmem>>) semaphore(%arg13 : memref<!tpu.dma_semaphore, #tpu.memory_space<semaphore_mem>>)
        } else {
        }
        %mul3A_57 = arith.constant 2 : i32
        %mul3A_58 = arith.muli %scan3A_41, %mul3A_57 : i32
        %add3A_59 = arith.constant 1 : i32
        %add3A_60 = arith.addi %mul3A_58, %add3A_59 : i32
        %dma_wait3A_61 = arith.constant 0 : i32
        %dma_wait3A_62 = tpu.memref_slice %arg8[%add3A_60, %dma_wait3A_61] : memref<16x128xi32, #tpu.memory_space<vmem>> -> memref<1x128xi32, #tpu.memory_space<vmem>>
        %dma_wait3A_63 = tpu.memref_squeeze %dma_wait3A_62 : memref<1x128xi32, #tpu.memory_space<vmem>> -> memref<128xi32, #tpu.memory_space<vmem>>
        %dma_wait3A_64 = arith.constant 0 : i32
        %dma_wait3A_65 = arith.constant 0 : i32
        %dma_wait3A_66 = tpu.memref_slice %arg2[%dma_wait3A_64, %dma_wait3A_65] : memref<10240x128xf32, #tpu.memory_space<hbm>> -> memref<10240x128xf32, #tpu.memory_space<hbm>>
        tpu.wait_indirect_dma semaphore(%arg14 : memref<!tpu.dma_semaphore, #tpu.memory_space<semaphore_mem>>) src(%dma_wait3A_66 : memref<10240x128xf32, #tpu.memory_space<hbm>>) dst(%arg11 : memref<128x128xf32, #tpu.memory_space<vmem>>)
        "tpu.region"() ({
          %run_scoped3A = tpu.sem_alloc : memref<!tpu.dma_semaphore, #tpu.memory_space<semaphore_mem>>
          %dma_start3A_74 = arith.constant 0 : i32
          %dma_start3A_75 = tpu.memref_slice %arg9[%add3A_60, %dma_start3A_74] : memref<16x128xi32, #tpu.memory_space<vmem>> -> memref<1x128xi32, #tpu.memory_space<vmem>>
          %dma_start3A_76 = tpu.memref_squeeze %dma_start3A_75 : memref<1x128xi32, #tpu.memory_space<vmem>> -> memref<128xi32, #tpu.memory_space<vmem>>
          %dma_start3A_77 = arith.constant 0 : i32
          %dma_start3A_78 = arith.constant 0 : i32
          %dma_start3A_79 = tpu.memref_slice %arg12[%dma_start3A_77, %dma_start3A_78] : memref<10240x128xf32, #tpu.memory_space<vmem_shared>> -> memref<10240x128xf32, #tpu.memory_space<vmem_shared>>
          tpu.enqueue_indirect_dma source(%arg11 : memref<128x128xf32, #tpu.memory_space<vmem>>) target(%dma_start3A_79 : memref<10240x128xf32, #tpu.memory_space<vmem_shared>>) offsets(%dma_start3A_76 : memref<128xi32, #tpu.memory_space<vmem>>) semaphore(%run_scoped3A : memref<!tpu.dma_semaphore, #tpu.memory_space<semaphore_mem>>) {add = true}
          %dma_wait3A_80 = arith.constant 0 : i32
          %dma_wait3A_81 = tpu.memref_slice %arg9[%add3A_60, %dma_wait3A_80] : memref<16x128xi32, #tpu.memory_space<vmem>> -> memref<1x128xi32, #tpu.memory_space<vmem>>
          %dma_wait3A_82 = tpu.memref_squeeze %dma_wait3A_81 : memref<1x128xi32, #tpu.memory_space<vmem>> -> memref<128xi32, #tpu.memory_space<vmem>>
          %dma_wait3A_83 = arith.constant 0 : i32
          %dma_wait3A_84 = arith.constant 0 : i32
          %dma_wait3A_85 = tpu.memref_slice %arg12[%dma_wait3A_83, %dma_wait3A_84] : memref<10240x128xf32, #tpu.memory_space<vmem_shared>> -> memref<10240x128xf32, #tpu.memory_space<vmem_shared>>
          tpu.wait_indirect_dma semaphore(%run_scoped3A : memref<!tpu.dma_semaphore, #tpu.memory_space<semaphore_mem>>) src(%arg11 : memref<128x128xf32, #tpu.memory_space<vmem>>) dst(%dma_wait3A_85 : memref<10240x128xf32, #tpu.memory_space<vmem_shared>>)
          tpu.yield
        }) : () -> ()
        %add3A_67 = arith.constant 2 : i32
        %add3A_68 = arith.addi %add3A_60, %add3A_67 : i32
        %lt3A_69 = arith.constant 16 : i32
        %lt3A_70 = arith.cmpi slt, %add3A_68, %lt3A_69 : i32
        %convert_element_type3A_71 = arith.extui %lt3A_70 : i1 to i32
        %cond3A_72 = arith.constant 0 : i32
        %cond3A_73 = arith.cmpi ne, %convert_element_type3A_71, %cond3A_72 : i32
        scf.if %cond3A_73 {
          %add3A_74 = arith.constant 2 : i32
          %add3A_75 = arith.addi %add3A_60, %add3A_74 : i32
          %dma_start3A_76 = arith.constant 0 : i32
          %dma_start3A_77 = tpu.memref_slice %arg8[%add3A_75, %dma_start3A_76] : memref<16x128xi32, #tpu.memory_space<vmem>> -> memref<1x128xi32, #tpu.memory_space<vmem>>
          %dma_start3A_78 = tpu.memref_squeeze %dma_start3A_77 : memref<1x128xi32, #tpu.memory_space<vmem>> -> memref<128xi32, #tpu.memory_space<vmem>>
          %dma_start3A_79 = arith.constant 0 : i32
          %dma_start3A_80 = arith.constant 0 : i32
          %dma_start3A_81 = tpu.memref_slice %arg2[%dma_start3A_79, %dma_start3A_80] : memref<10240x128xf32, #tpu.memory_space<hbm>> -> memref<10240x128xf32, #tpu.memory_space<hbm>>
          tpu.enqueue_indirect_dma source(%dma_start3A_81 : memref<10240x128xf32, #tpu.memory_space<hbm>>) target(%arg11 : memref<128x128xf32, #tpu.memory_space<vmem>>) offsets(%dma_start3A_78 : memref<128xi32, #tpu.memory_space<vmem>>) semaphore(%arg14 : memref<!tpu.dma_semaphore, #tpu.memory_space<semaphore_mem>>)
        } else {
        }
      }
      %scan3A_40 = arith.constant 8 : i32
    }
    %scan3A_9 = arith.constant 5 : i32
    %barrier3A_10 = arith.constant 0 : index
    tpu.barrier barrier_id(%barrier3A_10)
    %eq3A = arith.constant 0 : i32
    %eq3A_11 = arith.cmpi eq, %arg0, %eq3A : i32
    %convert_element_type3A = arith.extui %eq3A_11 : i1 to i32
    %cond3A = arith.constant 0 : i32
    %cond3A_12 = arith.cmpi ne, %convert_element_type3A, %cond3A : i32
    scf.if %cond3A_12 {
      %mul3A_18 = arith.constant 640 : i32
      %mul3A_19 = arith.muli %arg1, %mul3A_18 : i32
      %mul3A_20 = arith.constant 640 : i32
      %mul3A_21 = arith.muli %arg1, %mul3A_20 : i32
      "tpu.region"() ({
        %run_scoped3A = tpu.sem_alloc : memref<!tpu.dma_semaphore, #tpu.memory_space<semaphore_mem>>
        %dma_start3A = arith.constant 0 : i32
        %dma_start3A_22 = tpu.memref_slice %arg6[%mul3A_21, %dma_start3A] : memref<10240x128xf32, #tpu.memory_space<hbm>> -> memref<640x128xf32, #tpu.memory_space<hbm>>
        %dma_start3A_23 = arith.constant 0 : i32
        %dma_start3A_24 = tpu.memref_slice %arg12[%mul3A_19, %dma_start3A_23] : memref<10240x128xf32, #tpu.memory_space<vmem_shared>> -> memref<640x128xf32, #tpu.memory_space<vmem_shared>>
        tpu.enqueue_dma source(%dma_start3A_24 : memref<640x128xf32, #tpu.memory_space<vmem_shared>>) target(%dma_start3A_22 : memref<640x128xf32, #tpu.memory_space<hbm>>) target_semaphore(%run_scoped3A : memref<!tpu.dma_semaphore, #tpu.memory_space<semaphore_mem>>)
        %dma_wait3A = arith.constant 0 : i32
        %dma_wait3A_25 = tpu.memref_slice %arg6[%mul3A_21, %dma_wait3A] : memref<10240x128xf32, #tpu.memory_space<hbm>> -> memref<640x128xf32, #tpu.memory_space<hbm>>
        %dma_wait3A_26 = arith.constant 0 : i32
        %dma_wait3A_27 = tpu.memref_slice %arg12[%mul3A_19, %dma_wait3A_26] : memref<10240x128xf32, #tpu.memory_space<vmem_shared>> -> memref<640x128xf32, #tpu.memory_space<vmem_shared>>
        tpu.wait_dma2 semaphore(%run_scoped3A : memref<!tpu.dma_semaphore, #tpu.memory_space<semaphore_mem>>) src(%dma_wait3A_27 : memref<640x128xf32, #tpu.memory_space<vmem_shared>>) dst(%dma_wait3A_25 : memref<640x128xf32, #tpu.memory_space<hbm>>)
        tpu.yield
      }) : () -> ()
    } else {
    }
    %eq3A_13 = arith.constant 1 : i32
    %eq3A_14 = arith.cmpi eq, %arg0, %eq3A_13 : i32
    %convert_element_type3A_15 = arith.extui %eq3A_14 : i1 to i32
    %cond3A_16 = arith.constant 0 : i32
    %cond3A_17 = arith.cmpi ne, %convert_element_type3A_15, %cond3A_16 : i32
    scf.if %cond3A_17 {
      %mul3A_18 = arith.constant 640 : i32
      %mul3A_19 = arith.muli %arg1, %mul3A_18 : i32
      %mul3A_20 = arith.constant 640 : i32
      %mul3A_21 = arith.muli %arg1, %mul3A_20 : i32
      "tpu.region"() ({
        %run_scoped3A = tpu.sem_alloc : memref<!tpu.dma_semaphore, #tpu.memory_space<semaphore_mem>>
        %dma_start3A = arith.constant 0 : i32
        %dma_start3A_22 = tpu.memref_slice %arg7[%mul3A_21, %dma_start3A] : memref<10240x128xf32, #tpu.memory_space<hbm>> -> memref<640x128xf32, #tpu.memory_space<hbm>>
        %dma_start3A_23 = arith.constant 0 : i32
        %dma_start3A_24 = tpu.memref_slice %arg12[%mul3A_19, %dma_start3A_23] : memref<10240x128xf32, #tpu.memory_space<vmem_shared>> -> memref<640x128xf32, #tpu.memory_space<vmem_shared>>
        tpu.enqueue_dma source(%dma_start3A_24 : memref<640x128xf32, #tpu.memory_space<vmem_shared>>) target(%dma_start3A_22 : memref<640x128xf32, #tpu.memory_space<hbm>>) target_semaphore(%run_scoped3A : memref<!tpu.dma_semaphore, #tpu.memory_space<semaphore_mem>>)
        %dma_wait3A = arith.constant 0 : i32
        %dma_wait3A_25 = tpu.memref_slice %arg7[%mul3A_21, %dma_wait3A] : memref<10240x128xf32, #tpu.memory_space<hbm>> -> memref<640x128xf32, #tpu.memory_space<hbm>>
        %dma_wait3A_26 = arith.constant 0 : i32
        %dma_wait3A_27 = tpu.memref_slice %arg12[%mul3A_19, %dma_wait3A_26] : memref<10240x128xf32, #tpu.memory_space<vmem_shared>> -> memref<640x128xf32, #tpu.memory_space<vmem_shared>>
        tpu.wait_dma2 semaphore(%run_scoped3A : memref<!tpu.dma_semaphore, #tpu.memory_space<semaphore_mem>>) src(%dma_wait3A_27 : memref<640x128xf32, #tpu.memory_space<vmem_shared>>) dst(%dma_wait3A_25 : memref<640x128xf32, #tpu.memory_space<hbm>>)
        tpu.yield
      }) : () -> ()
    } else {
    }
    return
  }
}

#map = affine_map<(d0, d1) -> (0, 0)>
module attributes {stable_mosaic.version = 14 : i64} {
  func.func @_segsum_body(%arg0: i32, %arg1: i32, %arg2: memref<10240x128xf32, #tpu.memory_space<hbm>>, %arg3: memref<2560x128xi32, #tpu.memory_space<hbm>>, %arg4: memref<2560x128xi32, #tpu.memory_space<hbm>>, %arg5: memref<640x128xf32, #tpu.memory_space<hbm>>, %arg6: memref<10240x128xf32, #tpu.memory_space<hbm>>, %arg7: memref<10240x128xf32, #tpu.memory_space<hbm>>, %arg8: memref<16x128xi32, #tpu.memory_space<vmem>>, %arg9: memref<16x128xi32, #tpu.memory_space<vmem>>, %arg10: memref<128x128xf32, #tpu.memory_space<vmem>>, %arg11: memref<128x128xf32, #tpu.memory_space<vmem>>, %arg12: memref<10240x128xf32, #tpu.memory_space<vmem_shared>>, %arg13: memref<!tpu.dma_semaphore, #tpu.memory_space<semaphore_mem>>, %arg14: memref<!tpu.dma_semaphore, #tpu.memory_space<semaphore_mem>>) attributes {dimension_semantics = [#tpu.dimension_semantics<core_parallel>, #tpu.dimension_semantics<subcore_parallel>], iteration_bounds = array<i64: 2, 16>, scalar_prefetch = 0 : i64, scratch_operands = 7 : i64, tpu.core_type = #tpu.core_type<sc_vector_subcore>, window_params = [{transform_indices = #map}, {transform_indices = #map}, {transform_indices = #map}, {transform_indices = #map}, {transform_indices = #map}, {transform_indices = #map}]} {
    %mul3A = arith.constant 2 : i32
    %mul3A_0 = arith.muli %arg1, %mul3A : i32
    %add3A = arith.addi %mul3A_0, %arg0 : i32
    %mul3A_1 = arith.constant 80 : i32
    %mul3A_2 = arith.muli %add3A, %mul3A_1 : i32
    %mul3A_3 = arith.constant 640 : i32
    %mul3A_4 = arith.muli %arg1, %mul3A_3 : i32
    "tpu.region"() ({
      %run_scoped3A = tpu.sem_alloc : memref<!tpu.dma_semaphore, #tpu.memory_space<semaphore_mem>>
      %dma_start3A = arith.constant 0 : i32
      %dma_start3A_18 = tpu.memref_slice %arg12[%mul3A_4, %dma_start3A] : memref<10240x128xf32, #tpu.memory_space<vmem_shared>> -> memref<640x128xf32, #tpu.memory_space<vmem_shared>>
      tpu.enqueue_dma source(%arg5 : memref<640x128xf32, #tpu.memory_space<hbm>>) target(%dma_start3A_18 : memref<640x128xf32, #tpu.memory_space<vmem_shared>>) target_semaphore(%run_scoped3A : memref<!tpu.dma_semaphore, #tpu.memory_space<semaphore_mem>>)
      %dma_wait3A = arith.constant 0 : i32
      %dma_wait3A_19 = tpu.memref_slice %arg12[%mul3A_4, %dma_wait3A] : memref<10240x128xf32, #tpu.memory_space<vmem_shared>> -> memref<640x128xf32, #tpu.memory_space<vmem_shared>>
      tpu.wait_dma2 semaphore(%run_scoped3A : memref<!tpu.dma_semaphore, #tpu.memory_space<semaphore_mem>>) src(%arg5 : memref<640x128xf32, #tpu.memory_space<hbm>>) dst(%dma_wait3A_19 : memref<640x128xf32, #tpu.memory_space<vmem_shared>>)
      tpu.yield
    }) : () -> ()
    %barrier3A = arith.constant 0 : index
    tpu.barrier barrier_id(%barrier3A)
    %scan3A = arith.constant 0 : i32
    %scan3A_5 = arith.constant 0 : i32
    %scan3A_6 = arith.constant 5 : i32
    %scan3A_7 = arith.addi %scan3A_5, %scan3A_6 : i32
    %scan3A_8 = arith.constant 1 : i32
    scf.for %scan3A_18 = %scan3A_5 to %scan3A_7 step %scan3A_8  : i32 {
      %mul3A_19 = arith.constant 16 : i32
      %mul3A_20 = arith.muli %scan3A_18, %mul3A_19 : i32
      %add3A_21 = arith.addi %mul3A_2, %mul3A_20 : i32
      "tpu.region"() ({
        %run_scoped3A = tpu.sem_alloc : memref<!tpu.dma_semaphore, #tpu.memory_space<semaphore_mem>>
        %dma_start3A_41 = arith.constant 0 : i32
        %dma_start3A_42 = tpu.memref_slice %arg3[%add3A_21, %dma_start3A_41] : memref<2560x128xi32, #tpu.memory_space<hbm>> -> memref<16x128xi32, #tpu.memory_space<hbm>>
        %dma_start3A_43 = arith.constant 0 : i32
        %dma_start3A_44 = tpu.memref_slice %arg3[%add3A_21, %dma_start3A_43] : memref<2560x128xi32, #tpu.memory_space<hbm>> -> memref<16x128xi32, #tpu.memory_space<hbm>>
        tpu.enqueue_dma source(%dma_start3A_44 : memref<16x128xi32, #tpu.memory_space<hbm>>) target(%arg8 : memref<16x128xi32, #tpu.memory_space<vmem>>) target_semaphore(%run_scoped3A : memref<!tpu.dma_semaphore, #tpu.memory_space<semaphore_mem>>)
        %dma_wait3A = arith.constant 0 : i32
        %dma_wait3A_45 = tpu.memref_slice %arg3[%add3A_21, %dma_wait3A] : memref<2560x128xi32, #tpu.memory_space<hbm>> -> memref<16x128xi32, #tpu.memory_space<hbm>>
        %dma_wait3A_46 = arith.constant 0 : i32
        %dma_wait3A_47 = tpu.memref_slice %arg3[%add3A_21, %dma_wait3A_46] : memref<2560x128xi32, #tpu.memory_space<hbm>> -> memref<16x128xi32, #tpu.memory_space<hbm>>
        tpu.wait_dma2 semaphore(%run_scoped3A : memref<!tpu.dma_semaphore, #tpu.memory_space<semaphore_mem>>) src(%dma_wait3A_47 : memref<16x128xi32, #tpu.memory_space<hbm>>) dst(%arg8 : memref<16x128xi32, #tpu.memory_space<vmem>>)
        tpu.yield
      }) : () -> ()
      "tpu.region"() ({
        %run_scoped3A = tpu.sem_alloc : memref<!tpu.dma_semaphore, #tpu.memory_space<semaphore_mem>>
        %dma_start3A_41 = arith.constant 0 : i32
        %dma_start3A_42 = tpu.memref_slice %arg4[%add3A_21, %dma_start3A_41] : memref<2560x128xi32, #tpu.memory_space<hbm>> -> memref<16x128xi32, #tpu.memory_space<hbm>>
        %dma_start3A_43 = arith.constant 0 : i32
        %dma_start3A_44 = tpu.memref_slice %arg4[%add3A_21, %dma_start3A_43] : memref<2560x128xi32, #tpu.memory_space<hbm>> -> memref<16x128xi32, #tpu.memory_space<hbm>>
        tpu.enqueue_dma source(%dma_start3A_44 : memref<16x128xi32, #tpu.memory_space<hbm>>) target(%arg9 : memref<16x128xi32, #tpu.memory_space<vmem>>) target_semaphore(%run_scoped3A : memref<!tpu.dma_semaphore, #tpu.memory_space<semaphore_mem>>)
        %dma_wait3A = arith.constant 0 : i32
        %dma_wait3A_45 = tpu.memref_slice %arg4[%add3A_21, %dma_wait3A] : memref<2560x128xi32, #tpu.memory_space<hbm>> -> memref<16x128xi32, #tpu.memory_space<hbm>>
        %dma_wait3A_46 = arith.constant 0 : i32
        %dma_wait3A_47 = tpu.memref_slice %arg4[%add3A_21, %dma_wait3A_46] : memref<2560x128xi32, #tpu.memory_space<hbm>> -> memref<16x128xi32, #tpu.memory_space<hbm>>
        tpu.wait_dma2 semaphore(%run_scoped3A : memref<!tpu.dma_semaphore, #tpu.memory_space<semaphore_mem>>) src(%dma_wait3A_47 : memref<16x128xi32, #tpu.memory_space<hbm>>) dst(%arg9 : memref<16x128xi32, #tpu.memory_space<vmem>>)
        tpu.yield
      }) : () -> ()
      %dma_start3A = arith.constant 0 : i32
      %dma_start3A_22 = arith.constant 0 : i32
      %dma_start3A_23 = tpu.memref_slice %arg8[%dma_start3A, %dma_start3A_22] : memref<16x128xi32, #tpu.memory_space<vmem>> -> memref<1x128xi32, #tpu.memory_space<vmem>>
      %dma_start3A_24 = tpu.memref_squeeze %dma_start3A_23 : memref<1x128xi32, #tpu.memory_space<vmem>> -> memref<128xi32, #tpu.memory_space<vmem>>
      %dma_start3A_25 = arith.constant 0 : i32
      %dma_start3A_26 = arith.constant 0 : i32
      %dma_start3A_27 = tpu.memref_slice %arg2[%dma_start3A_25, %dma_start3A_26] : memref<10240x128xf32, #tpu.memory_space<hbm>> -> memref<10240x128xf32, #tpu.memory_space<hbm>>
      tpu.enqueue_indirect_dma source(%dma_start3A_27 : memref<10240x128xf32, #tpu.memory_space<hbm>>) target(%arg10 : memref<128x128xf32, #tpu.memory_space<vmem>>) offsets(%dma_start3A_24 : memref<128xi32, #tpu.memory_space<vmem>>) semaphore(%arg13 : memref<!tpu.dma_semaphore, #tpu.memory_space<semaphore_mem>>)
      %dma_start3A_28 = arith.constant 1 : i32
      %dma_start3A_29 = arith.constant 0 : i32
      %dma_start3A_30 = tpu.memref_slice %arg8[%dma_start3A_28, %dma_start3A_29] : memref<16x128xi32, #tpu.memory_space<vmem>> -> memref<1x128xi32, #tpu.memory_space<vmem>>
      %dma_start3A_31 = tpu.memref_squeeze %dma_start3A_30 : memref<1x128xi32, #tpu.memory_space<vmem>> -> memref<128xi32, #tpu.memory_space<vmem>>
      %dma_start3A_32 = arith.constant 0 : i32
      %dma_start3A_33 = arith.constant 0 : i32
      %dma_start3A_34 = tpu.memref_slice %arg2[%dma_start3A_32, %dma_start3A_33] : memref<10240x128xf32, #tpu.memory_space<hbm>> -> memref<10240x128xf32, #tpu.memory_space<hbm>>
      tpu.enqueue_indirect_dma source(%dma_start3A_34 : memref<10240x128xf32, #tpu.memory_space<hbm>>) target(%arg11 : memref<128x128xf32, #tpu.memory_space<vmem>>) offsets(%dma_start3A_31 : memref<128xi32, #tpu.memory_space<vmem>>) semaphore(%arg14 : memref<!tpu.dma_semaphore, #tpu.memory_space<semaphore_mem>>)
      %scan3A_35 = arith.constant 0 : i32
      %scan3A_36 = arith.constant 0 : i32
      %scan3A_37 = arith.constant 8 : i32
      %scan3A_38 = arith.addi %scan3A_36, %scan3A_37 : i32
      %scan3A_39 = arith.constant 1 : i32
      scf.for %scan3A_41 = %scan3A_36 to %scan3A_38 step %scan3A_39  : i32 {
        %mul3A_42 = arith.constant 2 : i32
        %mul3A_43 = arith.muli %scan3A_41, %mul3A_42 : i32
        %add3A_44 = arith.constant 0 : i32
        %add3A_45 = arith.addi %mul3A_43, %add3A_44 : i32
        %dma_wait3A = arith.constant 0 : i32
        %dma_wait3A_46 = tpu.memref_slice %arg8[%add3A_45, %dma_wait3A] : memref<16x128xi32, #tpu.memory_space<vmem>> -> memref<1x128xi32, #tpu.memory_space<vmem>>
        %dma_wait3A_47 = tpu.memref_squeeze %dma_wait3A_46 : memref<1x128xi32, #tpu.memory_space<vmem>> -> memref<128xi32, #tpu.memory_space<vmem>>
        %dma_wait3A_48 = arith.constant 0 : i32
        %dma_wait3A_49 = arith.constant 0 : i32
        %dma_wait3A_50 = tpu.memref_slice %arg2[%dma_wait3A_48, %dma_wait3A_49] : memref<10240x128xf32, #tpu.memory_space<hbm>> -> memref<10240x128xf32, #tpu.memory_space<hbm>>
        tpu.wait_indirect_dma semaphore(%arg13 : memref<!tpu.dma_semaphore, #tpu.memory_space<semaphore_mem>>) src(%dma_wait3A_50 : memref<10240x128xf32, #tpu.memory_space<hbm>>) dst(%arg10 : memref<128x128xf32, #tpu.memory_space<vmem>>)
        "tpu.region"() ({
          %run_scoped3A = tpu.sem_alloc : memref<!tpu.dma_semaphore, #tpu.memory_space<semaphore_mem>>
          %dma_start3A_74 = arith.constant 0 : i32
          %dma_start3A_75 = tpu.memref_slice %arg9[%add3A_45, %dma_start3A_74] : memref<16x128xi32, #tpu.memory_space<vmem>> -> memref<1x128xi32, #tpu.memory_space<vmem>>
          %dma_start3A_76 = tpu.memref_squeeze %dma_start3A_75 : memref<1x128xi32, #tpu.memory_space<vmem>> -> memref<128xi32, #tpu.memory_space<vmem>>
          %dma_start3A_77 = arith.constant 0 : i32
          %dma_start3A_78 = arith.constant 0 : i32
          %dma_start3A_79 = tpu.memref_slice %arg12[%dma_start3A_77, %dma_start3A_78] : memref<10240x128xf32, #tpu.memory_space<vmem_shared>> -> memref<10240x128xf32, #tpu.memory_space<vmem_shared>>
          tpu.enqueue_indirect_dma source(%arg10 : memref<128x128xf32, #tpu.memory_space<vmem>>) target(%dma_start3A_79 : memref<10240x128xf32, #tpu.memory_space<vmem_shared>>) offsets(%dma_start3A_76 : memref<128xi32, #tpu.memory_space<vmem>>) semaphore(%run_scoped3A : memref<!tpu.dma_semaphore, #tpu.memory_space<semaphore_mem>>) {add = true}
          %dma_wait3A_80 = arith.constant 0 : i32
          %dma_wait3A_81 = tpu.memref_slice %arg9[%add3A_45, %dma_wait3A_80] : memref<16x128xi32, #tpu.memory_space<vmem>> -> memref<1x128xi32, #tpu.memory_space<vmem>>
          %dma_wait3A_82 = tpu.memref_squeeze %dma_wait3A_81 : memref<1x128xi32, #tpu.memory_space<vmem>> -> memref<128xi32, #tpu.memory_space<vmem>>
          %dma_wait3A_83 = arith.constant 0 : i32
          %dma_wait3A_84 = arith.constant 0 : i32
          %dma_wait3A_85 = tpu.memref_slice %arg12[%dma_wait3A_83, %dma_wait3A_84] : memref<10240x128xf32, #tpu.memory_space<vmem_shared>> -> memref<10240x128xf32, #tpu.memory_space<vmem_shared>>
          tpu.wait_indirect_dma semaphore(%run_scoped3A : memref<!tpu.dma_semaphore, #tpu.memory_space<semaphore_mem>>) src(%arg10 : memref<128x128xf32, #tpu.memory_space<vmem>>) dst(%dma_wait3A_85 : memref<10240x128xf32, #tpu.memory_space<vmem_shared>>)
          tpu.yield
        }) : () -> ()
        %add3A_51 = arith.constant 2 : i32
        %add3A_52 = arith.addi %add3A_45, %add3A_51 : i32
        %lt3A = arith.constant 16 : i32
        %lt3A_53 = arith.cmpi slt, %add3A_52, %lt3A : i32
        %convert_element_type3A_54 = arith.extui %lt3A_53 : i1 to i32
        %cond3A_55 = arith.constant 0 : i32
        %cond3A_56 = arith.cmpi ne, %convert_element_type3A_54, %cond3A_55 : i32
        scf.if %cond3A_56 {
          %add3A_74 = arith.constant 2 : i32
          %add3A_75 = arith.addi %add3A_45, %add3A_74 : i32
          %dma_start3A_76 = arith.constant 0 : i32
          %dma_start3A_77 = tpu.memref_slice %arg8[%add3A_75, %dma_start3A_76] : memref<16x128xi32, #tpu.memory_space<vmem>> -> memref<1x128xi32, #tpu.memory_space<vmem>>
          %dma_start3A_78 = tpu.memref_squeeze %dma_start3A_77 : memref<1x128xi32, #tpu.memory_space<vmem>> -> memref<128xi32, #tpu.memory_space<vmem>>
          %dma_start3A_79 = arith.constant 0 : i32
          %dma_start3A_80 = arith.constant 0 : i32
          %dma_start3A_81 = tpu.memref_slice %arg2[%dma_start3A_79, %dma_start3A_80] : memref<10240x128xf32, #tpu.memory_space<hbm>> -> memref<10240x128xf32, #tpu.memory_space<hbm>>
          tpu.enqueue_indirect_dma source(%dma_start3A_81 : memref<10240x128xf32, #tpu.memory_space<hbm>>) target(%arg10 : memref<128x128xf32, #tpu.memory_space<vmem>>) offsets(%dma_start3A_78 : memref<128xi32, #tpu.memory_space<vmem>>) semaphore(%arg13 : memref<!tpu.dma_semaphore, #tpu.memory_space<semaphore_mem>>)
        } else {
        }
        %mul3A_57 = arith.constant 2 : i32
        %mul3A_58 = arith.muli %scan3A_41, %mul3A_57 : i32
        %add3A_59 = arith.constant 1 : i32
        %add3A_60 = arith.addi %mul3A_58, %add3A_59 : i32
        %dma_wait3A_61 = arith.constant 0 : i32
        %dma_wait3A_62 = tpu.memref_slice %arg8[%add3A_60, %dma_wait3A_61] : memref<16x128xi32, #tpu.memory_space<vmem>> -> memref<1x128xi32, #tpu.memory_space<vmem>>
        %dma_wait3A_63 = tpu.memref_squeeze %dma_wait3A_62 : memref<1x128xi32, #tpu.memory_space<vmem>> -> memref<128xi32, #tpu.memory_space<vmem>>
        %dma_wait3A_64 = arith.constant 0 : i32
        %dma_wait3A_65 = arith.constant 0 : i32
        %dma_wait3A_66 = tpu.memref_slice %arg2[%dma_wait3A_64, %dma_wait3A_65] : memref<10240x128xf32, #tpu.memory_space<hbm>> -> memref<10240x128xf32, #tpu.memory_space<hbm>>
        tpu.wait_indirect_dma semaphore(%arg14 : memref<!tpu.dma_semaphore, #tpu.memory_space<semaphore_mem>>) src(%dma_wait3A_66 : memref<10240x128xf32, #tpu.memory_space<hbm>>) dst(%arg11 : memref<128x128xf32, #tpu.memory_space<vmem>>)
        "tpu.region"() ({
          %run_scoped3A = tpu.sem_alloc : memref<!tpu.dma_semaphore, #tpu.memory_space<semaphore_mem>>
          %dma_start3A_74 = arith.constant 0 : i32
          %dma_start3A_75 = tpu.memref_slice %arg9[%add3A_60, %dma_start3A_74] : memref<16x128xi32, #tpu.memory_space<vmem>> -> memref<1x128xi32, #tpu.memory_space<vmem>>
          %dma_start3A_76 = tpu.memref_squeeze %dma_start3A_75 : memref<1x128xi32, #tpu.memory_space<vmem>> -> memref<128xi32, #tpu.memory_space<vmem>>
          %dma_start3A_77 = arith.constant 0 : i32
          %dma_start3A_78 = arith.constant 0 : i32
          %dma_start3A_79 = tpu.memref_slice %arg12[%dma_start3A_77, %dma_start3A_78] : memref<10240x128xf32, #tpu.memory_space<vmem_shared>> -> memref<10240x128xf32, #tpu.memory_space<vmem_shared>>
          tpu.enqueue_indirect_dma source(%arg11 : memref<128x128xf32, #tpu.memory_space<vmem>>) target(%dma_start3A_79 : memref<10240x128xf32, #tpu.memory_space<vmem_shared>>) offsets(%dma_start3A_76 : memref<128xi32, #tpu.memory_space<vmem>>) semaphore(%run_scoped3A : memref<!tpu.dma_semaphore, #tpu.memory_space<semaphore_mem>>) {add = true}
          %dma_wait3A_80 = arith.constant 0 : i32
          %dma_wait3A_81 = tpu.memref_slice %arg9[%add3A_60, %dma_wait3A_80] : memref<16x128xi32, #tpu.memory_space<vmem>> -> memref<1x128xi32, #tpu.memory_space<vmem>>
          %dma_wait3A_82 = tpu.memref_squeeze %dma_wait3A_81 : memref<1x128xi32, #tpu.memory_space<vmem>> -> memref<128xi32, #tpu.memory_space<vmem>>
          %dma_wait3A_83 = arith.constant 0 : i32
          %dma_wait3A_84 = arith.constant 0 : i32
          %dma_wait3A_85 = tpu.memref_slice %arg12[%dma_wait3A_83, %dma_wait3A_84] : memref<10240x128xf32, #tpu.memory_space<vmem_shared>> -> memref<10240x128xf32, #tpu.memory_space<vmem_shared>>
          tpu.wait_indirect_dma semaphore(%run_scoped3A : memref<!tpu.dma_semaphore, #tpu.memory_space<semaphore_mem>>) src(%arg11 : memref<128x128xf32, #tpu.memory_space<vmem>>) dst(%dma_wait3A_85 : memref<10240x128xf32, #tpu.memory_space<vmem_shared>>)
          tpu.yield
        }) : () -> ()
        %add3A_67 = arith.constant 2 : i32
        %add3A_68 = arith.addi %add3A_60, %add3A_67 : i32
        %lt3A_69 = arith.constant 16 : i32
        %lt3A_70 = arith.cmpi slt, %add3A_68, %lt3A_69 : i32
        %convert_element_type3A_71 = arith.extui %lt3A_70 : i1 to i32
        %cond3A_72 = arith.constant 0 : i32
        %cond3A_73 = arith.cmpi ne, %convert_element_type3A_71, %cond3A_72 : i32
        scf.if %cond3A_73 {
          %add3A_74 = arith.constant 2 : i32
          %add3A_75 = arith.addi %add3A_60, %add3A_74 : i32
          %dma_start3A_76 = arith.constant 0 : i32
          %dma_start3A_77 = tpu.memref_slice %arg8[%add3A_75, %dma_start3A_76] : memref<16x128xi32, #tpu.memory_space<vmem>> -> memref<1x128xi32, #tpu.memory_space<vmem>>
          %dma_start3A_78 = tpu.memref_squeeze %dma_start3A_77 : memref<1x128xi32, #tpu.memory_space<vmem>> -> memref<128xi32, #tpu.memory_space<vmem>>
          %dma_start3A_79 = arith.constant 0 : i32
          %dma_start3A_80 = arith.constant 0 : i32
          %dma_start3A_81 = tpu.memref_slice %arg2[%dma_start3A_79, %dma_start3A_80] : memref<10240x128xf32, #tpu.memory_space<hbm>> -> memref<10240x128xf32, #tpu.memory_space<hbm>>
          tpu.enqueue_indirect_dma source(%dma_start3A_81 : memref<10240x128xf32, #tpu.memory_space<hbm>>) target(%arg11 : memref<128x128xf32, #tpu.memory_space<vmem>>) offsets(%dma_start3A_78 : memref<128xi32, #tpu.memory_space<vmem>>) semaphore(%arg14 : memref<!tpu.dma_semaphore, #tpu.memory_space<semaphore_mem>>)
        } else {
        }
      }
      %scan3A_40 = arith.constant 8 : i32
    }
    %scan3A_9 = arith.constant 5 : i32
    %barrier3A_10 = arith.constant 0 : index
    tpu.barrier barrier_id(%barrier3A_10)
    %eq3A = arith.constant 0 : i32
    %eq3A_11 = arith.cmpi eq, %arg0, %eq3A : i32
    %convert_element_type3A = arith.extui %eq3A_11 : i1 to i32
    %cond3A = arith.constant 0 : i32
    %cond3A_12 = arith.cmpi ne, %convert_element_type3A, %cond3A : i32
    scf.if %cond3A_12 {
      %mul3A_18 = arith.constant 640 : i32
      %mul3A_19 = arith.muli %arg1, %mul3A_18 : i32
      %mul3A_20 = arith.constant 640 : i32
      %mul3A_21 = arith.muli %arg1, %mul3A_20 : i32
      "tpu.region"() ({
        %run_scoped3A = tpu.sem_alloc : memref<!tpu.dma_semaphore, #tpu.memory_space<semaphore_mem>>
        %dma_start3A = arith.constant 0 : i32
        %dma_start3A_22 = tpu.memref_slice %arg6[%mul3A_21, %dma_start3A] : memref<10240x128xf32, #tpu.memory_space<hbm>> -> memref<640x128xf32, #tpu.memory_space<hbm>>
        %dma_start3A_23 = arith.constant 0 : i32
        %dma_start3A_24 = tpu.memref_slice %arg12[%mul3A_19, %dma_start3A_23] : memref<10240x128xf32, #tpu.memory_space<vmem_shared>> -> memref<640x128xf32, #tpu.memory_space<vmem_shared>>
        tpu.enqueue_dma source(%dma_start3A_24 : memref<640x128xf32, #tpu.memory_space<vmem_shared>>) target(%dma_start3A_22 : memref<640x128xf32, #tpu.memory_space<hbm>>) target_semaphore(%run_scoped3A : memref<!tpu.dma_semaphore, #tpu.memory_space<semaphore_mem>>)
        %dma_wait3A = arith.constant 0 : i32
        %dma_wait3A_25 = tpu.memref_slice %arg6[%mul3A_21, %dma_wait3A] : memref<10240x128xf32, #tpu.memory_space<hbm>> -> memref<640x128xf32, #tpu.memory_space<hbm>>
        %dma_wait3A_26 = arith.constant 0 : i32
        %dma_wait3A_27 = tpu.memref_slice %arg12[%mul3A_19, %dma_wait3A_26] : memref<10240x128xf32, #tpu.memory_space<vmem_shared>> -> memref<640x128xf32, #tpu.memory_space<vmem_shared>>
        tpu.wait_dma2 semaphore(%run_scoped3A : memref<!tpu.dma_semaphore, #tpu.memory_space<semaphore_mem>>) src(%dma_wait3A_27 : memref<640x128xf32, #tpu.memory_space<vmem_shared>>) dst(%dma_wait3A_25 : memref<640x128xf32, #tpu.memory_space<hbm>>)
        tpu.yield
      }) : () -> ()
    } else {
    }
    %eq3A_13 = arith.constant 1 : i32
    %eq3A_14 = arith.cmpi eq, %arg0, %eq3A_13 : i32
    %convert_element_type3A_15 = arith.extui %eq3A_14 : i1 to i32
    %cond3A_16 = arith.constant 0 : i32
    %cond3A_17 = arith.cmpi ne, %convert_element_type3A_15, %cond3A_16 : i32
    scf.if %cond3A_17 {
      %mul3A_18 = arith.constant 640 : i32
      %mul3A_19 = arith.muli %arg1, %mul3A_18 : i32
      %mul3A_20 = arith.constant 640 : i32
      %mul3A_21 = arith.muli %arg1, %mul3A_20 : i32
      "tpu.region"() ({
        %run_scoped3A = tpu.sem_alloc : memref<!tpu.dma_semaphore, #tpu.memory_space<semaphore_mem>>
        %dma_start3A = arith.constant 0 : i32
        %dma_start3A_22 = tpu.memref_slice %arg7[%mul3A_21, %dma_start3A] : memref<10240x128xf32, #tpu.memory_space<hbm>> -> memref<640x128xf32, #tpu.memory_space<hbm>>
        %dma_start3A_23 = arith.constant 0 : i32
        %dma_start3A_24 = tpu.memref_slice %arg12[%mul3A_19, %dma_start3A_23] : memref<10240x128xf32, #tpu.memory_space<vmem_shared>> -> memref<640x128xf32, #tpu.memory_space<vmem_shared>>
        tpu.enqueue_dma source(%dma_start3A_24 : memref<640x128xf32, #tpu.memory_space<vmem_shared>>) target(%dma_start3A_22 : memref<640x128xf32, #tpu.memory_space<hbm>>) target_semaphore(%run_scoped3A : memref<!tpu.dma_semaphore, #tpu.memory_space<semaphore_mem>>)
        %dma_wait3A = arith.constant 0 : i32
        %dma_wait3A_25 = tpu.memref_slice %arg7[%mul3A_21, %dma_wait3A] : memref<10240x128xf32, #tpu.memory_space<hbm>> -> memref<640x128xf32, #tpu.memory_space<hbm>>
        %dma_wait3A_26 = arith.constant 0 : i32
        %dma_wait3A_27 = tpu.memref_slice %arg12[%mul3A_19, %dma_wait3A_26] : memref<10240x128xf32, #tpu.memory_space<vmem_shared>> -> memref<640x128xf32, #tpu.memory_space<vmem_shared>>
        tpu.wait_dma2 semaphore(%run_scoped3A : memref<!tpu.dma_semaphore, #tpu.memory_space<semaphore_mem>>) src(%dma_wait3A_27 : memref<640x128xf32, #tpu.memory_space<vmem_shared>>) dst(%dma_wait3A_25 : memref<640x128xf32, #tpu.memory_space<hbm>>)
        tpu.yield
      }) : () -> ()
    } else {
    }
    return
  }
}

#map = affine_map<(d0, d1) -> (0, 0)>
module attributes {stable_mosaic.version = 14 : i64} {
  func.func @_segsum_body(%arg0: i32, %arg1: i32, %arg2: memref<10240x128xf32, #tpu.memory_space<hbm>>, %arg3: memref<2560x128xi32, #tpu.memory_space<hbm>>, %arg4: memref<2560x128xi32, #tpu.memory_space<hbm>>, %arg5: memref<640x128xf32, #tpu.memory_space<hbm>>, %arg6: memref<10240x128xf32, #tpu.memory_space<hbm>>, %arg7: memref<10240x128xf32, #tpu.memory_space<hbm>>, %arg8: memref<16x128xi32, #tpu.memory_space<vmem>>, %arg9: memref<16x128xi32, #tpu.memory_space<vmem>>, %arg10: memref<128x128xf32, #tpu.memory_space<vmem>>, %arg11: memref<128x128xf32, #tpu.memory_space<vmem>>, %arg12: memref<10240x128xf32, #tpu.memory_space<vmem_shared>>, %arg13: memref<!tpu.dma_semaphore, #tpu.memory_space<semaphore_mem>>, %arg14: memref<!tpu.dma_semaphore, #tpu.memory_space<semaphore_mem>>) attributes {dimension_semantics = [#tpu.dimension_semantics<core_parallel>, #tpu.dimension_semantics<subcore_parallel>], iteration_bounds = array<i64: 2, 16>, scalar_prefetch = 0 : i64, scratch_operands = 7 : i64, tpu.core_type = #tpu.core_type<sc_vector_subcore>, window_params = [{transform_indices = #map}, {transform_indices = #map}, {transform_indices = #map}, {transform_indices = #map}, {transform_indices = #map}, {transform_indices = #map}]} {
    %mul3A = arith.constant 2 : i32
    %mul3A_0 = arith.muli %arg1, %mul3A : i32
    %add3A = arith.addi %mul3A_0, %arg0 : i32
    %mul3A_1 = arith.constant 80 : i32
    %mul3A_2 = arith.muli %add3A, %mul3A_1 : i32
    %mul3A_3 = arith.constant 640 : i32
    %mul3A_4 = arith.muli %arg1, %mul3A_3 : i32
    "tpu.region"() ({
      %run_scoped3A = tpu.sem_alloc : memref<!tpu.dma_semaphore, #tpu.memory_space<semaphore_mem>>
      %dma_start3A = arith.constant 0 : i32
      %dma_start3A_18 = tpu.memref_slice %arg12[%mul3A_4, %dma_start3A] : memref<10240x128xf32, #tpu.memory_space<vmem_shared>> -> memref<640x128xf32, #tpu.memory_space<vmem_shared>>
      tpu.enqueue_dma source(%arg5 : memref<640x128xf32, #tpu.memory_space<hbm>>) target(%dma_start3A_18 : memref<640x128xf32, #tpu.memory_space<vmem_shared>>) target_semaphore(%run_scoped3A : memref<!tpu.dma_semaphore, #tpu.memory_space<semaphore_mem>>)
      %dma_wait3A = arith.constant 0 : i32
      %dma_wait3A_19 = tpu.memref_slice %arg12[%mul3A_4, %dma_wait3A] : memref<10240x128xf32, #tpu.memory_space<vmem_shared>> -> memref<640x128xf32, #tpu.memory_space<vmem_shared>>
      tpu.wait_dma2 semaphore(%run_scoped3A : memref<!tpu.dma_semaphore, #tpu.memory_space<semaphore_mem>>) src(%arg5 : memref<640x128xf32, #tpu.memory_space<hbm>>) dst(%dma_wait3A_19 : memref<640x128xf32, #tpu.memory_space<vmem_shared>>)
      tpu.yield
    }) : () -> ()
    %barrier3A = arith.constant 0 : index
    tpu.barrier barrier_id(%barrier3A)
    %scan3A = arith.constant 0 : i32
    %scan3A_5 = arith.constant 0 : i32
    %scan3A_6 = arith.constant 5 : i32
    %scan3A_7 = arith.addi %scan3A_5, %scan3A_6 : i32
    %scan3A_8 = arith.constant 1 : i32
    scf.for %scan3A_18 = %scan3A_5 to %scan3A_7 step %scan3A_8  : i32 {
      %mul3A_19 = arith.constant 16 : i32
      %mul3A_20 = arith.muli %scan3A_18, %mul3A_19 : i32
      %add3A_21 = arith.addi %mul3A_2, %mul3A_20 : i32
      "tpu.region"() ({
        %run_scoped3A = tpu.sem_alloc : memref<!tpu.dma_semaphore, #tpu.memory_space<semaphore_mem>>
        %dma_start3A_41 = arith.constant 0 : i32
        %dma_start3A_42 = tpu.memref_slice %arg3[%add3A_21, %dma_start3A_41] : memref<2560x128xi32, #tpu.memory_space<hbm>> -> memref<16x128xi32, #tpu.memory_space<hbm>>
        %dma_start3A_43 = arith.constant 0 : i32
        %dma_start3A_44 = tpu.memref_slice %arg3[%add3A_21, %dma_start3A_43] : memref<2560x128xi32, #tpu.memory_space<hbm>> -> memref<16x128xi32, #tpu.memory_space<hbm>>
        tpu.enqueue_dma source(%dma_start3A_44 : memref<16x128xi32, #tpu.memory_space<hbm>>) target(%arg8 : memref<16x128xi32, #tpu.memory_space<vmem>>) target_semaphore(%run_scoped3A : memref<!tpu.dma_semaphore, #tpu.memory_space<semaphore_mem>>)
        %dma_wait3A = arith.constant 0 : i32
        %dma_wait3A_45 = tpu.memref_slice %arg3[%add3A_21, %dma_wait3A] : memref<2560x128xi32, #tpu.memory_space<hbm>> -> memref<16x128xi32, #tpu.memory_space<hbm>>
        %dma_wait3A_46 = arith.constant 0 : i32
        %dma_wait3A_47 = tpu.memref_slice %arg3[%add3A_21, %dma_wait3A_46] : memref<2560x128xi32, #tpu.memory_space<hbm>> -> memref<16x128xi32, #tpu.memory_space<hbm>>
        tpu.wait_dma2 semaphore(%run_scoped3A : memref<!tpu.dma_semaphore, #tpu.memory_space<semaphore_mem>>) src(%dma_wait3A_47 : memref<16x128xi32, #tpu.memory_space<hbm>>) dst(%arg8 : memref<16x128xi32, #tpu.memory_space<vmem>>)
        tpu.yield
      }) : () -> ()
      "tpu.region"() ({
        %run_scoped3A = tpu.sem_alloc : memref<!tpu.dma_semaphore, #tpu.memory_space<semaphore_mem>>
        %dma_start3A_41 = arith.constant 0 : i32
        %dma_start3A_42 = tpu.memref_slice %arg4[%add3A_21, %dma_start3A_41] : memref<2560x128xi32, #tpu.memory_space<hbm>> -> memref<16x128xi32, #tpu.memory_space<hbm>>
        %dma_start3A_43 = arith.constant 0 : i32
        %dma_start3A_44 = tpu.memref_slice %arg4[%add3A_21, %dma_start3A_43] : memref<2560x128xi32, #tpu.memory_space<hbm>> -> memref<16x128xi32, #tpu.memory_space<hbm>>
        tpu.enqueue_dma source(%dma_start3A_44 : memref<16x128xi32, #tpu.memory_space<hbm>>) target(%arg9 : memref<16x128xi32, #tpu.memory_space<vmem>>) target_semaphore(%run_scoped3A : memref<!tpu.dma_semaphore, #tpu.memory_space<semaphore_mem>>)
        %dma_wait3A = arith.constant 0 : i32
        %dma_wait3A_45 = tpu.memref_slice %arg4[%add3A_21, %dma_wait3A] : memref<2560x128xi32, #tpu.memory_space<hbm>> -> memref<16x128xi32, #tpu.memory_space<hbm>>
        %dma_wait3A_46 = arith.constant 0 : i32
        %dma_wait3A_47 = tpu.memref_slice %arg4[%add3A_21, %dma_wait3A_46] : memref<2560x128xi32, #tpu.memory_space<hbm>> -> memref<16x128xi32, #tpu.memory_space<hbm>>
        tpu.wait_dma2 semaphore(%run_scoped3A : memref<!tpu.dma_semaphore, #tpu.memory_space<semaphore_mem>>) src(%dma_wait3A_47 : memref<16x128xi32, #tpu.memory_space<hbm>>) dst(%arg9 : memref<16x128xi32, #tpu.memory_space<vmem>>)
        tpu.yield
      }) : () -> ()
      %dma_start3A = arith.constant 0 : i32
      %dma_start3A_22 = arith.constant 0 : i32
      %dma_start3A_23 = tpu.memref_slice %arg8[%dma_start3A, %dma_start3A_22] : memref<16x128xi32, #tpu.memory_space<vmem>> -> memref<1x128xi32, #tpu.memory_space<vmem>>
      %dma_start3A_24 = tpu.memref_squeeze %dma_start3A_23 : memref<1x128xi32, #tpu.memory_space<vmem>> -> memref<128xi32, #tpu.memory_space<vmem>>
      %dma_start3A_25 = arith.constant 0 : i32
      %dma_start3A_26 = arith.constant 0 : i32
      %dma_start3A_27 = tpu.memref_slice %arg2[%dma_start3A_25, %dma_start3A_26] : memref<10240x128xf32, #tpu.memory_space<hbm>> -> memref<10240x128xf32, #tpu.memory_space<hbm>>
      tpu.enqueue_indirect_dma source(%dma_start3A_27 : memref<10240x128xf32, #tpu.memory_space<hbm>>) target(%arg10 : memref<128x128xf32, #tpu.memory_space<vmem>>) offsets(%dma_start3A_24 : memref<128xi32, #tpu.memory_space<vmem>>) semaphore(%arg13 : memref<!tpu.dma_semaphore, #tpu.memory_space<semaphore_mem>>)
      %dma_start3A_28 = arith.constant 1 : i32
      %dma_start3A_29 = arith.constant 0 : i32
      %dma_start3A_30 = tpu.memref_slice %arg8[%dma_start3A_28, %dma_start3A_29] : memref<16x128xi32, #tpu.memory_space<vmem>> -> memref<1x128xi32, #tpu.memory_space<vmem>>
      %dma_start3A_31 = tpu.memref_squeeze %dma_start3A_30 : memref<1x128xi32, #tpu.memory_space<vmem>> -> memref<128xi32, #tpu.memory_space<vmem>>
      %dma_start3A_32 = arith.constant 0 : i32
      %dma_start3A_33 = arith.constant 0 : i32
      %dma_start3A_34 = tpu.memref_slice %arg2[%dma_start3A_32, %dma_start3A_33] : memref<10240x128xf32, #tpu.memory_space<hbm>> -> memref<10240x128xf32, #tpu.memory_space<hbm>>
      tpu.enqueue_indirect_dma source(%dma_start3A_34 : memref<10240x128xf32, #tpu.memory_space<hbm>>) target(%arg11 : memref<128x128xf32, #tpu.memory_space<vmem>>) offsets(%dma_start3A_31 : memref<128xi32, #tpu.memory_space<vmem>>) semaphore(%arg14 : memref<!tpu.dma_semaphore, #tpu.memory_space<semaphore_mem>>)
      %scan3A_35 = arith.constant 0 : i32
      %scan3A_36 = arith.constant 0 : i32
      %scan3A_37 = arith.constant 8 : i32
      %scan3A_38 = arith.addi %scan3A_36, %scan3A_37 : i32
      %scan3A_39 = arith.constant 1 : i32
      scf.for %scan3A_41 = %scan3A_36 to %scan3A_38 step %scan3A_39  : i32 {
        %mul3A_42 = arith.constant 2 : i32
        %mul3A_43 = arith.muli %scan3A_41, %mul3A_42 : i32
        %add3A_44 = arith.constant 0 : i32
        %add3A_45 = arith.addi %mul3A_43, %add3A_44 : i32
        %dma_wait3A = arith.constant 0 : i32
        %dma_wait3A_46 = tpu.memref_slice %arg8[%add3A_45, %dma_wait3A] : memref<16x128xi32, #tpu.memory_space<vmem>> -> memref<1x128xi32, #tpu.memory_space<vmem>>
        %dma_wait3A_47 = tpu.memref_squeeze %dma_wait3A_46 : memref<1x128xi32, #tpu.memory_space<vmem>> -> memref<128xi32, #tpu.memory_space<vmem>>
        %dma_wait3A_48 = arith.constant 0 : i32
        %dma_wait3A_49 = arith.constant 0 : i32
        %dma_wait3A_50 = tpu.memref_slice %arg2[%dma_wait3A_48, %dma_wait3A_49] : memref<10240x128xf32, #tpu.memory_space<hbm>> -> memref<10240x128xf32, #tpu.memory_space<hbm>>
        tpu.wait_indirect_dma semaphore(%arg13 : memref<!tpu.dma_semaphore, #tpu.memory_space<semaphore_mem>>) src(%dma_wait3A_50 : memref<10240x128xf32, #tpu.memory_space<hbm>>) dst(%arg10 : memref<128x128xf32, #tpu.memory_space<vmem>>)
        "tpu.region"() ({
          %run_scoped3A = tpu.sem_alloc : memref<!tpu.dma_semaphore, #tpu.memory_space<semaphore_mem>>
          %dma_start3A_74 = arith.constant 0 : i32
          %dma_start3A_75 = tpu.memref_slice %arg9[%add3A_45, %dma_start3A_74] : memref<16x128xi32, #tpu.memory_space<vmem>> -> memref<1x128xi32, #tpu.memory_space<vmem>>
          %dma_start3A_76 = tpu.memref_squeeze %dma_start3A_75 : memref<1x128xi32, #tpu.memory_space<vmem>> -> memref<128xi32, #tpu.memory_space<vmem>>
          %dma_start3A_77 = arith.constant 0 : i32
          %dma_start3A_78 = arith.constant 0 : i32
          %dma_start3A_79 = tpu.memref_slice %arg12[%dma_start3A_77, %dma_start3A_78] : memref<10240x128xf32, #tpu.memory_space<vmem_shared>> -> memref<10240x128xf32, #tpu.memory_space<vmem_shared>>
          tpu.enqueue_indirect_dma source(%arg10 : memref<128x128xf32, #tpu.memory_space<vmem>>) target(%dma_start3A_79 : memref<10240x128xf32, #tpu.memory_space<vmem_shared>>) offsets(%dma_start3A_76 : memref<128xi32, #tpu.memory_space<vmem>>) semaphore(%run_scoped3A : memref<!tpu.dma_semaphore, #tpu.memory_space<semaphore_mem>>) {add = true}
          %dma_wait3A_80 = arith.constant 0 : i32
          %dma_wait3A_81 = tpu.memref_slice %arg9[%add3A_45, %dma_wait3A_80] : memref<16x128xi32, #tpu.memory_space<vmem>> -> memref<1x128xi32, #tpu.memory_space<vmem>>
          %dma_wait3A_82 = tpu.memref_squeeze %dma_wait3A_81 : memref<1x128xi32, #tpu.memory_space<vmem>> -> memref<128xi32, #tpu.memory_space<vmem>>
          %dma_wait3A_83 = arith.constant 0 : i32
          %dma_wait3A_84 = arith.constant 0 : i32
          %dma_wait3A_85 = tpu.memref_slice %arg12[%dma_wait3A_83, %dma_wait3A_84] : memref<10240x128xf32, #tpu.memory_space<vmem_shared>> -> memref<10240x128xf32, #tpu.memory_space<vmem_shared>>
          tpu.wait_indirect_dma semaphore(%run_scoped3A : memref<!tpu.dma_semaphore, #tpu.memory_space<semaphore_mem>>) src(%arg10 : memref<128x128xf32, #tpu.memory_space<vmem>>) dst(%dma_wait3A_85 : memref<10240x128xf32, #tpu.memory_space<vmem_shared>>)
          tpu.yield
        }) : () -> ()
        %add3A_51 = arith.constant 2 : i32
        %add3A_52 = arith.addi %add3A_45, %add3A_51 : i32
        %lt3A = arith.constant 16 : i32
        %lt3A_53 = arith.cmpi slt, %add3A_52, %lt3A : i32
        %convert_element_type3A_54 = arith.extui %lt3A_53 : i1 to i32
        %cond3A_55 = arith.constant 0 : i32
        %cond3A_56 = arith.cmpi ne, %convert_element_type3A_54, %cond3A_55 : i32
        scf.if %cond3A_56 {
          %add3A_74 = arith.constant 2 : i32
          %add3A_75 = arith.addi %add3A_45, %add3A_74 : i32
          %dma_start3A_76 = arith.constant 0 : i32
          %dma_start3A_77 = tpu.memref_slice %arg8[%add3A_75, %dma_start3A_76] : memref<16x128xi32, #tpu.memory_space<vmem>> -> memref<1x128xi32, #tpu.memory_space<vmem>>
          %dma_start3A_78 = tpu.memref_squeeze %dma_start3A_77 : memref<1x128xi32, #tpu.memory_space<vmem>> -> memref<128xi32, #tpu.memory_space<vmem>>
          %dma_start3A_79 = arith.constant 0 : i32
          %dma_start3A_80 = arith.constant 0 : i32
          %dma_start3A_81 = tpu.memref_slice %arg2[%dma_start3A_79, %dma_start3A_80] : memref<10240x128xf32, #tpu.memory_space<hbm>> -> memref<10240x128xf32, #tpu.memory_space<hbm>>
          tpu.enqueue_indirect_dma source(%dma_start3A_81 : memref<10240x128xf32, #tpu.memory_space<hbm>>) target(%arg10 : memref<128x128xf32, #tpu.memory_space<vmem>>) offsets(%dma_start3A_78 : memref<128xi32, #tpu.memory_space<vmem>>) semaphore(%arg13 : memref<!tpu.dma_semaphore, #tpu.memory_space<semaphore_mem>>)
        } else {
        }
        %mul3A_57 = arith.constant 2 : i32
        %mul3A_58 = arith.muli %scan3A_41, %mul3A_57 : i32
        %add3A_59 = arith.constant 1 : i32
        %add3A_60 = arith.addi %mul3A_58, %add3A_59 : i32
        %dma_wait3A_61 = arith.constant 0 : i32
        %dma_wait3A_62 = tpu.memref_slice %arg8[%add3A_60, %dma_wait3A_61] : memref<16x128xi32, #tpu.memory_space<vmem>> -> memref<1x128xi32, #tpu.memory_space<vmem>>
        %dma_wait3A_63 = tpu.memref_squeeze %dma_wait3A_62 : memref<1x128xi32, #tpu.memory_space<vmem>> -> memref<128xi32, #tpu.memory_space<vmem>>
        %dma_wait3A_64 = arith.constant 0 : i32
        %dma_wait3A_65 = arith.constant 0 : i32
        %dma_wait3A_66 = tpu.memref_slice %arg2[%dma_wait3A_64, %dma_wait3A_65] : memref<10240x128xf32, #tpu.memory_space<hbm>> -> memref<10240x128xf32, #tpu.memory_space<hbm>>
        tpu.wait_indirect_dma semaphore(%arg14 : memref<!tpu.dma_semaphore, #tpu.memory_space<semaphore_mem>>) src(%dma_wait3A_66 : memref<10240x128xf32, #tpu.memory_space<hbm>>) dst(%arg11 : memref<128x128xf32, #tpu.memory_space<vmem>>)
        "tpu.region"() ({
          %run_scoped3A = tpu.sem_alloc : memref<!tpu.dma_semaphore, #tpu.memory_space<semaphore_mem>>
          %dma_start3A_74 = arith.constant 0 : i32
          %dma_start3A_75 = tpu.memref_slice %arg9[%add3A_60, %dma_start3A_74] : memref<16x128xi32, #tpu.memory_space<vmem>> -> memref<1x128xi32, #tpu.memory_space<vmem>>
          %dma_start3A_76 = tpu.memref_squeeze %dma_start3A_75 : memref<1x128xi32, #tpu.memory_space<vmem>> -> memref<128xi32, #tpu.memory_space<vmem>>
          %dma_start3A_77 = arith.constant 0 : i32
          %dma_start3A_78 = arith.constant 0 : i32
          %dma_start3A_79 = tpu.memref_slice %arg12[%dma_start3A_77, %dma_start3A_78] : memref<10240x128xf32, #tpu.memory_space<vmem_shared>> -> memref<10240x128xf32, #tpu.memory_space<vmem_shared>>
          tpu.enqueue_indirect_dma source(%arg11 : memref<128x128xf32, #tpu.memory_space<vmem>>) target(%dma_start3A_79 : memref<10240x128xf32, #tpu.memory_space<vmem_shared>>) offsets(%dma_start3A_76 : memref<128xi32, #tpu.memory_space<vmem>>) semaphore(%run_scoped3A : memref<!tpu.dma_semaphore, #tpu.memory_space<semaphore_mem>>) {add = true}
          %dma_wait3A_80 = arith.constant 0 : i32
          %dma_wait3A_81 = tpu.memref_slice %arg9[%add3A_60, %dma_wait3A_80] : memref<16x128xi32, #tpu.memory_space<vmem>> -> memref<1x128xi32, #tpu.memory_space<vmem>>
          %dma_wait3A_82 = tpu.memref_squeeze %dma_wait3A_81 : memref<1x128xi32, #tpu.memory_space<vmem>> -> memref<128xi32, #tpu.memory_space<vmem>>
          %dma_wait3A_83 = arith.constant 0 : i32
          %dma_wait3A_84 = arith.constant 0 : i32
          %dma_wait3A_85 = tpu.memref_slice %arg12[%dma_wait3A_83, %dma_wait3A_84] : memref<10240x128xf32, #tpu.memory_space<vmem_shared>> -> memref<10240x128xf32, #tpu.memory_space<vmem_shared>>
          tpu.wait_indirect_dma semaphore(%run_scoped3A : memref<!tpu.dma_semaphore, #tpu.memory_space<semaphore_mem>>) src(%arg11 : memref<128x128xf32, #tpu.memory_space<vmem>>) dst(%dma_wait3A_85 : memref<10240x128xf32, #tpu.memory_space<vmem_shared>>)
          tpu.yield
        }) : () -> ()
        %add3A_67 = arith.constant 2 : i32
        %add3A_68 = arith.addi %add3A_60, %add3A_67 : i32
        %lt3A_69 = arith.constant 16 : i32
        %lt3A_70 = arith.cmpi slt, %add3A_68, %lt3A_69 : i32
        %convert_element_type3A_71 = arith.extui %lt3A_70 : i1 to i32
        %cond3A_72 = arith.constant 0 : i32
        %cond3A_73 = arith.cmpi ne, %convert_element_type3A_71, %cond3A_72 : i32
        scf.if %cond3A_73 {
          %add3A_74 = arith.constant 2 : i32
          %add3A_75 = arith.addi %add3A_60, %add3A_74 : i32
          %dma_start3A_76 = arith.constant 0 : i32
          %dma_start3A_77 = tpu.memref_slice %arg8[%add3A_75, %dma_start3A_76] : memref<16x128xi32, #tpu.memory_space<vmem>> -> memref<1x128xi32, #tpu.memory_space<vmem>>
          %dma_start3A_78 = tpu.memref_squeeze %dma_start3A_77 : memref<1x128xi32, #tpu.memory_space<vmem>> -> memref<128xi32, #tpu.memory_space<vmem>>
          %dma_start3A_79 = arith.constant 0 : i32
          %dma_start3A_80 = arith.constant 0 : i32
          %dma_start3A_81 = tpu.memref_slice %arg2[%dma_start3A_79, %dma_start3A_80] : memref<10240x128xf32, #tpu.memory_space<hbm>> -> memref<10240x128xf32, #tpu.memory_space<hbm>>
          tpu.enqueue_indirect_dma source(%dma_start3A_81 : memref<10240x128xf32, #tpu.memory_space<hbm>>) target(%arg11 : memref<128x128xf32, #tpu.memory_space<vmem>>) offsets(%dma_start3A_78 : memref<128xi32, #tpu.memory_space<vmem>>) semaphore(%arg14 : memref<!tpu.dma_semaphore, #tpu.memory_space<semaphore_mem>>)
        } else {
        }
      }
      %scan3A_40 = arith.constant 8 : i32
    }
    %scan3A_9 = arith.constant 5 : i32
    %barrier3A_10 = arith.constant 0 : index
    tpu.barrier barrier_id(%barrier3A_10)
    %eq3A = arith.constant 0 : i32
    %eq3A_11 = arith.cmpi eq, %arg0, %eq3A : i32
    %convert_element_type3A = arith.extui %eq3A_11 : i1 to i32
    %cond3A = arith.constant 0 : i32
    %cond3A_12 = arith.cmpi ne, %convert_element_type3A, %cond3A : i32
    scf.if %cond3A_12 {
      %mul3A_18 = arith.constant 640 : i32
      %mul3A_19 = arith.muli %arg1, %mul3A_18 : i32
      %mul3A_20 = arith.constant 640 : i32
      %mul3A_21 = arith.muli %arg1, %mul3A_20 : i32
      "tpu.region"() ({
        %run_scoped3A = tpu.sem_alloc : memref<!tpu.dma_semaphore, #tpu.memory_space<semaphore_mem>>
        %dma_start3A = arith.constant 0 : i32
        %dma_start3A_22 = tpu.memref_slice %arg6[%mul3A_21, %dma_start3A] : memref<10240x128xf32, #tpu.memory_space<hbm>> -> memref<640x128xf32, #tpu.memory_space<hbm>>
        %dma_start3A_23 = arith.constant 0 : i32
        %dma_start3A_24 = tpu.memref_slice %arg12[%mul3A_19, %dma_start3A_23] : memref<10240x128xf32, #tpu.memory_space<vmem_shared>> -> memref<640x128xf32, #tpu.memory_space<vmem_shared>>
        tpu.enqueue_dma source(%dma_start3A_24 : memref<640x128xf32, #tpu.memory_space<vmem_shared>>) target(%dma_start3A_22 : memref<640x128xf32, #tpu.memory_space<hbm>>) target_semaphore(%run_scoped3A : memref<!tpu.dma_semaphore, #tpu.memory_space<semaphore_mem>>)
        %dma_wait3A = arith.constant 0 : i32
        %dma_wait3A_25 = tpu.memref_slice %arg6[%mul3A_21, %dma_wait3A] : memref<10240x128xf32, #tpu.memory_space<hbm>> -> memref<640x128xf32, #tpu.memory_space<hbm>>
        %dma_wait3A_26 = arith.constant 0 : i32
        %dma_wait3A_27 = tpu.memref_slice %arg12[%mul3A_19, %dma_wait3A_26] : memref<10240x128xf32, #tpu.memory_space<vmem_shared>> -> memref<640x128xf32, #tpu.memory_space<vmem_shared>>
        tpu.wait_dma2 semaphore(%run_scoped3A : memref<!tpu.dma_semaphore, #tpu.memory_space<semaphore_mem>>) src(%dma_wait3A_27 : memref<640x128xf32, #tpu.memory_space<vmem_shared>>) dst(%dma_wait3A_25 : memref<640x128xf32, #tpu.memory_space<hbm>>)
        tpu.yield
      }) : () -> ()
    } else {
    }
    %eq3A_13 = arith.constant 1 : i32
    %eq3A_14 = arith.cmpi eq, %arg0, %eq3A_13 : i32
    %convert_element_type3A_15 = arith.extui %eq3A_14 : i1 to i32
    %cond3A_16 = arith.constant 0 : i32
    %cond3A_17 = arith.cmpi ne, %convert_element_type3A_15, %cond3A_16 : i32
    scf.if %cond3A_17 {
      %mul3A_18 = arith.constant 640 : i32
      %mul3A_19 = arith.muli %arg1, %mul3A_18 : i32
      %mul3A_20 = arith.constant 640 : i32
      %mul3A_21 = arith.muli %arg1, %mul3A_20 : i32
      "tpu.region"() ({
        %run_scoped3A = tpu.sem_alloc : memref<!tpu.dma_semaphore, #tpu.memory_space<semaphore_mem>>
        %dma_start3A = arith.constant 0 : i32
        %dma_start3A_22 = tpu.memref_slice %arg7[%mul3A_21, %dma_start3A] : memref<10240x128xf32, #tpu.memory_space<hbm>> -> memref<640x128xf32, #tpu.memory_space<hbm>>
        %dma_start3A_23 = arith.constant 0 : i32
        %dma_start3A_24 = tpu.memref_slice %arg12[%mul3A_19, %dma_start3A_23] : memref<10240x128xf32, #tpu.memory_space<vmem_shared>> -> memref<640x128xf32, #tpu.memory_space<vmem_shared>>
        tpu.enqueue_dma source(%dma_start3A_24 : memref<640x128xf32, #tpu.memory_space<vmem_shared>>) target(%dma_start3A_22 : memref<640x128xf32, #tpu.memory_space<hbm>>) target_semaphore(%run_scoped3A : memref<!tpu.dma_semaphore, #tpu.memory_space<semaphore_mem>>)
        %dma_wait3A = arith.constant 0 : i32
        %dma_wait3A_25 = tpu.memref_slice %arg7[%mul3A_21, %dma_wait3A] : memref<10240x128xf32, #tpu.memory_space<hbm>> -> memref<640x128xf32, #tpu.memory_space<hbm>>
        %dma_wait3A_26 = arith.constant 0 : i32
        %dma_wait3A_27 = tpu.memref_slice %arg12[%mul3A_19, %dma_wait3A_26] : memref<10240x128xf32, #tpu.memory_space<vmem_shared>> -> memref<640x128xf32, #tpu.memory_space<vmem_shared>>
        tpu.wait_dma2 semaphore(%run_scoped3A : memref<!tpu.dma_semaphore, #tpu.memory_space<semaphore_mem>>) src(%dma_wait3A_27 : memref<640x128xf32, #tpu.memory_space<vmem_shared>>) dst(%dma_wait3A_25 : memref<640x128xf32, #tpu.memory_space<hbm>>)
        tpu.yield
      }) : () -> ()
    } else {
    }
    return
  }
}

#map = affine_map<(d0, d1) -> (0, 0)>
module attributes {stable_mosaic.version = 14 : i64} {
  func.func @_gather2_body(%arg0: i32, %arg1: i32, %arg2: memref<10240x128xf32, #tpu.memory_space<hbm>>, %arg3: memref<10240x128xf32, #tpu.memory_space<hbm>>, %arg4: memref<2560x128xi32, #tpu.memory_space<hbm>>, %arg5: memref<2560x128xi32, #tpu.memory_space<hbm>>, %arg6: memref<327680x128xf32, #tpu.memory_space<hbm>>, %arg7: memref<327680x128xf32, #tpu.memory_space<hbm>>, %arg8: memref<16x128xi32, #tpu.memory_space<vmem>>, %arg9: memref<16x128xi32, #tpu.memory_space<vmem>>, %arg10: memref<128x128xf32, #tpu.memory_space<vmem>>, %arg11: memref<128x128xf32, #tpu.memory_space<vmem>>, %arg12: memref<128x128xf32, #tpu.memory_space<vmem>>, %arg13: memref<128x128xf32, #tpu.memory_space<vmem>>, %arg14: memref<!tpu.dma_semaphore, #tpu.memory_space<semaphore_mem>>, %arg15: memref<!tpu.dma_semaphore, #tpu.memory_space<semaphore_mem>>, %arg16: memref<!tpu.dma_semaphore, #tpu.memory_space<semaphore_mem>>, %arg17: memref<!tpu.dma_semaphore, #tpu.memory_space<semaphore_mem>>) attributes {dimension_semantics = [#tpu.dimension_semantics<core_parallel>, #tpu.dimension_semantics<subcore_parallel>], iteration_bounds = array<i64: 2, 16>, scalar_prefetch = 0 : i64, scratch_operands = 10 : i64, tpu.core_type = #tpu.core_type<sc_vector_subcore>, window_params = [{transform_indices = #map}, {transform_indices = #map}, {transform_indices = #map}, {transform_indices = #map}, {transform_indices = #map}, {transform_indices = #map}]} {
    %mul3A = arith.constant 2 : i32
    %mul3A_0 = arith.muli %arg1, %mul3A : i32
    %add3A = arith.addi %mul3A_0, %arg0 : i32
    %mul3A_1 = arith.constant 80 : i32
    %mul3A_2 = arith.muli %add3A, %mul3A_1 : i32
    %scan3A = arith.constant 0 : i32
    %scan3A_3 = arith.constant 0 : i32
    %scan3A_4 = arith.constant 5 : i32
    %scan3A_5 = arith.addi %scan3A_3, %scan3A_4 : i32
    %scan3A_6 = arith.constant 1 : i32
    scf.for %scan3A_8 = %scan3A_3 to %scan3A_5 step %scan3A_6  : i32 {
      %mul3A_9 = arith.constant 16 : i32
      %mul3A_10 = arith.muli %scan3A_8, %mul3A_9 : i32
      %add3A_11 = arith.addi %mul3A_2, %mul3A_10 : i32
      "tpu.region"() ({
        %run_scoped3A = tpu.sem_alloc : memref<!tpu.dma_semaphore, #tpu.memory_space<semaphore_mem>>
        %dma_start3A_45 = arith.constant 0 : i32
        %dma_start3A_46 = tpu.memref_slice %arg4[%add3A_11, %dma_start3A_45] : memref<2560x128xi32, #tpu.memory_space<hbm>> -> memref<16x128xi32, #tpu.memory_space<hbm>>
        %dma_start3A_47 = arith.constant 0 : i32
        %dma_start3A_48 = tpu.memref_slice %arg4[%add3A_11, %dma_start3A_47] : memref<2560x128xi32, #tpu.memory_space<hbm>> -> memref<16x128xi32, #tpu.memory_space<hbm>>
        tpu.enqueue_dma source(%dma_start3A_48 : memref<16x128xi32, #tpu.memory_space<hbm>>) target(%arg8 : memref<16x128xi32, #tpu.memory_space<vmem>>) target_semaphore(%run_scoped3A : memref<!tpu.dma_semaphore, #tpu.memory_space<semaphore_mem>>)
        %dma_wait3A = arith.constant 0 : i32
        %dma_wait3A_49 = tpu.memref_slice %arg4[%add3A_11, %dma_wait3A] : memref<2560x128xi32, #tpu.memory_space<hbm>> -> memref<16x128xi32, #tpu.memory_space<hbm>>
        %dma_wait3A_50 = arith.constant 0 : i32
        %dma_wait3A_51 = tpu.memref_slice %arg4[%add3A_11, %dma_wait3A_50] : memref<2560x128xi32, #tpu.memory_space<hbm>> -> memref<16x128xi32, #tpu.memory_space<hbm>>
        tpu.wait_dma2 semaphore(%run_scoped3A : memref<!tpu.dma_semaphore, #tpu.memory_space<semaphore_mem>>) src(%dma_wait3A_51 : memref<16x128xi32, #tpu.memory_space<hbm>>) dst(%arg8 : memref<16x128xi32, #tpu.memory_space<vmem>>)
        tpu.yield
      }) : () -> ()
      "tpu.region"() ({
        %run_scoped3A = tpu.sem_alloc : memref<!tpu.dma_semaphore, #tpu.memory_space<semaphore_mem>>
        %dma_start3A_45 = arith.constant 0 : i32
        %dma_start3A_46 = tpu.memref_slice %arg5[%add3A_11, %dma_start3A_45] : memref<2560x128xi32, #tpu.memory_space<hbm>> -> memref<16x128xi32, #tpu.memory_space<hbm>>
        %dma_start3A_47 = arith.constant 0 : i32
        %dma_start3A_48 = tpu.memref_slice %arg5[%add3A_11, %dma_start3A_47] : memref<2560x128xi32, #tpu.memory_space<hbm>> -> memref<16x128xi32, #tpu.memory_space<hbm>>
        tpu.enqueue_dma source(%dma_start3A_48 : memref<16x128xi32, #tpu.memory_space<hbm>>) target(%arg9 : memref<16x128xi32, #tpu.memory_space<vmem>>) target_semaphore(%run_scoped3A : memref<!tpu.dma_semaphore, #tpu.memory_space<semaphore_mem>>)
        %dma_wait3A = arith.constant 0 : i32
        %dma_wait3A_49 = tpu.memref_slice %arg5[%add3A_11, %dma_wait3A] : memref<2560x128xi32, #tpu.memory_space<hbm>> -> memref<16x128xi32, #tpu.memory_space<hbm>>
        %dma_wait3A_50 = arith.constant 0 : i32
        %dma_wait3A_51 = tpu.memref_slice %arg5[%add3A_11, %dma_wait3A_50] : memref<2560x128xi32, #tpu.memory_space<hbm>> -> memref<16x128xi32, #tpu.memory_space<hbm>>
        tpu.wait_dma2 semaphore(%run_scoped3A : memref<!tpu.dma_semaphore, #tpu.memory_space<semaphore_mem>>) src(%dma_wait3A_51 : memref<16x128xi32, #tpu.memory_space<hbm>>) dst(%arg9 : memref<16x128xi32, #tpu.memory_space<vmem>>)
        tpu.yield
      }) : () -> ()
      %dma_start3A = arith.constant 0 : i32
      %dma_start3A_12 = arith.constant 0 : i32
      %dma_start3A_13 = tpu.memref_slice %arg8[%dma_start3A, %dma_start3A_12] : memref<16x128xi32, #tpu.memory_space<vmem>> -> memref<1x128xi32, #tpu.memory_space<vmem>>
      %dma_start3A_14 = tpu.memref_squeeze %dma_start3A_13 : memref<1x128xi32, #tpu.memory_space<vmem>> -> memref<128xi32, #tpu.memory_space<vmem>>
      %dma_start3A_15 = arith.constant 0 : i32
      %dma_start3A_16 = arith.constant 0 : i32
      %dma_start3A_17 = tpu.memref_slice %arg2[%dma_start3A_15, %dma_start3A_16] : memref<10240x128xf32, #tpu.memory_space<hbm>> -> memref<10240x128xf32, #tpu.memory_space<hbm>>
      tpu.enqueue_indirect_dma source(%dma_start3A_17 : memref<10240x128xf32, #tpu.memory_space<hbm>>) target(%arg10 : memref<128x128xf32, #tpu.memory_space<vmem>>) offsets(%dma_start3A_14 : memref<128xi32, #tpu.memory_space<vmem>>) semaphore(%arg14 : memref<!tpu.dma_semaphore, #tpu.memory_space<semaphore_mem>>)
      %dma_start3A_18 = arith.constant 0 : i32
      %dma_start3A_19 = arith.constant 0 : i32
      %dma_start3A_20 = tpu.memref_slice %arg9[%dma_start3A_18, %dma_start3A_19] : memref<16x128xi32, #tpu.memory_space<vmem>> -> memref<1x128xi32, #tpu.memory_space<vmem>>
      %dma_start3A_21 = tpu.memref_squeeze %dma_start3A_20 : memref<1x128xi32, #tpu.memory_space<vmem>> -> memref<128xi32, #tpu.memory_space<vmem>>
      %dma_start3A_22 = arith.constant 0 : i32
      %dma_start3A_23 = arith.constant 0 : i32
      %dma_start3A_24 = tpu.memref_slice %arg3[%dma_start3A_22, %dma_start3A_23] : memref<10240x128xf32, #tpu.memory_space<hbm>> -> memref<10240x128xf32, #tpu.memory_space<hbm>>
      tpu.enqueue_indirect_dma source(%dma_start3A_24 : memref<10240x128xf32, #tpu.memory_space<hbm>>) target(%arg12 : memref<128x128xf32, #tpu.memory_space<vmem>>) offsets(%dma_start3A_21 : memref<128xi32, #tpu.memory_space<vmem>>) semaphore(%arg16 : memref<!tpu.dma_semaphore, #tpu.memory_space<semaphore_mem>>)
      %dma_start3A_25 = arith.constant 1 : i32
      %dma_start3A_26 = arith.constant 0 : i32
      %dma_start3A_27 = tpu.memref_slice %arg8[%dma_start3A_25, %dma_start3A_26] : memref<16x128xi32, #tpu.memory_space<vmem>> -> memref<1x128xi32, #tpu.memory_space<vmem>>
      %dma_start3A_28 = tpu.memref_squeeze %dma_start3A_27 : memref<1x128xi32, #tpu.memory_space<vmem>> -> memref<128xi32, #tpu.memory_space<vmem>>
      %dma_start3A_29 = arith.constant 0 : i32
      %dma_start3A_30 = arith.constant 0 : i32
      %dma_start3A_31 = tpu.memref_slice %arg2[%dma_start3A_29, %dma_start3A_30] : memref<10240x128xf32, #tpu.memory_space<hbm>> -> memref<10240x128xf32, #tpu.memory_space<hbm>>
      tpu.enqueue_indirect_dma source(%dma_start3A_31 : memref<10240x128xf32, #tpu.memory_space<hbm>>) target(%arg11 : memref<128x128xf32, #tpu.memory_space<vmem>>) offsets(%dma_start3A_28 : memref<128xi32, #tpu.memory_space<vmem>>) semaphore(%arg15 : memref<!tpu.dma_semaphore, #tpu.memory_space<semaphore_mem>>)
      %dma_start3A_32 = arith.constant 1 : i32
      %dma_start3A_33 = arith.constant 0 : i32
      %dma_start3A_34 = tpu.memref_slice %arg9[%dma_start3A_32, %dma_start3A_33] : memref<16x128xi32, #tpu.memory_space<vmem>> -> memref<1x128xi32, #tpu.memory_space<vmem>>
      %dma_start3A_35 = tpu.memref_squeeze %dma_start3A_34 : memref<1x128xi32, #tpu.memory_space<vmem>> -> memref<128xi32, #tpu.memory_space<vmem>>
      %dma_start3A_36 = arith.constant 0 : i32
      %dma_start3A_37 = arith.constant 0 : i32
      %dma_start3A_38 = tpu.memref_slice %arg3[%dma_start3A_36, %dma_start3A_37] : memref<10240x128xf32, #tpu.memory_space<hbm>> -> memref<10240x128xf32, #tpu.memory_space<hbm>>
      tpu.enqueue_indirect_dma source(%dma_start3A_38 : memref<10240x128xf32, #tpu.memory_space<hbm>>) target(%arg13 : memref<128x128xf32, #tpu.memory_space<vmem>>) offsets(%dma_start3A_35 : memref<128xi32, #tpu.memory_space<vmem>>) semaphore(%arg17 : memref<!tpu.dma_semaphore, #tpu.memory_space<semaphore_mem>>)
      %scan3A_39 = arith.constant 0 : i32
      %scan3A_40 = arith.constant 0 : i32
      %scan3A_41 = arith.constant 8 : i32
      %scan3A_42 = arith.addi %scan3A_40, %scan3A_41 : i32
      %scan3A_43 = arith.constant 1 : i32
      scf.for %scan3A_45 = %scan3A_40 to %scan3A_42 step %scan3A_43  : i32 {
        %mul3A_46 = arith.constant 2 : i32
        %mul3A_47 = arith.muli %scan3A_45, %mul3A_46 : i32
        %add3A_48 = arith.constant 0 : i32
        %add3A_49 = arith.addi %mul3A_47, %add3A_48 : i32
        %add3A_50 = arith.addi %add3A_11, %add3A_49 : i32
        %mul3A_51 = arith.constant 128 : i32
        %mul3A_52 = arith.muli %add3A_50, %mul3A_51 : i32
        %dma_wait3A = arith.constant 0 : i32
        %dma_wait3A_53 = tpu.memref_slice %arg8[%add3A_49, %dma_wait3A] : memref<16x128xi32, #tpu.memory_space<vmem>> -> memref<1x128xi32, #tpu.memory_space<vmem>>
        %dma_wait3A_54 = tpu.memref_squeeze %dma_wait3A_53 : memref<1x128xi32, #tpu.memory_space<vmem>> -> memref<128xi32, #tpu.memory_space<vmem>>
        %dma_wait3A_55 = arith.constant 0 : i32
        %dma_wait3A_56 = arith.constant 0 : i32
        %dma_wait3A_57 = tpu.memref_slice %arg2[%dma_wait3A_55, %dma_wait3A_56] : memref<10240x128xf32, #tpu.memory_space<hbm>> -> memref<10240x128xf32, #tpu.memory_space<hbm>>
        tpu.wait_indirect_dma semaphore(%arg14 : memref<!tpu.dma_semaphore, #tpu.memory_space<semaphore_mem>>) src(%dma_wait3A_57 : memref<10240x128xf32, #tpu.memory_space<hbm>>) dst(%arg10 : memref<128x128xf32, #tpu.memory_space<vmem>>)
        "tpu.region"() ({
          %run_scoped3A = tpu.sem_alloc : memref<!tpu.dma_semaphore, #tpu.memory_space<semaphore_mem>>
          %dma_start3A_94 = arith.constant 0 : i32
          %dma_start3A_95 = tpu.memref_slice %arg6[%mul3A_52, %dma_start3A_94] : memref<327680x128xf32, #tpu.memory_space<hbm>> -> memref<128x128xf32, #tpu.memory_space<hbm>>
          %dma_start3A_96 = arith.constant 0 : i32
          %dma_start3A_97 = tpu.memref_slice %arg6[%mul3A_52, %dma_start3A_96] : memref<327680x128xf32, #tpu.memory_space<hbm>> -> memref<128x128xf32, #tpu.memory_space<hbm>>
          tpu.enqueue_dma source(%arg10 : memref<128x128xf32, #tpu.memory_space<vmem>>) target(%dma_start3A_97 : memref<128x128xf32, #tpu.memory_space<hbm>>) target_semaphore(%run_scoped3A : memref<!tpu.dma_semaphore, #tpu.memory_space<semaphore_mem>>)
          %dma_wait3A_98 = arith.constant 0 : i32
          %dma_wait3A_99 = tpu.memref_slice %arg6[%mul3A_52, %dma_wait3A_98] : memref<327680x128xf32, #tpu.memory_space<hbm>> -> memref<128x128xf32, #tpu.memory_space<hbm>>
          %dma_wait3A_100 = arith.constant 0 : i32
          %dma_wait3A_101 = tpu.memref_slice %arg6[%mul3A_52, %dma_wait3A_100] : memref<327680x128xf32, #tpu.memory_space<hbm>> -> memref<128x128xf32, #tpu.memory_space<hbm>>
          tpu.wait_dma2 semaphore(%run_scoped3A : memref<!tpu.dma_semaphore, #tpu.memory_space<semaphore_mem>>) src(%arg10 : memref<128x128xf32, #tpu.memory_space<vmem>>) dst(%dma_wait3A_101 : memref<128x128xf32, #tpu.memory_space<hbm>>)
          tpu.yield
        }) : () -> ()
        %dma_wait3A_58 = arith.constant 0 : i32
        %dma_wait3A_59 = tpu.memref_slice %arg9[%add3A_49, %dma_wait3A_58] : memref<16x128xi32, #tpu.memory_space<vmem>> -> memref<1x128xi32, #tpu.memory_space<vmem>>
        %dma_wait3A_60 = tpu.memref_squeeze %dma_wait3A_59 : memref<1x128xi32, #tpu.memory_space<vmem>> -> memref<128xi32, #tpu.memory_space<vmem>>
        %dma_wait3A_61 = arith.constant 0 : i32
        %dma_wait3A_62 = arith.constant 0 : i32
        %dma_wait3A_63 = tpu.memref_slice %arg3[%dma_wait3A_61, %dma_wait3A_62] : memref<10240x128xf32, #tpu.memory_space<hbm>> -> memref<10240x128xf32, #tpu.memory_space<hbm>>
        tpu.wait_indirect_dma semaphore(%arg16 : memref<!tpu.dma_semaphore, #tpu.memory_space<semaphore_mem>>) src(%dma_wait3A_63 : memref<10240x128xf32, #tpu.memory_space<hbm>>) dst(%arg12 : memref<128x128xf32, #tpu.memory_space<vmem>>)
        "tpu.region"() ({
          %run_scoped3A = tpu.sem_alloc : memref<!tpu.dma_semaphore, #tpu.memory_space<semaphore_mem>>
          %dma_start3A_94 = arith.constant 0 : i32
          %dma_start3A_95 = tpu.memref_slice %arg7[%mul3A_52, %dma_start3A_94] : memref<327680x128xf32, #tpu.memory_space<hbm>> -> memref<128x128xf32, #tpu.memory_space<hbm>>
          %dma_start3A_96 = arith.constant 0 : i32
          %dma_start3A_97 = tpu.memref_slice %arg7[%mul3A_52, %dma_start3A_96] : memref<327680x128xf32, #tpu.memory_space<hbm>> -> memref<128x128xf32, #tpu.memory_space<hbm>>
          tpu.enqueue_dma source(%arg12 : memref<128x128xf32, #tpu.memory_space<vmem>>) target(%dma_start3A_97 : memref<128x128xf32, #tpu.memory_space<hbm>>) target_semaphore(%run_scoped3A : memref<!tpu.dma_semaphore, #tpu.memory_space<semaphore_mem>>)
          %dma_wait3A_98 = arith.constant 0 : i32
          %dma_wait3A_99 = tpu.memref_slice %arg7[%mul3A_52, %dma_wait3A_98] : memref<327680x128xf32, #tpu.memory_space<hbm>> -> memref<128x128xf32, #tpu.memory_space<hbm>>
          %dma_wait3A_100 = arith.constant 0 : i32
          %dma_wait3A_101 = tpu.memref_slice %arg7[%mul3A_52, %dma_wait3A_100] : memref<327680x128xf32, #tpu.memory_space<hbm>> -> memref<128x128xf32, #tpu.memory_space<hbm>>
          tpu.wait_dma2 semaphore(%run_scoped3A : memref<!tpu.dma_semaphore, #tpu.memory_space<semaphore_mem>>) src(%arg12 : memref<128x128xf32, #tpu.memory_space<vmem>>) dst(%dma_wait3A_101 : memref<128x128xf32, #tpu.memory_space<hbm>>)
          tpu.yield
        }) : () -> ()
        %add3A_64 = arith.constant 2 : i32
        %add3A_65 = arith.addi %add3A_49, %add3A_64 : i32
        %lt3A = arith.constant 16 : i32
        %lt3A_66 = arith.cmpi slt, %add3A_65, %lt3A : i32
        %convert_element_type3A = arith.extui %lt3A_66 : i1 to i32
        %cond3A = arith.constant 0 : i32
        %cond3A_67 = arith.cmpi ne, %convert_element_type3A, %cond3A : i32
        scf.if %cond3A_67 {
          %add3A_94 = arith.constant 2 : i32
          %add3A_95 = arith.addi %add3A_49, %add3A_94 : i32
          %dma_start3A_96 = arith.constant 0 : i32
          %dma_start3A_97 = tpu.memref_slice %arg8[%add3A_95, %dma_start3A_96] : memref<16x128xi32, #tpu.memory_space<vmem>> -> memref<1x128xi32, #tpu.memory_space<vmem>>
          %dma_start3A_98 = tpu.memref_squeeze %dma_start3A_97 : memref<1x128xi32, #tpu.memory_space<vmem>> -> memref<128xi32, #tpu.memory_space<vmem>>
          %dma_start3A_99 = arith.constant 0 : i32
          %dma_start3A_100 = arith.constant 0 : i32
          %dma_start3A_101 = tpu.memref_slice %arg2[%dma_start3A_99, %dma_start3A_100] : memref<10240x128xf32, #tpu.memory_space<hbm>> -> memref<10240x128xf32, #tpu.memory_space<hbm>>
          tpu.enqueue_indirect_dma source(%dma_start3A_101 : memref<10240x128xf32, #tpu.memory_space<hbm>>) target(%arg10 : memref<128x128xf32, #tpu.memory_space<vmem>>) offsets(%dma_start3A_98 : memref<128xi32, #tpu.memory_space<vmem>>) semaphore(%arg14 : memref<!tpu.dma_semaphore, #tpu.memory_space<semaphore_mem>>)
          %add3A_102 = arith.constant 2 : i32
          %add3A_103 = arith.addi %add3A_49, %add3A_102 : i32
          %dma_start3A_104 = arith.constant 0 : i32
          %dma_start3A_105 = tpu.memref_slice %arg9[%add3A_103, %dma_start3A_104] : memref<16x128xi32, #tpu.memory_space<vmem>> -> memref<1x128xi32, #tpu.memory_space<vmem>>
          %dma_start3A_106 = tpu.memref_squeeze %dma_start3A_105 : memref<1x128xi32, #tpu.memory_space<vmem>> -> memref<128xi32, #tpu.memory_space<vmem>>
          %dma_start3A_107 = arith.constant 0 : i32
          %dma_start3A_108 = arith.constant 0 : i32
          %dma_start3A_109 = tpu.memref_slice %arg3[%dma_start3A_107, %dma_start3A_108] : memref<10240x128xf32, #tpu.memory_space<hbm>> -> memref<10240x128xf32, #tpu.memory_space<hbm>>
          tpu.enqueue_indirect_dma source(%dma_start3A_109 : memref<10240x128xf32, #tpu.memory_space<hbm>>) target(%arg12 : memref<128x128xf32, #tpu.memory_space<vmem>>) offsets(%dma_start3A_106 : memref<128xi32, #tpu.memory_space<vmem>>) semaphore(%arg16 : memref<!tpu.dma_semaphore, #tpu.memory_space<semaphore_mem>>)
        } else {
        }
        %mul3A_68 = arith.constant 2 : i32
        %mul3A_69 = arith.muli %scan3A_45, %mul3A_68 : i32
        %add3A_70 = arith.constant 1 : i32
        %add3A_71 = arith.addi %mul3A_69, %add3A_70 : i32
        %add3A_72 = arith.addi %add3A_11, %add3A_71 : i32
        %mul3A_73 = arith.constant 128 : i32
        %mul3A_74 = arith.muli %add3A_72, %mul3A_73 : i32
        %dma_wait3A_75 = arith.constant 0 : i32
        %dma_wait3A_76 = tpu.memref_slice %arg8[%add3A_71, %dma_wait3A_75] : memref<16x128xi32, #tpu.memory_space<vmem>> -> memref<1x128xi32, #tpu.memory_space<vmem>>
        %dma_wait3A_77 = tpu.memref_squeeze %dma_wait3A_76 : memref<1x128xi32, #tpu.memory_space<vmem>> -> memref<128xi32, #tpu.memory_space<vmem>>
        %dma_wait3A_78 = arith.constant 0 : i32
        %dma_wait3A_79 = arith.constant 0 : i32
        %dma_wait3A_80 = tpu.memref_slice %arg2[%dma_wait3A_78, %dma_wait3A_79] : memref<10240x128xf32, #tpu.memory_space<hbm>> -> memref<10240x128xf32, #tpu.memory_space<hbm>>
        tpu.wait_indirect_dma semaphore(%arg15 : memref<!tpu.dma_semaphore, #tpu.memory_space<semaphore_mem>>) src(%dma_wait3A_80 : memref<10240x128xf32, #tpu.memory_space<hbm>>) dst(%arg11 : memref<128x128xf32, #tpu.memory_space<vmem>>)
        "tpu.region"() ({
          %run_scoped3A = tpu.sem_alloc : memref<!tpu.dma_semaphore, #tpu.memory_space<semaphore_mem>>
          %dma_start3A_94 = arith.constant 0 : i32
          %dma_start3A_95 = tpu.memref_slice %arg6[%mul3A_74, %dma_start3A_94] : memref<327680x128xf32, #tpu.memory_space<hbm>> -> memref<128x128xf32, #tpu.memory_space<hbm>>
          %dma_start3A_96 = arith.constant 0 : i32
          %dma_start3A_97 = tpu.memref_slice %arg6[%mul3A_74, %dma_start3A_96] : memref<327680x128xf32, #tpu.memory_space<hbm>> -> memref<128x128xf32, #tpu.memory_space<hbm>>
          tpu.enqueue_dma source(%arg11 : memref<128x128xf32, #tpu.memory_space<vmem>>) target(%dma_start3A_97 : memref<128x128xf32, #tpu.memory_space<hbm>>) target_semaphore(%run_scoped3A : memref<!tpu.dma_semaphore, #tpu.memory_space<semaphore_mem>>)
          %dma_wait3A_98 = arith.constant 0 : i32
          %dma_wait3A_99 = tpu.memref_slice %arg6[%mul3A_74, %dma_wait3A_98] : memref<327680x128xf32, #tpu.memory_space<hbm>> -> memref<128x128xf32, #tpu.memory_space<hbm>>
          %dma_wait3A_100 = arith.constant 0 : i32
          %dma_wait3A_101 = tpu.memref_slice %arg6[%mul3A_74, %dma_wait3A_100] : memref<327680x128xf32, #tpu.memory_space<hbm>> -> memref<128x128xf32, #tpu.memory_space<hbm>>
          tpu.wait_dma2 semaphore(%run_scoped3A : memref<!tpu.dma_semaphore, #tpu.memory_space<semaphore_mem>>) src(%arg11 : memref<128x128xf32, #tpu.memory_space<vmem>>) dst(%dma_wait3A_101 : memref<128x128xf32, #tpu.memory_space<hbm>>)
          tpu.yield
        }) : () -> ()
        %dma_wait3A_81 = arith.constant 0 : i32
        %dma_wait3A_82 = tpu.memref_slice %arg9[%add3A_71, %dma_wait3A_81] : memref<16x128xi32, #tpu.memory_space<vmem>> -> memref<1x128xi32, #tpu.memory_space<vmem>>
        %dma_wait3A_83 = tpu.memref_squeeze %dma_wait3A_82 : memref<1x128xi32, #tpu.memory_space<vmem>> -> memref<128xi32, #tpu.memory_space<vmem>>
        %dma_wait3A_84 = arith.constant 0 : i32
        %dma_wait3A_85 = arith.constant 0 : i32
        %dma_wait3A_86 = tpu.memref_slice %arg3[%dma_wait3A_84, %dma_wait3A_85] : memref<10240x128xf32, #tpu.memory_space<hbm>> -> memref<10240x128xf32, #tpu.memory_space<hbm>>
        tpu.wait_indirect_dma semaphore(%arg17 : memref<!tpu.dma_semaphore, #tpu.memory_space<semaphore_mem>>) src(%dma_wait3A_86 : memref<10240x128xf32, #tpu.memory_space<hbm>>) dst(%arg13 : memref<128x128xf32, #tpu.memory_space<vmem>>)
        "tpu.region"() ({
          %run_scoped3A = tpu.sem_alloc : memref<!tpu.dma_semaphore, #tpu.memory_space<semaphore_mem>>
          %dma_start3A_94 = arith.constant 0 : i32
          %dma_start3A_95 = tpu.memref_slice %arg7[%mul3A_74, %dma_start3A_94] : memref<327680x128xf32, #tpu.memory_space<hbm>> -> memref<128x128xf32, #tpu.memory_space<hbm>>
          %dma_start3A_96 = arith.constant 0 : i32
          %dma_start3A_97 = tpu.memref_slice %arg7[%mul3A_74, %dma_start3A_96] : memref<327680x128xf32, #tpu.memory_space<hbm>> -> memref<128x128xf32, #tpu.memory_space<hbm>>
          tpu.enqueue_dma source(%arg13 : memref<128x128xf32, #tpu.memory_space<vmem>>) target(%dma_start3A_97 : memref<128x128xf32, #tpu.memory_space<hbm>>) target_semaphore(%run_scoped3A : memref<!tpu.dma_semaphore, #tpu.memory_space<semaphore_mem>>)
          %dma_wait3A_98 = arith.constant 0 : i32
          %dma_wait3A_99 = tpu.memref_slice %arg7[%mul3A_74, %dma_wait3A_98] : memref<327680x128xf32, #tpu.memory_space<hbm>> -> memref<128x128xf32, #tpu.memory_space<hbm>>
          %dma_wait3A_100 = arith.constant 0 : i32
          %dma_wait3A_101 = tpu.memref_slice %arg7[%mul3A_74, %dma_wait3A_100] : memref<327680x128xf32, #tpu.memory_space<hbm>> -> memref<128x128xf32, #tpu.memory_space<hbm>>
          tpu.wait_dma2 semaphore(%run_scoped3A : memref<!tpu.dma_semaphore, #tpu.memory_space<semaphore_mem>>) src(%arg13 : memref<128x128xf32, #tpu.memory_space<vmem>>) dst(%dma_wait3A_101 : memref<128x128xf32, #tpu.memory_space<hbm>>)
          tpu.yield
        }) : () -> ()
        %add3A_87 = arith.constant 2 : i32
        %add3A_88 = arith.addi %add3A_71, %add3A_87 : i32
        %lt3A_89 = arith.constant 16 : i32
        %lt3A_90 = arith.cmpi slt, %add3A_88, %lt3A_89 : i32
        %convert_element_type3A_91 = arith.extui %lt3A_90 : i1 to i32
        %cond3A_92 = arith.constant 0 : i32
        %cond3A_93 = arith.cmpi ne, %convert_element_type3A_91, %cond3A_92 : i32
        scf.if %cond3A_93 {
          %add3A_94 = arith.constant 2 : i32
          %add3A_95 = arith.addi %add3A_71, %add3A_94 : i32
          %dma_start3A_96 = arith.constant 0 : i32
          %dma_start3A_97 = tpu.memref_slice %arg8[%add3A_95, %dma_start3A_96] : memref<16x128xi32, #tpu.memory_space<vmem>> -> memref<1x128xi32, #tpu.memory_space<vmem>>
          %dma_start3A_98 = tpu.memref_squeeze %dma_start3A_97 : memref<1x128xi32, #tpu.memory_space<vmem>> -> memref<128xi32, #tpu.memory_space<vmem>>
          %dma_start3A_99 = arith.constant 0 : i32
          %dma_start3A_100 = arith.constant 0 : i32
          %dma_start3A_101 = tpu.memref_slice %arg2[%dma_start3A_99, %dma_start3A_100] : memref<10240x128xf32, #tpu.memory_space<hbm>> -> memref<10240x128xf32, #tpu.memory_space<hbm>>
          tpu.enqueue_indirect_dma source(%dma_start3A_101 : memref<10240x128xf32, #tpu.memory_space<hbm>>) target(%arg11 : memref<128x128xf32, #tpu.memory_space<vmem>>) offsets(%dma_start3A_98 : memref<128xi32, #tpu.memory_space<vmem>>) semaphore(%arg15 : memref<!tpu.dma_semaphore, #tpu.memory_space<semaphore_mem>>)
          %add3A_102 = arith.constant 2 : i32
          %add3A_103 = arith.addi %add3A_71, %add3A_102 : i32
          %dma_start3A_104 = arith.constant 0 : i32
          %dma_start3A_105 = tpu.memref_slice %arg9[%add3A_103, %dma_start3A_104] : memref<16x128xi32, #tpu.memory_space<vmem>> -> memref<1x128xi32, #tpu.memory_space<vmem>>
          %dma_start3A_106 = tpu.memref_squeeze %dma_start3A_105 : memref<1x128xi32, #tpu.memory_space<vmem>> -> memref<128xi32, #tpu.memory_space<vmem>>
          %dma_start3A_107 = arith.constant 0 : i32
          %dma_start3A_108 = arith.constant 0 : i32
          %dma_start3A_109 = tpu.memref_slice %arg3[%dma_start3A_107, %dma_start3A_108] : memref<10240x128xf32, #tpu.memory_space<hbm>> -> memref<10240x128xf32, #tpu.memory_space<hbm>>
          tpu.enqueue_indirect_dma source(%dma_start3A_109 : memref<10240x128xf32, #tpu.memory_space<hbm>>) target(%arg13 : memref<128x128xf32, #tpu.memory_space<vmem>>) offsets(%dma_start3A_106 : memref<128xi32, #tpu.memory_space<vmem>>) semaphore(%arg17 : memref<!tpu.dma_semaphore, #tpu.memory_space<semaphore_mem>>)
        } else {
        }
      }
      %scan3A_44 = arith.constant 8 : i32
    }
    %scan3A_7 = arith.constant 5 : i32
    return
  }
}

module attributes {stable_mosaic.version = 14 : i64} {
  func.func @_dis_kern(%arg0: i32, %arg1: memref<640x128xf32, #tpu.memory_space<vmem>>, %arg2: memref<640x128xf32, #tpu.memory_space<vmem>>, %arg3: memref<640x1xf32, #tpu.memory_space<vmem>>) attributes {dimension_semantics = [#tpu.dimension_semantics<arbitrary>], iteration_bounds = array<i64: 16>, scalar_prefetch = 0 : i64, scratch_operands = 0 : i64, tpu.core_type = #tpu.core_type<tc>, window_params = [{transform_indices = @transform_0, window_bounds = array<i64: 640, 128>}, {transform_indices = @transform_1, window_bounds = array<i64: 640, 128>}, {transform_indices = @transform_2, window_bounds = array<i64: 640, 1>}]} {
    %get3A = arith.constant 0 : index
    %get3A_0 = arith.constant 0 : index
    %get3A_1 = vector.load %arg1[%get3A, %get3A_0] : memref<640x128xf32, #tpu.memory_space<vmem>>, vector<640x1xf32>
    %get3A_2 = arith.constant 0 : index
    %get3A_3 = arith.constant 0 : index
    %get3A_4 = vector.load %arg2[%get3A_2, %get3A_3] : memref<640x128xf32, #tpu.memory_space<vmem>>, vector<640x1xf32>
    %add3A = arith.addf %get3A_1, %get3A_4 : vector<640x1xf32>
    %add3A_5 = arith.constant 1.000000e+00 : f32
    %add3A_6 = vector.broadcast %add3A_5 : f32 to vector<640x1xf32>
    %add3A_7 = arith.addf %add3A, %add3A_6 : vector<640x1xf32>
    %rsqrt3A = math.rsqrt %add3A_7 : vector<640x1xf32>
    %swap3A = arith.constant 0 : index
    %swap3A_8 = arith.constant 0 : index
    %swap3A_9 = vector.load %arg3[%swap3A, %swap3A_8] : memref<640x1xf32, #tpu.memory_space<vmem>>, vector<640x1xf32>
    tpu.vector_store %arg3[%swap3A, %swap3A_8], %rsqrt3A {strides = array<i32>} : memref<640x1xf32, #tpu.memory_space<vmem>>, vector<640x1xf32>,
    return
  }
  func.func @transform_0(%arg0: i32) -> (i32, i32) {
    %c0_i32 = arith.constant 0 : i32
    %c0_i32_0 = arith.constant 0 : i32
    return %arg0, %c0_i32 : i32, i32
  }
  func.func @transform_1(%arg0: i32) -> (i32, i32) {
    %c0_i32 = arith.constant 0 : i32
    %c0_i32_0 = arith.constant 0 : i32
    return %arg0, %c0_i32 : i32, i32
  }
  func.func @transform_2(%arg0: i32) -> (i32, i32) {
    %c0_i32 = arith.constant 0 : i32
    %c0_i32_0 = arith.constant 0 : i32
    return %arg0, %c0_i32 : i32, i32
  }
}

module attributes {stable_mosaic.version = 14 : i64} {
  func.func @_pre_kern(%arg0: i32, %arg1: memref<640x128xf32, #tpu.memory_space<vmem>>, %arg2: memref<128x128xf32, #tpu.memory_space<vmem>>, %arg3: memref<640x1xf32, #tpu.memory_space<vmem>>, %arg4: memref<640x128xf32, #tpu.memory_space<vmem>>) attributes {dimension_semantics = [#tpu.dimension_semantics<arbitrary>], iteration_bounds = array<i64: 16>, scalar_prefetch = 0 : i64, scratch_operands = 0 : i64, tpu.core_type = #tpu.core_type<tc>, window_params = [{transform_indices = @transform_0, window_bounds = array<i64: 640, 128>}, {pipeline_mode = #tpu.pipeline_mode<synchronous>, transform_indices = @transform_1, window_bounds = array<i64: 128, 128>}, {transform_indices = @transform_2, window_bounds = array<i64: 640, 1>}, {transform_indices = @transform_3, window_bounds = array<i64: 640, 128>}]} {
    %get3A = arith.constant 0 : index
    %get3A_0 = arith.constant 0 : index
    %get3A_1 = vector.load %arg1[%get3A, %get3A_0] : memref<640x128xf32, #tpu.memory_space<vmem>>, vector<640x128xf32>
    %get3A_2 = arith.constant 0 : index
    %get3A_3 = arith.constant 0 : index
    %get3A_4 = vector.load %arg2[%get3A_2, %get3A_3] : memref<128x128xf32, #tpu.memory_space<vmem>>, vector<128x128xf32>
    %dot_general3A = arith.constant dense<0.000000e+00> : vector<640x128xf32>
    %dot_general3A_5 = tpu.matmul %get3A_1, %get3A_4, %dot_general3A {dimension_numbers = #tpu.dot_dimension_numbers<[1], [0], [0], [1], [0, 0, 1, 1], [], []>, transpose_lhs_hint = false} : vector<640x128xf32>, vector<128x128xf32>, vector<640x128xf32> -> vector<640x128xf32>
    %get3A_6 = arith.constant 0 : index
    %get3A_7 = arith.constant 0 : index
    %get3A_8 = vector.load %arg3[%get3A_6, %get3A_7] : memref<640x1xf32, #tpu.memory_space<vmem>>, vector<640x1xf32>
    %mul3A = vector.broadcast %get3A_8 : vector<640x1xf32> to vector<640x128xf32>
    %mul3A_9 = arith.mulf %dot_general3A_5, %mul3A : vector<640x128xf32>
    %swap3A = arith.constant 0 : index
    %swap3A_10 = arith.constant 0 : index
    %swap3A_11 = vector.load %arg4[%swap3A, %swap3A_10] : memref<640x128xf32, #tpu.memory_space<vmem>>, vector<640x128xf32>
    tpu.vector_store %arg4[%swap3A, %swap3A_10], %mul3A_9 {strides = array<i32>} : memref<640x128xf32, #tpu.memory_space<vmem>>, vector<640x128xf32>,
    return
  }
  func.func @transform_0(%arg0: i32) -> (i32, i32) {
    %c0_i32 = arith.constant 0 : i32
    %c0_i32_0 = arith.constant 0 : i32
    return %arg0, %c0_i32 : i32, i32
  }
  func.func @transform_1(%arg0: i32) -> (i32, i32) {
    %c0_i32 = arith.constant 0 : i32
    %c0_i32_0 = arith.constant 0 : i32
    %c0_i32_1 = arith.constant 0 : i32
    return %c0_i32, %c0_i32_0 : i32, i32
  }
  func.func @transform_2(%arg0: i32) -> (i32, i32) {
    %c0_i32 = arith.constant 0 : i32
    %c0_i32_0 = arith.constant 0 : i32
    return %arg0, %c0_i32 : i32, i32
  }
  func.func @transform_3(%arg0: i32) -> (i32, i32) {
    %c0_i32 = arith.constant 0 : i32
    %c0_i32_0 = arith.constant 0 : i32
    return %arg0, %c0_i32 : i32, i32
  }
}

module attributes {stable_mosaic.version = 14 : i64} {
  func.func @_mid_kern(%arg0: i32, %arg1: memref<640x128xf32, #tpu.memory_space<vmem>>, %arg2: memref<640x128xf32, #tpu.memory_space<vmem>>, %arg3: memref<640x128xf32, #tpu.memory_space<vmem>>, %arg4: memref<640x1xf32, #tpu.memory_space<vmem>>, %arg5: memref<1x128xf32, #tpu.memory_space<vmem>>, %arg6: memref<128x128xf32, #tpu.memory_space<vmem>>, %arg7: memref<640x128xf32, #tpu.memory_space<vmem>>) attributes {dimension_semantics = [#tpu.dimension_semantics<arbitrary>], iteration_bounds = array<i64: 16>, scalar_prefetch = 0 : i64, scratch_operands = 0 : i64, tpu.core_type = #tpu.core_type<tc>, window_params = [{transform_indices = @transform_0, window_bounds = array<i64: 640, 128>}, {transform_indices = @transform_1, window_bounds = array<i64: 640, 128>}, {transform_indices = @transform_2, window_bounds = array<i64: 640, 128>}, {transform_indices = @transform_3, window_bounds = array<i64: 640, 1>}, {pipeline_mode = #tpu.pipeline_mode<synchronous>, transform_indices = @transform_4, window_bounds = array<i64: 1, 128>}, {pipeline_mode = #tpu.pipeline_mode<synchronous>, transform_indices = @transform_5, window_bounds = array<i64: 128, 128>}, {transform_indices = @transform_6, window_bounds = array<i64: 640, 128>}]} {
    %get3A = arith.constant 0 : index
    %get3A_0 = arith.constant 0 : index
    %get3A_1 = vector.load %arg4[%get3A, %get3A_0] : memref<640x1xf32, #tpu.memory_space<vmem>>, vector<640x1xf32>
    %get3A_2 = arith.constant 0 : index
    %get3A_3 = arith.constant 0 : index
    %get3A_4 = vector.load %arg1[%get3A_2, %get3A_3] : memref<640x128xf32, #tpu.memory_space<vmem>>, vector<640x128xf32>
    %get3A_5 = arith.constant 0 : index
    %get3A_6 = arith.constant 0 : index
    %get3A_7 = vector.load %arg2[%get3A_5, %get3A_6] : memref<640x128xf32, #tpu.memory_space<vmem>>, vector<640x128xf32>
    %add3A = arith.addf %get3A_4, %get3A_7 : vector<640x128xf32>
    %get3A_8 = arith.constant 0 : index
    %get3A_9 = arith.constant 0 : index
    %get3A_10 = vector.load %arg3[%get3A_8, %get3A_9] : memref<640x128xf32, #tpu.memory_space<vmem>>, vector<640x128xf32>
    %add3A_11 = arith.addf %add3A, %get3A_10 : vector<640x128xf32>
    %mul3A = vector.broadcast %get3A_1 : vector<640x1xf32> to vector<640x128xf32>
    %mul3A_12 = arith.mulf %mul3A, %add3A_11 : vector<640x128xf32>
    %get3A_13 = arith.constant 0 : index
    %get3A_14 = arith.constant 0 : index
    %get3A_15 = vector.load %arg5[%get3A_13, %get3A_14] : memref<1x128xf32, #tpu.memory_space<vmem>>, vector<1x128xf32>
    %add3A_16 = vector.broadcast %get3A_15 : vector<1x128xf32> to vector<640x128xf32>
    %add3A_17 = arith.addf %mul3A_12, %add3A_16 : vector<640x128xf32>
    %max3A = arith.constant 0.000000e+00 : f32
    %max3A_18 = vector.broadcast %max3A : f32 to vector<640x128xf32>
    %max3A_19 = arith.maximumf %add3A_17, %max3A_18 : vector<640x128xf32>
    %get3A_20 = arith.constant 0 : index
    %get3A_21 = arith.constant 0 : index
    %get3A_22 = vector.load %arg6[%get3A_20, %get3A_21] : memref<128x128xf32, #tpu.memory_space<vmem>>, vector<128x128xf32>
    %dot_general3A = arith.constant dense<0.000000e+00> : vector<640x128xf32>
    %dot_general3A_23 = tpu.matmul %max3A_19, %get3A_22, %dot_general3A {dimension_numbers = #tpu.dot_dimension_numbers<[1], [0], [0], [1], [0, 0, 1, 1], [], []>, transpose_lhs_hint = false} : vector<640x128xf32>, vector<128x128xf32>, vector<640x128xf32> -> vector<640x128xf32>
    %mul3A_24 = vector.broadcast %get3A_1 : vector<640x1xf32> to vector<640x128xf32>
    %mul3A_25 = arith.mulf %dot_general3A_23, %mul3A_24 : vector<640x128xf32>
    %swap3A = arith.constant 0 : index
    %swap3A_26 = arith.constant 0 : index
    %swap3A_27 = vector.load %arg7[%swap3A, %swap3A_26] : memref<640x128xf32, #tpu.memory_space<vmem>>, vector<640x128xf32>
    tpu.vector_store %arg7[%swap3A, %swap3A_26], %mul3A_25 {strides = array<i32>} : memref<640x128xf32, #tpu.memory_space<vmem>>, vector<640x128xf32>,
    return
  }
  func.func @transform_0(%arg0: i32) -> (i32, i32) {
    %c0_i32 = arith.constant 0 : i32
    %c0_i32_0 = arith.constant 0 : i32
    return %arg0, %c0_i32 : i32, i32
  }
  func.func @transform_1(%arg0: i32) -> (i32, i32) {
    %c0_i32 = arith.constant 0 : i32
    %c0_i32_0 = arith.constant 0 : i32
    return %arg0, %c0_i32 : i32, i32
  }
  func.func @transform_2(%arg0: i32) -> (i32, i32) {
    %c0_i32 = arith.constant 0 : i32
    %c0_i32_0 = arith.constant 0 : i32
    return %arg0, %c0_i32 : i32, i32
  }
  func.func @transform_3(%arg0: i32) -> (i32, i32) {
    %c0_i32 = arith.constant 0 : i32
    %c0_i32_0 = arith.constant 0 : i32
    return %arg0, %c0_i32 : i32, i32
  }
  func.func @transform_4(%arg0: i32) -> (i32, i32) {
    %c0_i32 = arith.constant 0 : i32
    %c0_i32_0 = arith.constant 0 : i32
    %c0_i32_1 = arith.constant 0 : i32
    return %c0_i32, %c0_i32_0 : i32, i32
  }
  func.func @transform_5(%arg0: i32) -> (i32, i32) {
    %c0_i32 = arith.constant 0 : i32
    %c0_i32_0 = arith.constant 0 : i32
    %c0_i32_1 = arith.constant 0 : i32
    return %c0_i32, %c0_i32_0 : i32, i32
  }
  func.func @transform_6(%arg0: i32) -> (i32, i32) {
    %c0_i32 = arith.constant 0 : i32
    %c0_i32_0 = arith.constant 0 : i32
    return %arg0, %c0_i32 : i32, i32
  }
}

module attributes {stable_mosaic.version = 14 : i64} {
  func.func @_final_kern(%arg0: i32, %arg1: memref<640x128xf32, #tpu.memory_space<vmem>>, %arg2: memref<640x128xf32, #tpu.memory_space<vmem>>, %arg3: memref<640x128xf32, #tpu.memory_space<vmem>>, %arg4: memref<640x1xf32, #tpu.memory_space<vmem>>, %arg5: memref<1x128xf32, #tpu.memory_space<vmem>>, %arg6: memref<128x128xf32, #tpu.memory_space<vmem>>, %arg7: memref<128x128xf32, #tpu.memory_space<vmem>>, %arg8: memref<1x128xf32, #tpu.memory_space<vmem>>, %arg9: memref<640x128xf32, #tpu.memory_space<vmem>>, %arg10: memref<640x128xf32, #tpu.memory_space<vmem>>) attributes {dimension_semantics = [#tpu.dimension_semantics<arbitrary>], iteration_bounds = array<i64: 16>, scalar_prefetch = 0 : i64, scratch_operands = 0 : i64, tpu.core_type = #tpu.core_type<tc>, window_params = [{transform_indices = @transform_0, window_bounds = array<i64: 640, 128>}, {transform_indices = @transform_1, window_bounds = array<i64: 640, 128>}, {transform_indices = @transform_2, window_bounds = array<i64: 640, 128>}, {transform_indices = @transform_3, window_bounds = array<i64: 640, 1>}, {pipeline_mode = #tpu.pipeline_mode<synchronous>, transform_indices = @transform_4, window_bounds = array<i64: 1, 128>}, {pipeline_mode = #tpu.pipeline_mode<synchronous>, transform_indices = @transform_5, window_bounds = array<i64: 128, 128>}, {pipeline_mode = #tpu.pipeline_mode<synchronous>, transform_indices = @transform_6, window_bounds = array<i64: 128, 128>}, {pipeline_mode = #tpu.pipeline_mode<synchronous>, transform_indices = @transform_7, window_bounds = array<i64: 1, 128>}, {transform_indices = @transform_8, window_bounds = array<i64: 640, 128>}, {transform_indices = @transform_9, window_bounds = array<i64: 640, 128>}]} {
    %get3A = arith.constant 0 : index
    %get3A_0 = arith.constant 0 : index
    %get3A_1 = vector.load %arg4[%get3A, %get3A_0] : memref<640x1xf32, #tpu.memory_space<vmem>>, vector<640x1xf32>
    %get3A_2 = arith.constant 0 : index
    %get3A_3 = arith.constant 0 : index
    %get3A_4 = vector.load %arg1[%get3A_2, %get3A_3] : memref<640x128xf32, #tpu.memory_space<vmem>>, vector<640x128xf32>
    %get3A_5 = arith.constant 0 : index
    %get3A_6 = arith.constant 0 : index
    %get3A_7 = vector.load %arg2[%get3A_5, %get3A_6] : memref<640x128xf32, #tpu.memory_space<vmem>>, vector<640x128xf32>
    %add3A = arith.addf %get3A_4, %get3A_7 : vector<640x128xf32>
    %get3A_8 = arith.constant 0 : index
    %get3A_9 = arith.constant 0 : index
    %get3A_10 = vector.load %arg3[%get3A_8, %get3A_9] : memref<640x128xf32, #tpu.memory_space<vmem>>, vector<640x128xf32>
    %add3A_11 = arith.addf %add3A, %get3A_10 : vector<640x128xf32>
    %mul3A = vector.broadcast %get3A_1 : vector<640x1xf32> to vector<640x128xf32>
    %mul3A_12 = arith.mulf %mul3A, %add3A_11 : vector<640x128xf32>
    %get3A_13 = arith.constant 0 : index
    %get3A_14 = arith.constant 0 : index
    %get3A_15 = vector.load %arg5[%get3A_13, %get3A_14] : memref<1x128xf32, #tpu.memory_space<vmem>>, vector<1x128xf32>
    %add3A_16 = vector.broadcast %get3A_15 : vector<1x128xf32> to vector<640x128xf32>
    %add3A_17 = arith.addf %mul3A_12, %add3A_16 : vector<640x128xf32>
    %get3A_18 = arith.constant 0 : index
    %get3A_19 = arith.constant 0 : index
    %get3A_20 = vector.load %arg6[%get3A_18, %get3A_19] : memref<128x128xf32, #tpu.memory_space<vmem>>, vector<128x128xf32>
    %dot_general3A = arith.constant dense<0.000000e+00> : vector<640x128xf32>
    %dot_general3A_21 = tpu.matmul %add3A_17, %get3A_20, %dot_general3A {dimension_numbers = #tpu.dot_dimension_numbers<[1], [0], [0], [1], [0, 0, 1, 1], [], []>, transpose_lhs_hint = false} : vector<640x128xf32>, vector<128x128xf32>, vector<640x128xf32> -> vector<640x128xf32>
    %get3A_22 = arith.constant 0 : index
    %get3A_23 = arith.constant 0 : index
    %get3A_24 = vector.load %arg8[%get3A_22, %get3A_23] : memref<1x128xf32, #tpu.memory_space<vmem>>, vector<1x128xf32>
    %add3A_25 = vector.broadcast %get3A_24 : vector<1x128xf32> to vector<640x128xf32>
    %add3A_26 = arith.addf %dot_general3A_21, %add3A_25 : vector<640x128xf32>
    %swap3A = arith.constant 0 : index
    %swap3A_27 = arith.constant 0 : index
    %swap3A_28 = vector.load %arg9[%swap3A, %swap3A_27] : memref<640x128xf32, #tpu.memory_space<vmem>>, vector<640x128xf32>
    tpu.vector_store %arg9[%swap3A, %swap3A_27], %add3A_26 {strides = array<i32>} : memref<640x128xf32, #tpu.memory_space<vmem>>, vector<640x128xf32>,
    %get3A_29 = arith.constant 0 : index
    %get3A_30 = arith.constant 0 : index
    %get3A_31 = vector.load %arg7[%get3A_29, %get3A_30] : memref<128x128xf32, #tpu.memory_space<vmem>>, vector<128x128xf32>
    %dot_general3A_32 = arith.constant dense<0.000000e+00> : vector<640x128xf32>
    %dot_general3A_33 = tpu.matmul %add3A_17, %get3A_31, %dot_general3A_32 {dimension_numbers = #tpu.dot_dimension_numbers<[1], [0], [0], [1], [0, 0, 1, 1], [], []>, transpose_lhs_hint = false} : vector<640x128xf32>, vector<128x128xf32>, vector<640x128xf32> -> vector<640x128xf32>
    %swap3A_34 = arith.constant 0 : index
    %swap3A_35 = arith.constant 0 : index
    %swap3A_36 = vector.load %arg10[%swap3A_34, %swap3A_35] : memref<640x128xf32, #tpu.memory_space<vmem>>, vector<640x128xf32>
    tpu.vector_store %arg10[%swap3A_34, %swap3A_35], %dot_general3A_33 {strides = array<i32>} : memref<640x128xf32, #tpu.memory_space<vmem>>, vector<640x128xf32>,
    return
  }
  func.func @transform_0(%arg0: i32) -> (i32, i32) {
    %c0_i32 = arith.constant 0 : i32
    %c0_i32_0 = arith.constant 0 : i32
    return %arg0, %c0_i32 : i32, i32
  }
  func.func @transform_1(%arg0: i32) -> (i32, i32) {
    %c0_i32 = arith.constant 0 : i32
    %c0_i32_0 = arith.constant 0 : i32
    return %arg0, %c0_i32 : i32, i32
  }
  func.func @transform_2(%arg0: i32) -> (i32, i32) {
    %c0_i32 = arith.constant 0 : i32
    %c0_i32_0 = arith.constant 0 : i32
    return %arg0, %c0_i32 : i32, i32
  }
  func.func @transform_3(%arg0: i32) -> (i32, i32) {
    %c0_i32 = arith.constant 0 : i32
    %c0_i32_0 = arith.constant 0 : i32
    return %arg0, %c0_i32 : i32, i32
  }
  func.func @transform_4(%arg0: i32) -> (i32, i32) {
    %c0_i32 = arith.constant 0 : i32
    %c0_i32_0 = arith.constant 0 : i32
    %c0_i32_1 = arith.constant 0 : i32
    return %c0_i32, %c0_i32_0 : i32, i32
  }
  func.func @transform_5(%arg0: i32) -> (i32, i32) {
    %c0_i32 = arith.constant 0 : i32
    %c0_i32_0 = arith.constant 0 : i32
    %c0_i32_1 = arith.constant 0 : i32
    return %c0_i32, %c0_i32_0 : i32, i32
  }
  func.func @transform_6(%arg0: i32) -> (i32, i32) {
    %c0_i32 = arith.constant 0 : i32
    %c0_i32_0 = arith.constant 0 : i32
    %c0_i32_1 = arith.constant 0 : i32
    return %c0_i32, %c0_i32_0 : i32, i32
  }
  func.func @transform_7(%arg0: i32) -> (i32, i32) {
    %c0_i32 = arith.constant 0 : i32
    %c0_i32_0 = arith.constant 0 : i32
    %c0_i32_1 = arith.constant 0 : i32
    return %c0_i32, %c0_i32_0 : i32, i32
  }
  func.func @transform_8(%arg0: i32) -> (i32, i32) {
    %c0_i32 = arith.constant 0 : i32
    %c0_i32_0 = arith.constant 0 : i32
    return %arg0, %c0_i32 : i32, i32
  }
  func.func @transform_9(%arg0: i32) -> (i32, i32) {
    %c0_i32 = arith.constant 0 : i32
    %c0_i32_0 = arith.constant 0 : i32
    return %arg0, %c0_i32 : i32, i32
  }
}

module attributes {stable_mosaic.version = 14 : i64} {
  func.func @_edge_kern(%arg0: i32, %arg1: memref<1000x128xf32, #tpu.memory_space<vmem>>, %arg2: memref<1000x128xf32, #tpu.memory_space<vmem>>, %arg3: memref<128x128xf32, #tpu.memory_space<vmem>>, %arg4: memref<1x128xf32, #tpu.memory_space<vmem>>, %arg5: memref<1000x128xf32, #tpu.memory_space<vmem>>) attributes {dimension_semantics = [#tpu.dimension_semantics<arbitrary>], iteration_bounds = array<i64: 320>, scalar_prefetch = 0 : i64, scratch_operands = 0 : i64, tpu.core_type = #tpu.core_type<tc>, window_params = [{transform_indices = @transform_0, window_bounds = array<i64: 1000, 128>}, {transform_indices = @transform_1, window_bounds = array<i64: 1000, 128>}, {pipeline_mode = #tpu.pipeline_mode<synchronous>, transform_indices = @transform_2, window_bounds = array<i64: 128, 128>}, {pipeline_mode = #tpu.pipeline_mode<synchronous>, transform_indices = @transform_3, window_bounds = array<i64: 1, 128>}, {transform_indices = @transform_4, window_bounds = array<i64: 1000, 128>}]} {
    %get3A = arith.constant 0 : index
    %get3A_0 = arith.constant 0 : index
    %get3A_1 = vector.load %arg1[%get3A, %get3A_0] : memref<1000x128xf32, #tpu.memory_space<vmem>>, vector<1000x128xf32>
    %get3A_2 = arith.constant 0 : index
    %get3A_3 = arith.constant 0 : index
    %get3A_4 = vector.load %arg2[%get3A_2, %get3A_3] : memref<1000x128xf32, #tpu.memory_space<vmem>>, vector<1000x128xf32>
    %add3A = arith.addf %get3A_1, %get3A_4 : vector<1000x128xf32>
    %max3A = arith.constant 0.000000e+00 : f32
    %max3A_5 = vector.broadcast %max3A : f32 to vector<1000x128xf32>
    %max3A_6 = arith.maximumf %add3A, %max3A_5 : vector<1000x128xf32>
    %get3A_7 = arith.constant 0 : index
    %get3A_8 = arith.constant 0 : index
    %get3A_9 = vector.load %arg3[%get3A_7, %get3A_8] : memref<128x128xf32, #tpu.memory_space<vmem>>, vector<128x128xf32>
    %dot_general3A = arith.constant dense<0.000000e+00> : vector<1000x128xf32>
    %dot_general3A_10 = tpu.matmul %max3A_6, %get3A_9, %dot_general3A {dimension_numbers = #tpu.dot_dimension_numbers<[1], [0], [0], [1], [0, 0, 1, 1], [], []>, transpose_lhs_hint = false} : vector<1000x128xf32>, vector<128x128xf32>, vector<1000x128xf32> -> vector<1000x128xf32>
    %get3A_11 = arith.constant 0 : index
    %get3A_12 = arith.constant 0 : index
    %get3A_13 = vector.load %arg4[%get3A_11, %get3A_12] : memref<1x128xf32, #tpu.memory_space<vmem>>, vector<1x128xf32>
    %add3A_14 = vector.broadcast %get3A_13 : vector<1x128xf32> to vector<1000x128xf32>
    %add3A_15 = arith.addf %dot_general3A_10, %add3A_14 : vector<1000x128xf32>
    %swap3A = arith.constant 0 : index
    %swap3A_16 = arith.constant 0 : index
    %swap3A_17 = vector.load %arg5[%swap3A, %swap3A_16] : memref<1000x128xf32, #tpu.memory_space<vmem>>, vector<1000x128xf32>
    tpu.vector_store %arg5[%swap3A, %swap3A_16], %add3A_15 {strides = array<i32>} : memref<1000x128xf32, #tpu.memory_space<vmem>>, vector<1000x128xf32>,
    return
  }
  func.func @transform_0(%arg0: i32) -> (i32, i32) {
    %c0_i32 = arith.constant 0 : i32
    %c0_i32_0 = arith.constant 0 : i32
    return %arg0, %c0_i32 : i32, i32
  }
  func.func @transform_1(%arg0: i32) -> (i32, i32) {
    %c0_i32 = arith.constant 0 : i32
    %c0_i32_0 = arith.constant 0 : i32
    return %arg0, %c0_i32 : i32, i32
  }
  func.func @transform_2(%arg0: i32) -> (i32, i32) {
    %c0_i32 = arith.constant 0 : i32
    %c0_i32_0 = arith.constant 0 : i32
    %c0_i32_1 = arith.constant 0 : i32
    return %c0_i32, %c0_i32_0 : i32, i32
  }
  func.func @transform_3(%arg0: i32) -> (i32, i32) {
    %c0_i32 = arith.constant 0 : i32
    %c0_i32_0 = arith.constant 0 : i32
    %c0_i32_1 = arith.constant 0 : i32
    return %c0_i32, %c0_i32_0 : i32, i32
  }
  func.func @transform_4(%arg0: i32) -> (i32, i32) {
    %c0_i32 = arith.constant 0 : i32
    %c0_i32_0 = arith.constant 0 : i32
    return %arg0, %c0_i32 : i32, i32
  }
}

</mosaic_0001>

<sc_bundles>
// kernel: kernel.13.cloned.1.call-start
scs
__scs_entry_jumppad:
0x0: {  	(pc) =	sbr.rel $0x88, $3  }
0x1: {  	(tag) =	ssettag $0x0;
	lr =	simm.s32 $0x1  }
0x2: {  	[smem:$0x3F95] =	sst lr;
	_ =	strace $0xD0000000  }
0x3: {  	_ = 	snop  }
0x4: {  	_ = 	snop  }
0x5: {  	_ = 	snop  }
0x6: {  	_ = 	snop  }
0x7: {  	_ = 	snop  }
__scs_overlays_trampoline_lowered:
0x8: {  	[smem:$0x3FA4] =	sst s0  }
0x9: {  	[smem:$0x3FA5] =	sst s1  }
0xa: {  	[smem:$0x3FA6] =	sst s2  }
0xb: {  	[smem:$0x3FA7] =	sst s3  }
0xc: {  	[smem:$0x3FA8] =	sst s4  }
0xd: {  	[smem:$0x3FA9] =	sst s5  }
0xe: {  	[smem:$0x3FAA] =	sst s6  }
0xf: {  	[smem:$0x3FAB] =	sst s7  }
0x10: {  	[smem:$0x3FAC] =	sst s8  }
0x11: {  	[smem:$0x3FAD] =	sst s9;
	s0 =	simm.s32 @!p0 $0x0  }
0x12: {  	s1 =	sld [smem:$0x3F93];
	s0 =	simm.s32 @p0 $0x1  }
0x13: {  	[smem:$0x3FAE] =	sst s0;
	s0 =	simm.s32 @!p1 $0x0  }
0x14: {  	s2 =	sld [smem:$0x3F92];
	s0 =	simm.s32 @p1 $0x1  }
0x15: {  	[smem:$0x3FAF] =	sst s0;
	s0 =	simm.s32 @!p2 $0x0  }
0x16: {  	s3 =	sld [smem:$0x3FDB];
	s0 =	simm.s32 @p2 $0x1  }
0x17: {  	s4 =	simm.s32 $0x1BF5;
	[smem:$0x3FB1] =	sst s0  }
0x18: {  	s0 =	sld [smem:$0x3F94];
	_ =	swait.ge [sflag:s4], $0x0  }
0x19: {  	s7 =	sld [smem:$0x3F95]  }
0x1a: {  	s8 =	sadd.s32 $0xFFFFE003, lr  }
0x1b: {  	s9 =	sadd.s32 $0xFFFFFEF7, lr;
	s5 =	simm.s32 $0xFFFFFFFF;
	p2 =	slt.u32 s8, $0xFFFFF086  }
0x1c: {  	p1 =	slt.u32 s9, $0xF7A;
	s5 =	simm.s32 @!p2 $0x0  }
0x1d: {  	s5 =	simm.s32 @p1 $0x1;
	p0 =	seq.s32 s7, s2  }
0x1e: {  	s7 =	smul.u32 @!p0 $0xF7A, s2;
	p2 =	seq.s32 @!p0 s5, $0x0  }
0x1f: {  	s9 =	smul.u32 $0xF7A, s1;
	s8 =	simm.s32 @!p0 $0x1BF5;
	p2 =	por !p2, p0  }
0x20: {  	[sflag:s8] =	ssyncset.s32 @!p0 $0xFFFFF086;
	s6 =	sadd.s32 @!p0 s3, s7;
	s7 =	simm.s32 @!p0 $0x108  }
0x21: {  	s3 =	sadd.s32 s3, s9;
	s6 =	sadd.s32 @!p0 $0x88, s6;
	s7 =	simm.s32 @p2 $0x1082  }
0x22: {  	[simem:s7], [sflag:s8] =	dma.local @!p0 [hbm:s6], $0xF7A  }
0x23: {  	s9 =	sor.u32 $0xD0000000, s2;
	s6 =	simm.s32 $0x108;
	_ =	swait.ge @!p0 [sflag:s8], $0x0  }
0x24: {  	s3 =	sadd.s32 $0x88, s3;
	s6 =	simm.s32 @!p1 $0x1082;
	[sflag:s4] =	ssyncset.s32 $0xFFFFF086  }
0x25: {  	[simem:s6], [sflag:s4] =	dma.local [hbm:s3], $0xF7A  }
0x26: {  	[smem:$0x3F95] =	sst s1;
	(tag) =	ssettag s2;
	_ =	strace s9  }
0x27: {  	s1 =	sld [smem:$0x3FA5]  }
0x28: {  	s2 =	sld [smem:$0x3FA6]  }
0x29: {  	s4 =	sld [smem:$0x3FA8]  }
0x2a: {  	p0 =	seq.s32 s5, $0x0;
	s5 =	sld [smem:$0x3FA9]  }
0x2b: {  	s6 =	sld [smem:$0x3FAA]  }
0x2c: {  	s7 =	sld [smem:$0x3FAB]  }
0x2d: {  	s3 =	simm.s32 $0x108;
	s8 =	sld [smem:$0x3FAC]  }
0x2e: {  	s3 =	simm.s32 @!p0 $0x1082;
	s9 =	sld [smem:$0x3FAD]  }
0x2f: {  	lr =	sadd.s32 s0, s3;
	s0 =	sld [smem:$0x3FA4]  }
0x30: {  	s3 =	sld [smem:$0x3FA7]  }
0x31: {  	[smem:$0x3FB0] =	sst s10  }
0x32: {  	s10 =	sld [smem:$0x3FAE];
	_ =	sdelay $0x3  }
0x33: {  	p0 =	seq.s32 s10, $0x1;
	s10 =	sld [smem:$0x3FB0];
	_ =	sdelay $0x3  }
0x34: {  	[smem:$0x3FB0] =	sst s10  }
0x35: {  	s10 =	sld [smem:$0x3FAF];
	_ =	sdelay $0x3  }
0x36: {  	p1 =	seq.s32 s10, $0x1;
	s10 =	sld [smem:$0x3FB0];
	_ =	sdelay $0x3  }
0x37: {  	[smem:$0x3FB0] =	sst s10  }
0x38: {  	s10 =	sld [smem:$0x3FB1]  }
0x39: {  	_ = 	snop;
	(pc) =	sbr.ind lr, $3  }
0x3a: {  	_ = 	snop  }
0x3b: {  	_ = 	snop  }
0x3c: {  	p2 =	seq.s32 s10, $0x1;
	s10 =	sld [smem:$0x3FB0]  }
0x3d: {  	_ =	shalt  }
0x3e: {  	_ =	shalt  }
0x3f: {  	_ =	shalt  }
0x40: {  	_ =	shalt  }
0x41: {  	_ =	shalt  }
0x42: {  	_ =	shalt  }
0x43: {  	_ =	shalt  }
0x44: {  	_ =	shalt  }
0x45: {  	_ =	shalt  }
0x46: {  	_ =	shalt  }
0x47: {  	_ =	shalt  }
0x48: {  	_ =	shalt  }
0x49: {  	_ =	shalt  }
0x4a: {  	_ =	shalt  }
0x4b: {  	_ =	shalt  }
0x4c: {  	_ =	shalt  }
0x4d: {  	_ =	shalt  }
0x4e: {  	_ =	shalt  }
0x4f: {  	_ =	shalt  }
0x50: {  	_ =	shalt  }
0x51: {  	_ =	shalt  }
0x52: {  	_ =	shalt  }
0x53: {  	_ =	shalt  }
0x54: {  	_ =	shalt  }
0x55: {  	_ =	shalt  }
0x56: {  	_ =	shalt  }
0x57: {  	_ =	shalt  }
0x58: {  	_ =	shalt  }
0x59: {  	_ =	shalt  }
0x5a: {  	_ =	shalt  }
0x5b: {  	_ =	shalt  }
0x5c: {  	_ =	shalt  }
0x5d: {  	_ =	shalt  }
0x5e: {  	_ =	shalt  }
0x5f: {  	_ =	shalt  }
0x60: {  	_ =	shalt  }
0x61: {  	_ =	shalt  }
0x62: {  	_ =	shalt  }
0x63: {  	_ =	shalt  }
0x64: {  	_ =	shalt  }
0x65: {  	_ =	shalt  }
0x66: {  	_ =	shalt  }
0x67: {  	_ =	shalt  }
0x68: {  	_ =	shalt  }
0x69: {  	_ =	shalt  }
0x6a: {  	_ =	shalt  }
0x6b: {  	_ =	shalt  }
0x6c: {  	_ =	shalt  }
0x6d: {  	_ =	shalt  }
0x6e: {  	_ =	shalt  }
0x6f: {  	_ =	shalt  }
0x70: {  	_ =	shalt  }
0x71: {  	_ =	shalt  }
0x72: {  	_ =	shalt  }
0x73: {  	_ =	shalt  }
0x74: {  	_ =	shalt  }
0x75: {  	_ =	shalt  }
0x76: {  	_ =	shalt  }
0x77: {  	_ =	shalt  }
0x78: {  	_ =	shalt  }
0x79: {  	_ =	shalt  }
0x7a: {  	_ =	shalt  }
0x7b: {  	_ =	shalt  }
0x7c: {  	_ =	shalt  }
0x7d: {  	_ =	shalt  }
0x7e: {  	_ =	shalt  }
0x7f: {  	_ =	shalt  }
0x80: {  	_ =	shalt  }
0x81: {  	_ =	shalt  }
0x82: {  	_ =	shalt  }
0x83: {  	_ =	shalt  }
0x84: {  	_ =	shalt  }
0x85: {  	_ =	shalt  }
0x86: {  	_ =	shalt  }
0x87: {  	_ =	shalt  }
.Lfunc_end0:
.L_simem_size_0:
called_computation_lowered:
.L_overlay_start_0:
0x88: {  	s2 =	sld [smem:$0x3FD9]  }
0x89: {  	s3 =	sld [smem:$0x3FFE];
	_ =	sdelay $0x1  }
0x8a: {  	s1 =	srdreg.scid  }
0x8b: {  	s0 =	sand.u32 $0x1, s1  }
0x8c: {  	s17 =	sshll.u32 s0, $0xA;
	s2 =	sadd.s32 s3, s2  }
0x8d: {  	s2 =	sadd.s32 s2, s17  }
0x8e: {  	[smem:$0x3FBC] =	sst s2  }
0x8f: {  	_ = 	snop  }
0x90: {  	s2 =	sld [smem:$0x3FD0];
	(tm) =	ssettm $0x1  }
0x91: {  	s18 =	sld [smem:$0x3FFB];
	_ =	sdelay $0x3  }
0x92: {  	_ =	strace s18  }
0x93: {  	s3 =	sld [smem:$0x3FFC];
	_ =	sdelay $0x3  }
0x94: {  	_ =	strace s3  }
0x95: {  	s3 =	sld [smem:$0x3FFD];
	_ =	sdelay $0x3  }
0x96: {  	_ =	strace s3  }
0x97: {  	_ =	strace $0x8FFFFFFF  }
0x98: {  	s19 =	sld [smem:$0x3FDB];
	_ =	sdelay $0x1  }
0x99: {  	s4 =	simm.s32 $_scs_section_size  }
0x9a: {  	s5 =	simm.s32 $_size__tile_overlayer_lowered;
	s6 =	simm.s32 $_tile_overlayer_lowered  }
0x9b: {  	s22 =	simm.s32 $0x1BFF;
	s21 =	sshll.u32 s6, $0x1;
	s3 =	sadd.s32 s4, s19  }
0x9c: {  	s7 =	simm.s32 $0x0;
	s20 =	sshll.u32 s5, $0x1;
	s5 =	sadd.s32 s21, s3  }
0x9d: {  	[timem:s7], [sflag:s22] =	dma.local [hbm:s5], s20  }
0x9e: {  	_ =	swait.ge [sflag:s22], s20  }
0x9f: {  	s4 =	ssub.s32 $0x0, s20;
	[sflag:s22] =	ssyncset.done $0x0  }
0xa0: {  	[sflag:s22] =	ssyncadd.s32 s4;
	_ =	sdelay $0x1  }
0xa1: {  	s23 =	simm.s32 $0x1B8B  }
0xa2: {  	_ =	swait.ge [sflag:s23], $0x1  }
0xa3: {  	[sflag:s23] =	ssyncset.done $0x0  }
0xa4: {  	s25 =	simm.s32 $0x1B8E;
	s24 =	sld [smem:$0x3FFE];
	[sflag:s23] =	ssyncadd.s32 $0xFFFFFFFF  }
0xa5: {  	s26 =	simm.s32 $execute0_lowered;
	[smem:$0x3FD2] =	sst s25  }
0xa6: {  	s5 =	sshll.u32 s26, $0x1;
	_ =	strace $0x80000046;
	[dreg:$0x1] =	wrdreg $0xFFFFFFFF  }
0xa7: {  	s28 =	simm.s32 $_size_execute0_lowered;
	s3 =	sadd.s32 s3, s5;
	[dreg:$0x0] =	wrdreg $0x0  }
0xa8: {  	s5 =	sshll.u32 s28, $0x1;
	[dreg:$0x2] =	wrdreg s3  }
0xa9: {  	[dreg:$0x3] =	wrdreg s5  }
0xaa: {  	[dreg:$0x4] =	wrdreg $0xC0  }
0xab: {  	_ =	task [dreg:s7], $0x5FFFF  }
0xac: {  	[dreg:$0x1] =	wrdreg $0xFFFFFFFF  }
0xad: {  	[dreg:$0x0] =	wrdreg $0x60  }
0xae: {  	[dreg:$0x2] =	wrdreg s24  }
0xaf: {  	[dreg:$0x3] =	wrdreg s2  }
0xb0: {  	[dreg:$0x4] =	wrdreg $0x40800  }
0xb1: {  	[dreg:$0x5] =	wrdreg $0x9  }
0xb2: {  	_ =	task.clear_ibuf [dreg:s7], $0x6FFFF;
	_ =	strace $0x90000046  }
0xb3: {  	s29 =	simm.s32 $0x9;
	_ =	strace $0x80000048  }
0xb4: {  	_ =	swait.ge [sflag:s29], $0x1  }
0xb5: {  	[sflag:s29] =	ssyncadd.s32 $0xFFFFFFFF  }
0xb6: {  	_ =	strace $0x90000048  }
0xb7: {  	_ =	sfence  }
0xb8: {  	s30 =	sld [smem:$0x0];
	_ =	sdelay $0x2  }
0xb9: {  	s31 =	sshll.u32 s1, $0xD;
	s1 =	sshrl.u32 s1, $0x2  }
0xba: {  	s3 =	sand.u32 $0x4000, s31;
	s1 =	sadd.s32 s1, s30  }
0xbb: {  	s0 =	sor.u32 s3, s0;
	s1 =	sshll.u32 s1, $0x11  }
0xbc: {  	s0 =	sor.u32 s1, s0  }
0xbd: {  	s0 =	sadd.s32 $0x8F2B, s0  }
0xbe: {  	[sflag:s0] =	ssyncadd.remote.s32 $0x1  }
0xbf: {  	_ =	sfence.sel $0xFFFF  }
0xc0: {  	[dreg:$0x0] =	wrdreg $0xFFFFFFFF;
	(pc) =	sbr.abs _section_cstart, $3  }
0xc1: {  	[dreg:$0x1] =	wrdreg $0xFFFFFFFF  }
0xc2: {  	_ =	task.clear_ibuf [dreg:s7], $0x2FFFF;
	_ =	strace $0x9FFFFFFF  }
0xc3: {  	(tm) =	ssettm $0x7FFFFFFF  }
tec
execute0_lowered:
.L_overlay_start_1:
0x0: {  	(tag) =	ssettag $0x1  }
0x1: {  	s7 =	rddreg [dreg:$0x0]  }
0x2: {  	s9 =	rddreg [dreg:$0x1]  }
0x3: {  	s1 =	rddreg [dreg:$0x2]  }
0x4: {  	s0 =	rddreg [dreg:$0x3]  }
0x5: {  	s2 =	simm.s32 $0x0;
	s6 =	srdreg.scid;
	s3 =	stileid.u32  }
0x6: {  	[smem:$0x7FF] =	sst s2;
	s4 =	sadd.s32 $0x10200, s7;
	s10 =	smul.u32 $0x50000, s3  }
0x7: {  	s5 =	sadd.s32 $0x1A200, s7;
	s8 =	sand.u32 $0x1, s6;
	s13 =	smul.u32 $0x2800, s3  }
0x8: {  	s6 =	sadd.s32 $0x1AA00, s7;
	s11 =	sadd.s32 $0x1D200, s7;
	s30 =	smul.u32 $0xA00, s3  }
0x9: {  	s31 =	sshll.u32 s3, $0x6;
	_ =	strace $0x80000047;
	s29 =	ssub.s32 $0x2, s8  }
0xa: {  	p0 =	seq.s32 s8, $0x1;
	s15 =	smul.u32 $0x500, s8;
	s7 =	sor.u32 $0x1C01, s31  }
0xb: {  	s12 =	sshrl.u32 s29, $0x1;
	s10 =	sshrl.u32 s10, $0x2;
	s9 =	smov.u32 @p0 s11  }
0xc: {  	s12 =	ssub.s32 s29, s12;
	s14 =	sadd.s32 s10, s1;
	s9 =	sadd.s32 s9, s13  }
0xd: {  	s10 =	sadd.s32 s15, s30;
	s13 =	simm.s32 $0x80;
	s8 =	smax.u32 s12, $0x1  }
0xe: {  	s11 =	sshrl.u32 s14, $0x3;
	s12 =	simm.s32 $0x1;
	s14 =	simm.s32 $0x0  }
.LBB2_1:
0xf: {  	[spmem:s11], [sflag:s7] =	dma.local [hbm:s6], $0x2800  }
0x10: {  	_ =	swait.ge [sflag:s12], $0x2800  }
0x11: {  	[sflag:s12] =	ssyncset.done $0x0  }
0x12: {  	[sflag:s12] =	ssyncadd.s32 $0xFFFFD800  }
0x13: {  	[tilespmem:s13], [sflag:$0x1] =	stream.linear.gather [hbm4b:s5+s2], $0x4000, $0x38;
	[tilespmem:$0x18080] =	vst v63  }
0x14: {  	_ =	swait.ge [sflag:s12], $0x4000  }
0x15: {  	s15 =	sadd.s32 $0x0, s10;
	s16 =	sand.u32 $0x70, s2;
	[sflag:s12] =	ssyncset.done $0x0  }
0x16: {  	s15 =	sand.u32 $0xFFFFF80, s15;
	s16 =	sadd.s32 s4, s16;
	[sflag:s12] =	ssyncadd.s32 $0xFFFFC000  }
0x17: {  	s15 =	sadd.s32 s15, s16;
	[bflag:$0x0] =	sbarrier.arrive $0xFFFF  }
0x18: {  	[tilespmem:s2], [sflag:$0x1] =	stream.linear.gather [hbm4b:s15+s2], $0x80, $0x38;
	[tilespmem:$0x18080] =	vst v63  }
0x19: {  	_ =	swait.ge [sflag:s12], $0x80  }
0x1a: {  	[sflag:s12] =	ssyncset.done $0x0  }
0x1b: {  	s31 =	simm.s32 $0x10;
	s17 =	sadd.s32 $0x10, s10;
	[sflag:s12] =	ssyncadd.s32 $0xFFFFFF80  }
0x1c: {  	[spmem:s1] =	stream.indirect.scatter.add.f32 [tilespmem:s13], [sflag:$0x1], $0x80, s2, s13, $0xb8;
	[tilespmem:$0x18080] =	vst v63  }
0x1d: {  	s18 =	sand.u32 $0x70, s31;
	s16 =	sand.u32 $0xFFFFF80, s17;
	_ =	swait.ge [sflag:s12], $0x4000  }
0x1e: {  	s17 =	sadd.s32 s4, s18;
	s15 =	simm.s32 $0x20;
	[sflag:s12] =	ssyncset.done $0x0  }
.LBB2_2:
0x1f: {  	s16 =	sadd.s32 s16, s17  }
0x20: {  	[sflag:s12] =	ssyncadd.s32 $0xFFFFC000;
	s17 =	smov.u32 s15;
	s18 =	sadd.s32 $0x10, s15  }
0x21: {  	[tilespmem:s2], [sflag:$0x1] =	stream.linear.gather [hbm4b:s16+s2], $0x80, $0x38;
	[tilespmem:$0x18080] =	vst v63  }
0x22: {  	p0 =	sne.s32 s15, $0x4F0;
	_ =	swait.ge [sflag:s12], $0x80  }
.Ltmp0:
0x23: {  	[sflag:s12] =	ssyncset.done $0x0;
	(pc) =	sbr.rel @p0 .LBB2_2-.Ltmp0, $4  }
0x24: {  	s15 =	sadd.s32 s17, s10;
	[sflag:s12] =	ssyncadd.s32 $0xFFFFFF80  }
0x25: {  	[spmem:s1] =	stream.indirect.scatter.add.f32 [tilespmem:s13], [sflag:$0x1], $0x80, s2, s13, $0xb8;
	[tilespmem:$0x18080] =	vst v63  }
0x26: {  	s17 =	sand.u32 $0x70, s17;
	s16 =	sand.u32 $0xFFFFF80, s15;
	_ =	swait.ge [sflag:s12], $0x4000  }
0x27: {  	s17 =	sadd.s32 s4, s17;
	s15 =	smov.u32 s18;
	[sflag:s12] =	ssyncset.done $0x0  }
0x28: {  	s15 =	sadd.s32 s16, s17;
	[sflag:s12] =	ssyncadd.s32 $0xFFFFC000  }
0x29: {  	[tilespmem:s2], [sflag:$0x1] =	stream.linear.gather [hbm4b:s15+s2], $0x80, $0x38;
	[tilespmem:$0x18080] =	vst v63  }
0x2a: {  	_ =	swait.ge [sflag:s12], $0x80  }
0x2b: {  	[sflag:s12] =	ssyncset.done $0x0  }
0x2c: {  	[sflag:s12] =	ssyncadd.s32 $0xFFFFFF80  }
0x2d: {  	[spmem:s1] =	stream.indirect.scatter.add.f32 [tilespmem:s13], [sflag:$0x1], $0x80, s2, s13, $0xb8;
	[tilespmem:$0x18080] =	vst v63  }
0x2e: {  	_ =	swait.ge [sflag:s12], $0x4000  }
0x2f: {  	s14 =	sadd.s32 $0x1, s14;
	[sflag:s12] =	ssyncset.done $0x0  }
0x30: {  	p0 =	sne.s32 s14, s8;
	[sflag:s12] =	ssyncadd.s32 $0xFFFFC000  }
.Ltmp1:
0x31: {  	[bflag:$0x0] =	sbarrier.arrive $0xFFFF;
	(pc) =	sbr.rel @p0 .LBB2_1-.Ltmp1, $4  }
0x32: {  	[hbm:s9], [sflag:s7] =	dma.local [spmem:s11], $0x2800  }
0x33: {  	_ =	swait.ge [sflag:s12], $0x2800  }
0x34: {  	[sflag:s12] =	ssyncset.done $0x0  }
0x35: {  	[sflag:s12] =	ssyncadd.s32 $0xFFFFD800  }
0x36: {  	_ =	sfence.sel $0x180000  }
0x37: {  	[bflag:$0x0] =	sbarrier.arrive $0xFFFF  }
0x38: {  	p0 =	sne.s32 s3, $0x0;
	_ =	strace $0x90000047  }
0x39: {  	s0 =	sadd.s32 @!p0 $0x100000, s0;
	[bflag:$0x2] =	sbarrier.arrive $0xFFFF  }
0x3a: {  	[sflag:s0] =	ssyncadd.tile.s32 @!p0 $0x1;
	_ =	shalt  }
.Lfunc_end2:
_tile_overlayer_lowered:
.L_overlay_start_2:
0x3b: {  	(tag) =	ssettag $0x2  }
0x3c: {  	s0 =	rddreg [dreg:$0x0];
	s2 =	stileid.u32  }
0x3d: {  	s1 =	rddreg [dreg:$0x1];
	p0 =	sne.s32 s2, $0x0  }
0x3e: {  	s3 =	rddreg [dreg:$0x2];
	[bflag:$0x3] =	sbarrier.arrive $0xFFFF;
	s2 =	simm.s32 @!p0 $0x1C01  }
0x3f: {  	[timem:s3], [sflag:s2] =	dma.local @!p0 [hbm:s0], s1  }
0x40: {  	s0 =	simm.s32 @!p0 $0x1  }
0x41: {  	_ =	swait.ge @!p0 [sflag:s0], s1  }
0x42: {  	s1 =	ssub.s32 @!p0 $0x0, s1;
	[sflag:s0] =	ssyncset.done @!p0 $0x0  }
0x43: {  	[sflag:s0] =	ssyncadd.s32 @!p0 s1  }
0x44: {  	[bflag:$0x3] =	sbarrier.arrive $0xFFFF  }
0x45: {  	_ =	shalt  }

// kernel: kernel.16.cloned.1.call-start
scs
__scs_entry_jumppad:
0x0: {  	(pc) =	sbr.rel $0x88, $3  }
0x1: {  	(tag) =	ssettag $0x0;
	lr =	simm.s32 $0x1  }
0x2: {  	[smem:$0x3F95] =	sst lr;
	_ =	strace $0xD0000000  }
0x3: {  	_ = 	snop  }
0x4: {  	_ = 	snop  }
0x5: {  	_ = 	snop  }
0x6: {  	_ = 	snop  }
0x7: {  	_ = 	snop  }
__scs_overlays_trampoline_lowered:
0x8: {  	[smem:$0x3FA4] =	sst s0  }
0x9: {  	[smem:$0x3FA5] =	sst s1  }
0xa: {  	[smem:$0x3FA6] =	sst s2  }
0xb: {  	[smem:$0x3FA7] =	sst s3  }
0xc: {  	[smem:$0x3FA8] =	sst s4  }
0xd: {  	[smem:$0x3FA9] =	sst s5  }
0xe: {  	[smem:$0x3FAA] =	sst s6  }
0xf: {  	[smem:$0x3FAB] =	sst s7  }
0x10: {  	[smem:$0x3FAC] =	sst s8  }
0x11: {  	[smem:$0x3FAD] =	sst s9;
	s0 =	simm.s32 @!p0 $0x0  }
0x12: {  	s1 =	sld [smem:$0x3F93];
	s0 =	simm.s32 @p0 $0x1  }
0x13: {  	[smem:$0x3FAE] =	sst s0;
	s0 =	simm.s32 @!p1 $0x0  }
0x14: {  	s2 =	sld [smem:$0x3F92];
	s0 =	simm.s32 @p1 $0x1  }
0x15: {  	[smem:$0x3FAF] =	sst s0;
	s0 =	simm.s32 @!p2 $0x0  }
0x16: {  	s3 =	sld [smem:$0x3FDB];
	s0 =	simm.s32 @p2 $0x1  }
0x17: {  	s4 =	simm.s32 $0x1BF5;
	[smem:$0x3FB1] =	sst s0  }
0x18: {  	s0 =	sld [smem:$0x3F94];
	_ =	swait.ge [sflag:s4], $0x0  }
0x19: {  	s7 =	sld [smem:$0x3F95]  }
0x1a: {  	s8 =	sadd.s32 $0xFFFFE003, lr  }
0x1b: {  	s9 =	sadd.s32 $0xFFFFFEF7, lr;
	s5 =	simm.s32 $0xFFFFFFFF;
	p2 =	slt.u32 s8, $0xFFFFF086  }
0x1c: {  	p1 =	slt.u32 s9, $0xF7A;
	s5 =	simm.s32 @!p2 $0x0  }
0x1d: {  	s5 =	simm.s32 @p1 $0x1;
	p0 =	seq.s32 s7, s2  }
0x1e: {  	s7 =	smul.u32 @!p0 $0xF7A, s2;
	p2 =	seq.s32 @!p0 s5, $0x0  }
0x1f: {  	s9 =	smul.u32 $0xF7A, s1;
	s8 =	simm.s32 @!p0 $0x1BF5;
	p2 =	por !p2, p0  }
0x20: {  	[sflag:s8] =	ssyncset.s32 @!p0 $0xFFFFF086;
	s6 =	sadd.s32 @!p0 s3, s7;
	s7 =	simm.s32 @!p0 $0x108  }
0x21: {  	s3 =	sadd.s32 s3, s9;
	s6 =	sadd.s32 @!p0 $0x88, s6;
	s7 =	simm.s32 @p2 $0x1082  }
0x22: {  	[simem:s7], [sflag:s8] =	dma.local @!p0 [hbm:s6], $0xF7A  }
0x23: {  	s9 =	sor.u32 $0xD0000000, s2;
	s6 =	simm.s32 $0x108;
	_ =	swait.ge @!p0 [sflag:s8], $0x0  }
0x24: {  	s3 =	sadd.s32 $0x88, s3;
	s6 =	simm.s32 @!p1 $0x1082;
	[sflag:s4] =	ssyncset.s32 $0xFFFFF086  }
0x25: {  	[simem:s6], [sflag:s4] =	dma.local [hbm:s3], $0xF7A  }
0x26: {  	[smem:$0x3F95] =	sst s1;
	(tag) =	ssettag s2;
	_ =	strace s9  }
0x27: {  	s1 =	sld [smem:$0x3FA5]  }
0x28: {  	s2 =	sld [smem:$0x3FA6]  }
0x29: {  	s4 =	sld [smem:$0x3FA8]  }
0x2a: {  	p0 =	seq.s32 s5, $0x0;
	s5 =	sld [smem:$0x3FA9]  }
0x2b: {  	s6 =	sld [smem:$0x3FAA]  }
0x2c: {  	s7 =	sld [smem:$0x3FAB]  }
0x2d: {  	s3 =	simm.s32 $0x108;
	s8 =	sld [smem:$0x3FAC]  }
0x2e: {  	s3 =	simm.s32 @!p0 $0x1082;
	s9 =	sld [smem:$0x3FAD]  }
0x2f: {  	lr =	sadd.s32 s0, s3;
	s0 =	sld [smem:$0x3FA4]  }
0x30: {  	s3 =	sld [smem:$0x3FA7]  }
0x31: {  	[smem:$0x3FB0] =	sst s10  }
0x32: {  	s10 =	sld [smem:$0x3FAE];
	_ =	sdelay $0x3  }
0x33: {  	p0 =	seq.s32 s10, $0x1;
	s10 =	sld [smem:$0x3FB0];
	_ =	sdelay $0x3  }
0x34: {  	[smem:$0x3FB0] =	sst s10  }
0x35: {  	s10 =	sld [smem:$0x3FAF];
	_ =	sdelay $0x3  }
0x36: {  	p1 =	seq.s32 s10, $0x1;
	s10 =	sld [smem:$0x3FB0];
	_ =	sdelay $0x3  }
0x37: {  	[smem:$0x3FB0] =	sst s10  }
0x38: {  	s10 =	sld [smem:$0x3FB1]  }
0x39: {  	_ = 	snop;
	(pc) =	sbr.ind lr, $3  }
0x3a: {  	_ = 	snop  }
0x3b: {  	_ = 	snop  }
0x3c: {  	p2 =	seq.s32 s10, $0x1;
	s10 =	sld [smem:$0x3FB0]  }
0x3d: {  	_ =	shalt  }
0x3e: {  	_ =	shalt  }
0x3f: {  	_ =	shalt  }
0x40: {  	_ =	shalt  }
0x41: {  	_ =	shalt  }
0x42: {  	_ =	shalt  }
0x43: {  	_ =	shalt  }
0x44: {  	_ =	shalt  }
0x45: {  	_ =	shalt  }
0x46: {  	_ =	shalt  }
0x47: {  	_ =	shalt  }
0x48: {  	_ =	shalt  }
0x49: {  	_ =	shalt  }
0x4a: {  	_ =	shalt  }
0x4b: {  	_ =	shalt  }
0x4c: {  	_ =	shalt  }
0x4d: {  	_ =	shalt  }
0x4e: {  	_ =	shalt  }
0x4f: {  	_ =	shalt  }
0x50: {  	_ =	shalt  }
0x51: {  	_ =	shalt  }
0x52: {  	_ =	shalt  }
0x53: {  	_ =	shalt  }
0x54: {  	_ =	shalt  }
0x55: {  	_ =	shalt  }
0x56: {  	_ =	shalt  }
0x57: {  	_ =	shalt  }
0x58: {  	_ =	shalt  }
0x59: {  	_ =	shalt  }
0x5a: {  	_ =	shalt  }
0x5b: {  	_ =	shalt  }
0x5c: {  	_ =	shalt  }
0x5d: {  	_ =	shalt  }
0x5e: {  	_ =	shalt  }
0x5f: {  	_ =	shalt  }
0x60: {  	_ =	shalt  }
0x61: {  	_ =	shalt  }
0x62: {  	_ =	shalt  }
0x63: {  	_ =	shalt  }
0x64: {  	_ =	shalt  }
0x65: {  	_ =	shalt  }
0x66: {  	_ =	shalt  }
0x67: {  	_ =	shalt  }
0x68: {  	_ =	shalt  }
0x69: {  	_ =	shalt  }
0x6a: {  	_ =	shalt  }
0x6b: {  	_ =	shalt  }
0x6c: {  	_ =	shalt  }
0x6d: {  	_ =	shalt  }
0x6e: {  	_ =	shalt  }
0x6f: {  	_ =	shalt  }
0x70: {  	_ =	shalt  }
0x71: {  	_ =	shalt  }
0x72: {  	_ =	shalt  }
0x73: {  	_ =	shalt  }
0x74: {  	_ =	shalt  }
0x75: {  	_ =	shalt  }
0x76: {  	_ =	shalt  }
0x77: {  	_ =	shalt  }
0x78: {  	_ =	shalt  }
0x79: {  	_ =	shalt  }
0x7a: {  	_ =	shalt  }
0x7b: {  	_ =	shalt  }
0x7c: {  	_ =	shalt  }
0x7d: {  	_ =	shalt  }
0x7e: {  	_ =	shalt  }
0x7f: {  	_ =	shalt  }
0x80: {  	_ =	shalt  }
0x81: {  	_ =	shalt  }
0x82: {  	_ =	shalt  }
0x83: {  	_ =	shalt  }
0x84: {  	_ =	shalt  }
0x85: {  	_ =	shalt  }
0x86: {  	_ =	shalt  }
0x87: {  	_ =	shalt  }
.Lfunc_end0:
.L_simem_size_0:
called_computation.1_lowered:
.L_overlay_start_0:
0x88: {  	s2 =	sld [smem:$0x3FD9]  }
0x89: {  	s3 =	sld [smem:$0x3FFE];
	_ =	sdelay $0x1  }
0x8a: {  	s1 =	srdreg.scid  }
0x8b: {  	s0 =	sand.u32 $0x1, s1  }
0x8c: {  	s17 =	sshll.u32 s0, $0xA;
	s2 =	sadd.s32 s3, s2  }
0x8d: {  	s2 =	sadd.s32 s2, s17  }
0x8e: {  	[smem:$0x3FBC] =	sst s2  }
0x8f: {  	_ = 	snop  }
0x90: {  	s2 =	sld [smem:$0x3FD0];
	(tm) =	ssettm $0x1  }
0x91: {  	s18 =	sld [smem:$0x3FFB];
	_ =	sdelay $0x3  }
0x92: {  	_ =	strace s18  }
0x93: {  	s3 =	sld [smem:$0x3FFC];
	_ =	sdelay $0x3  }
0x94: {  	_ =	strace s3  }
0x95: {  	s3 =	sld [smem:$0x3FFD];
	_ =	sdelay $0x3  }
0x96: {  	_ =	strace s3  }
0x97: {  	_ =	strace $0x8FFFFFFF  }
0x98: {  	s19 =	sld [smem:$0x3FDB];
	_ =	sdelay $0x1  }
0x99: {  	s4 =	simm.s32 $_scs_section_size  }
0x9a: {  	s5 =	simm.s32 $_size__tile_overlayer_lowered;
	s6 =	simm.s32 $_tile_overlayer_lowered  }
0x9b: {  	s22 =	simm.s32 $0x1BFF;
	s21 =	sshll.u32 s6, $0x1;
	s3 =	sadd.s32 s4, s19  }
0x9c: {  	s7 =	simm.s32 $0x0;
	s20 =	sshll.u32 s5, $0x1;
	s5 =	sadd.s32 s21, s3  }
0x9d: {  	[timem:s7], [sflag:s22] =	dma.local [hbm:s5], s20  }
0x9e: {  	_ =	swait.ge [sflag:s22], s20  }
0x9f: {  	s4 =	ssub.s32 $0x0, s20;
	[sflag:s22] =	ssyncset.done $0x0  }
0xa0: {  	[sflag:s22] =	ssyncadd.s32 s4;
	_ =	sdelay $0x1  }
0xa1: {  	s23 =	simm.s32 $0x1B8B  }
0xa2: {  	_ =	swait.ge [sflag:s23], $0x1  }
0xa3: {  	[sflag:s23] =	ssyncset.done $0x0  }
0xa4: {  	s25 =	simm.s32 $0x1B8E;
	s24 =	sld [smem:$0x3FFE];
	[sflag:s23] =	ssyncadd.s32 $0xFFFFFFFF  }
0xa5: {  	s26 =	simm.s32 $execute0_lowered;
	[smem:$0x3FD2] =	sst s25  }
0xa6: {  	s5 =	sshll.u32 s26, $0x1;
	_ =	strace $0x80000049;
	[dreg:$0x1] =	wrdreg $0xFFFFFFFF  }
0xa7: {  	s28 =	simm.s32 $_size_execute0_lowered;
	s3 =	sadd.s32 s3, s5;
	[dreg:$0x0] =	wrdreg $0x0  }
0xa8: {  	s5 =	sshll.u32 s28, $0x1;
	[dreg:$0x2] =	wrdreg s3  }
0xa9: {  	[dreg:$0x3] =	wrdreg s5  }
0xaa: {  	[dreg:$0x4] =	wrdreg $0xC0  }
0xab: {  	_ =	task [dreg:s7], $0x5FFFF  }
0xac: {  	[dreg:$0x1] =	wrdreg $0xFFFFFFFF  }
0xad: {  	[dreg:$0x0] =	wrdreg $0x60  }
0xae: {  	[dreg:$0x2] =	wrdreg s2  }
0xaf: {  	[dreg:$0x3] =	wrdreg s24  }
0xb0: {  	[dreg:$0x4] =	wrdreg $0x90000  }
0xb1: {  	[dreg:$0x5] =	wrdreg $0x9  }
0xb2: {  	_ =	task.clear_ibuf [dreg:s7], $0x6FFFF;
	_ =	strace $0x90000049  }
0xb3: {  	s29 =	simm.s32 $0x9;
	_ =	strace $0x8000004B  }
0xb4: {  	_ =	swait.ge [sflag:s29], $0x1  }
0xb5: {  	[sflag:s29] =	ssyncadd.s32 $0xFFFFFFFF  }
0xb6: {  	_ =	strace $0x9000004B  }
0xb7: {  	_ =	sfence  }
0xb8: {  	s30 =	sld [smem:$0x0];
	_ =	sdelay $0x2  }
0xb9: {  	s31 =	sshll.u32 s1, $0xD;
	s1 =	sshrl.u32 s1, $0x2  }
0xba: {  	s3 =	sand.u32 $0x4000, s31;
	s1 =	sadd.s32 s1, s30  }
0xbb: {  	s0 =	sor.u32 s3, s0;
	s1 =	sshll.u32 s1, $0x11  }
0xbc: {  	s0 =	sor.u32 s1, s0  }
0xbd: {  	s0 =	sadd.s32 $0x8F2B, s0  }
0xbe: {  	[sflag:s0] =	ssyncadd.remote.s32 $0x1  }
0xbf: {  	_ =	sfence.sel $0xFFFF  }
0xc0: {  	[dreg:$0x0] =	wrdreg $0xFFFFFFFF;
	(pc) =	sbr.abs _section_cstart, $3  }
0xc1: {  	[dreg:$0x1] =	wrdreg $0xFFFFFFFF  }
0xc2: {  	_ =	task.clear_ibuf [dreg:s7], $0x2FFFF;
	_ =	strace $0x9FFFFFFF  }
0xc3: {  	(tm) =	ssettm $0x7FFFFFFF  }
tec
execute0_lowered:
.L_overlay_start_1:
0x0: {  	(tag) =	ssettag $0x1  }
0x1: {  	s1 =	rddreg [dreg:$0x0]  }
0x2: {  	s0 =	rddreg [dreg:$0x1];
	s2 =	srdreg.scid  }
0x3: {  	s9 =	stileid.u32;
	s3 =	rddreg [dreg:$0x2];
	s4 =	simm.s32 $0x0  }
0x4: {  	s15 =	simm.s32 $0x100;
	[smem:$0x7FF] =	sst s4;
	s8 =	sadd.s32 $0x1AA00, s0  }
0x5: {  	s16 =	simm.s32 $0x880;
	_ =	strace $0x8000004A;
	[dreg:$0x12] =	wrdreg s8  }
0x6: {  	s17 =	simm.s32 $0x180;
	s18 =	simm.s32 $0x900;
	[dreg:$0x6] =	wrdreg s15  }
0x7: {  	s19 =	simm.s32 $0x200;
	s20 =	simm.s32 $0x980;
	[dreg:$0x7] =	wrdreg s16  }
0x8: {  	s21 =	simm.s32 $0x280;
	s22 =	simm.s32 $0xA00;
	[dreg:$0x8] =	wrdreg s17  }
0x9: {  	s23 =	simm.s32 $0x300;
	s24 =	simm.s32 $0xA80;
	[dreg:$0x9] =	wrdreg s18  }
0xa: {  	s25 =	simm.s32 $0x380;
	s28 =	simm.s32 $0x680;
	[dreg:$0xa] =	wrdreg s19  }
0xb: {  	s29 =	simm.s32 $0xE00;
	s30 =	simm.s32 $0x700;
	[dreg:$0xb] =	wrdreg s20  }
0xc: {  	s31 =	simm.s32 $0xE80;
	s5 =	smul.u32 $0x5000, s9;
	[dreg:$0xc] =	wrdreg s21  }
0xd: {  	s2 =	sand.u32 $0x1, s2;
	s7 =	smul.u32 $0x50000, s9;
	[dreg:$0xd] =	wrdreg s22  }
0xe: {  	s11 =	sshll.u32 s9, $0x6;
	s14 =	smul.u32 $0x2800, s9;
	[dreg:$0xe] =	wrdreg s23  }
0xf: {  	s9 =	simm.s32 $0x0;
	s6 =	smul.u32 $0x2800, s2;
	[dreg:$0xf] =	wrdreg s24  }
0x10: {  	s26 =	ssub.s32 $0x2, s2;
	p0 =	seq.s32 s2, $0x1;
	[dreg:$0x10] =	wrdreg s25  }
0x11: {  	s15 =	simm.s32 $0x1;
	s16 =	simm.s32 $0x2;
	s17 =	simm.s32 $0x400  }
0x12: {  	s18 =	simm.s32 $0xB80;
	s19 =	simm.s32 $0x480;
	s20 =	simm.s32 $0xC00  }
0x13: {  	s21 =	simm.s32 $0x500;
	s22 =	simm.s32 $0xC80;
	s23 =	simm.s32 $0x580  }
0x14: {  	s24 =	simm.s32 $0xD00;
	s25 =	simm.s32 $0x600;
	s2 =	simm.s32 $0x780  }
0x15: {  	s10 =	sshrl.u32 s26, $0x1;
	s7 =	sshrl.u32 s7, $0x2;
	s5 =	sadd.s32 s6, s5  }
0x16: {  	s6 =	ssub.s32 s26, s10;
	s7 =	sadd.s32 s7, s3;
	s10 =	sor.u32 $0x1C03, s11  }
0x17: {  	s11 =	simm.s32 $0x800;
	s26 =	simm.s32 $0xB00;
	s5 =	sshrl.u32 s5, $0x3  }
0x18: {  	s6 =	smax.u32 s6, $0x1;
	s8 =	sshrl.u32 s7, $0x3;
	[dreg:$0x11] =	wrdreg s26  }
0x19: {  	s7 =	smov.u32 s10;
	s10 =	simm.s32 $0x3;
	[dreg:$0x14] =	wrdreg s6  }
0x1a: {  	s26 =	simm.s32 $0xD80;
	s5 =	sadd.s32 s5, s0;
	[dreg:$0x13] =	wrdreg s7  }
0x1b: {  	s6 =	simm.s32 $0x6D200;
	[dreg:$0x16] =	wrdreg s8;
	s12 =	sadd.s32 $0x10200, s5  }
0x1c: {  	s13 =	sadd.s32 $0x6200, s5;
	s6 =	simm.s32 @!p0 $0x45200;
	[dreg:$0x4] =	wrdreg s12  }
0x1d: {  	s5 =	simm.s32 $0xF80;
	[dreg:$0x5] =	wrdreg s13;
	s0 =	sadd.s32 s6, s0  }
0x1e: {  	s12 =	simm.s32 $0x80;
	s13 =	simm.s32 $0x1000;
	s0 =	sadd.s32 s0, s14  }
0x1f: {  	s14 =	simm.s32 $0x5000;
	[dreg:$0x15] =	wrdreg s0;
	s0 =	simm.s32 $0xF00  }
.LBB2_1:
0x20: {  	[dreg:$0x17] =	wrdreg s9  }
0x21: {  	s6 =	rddreg [dreg:$0x12]  }
0x22: {  	[spmem:s8], [sflag:s7] =	dma.local [hbm:s6], $0x2800  }
0x23: {  	_ =	swait.ge [sflag:s10], $0x2800  }
0x24: {  	[sflag:s10] =	ssyncset.done $0x0  }
0x25: {  	[sflag:s10] =	ssyncadd.s32 $0xFFFFD800  }
0x26: {  	[bflag:$0x0] =	sbarrier.arrive $0xFFFF  }
0x27: {  	s8 =	rddreg [dreg:$0x5]  }
0x28: {  	s6 =	sadd.s32 $0x0, s8  }
0x29: {  	[tilespmem:s4], [sflag:$0x3] =	stream.linear.gather [hbm4b:s6+s4], $0x800, $0x38;
	[tilespmem:$0x1D000] =	vst v63  }
0x2a: {  	_ =	swait.ge [sflag:s10], $0x800  }
0x2b: {  	s9 =	rddreg [dreg:$0x4];
	[sflag:s10] =	ssyncset.done $0x0  }
0x2c: {  	[sflag:s10] =	ssyncadd.s32 $0xFFFFF800;
	s6 =	sadd.s32 $0x0, s9  }
0x2d: {  	[tilespmem:s11], [sflag:$0x3] =	stream.linear.gather [hbm4b:s6+s4], $0x800, $0x38;
	[tilespmem:$0x1D000] =	vst v63  }
0x2e: {  	_ =	swait.ge [sflag:s10], $0x800  }
0x2f: {  	[sflag:s10] =	ssyncset.done $0x0  }
0x30: {  	[sflag:s10] =	ssyncadd.s32 $0xFFFFF800  }
0x31: {  	[tilespmem:s13], [sflag:$0x1] =	stream.indirect.gather [hbm4b:s1+s12], $0x80, s4, s12, $0xb8;
	[tilespmem:$0x1D000] =	vst v63  }
0x32: {  	_ = 	snop  }
0x33: {  	[tilespmem:s14], [sflag:$0x2] =	stream.indirect.gather [hbm4b:s1+s12], $0x80, s12, s12, $0xb8;
	[tilespmem:$0x1D000] =	vst v63  }
0x34: {  	_ =	swait.ge [sflag:s15], $0x4000  }
0x35: {  	[sflag:s15] =	ssyncset.done $0x0  }
0x36: {  	[sflag:s15] =	ssyncadd.s32 $0xFFFFC000  }
0x37: {  	[spmem:s3] =	stream.indirect.scatter.add.f32 [tilespmem:s13], [sflag:$0x3], $0x80, s11, s12, $0xb8;
	[tilespmem:$0x1D000] =	vst v63  }
0x38: {  	_ =	swait.ge [sflag:s10], $0x4000  }
0x39: {  	[sflag:s10] =	ssyncset.done $0x0  }
0x3a: {  	s7 =	rddreg [dreg:$0x6];
	[sflag:s10] =	ssyncadd.s32 $0xFFFFC000  }
0x3b: {  	[tilespmem:s13], [sflag:$0x1] =	stream.indirect.gather [hbm4b:s1+s12], $0x80, s7, s12, $0xb8;
	[tilespmem:$0x1D000] =	vst v63  }
0x3c: {  	_ =	swait.ge [sflag:s16], $0x4000  }
0x3d: {  	[sflag:s16] =	ssyncset.done $0x0  }
0x3e: {  	s8 =	rddreg [dreg:$0x7];
	[sflag:s16] =	ssyncadd.s32 $0xFFFFC000  }
0x3f: {  	[spmem:s3] =	stream.indirect.scatter.add.f32 [tilespmem:s14], [sflag:$0x3], $0x80, s8, s12, $0xb8;
	[tilespmem:$0x1D000] =	vst v63  }
0x40: {  	_ =	swait.ge [sflag:s10], $0x4000  }
0x41: {  	[sflag:s10] =	ssyncset.done $0x0  }
0x42: {  	s9 =	rddreg [dreg:$0x8];
	[sflag:s10] =	ssyncadd.s32 $0xFFFFC000  }
0x43: {  	[tilespmem:s14], [sflag:$0x2] =	stream.indirect.gather [hbm4b:s1+s12], $0x80, s9, s12, $0xb8;
	[tilespmem:$0x1D000] =	vst v63  }
0x44: {  	_ =	swait.ge [sflag:s15], $0x4000  }
0x45: {  	[sflag:s15] =	ssyncset.done $0x0  }
0x46: {  	s7 =	rddreg [dreg:$0x9];
	[sflag:s15] =	ssyncadd.s32 $0xFFFFC000  }
0x47: {  	[spmem:s3] =	stream.indirect.scatter.add.f32 [tilespmem:s13], [sflag:$0x3], $0x80, s7, s12, $0xb8;
	[tilespmem:$0x1D000] =	vst v63  }
0x48: {  	_ =	swait.ge [sflag:s10], $0x4000  }
0x49: {  	[sflag:s10] =	ssyncset.done $0x0  }
0x4a: {  	s8 =	rddreg [dreg:$0xa];
	[sflag:s10] =	ssyncadd.s32 $0xFFFFC000  }
0x4b: {  	[tilespmem:s13], [sflag:$0x1] =	stream.indirect.gather [hbm4b:s1+s12], $0x80, s8, s12, $0xb8;
	[tilespmem:$0x1D000] =	vst v63  }
0x4c: {  	_ =	swait.ge [sflag:s16], $0x4000  }
0x4d: {  	[sflag:s16] =	ssyncset.done $0x0  }
0x4e: {  	s9 =	rddreg [dreg:$0xb];
	[sflag:s16] =	ssyncadd.s32 $0xFFFFC000  }
0x4f: {  	[spmem:s3] =	stream.indirect.scatter.add.f32 [tilespmem:s14], [sflag:$0x3], $0x80, s9, s12, $0xb8;
	[tilespmem:$0x1D000] =	vst v63  }
0x50: {  	_ =	swait.ge [sflag:s10], $0x4000  }
0x51: {  	[sflag:s10] =	ssyncset.done $0x0  }
0x52: {  	s7 =	rddreg [dreg:$0xc];
	[sflag:s10] =	ssyncadd.s32 $0xFFFFC000  }
0x53: {  	[tilespmem:s14], [sflag:$0x2] =	stream.indirect.gather [hbm4b:s1+s12], $0x80, s7, s12, $0xb8;
	[tilespmem:$0x1D000] =	vst v63  }
0x54: {  	_ =	swait.ge [sflag:s15], $0x4000  }
0x55: {  	[sflag:s15] =	ssyncset.done $0x0  }
0x56: {  	s8 =	rddreg [dreg:$0xd];
	[sflag:s15] =	ssyncadd.s32 $0xFFFFC000  }
0x57: {  	[spmem:s3] =	stream.indirect.scatter.add.f32 [tilespmem:s13], [sflag:$0x3], $0x80, s8, s12, $0xb8;
	[tilespmem:$0x1D000] =	vst v63  }
0x58: {  	_ =	swait.ge [sflag:s10], $0x4000  }
0x59: {  	[sflag:s10] =	ssyncset.done $0x0  }
0x5a: {  	s9 =	rddreg [dreg:$0xe];
	[sflag:s10] =	ssyncadd.s32 $0xFFFFC000  }
0x5b: {  	[tilespmem:s13], [sflag:$0x1] =	stream.indirect.gather [hbm4b:s1+s12], $0x80, s9, s12, $0xb8;
	[tilespmem:$0x1D000] =	vst v63  }
0x5c: {  	_ =	swait.ge [sflag:s16], $0x4000  }
0x5d: {  	[sflag:s16] =	ssyncset.done $0x0  }
0x5e: {  	s7 =	rddreg [dreg:$0xf];
	[sflag:s16] =	ssyncadd.s32 $0xFFFFC000  }
0x5f: {  	[spmem:s3] =	stream.indirect.scatter.add.f32 [tilespmem:s14], [sflag:$0x3], $0x80, s7, s12, $0xb8;
	[tilespmem:$0x1D000] =	vst v63  }
0x60: {  	_ =	swait.ge [sflag:s10], $0x4000  }
0x61: {  	[sflag:s10] =	ssyncset.done $0x0  }
0x62: {  	s8 =	rddreg [dreg:$0x10];
	[sflag:s10] =	ssyncadd.s32 $0xFFFFC000  }
0x63: {  	[tilespmem:s14], [sflag:$0x2] =	stream.indirect.gather [hbm4b:s1+s12], $0x80, s8, s12, $0xb8;
	[tilespmem:$0x1D000] =	vst v63  }
0x64: {  	_ =	swait.ge [sflag:s15], $0x4000  }
0x65: {  	[sflag:s15] =	ssyncset.done $0x0  }
0x66: {  	s9 =	rddreg [dreg:$0x11];
	[sflag:s15] =	ssyncadd.s32 $0xFFFFC000  }
0x67: {  	[spmem:s3] =	stream.indirect.scatter.add.f32 [tilespmem:s13], [sflag:$0x3], $0x80, s9, s12, $0xb8;
	[tilespmem:$0x1D000] =	vst v63  }
0x68: {  	_ =	swait.ge [sflag:s10], $0x4000  }
0x69: {  	[sflag:s10] =	ssyncset.done $0x0  }
0x6a: {  	[sflag:s10] =	ssyncadd.s32 $0xFFFFC000  }
0x6b: {  	[tilespmem:s13], [sflag:$0x1] =	stream.indirect.gather [hbm4b:s1+s12], $0x80, s17, s12, $0xb8;
	[tilespmem:$0x1D000] =	vst v63  }
0x6c: {  	_ =	swait.ge [sflag:s16], $0x4000  }
0x6d: {  	[sflag:s16] =	ssyncset.done $0x0  }
0x6e: {  	[sflag:s16] =	ssyncadd.s32 $0xFFFFC000  }
0x6f: {  	[spmem:s3] =	stream.indirect.scatter.add.f32 [tilespmem:s14], [sflag:$0x3], $0x80, s18, s12, $0xb8;
	[tilespmem:$0x1D000] =	vst v63  }
0x70: {  	_ =	swait.ge [sflag:s10], $0x4000  }
0x71: {  	[sflag:s10] =	ssyncset.done $0x0  }
0x72: {  	[sflag:s10] =	ssyncadd.s32 $0xFFFFC000  }
0x73: {  	[tilespmem:s14], [sflag:$0x2] =	stream.indirect.gather [hbm4b:s1+s12], $0x80, s19, s12, $0xb8;
	[tilespmem:$0x1D000] =	vst v63  }
0x74: {  	_ =	swait.ge [sflag:s15], $0x4000  }
0x75: {  	[sflag:s15] =	ssyncset.done $0x0  }
0x76: {  	[sflag:s15] =	ssyncadd.s32 $0xFFFFC000  }
0x77: {  	[spmem:s3] =	stream.indirect.scatter.add.f32 [tilespmem:s13], [sflag:$0x3], $0x80, s20, s12, $0xb8;
	[tilespmem:$0x1D000] =	vst v63  }
0x78: {  	_ =	swait.ge [sflag:s10], $0x4000  }
0x79: {  	[sflag:s10] =	ssyncset.done $0x0  }
0x7a: {  	[sflag:s10] =	ssyncadd.s32 $0xFFFFC000  }
0x7b: {  	[tilespmem:s13], [sflag:$0x1] =	stream.indirect.gather [hbm4b:s1+s12], $0x80, s21, s12, $0xb8;
	[tilespmem:$0x1D000] =	vst v63  }
0x7c: {  	_ =	swait.ge [sflag:s16], $0x4000  }
0x7d: {  	[sflag:s16] =	ssyncset.done $0x0  }
0x7e: {  	[sflag:s16] =	ssyncadd.s32 $0xFFFFC000  }
0x7f: {  	[spmem:s3] =	stream.indirect.scatter.add.f32 [tilespmem:s14], [sflag:$0x3], $0x80, s22, s12, $0xb8;
	[tilespmem:$0x1D000] =	vst v63  }
0x80: {  	_ =	swait.ge [sflag:s10], $0x4000  }
0x81: {  	[sflag:s10] =	ssyncset.done $0x0  }
0x82: {  	[sflag:s10] =	ssyncadd.s32 $0xFFFFC000  }
0x83: {  	[tilespmem:s14], [sflag:$0x2] =	stream.indirect.gather [hbm4b:s1+s12], $0x80, s23, s12, $0xb8;
	[tilespmem:$0x1D000] =	vst v63  }
0x84: {  	_ =	swait.ge [sflag:s15], $0x4000  }
0x85: {  	[sflag:s15] =	ssyncset.done $0x0  }
0x86: {  	[sflag:s15] =	ssyncadd.s32 $0xFFFFC000  }
0x87: {  	[spmem:s3] =	stream.indirect.scatter.add.f32 [tilespmem:s13], [sflag:$0x3], $0x80, s24, s12, $0xb8;
	[tilespmem:$0x1D000] =	vst v63  }
0x88: {  	_ =	swait.ge [sflag:s10], $0x4000  }
0x89: {  	[sflag:s10] =	ssyncset.done $0x0  }
0x8a: {  	[sflag:s10] =	ssyncadd.s32 $0xFFFFC000  }
0x8b: {  	[tilespmem:s13], [sflag:$0x1] =	stream.indirect.gather [hbm4b:s1+s12], $0x80, s25, s12, $0xb8;
	[tilespmem:$0x1D000] =	vst v63  }
0x8c: {  	_ =	swait.ge [sflag:s16], $0x4000  }
0x8d: {  	[sflag:s16] =	ssyncset.done $0x0  }
0x8e: {  	[sflag:s16] =	ssyncadd.s32 $0xFFFFC000  }
0x8f: {  	[spmem:s3] =	stream.indirect.scatter.add.f32 [tilespmem:s14], [sflag:$0x3], $0x80, s26, s12, $0xb8;
	[tilespmem:$0x1D000] =	vst v63  }
0x90: {  	_ =	swait.ge [sflag:s10], $0x4000  }
0x91: {  	[sflag:s10] =	ssyncset.done $0x0  }
0x92: {  	[sflag:s10] =	ssyncadd.s32 $0xFFFFC000  }
0x93: {  	[tilespmem:s14], [sflag:$0x2] =	stream.indirect.gather [hbm4b:s1+s12], $0x80, s28, s12, $0xb8;
	[tilespmem:$0x1D000] =	vst v63  }
0x94: {  	_ =	swait.ge [sflag:s15], $0x4000  }
0x95: {  	[sflag:s15] =	ssyncset.done $0x0  }
0x96: {  	[sflag:s15] =	ssyncadd.s32 $0xFFFFC000  }
0x97: {  	[spmem:s3] =	stream.indirect.scatter.add.f32 [tilespmem:s13], [sflag:$0x3], $0x80, s29, s12, $0xb8;
	[tilespmem:$0x1D000] =	vst v63  }
0x98: {  	_ =	swait.ge [sflag:s10], $0x4000  }
0x99: {  	[sflag:s10] =	ssyncset.done $0x0  }
0x9a: {  	[sflag:s10] =	ssyncadd.s32 $0xFFFFC000  }
0x9b: {  	[tilespmem:s13], [sflag:$0x1] =	stream.indirect.gather [hbm4b:s1+s12], $0x80, s30, s12, $0xb8;
	[tilespmem:$0x1D000] =	vst v63  }
0x9c: {  	_ =	swait.ge [sflag:s16], $0x4000  }
0x9d: {  	[sflag:s16] =	ssyncset.done $0x0  }
0x9e: {  	[sflag:s16] =	ssyncadd.s32 $0xFFFFC000  }
0x9f: {  	[spmem:s3] =	stream.indirect.scatter.add.f32 [tilespmem:s14], [sflag:$0x3], $0x80, s31, s12, $0xb8;
	[tilespmem:$0x1D000] =	vst v63  }
0xa0: {  	_ =	swait.ge [sflag:s10], $0x4000  }
0xa1: {  	[sflag:s10] =	ssyncset.done $0x0  }
0xa2: {  	[sflag:s10] =	ssyncadd.s32 $0xFFFFC000  }
0xa3: {  	[tilespmem:s14], [sflag:$0x2] =	stream.indirect.gather [hbm4b:s1+s12], $0x80, s2, s12, $0xb8;
	[tilespmem:$0x1D000] =	vst v63  }
0xa4: {  	_ =	swait.ge [sflag:s15], $0x4000  }
0xa5: {  	[sflag:s15] =	ssyncset.done $0x0  }
0xa6: {  	[sflag:s15] =	ssyncadd.s32 $0xFFFFC000  }
0xa7: {  	[spmem:s3] =	stream.indirect.scatter.add.f32 [tilespmem:s13], [sflag:$0x3], $0x80, s0, s12, $0xb8;
	[tilespmem:$0x1D000] =	vst v63  }
0xa8: {  	_ =	swait.ge [sflag:s10], $0x4000  }
0xa9: {  	[sflag:s10] =	ssyncset.done $0x0  }
0xaa: {  	[sflag:s10] =	ssyncadd.s32 $0xFFFFC000  }
0xab: {  	_ =	swait.ge [sflag:s16], $0x4000  }
0xac: {  	[sflag:s16] =	ssyncset.done $0x0  }
0xad: {  	[sflag:s16] =	ssyncadd.s32 $0xFFFFC000  }
0xae: {  	[spmem:s3] =	stream.indirect.scatter.add.f32 [tilespmem:s14], [sflag:$0x3], $0x80, s5, s12, $0xb8;
	[tilespmem:$0x1D000] =	vst v63  }
0xaf: {  	s6 =	simm.s32 $0x200;
	_ =	swait.ge [sflag:s10], $0x4000  }
0xb0: {  	s8 =	simm.s32 $0x100;
	s9 =	rddreg [dreg:$0x5];
	[sflag:s10] =	ssyncset.done $0x0  }
.LBB2_2:
0xb1: {  	[sflag:s10] =	ssyncadd.s32 $0xFFFFC000;
	s9 =	sadd.s32 s8, s9  }
0xb2: {  	[tilespmem:s4], [sflag:$0x3] =	stream.linear.gather [hbm4b:s9+s4], $0x800, $0x38;
	[tilespmem:$0x1D000] =	vst v63  }
0xb3: {  	_ =	swait.ge [sflag:s10], $0x800  }
0xb4: {  	s9 =	rddreg [dreg:$0x4];
	[sflag:s10] =	ssyncset.done $0x0  }
0xb5: {  	[sflag:s10] =	ssyncadd.s32 $0xFFFFF800;
	s9 =	sadd.s32 s8, s9  }
0xb6: {  	[tilespmem:s11], [sflag:$0x3] =	stream.linear.gather [hbm4b:s9+s4], $0x800, $0x38;
	[tilespmem:$0x1D000] =	vst v63  }
0xb7: {  	_ =	swait.ge [sflag:s10], $0x800  }
0xb8: {  	[sflag:s10] =	ssyncset.done $0x0  }
0xb9: {  	[sflag:s10] =	ssyncadd.s32 $0xFFFFF800  }
0xba: {  	[tilespmem:s13], [sflag:$0x1] =	stream.indirect.gather [hbm4b:s1+s12], $0x80, s4, s12, $0xb8;
	[tilespmem:$0x1D000] =	vst v63  }
0xbb: {  	_ = 	snop  }
0xbc: {  	[tilespmem:s14], [sflag:$0x2] =	stream.indirect.gather [hbm4b:s1+s12], $0x80, s12, s12, $0xb8;
	[tilespmem:$0x1D000] =	vst v63  }
0xbd: {  	_ =	swait.ge [sflag:s15], $0x4000  }
0xbe: {  	[sflag:s15] =	ssyncset.done $0x0  }
0xbf: {  	[sflag:s15] =	ssyncadd.s32 $0xFFFFC000  }
0xc0: {  	[spmem:s3] =	stream.indirect.scatter.add.f32 [tilespmem:s13], [sflag:$0x3], $0x80, s11, s12, $0xb8;
	[tilespmem:$0x1D000] =	vst v63  }
0xc1: {  	_ =	swait.ge [sflag:s10], $0x4000  }
0xc2: {  	[sflag:s10] =	ssyncset.done $0x0  }
0xc3: {  	s9 =	rddreg [dreg:$0x6];
	[sflag:s10] =	ssyncadd.s32 $0xFFFFC000  }
0xc4: {  	[tilespmem:s13], [sflag:$0x1] =	stream.indirect.gather [hbm4b:s1+s12], $0x80, s9, s12, $0xb8;
	[tilespmem:$0x1D000] =	vst v63  }
0xc5: {  	_ =	swait.ge [sflag:s16], $0x4000  }
0xc6: {  	[sflag:s16] =	ssyncset.done $0x0  }
0xc7: {  	s9 =	rddreg [dreg:$0x7];
	[sflag:s16] =	ssyncadd.s32 $0xFFFFC000  }
0xc8: {  	[spmem:s3] =	stream.indirect.scatter.add.f32 [tilespmem:s14], [sflag:$0x3], $0x80, s9, s12, $0xb8;
	[tilespmem:$0x1D000] =	vst v63  }
0xc9: {  	_ =	swait.ge [sflag:s10], $0x4000  }
0xca: {  	[sflag:s10] =	ssyncset.done $0x0  }
0xcb: {  	s9 =	rddreg [dreg:$0x8];
	[sflag:s10] =	ssyncadd.s32 $0xFFFFC000  }
0xcc: {  	[tilespmem:s14], [sflag:$0x2] =	stream.indirect.gather [hbm4b:s1+s12], $0x80, s9, s12, $0xb8;
	[tilespmem:$0x1D000] =	vst v63  }
0xcd: {  	_ =	swait.ge [sflag:s15], $0x4000  }
0xce: {  	[sflag:s15] =	ssyncset.done $0x0  }
0xcf: {  	s9 =	rddreg [dreg:$0x9];
	[sflag:s15] =	ssyncadd.s32 $0xFFFFC000  }
0xd0: {  	[spmem:s3] =	stream.indirect.scatter.add.f32 [tilespmem:s13], [sflag:$0x3], $0x80, s9, s12, $0xb8;
	[tilespmem:$0x1D000] =	vst v63  }
0xd1: {  	_ =	swait.ge [sflag:s10], $0x4000  }
0xd2: {  	[sflag:s10] =	ssyncset.done $0x0  }
0xd3: {  	s9 =	rddreg [dreg:$0xa];
	[sflag:s10] =	ssyncadd.s32 $0xFFFFC000  }
0xd4: {  	[tilespmem:s13], [sflag:$0x1] =	stream.indirect.gather [hbm4b:s1+s12], $0x80, s9, s12, $0xb8;
	[tilespmem:$0x1D000] =	vst v63  }
0xd5: {  	_ =	swait.ge [sflag:s16], $0x4000  }
0xd6: {  	[sflag:s16] =	ssyncset.done $0x0  }
0xd7: {  	s9 =	rddreg [dreg:$0xb];
	[sflag:s16] =	ssyncadd.s32 $0xFFFFC000  }
0xd8: {  	[spmem:s3] =	stream.indirect.scatter.add.f32 [tilespmem:s14], [sflag:$0x3], $0x80, s9, s12, $0xb8;
	[tilespmem:$0x1D000] =	vst v63  }
0xd9: {  	_ =	swait.ge [sflag:s10], $0x4000  }
0xda: {  	[sflag:s10] =	ssyncset.done $0x0  }
0xdb: {  	s9 =	rddreg [dreg:$0xc];
	[sflag:s10] =	ssyncadd.s32 $0xFFFFC000  }
0xdc: {  	[tilespmem:s14], [sflag:$0x2] =	stream.indirect.gather [hbm4b:s1+s12], $0x80, s9, s12, $0xb8;
	[tilespmem:$0x1D000] =	vst v63  }
0xdd: {  	_ =	swait.ge [sflag:s15], $0x4000  }
0xde: {  	[sflag:s15] =	ssyncset.done $0x0  }
0xdf: {  	s9 =	rddreg [dreg:$0xd];
	[sflag:s15] =	ssyncadd.s32 $0xFFFFC000  }
0xe0: {  	[spmem:s3] =	stream.indirect.scatter.add.f32 [tilespmem:s13], [sflag:$0x3], $0x80, s9, s12, $0xb8;
	[tilespmem:$0x1D000] =	vst v63  }
0xe1: {  	_ =	swait.ge [sflag:s10], $0x4000  }
0xe2: {  	[sflag:s10] =	ssyncset.done $0x0  }
0xe3: {  	s9 =	rddreg [dreg:$0xe];
	[sflag:s10] =	ssyncadd.s32 $0xFFFFC000  }
0xe4: {  	[tilespmem:s13], [sflag:$0x1] =	stream.indirect.gather [hbm4b:s1+s12], $0x80, s9, s12, $0xb8;
	[tilespmem:$0x1D000] =	vst v63  }
0xe5: {  	_ =	swait.ge [sflag:s16], $0x4000  }
0xe6: {  	[sflag:s16] =	ssyncset.done $0x0  }
0xe7: {  	s9 =	rddreg [dreg:$0xf];
	[sflag:s16] =	ssyncadd.s32 $0xFFFFC000  }
0xe8: {  	[spmem:s3] =	stream.indirect.scatter.add.f32 [tilespmem:s14], [sflag:$0x3], $0x80, s9, s12, $0xb8;
	[tilespmem:$0x1D000] =	vst v63  }
0xe9: {  	_ =	swait.ge [sflag:s10], $0x4000  }
0xea: {  	[sflag:s10] =	ssyncset.done $0x0  }
0xeb: {  	s9 =	rddreg [dreg:$0x10];
	[sflag:s10] =	ssyncadd.s32 $0xFFFFC000  }
0xec: {  	[tilespmem:s14], [sflag:$0x2] =	stream.indirect.gather [hbm4b:s1+s12], $0x80, s9, s12, $0xb8;
	[tilespmem:$0x1D000] =	vst v63  }
0xed: {  	_ =	swait.ge [sflag:s15], $0x4000  }
0xee: {  	[sflag:s15] =	ssyncset.done $0x0  }
0xef: {  	s9 =	rddreg [dreg:$0x11];
	[sflag:s15] =	ssyncadd.s32 $0xFFFFC000  }
0xf0: {  	[spmem:s3] =	stream.indirect.scatter.add.f32 [tilespmem:s13], [sflag:$0x3], $0x80, s9, s12, $0xb8;
	[tilespmem:$0x1D000] =	vst v63  }
0xf1: {  	_ =	swait.ge [sflag:s10], $0x4000  }
0xf2: {  	[sflag:s10] =	ssyncset.done $0x0  }
0xf3: {  	[sflag:s10] =	ssyncadd.s32 $0xFFFFC000  }
0xf4: {  	[tilespmem:s13], [sflag:$0x1] =	stream.indirect.gather [hbm4b:s1+s12], $0x80, s17, s12, $0xb8;
	[tilespmem:$0x1D000] =	vst v63  }
0xf5: {  	_ =	swait.ge [sflag:s16], $0x4000  }
0xf6: {  	[sflag:s16] =	ssyncset.done $0x0  }
0xf7: {  	[sflag:s16] =	ssyncadd.s32 $0xFFFFC000  }
0xf8: {  	[spmem:s3] =	stream.indirect.scatter.add.f32 [tilespmem:s14], [sflag:$0x3], $0x80, s18, s12, $0xb8;
	[tilespmem:$0x1D000] =	vst v63  }
0xf9: {  	_ =	swait.ge [sflag:s10], $0x4000  }
0xfa: {  	[sflag:s10] =	ssyncset.done $0x0  }
0xfb: {  	[sflag:s10] =	ssyncadd.s32 $0xFFFFC000  }
0xfc: {  	[tilespmem:s14], [sflag:$0x2] =	stream.indirect.gather [hbm4b:s1+s12], $0x80, s19, s12, $0xb8;
	[tilespmem:$0x1D000] =	vst v63  }
0xfd: {  	_ =	swait.ge [sflag:s15], $0x4000  }
0xfe: {  	[sflag:s15] =	ssyncset.done $0x0  }
0xff: {  	[sflag:s15] =	ssyncadd.s32 $0xFFFFC000  }
0x100: {  	[spmem:s3] =	stream.indirect.scatter.add.f32 [tilespmem:s13], [sflag:$0x3], $0x80, s20, s12, $0xb8;
	[tilespmem:$0x1D000] =	vst v63  }
0x101: {  	_ =	swait.ge [sflag:s10], $0x4000  }
0x102: {  	[sflag:s10] =	ssyncset.done $0x0  }
0x103: {  	[sflag:s10] =	ssyncadd.s32 $0xFFFFC000  }
0x104: {  	[tilespmem:s13], [sflag:$0x1] =	stream.indirect.gather [hbm4b:s1+s12], $0x80, s21, s12, $0xb8;
	[tilespmem:$0x1D000] =	vst v63  }
0x105: {  	_ =	swait.ge [sflag:s16], $0x4000  }
0x106: {  	[sflag:s16] =	ssyncset.done $0x0  }
0x107: {  	[sflag:s16] =	ssyncadd.s32 $0xFFFFC000  }
0x108: {  	[spmem:s3] =	stream.indirect.scatter.add.f32 [tilespmem:s14], [sflag:$0x3], $0x80, s22, s12, $0xb8;
	[tilespmem:$0x1D000] =	vst v63  }
0x109: {  	_ =	swait.ge [sflag:s10], $0x4000  }
0x10a: {  	[sflag:s10] =	ssyncset.done $0x0  }
0x10b: {  	[sflag:s10] =	ssyncadd.s32 $0xFFFFC000  }
0x10c: {  	[tilespmem:s14], [sflag:$0x2] =	stream.indirect.gather [hbm4b:s1+s12], $0x80, s23, s12, $0xb8;
	[tilespmem:$0x1D000] =	vst v63  }
0x10d: {  	_ =	swait.ge [sflag:s15], $0x4000  }
0x10e: {  	[sflag:s15] =	ssyncset.done $0x0  }
0x10f: {  	[sflag:s15] =	ssyncadd.s32 $0xFFFFC000  }
0x110: {  	[spmem:s3] =	stream.indirect.scatter.add.f32 [tilespmem:s13], [sflag:$0x3], $0x80, s24, s12, $0xb8;
	[tilespmem:$0x1D000] =	vst v63  }
0x111: {  	_ =	swait.ge [sflag:s10], $0x4000  }
0x112: {  	[sflag:s10] =	ssyncset.done $0x0  }
0x113: {  	[sflag:s10] =	ssyncadd.s32 $0xFFFFC000  }
0x114: {  	[tilespmem:s13], [sflag:$0x1] =	stream.indirect.gather [hbm4b:s1+s12], $0x80, s25, s12, $0xb8;
	[tilespmem:$0x1D000] =	vst v63  }
0x115: {  	_ =	swait.ge [sflag:s16], $0x4000  }
0x116: {  	[sflag:s16] =	ssyncset.done $0x0  }
0x117: {  	[sflag:s16] =	ssyncadd.s32 $0xFFFFC000  }
0x118: {  	[spmem:s3] =	stream.indirect.scatter.add.f32 [tilespmem:s14], [sflag:$0x3], $0x80, s26, s12, $0xb8;
	[tilespmem:$0x1D000] =	vst v63  }
0x119: {  	_ =	swait.ge [sflag:s10], $0x4000  }
0x11a: {  	[sflag:s10] =	ssyncset.done $0x0  }
0x11b: {  	[sflag:s10] =	ssyncadd.s32 $0xFFFFC000  }
0x11c: {  	[tilespmem:s14], [sflag:$0x2] =	stream.indirect.gather [hbm4b:s1+s12], $0x80, s28, s12, $0xb8;
	[tilespmem:$0x1D000] =	vst v63  }
0x11d: {  	_ =	swait.ge [sflag:s15], $0x4000  }
0x11e: {  	[sflag:s15] =	ssyncset.done $0x0  }
0x11f: {  	[sflag:s15] =	ssyncadd.s32 $0xFFFFC000  }
0x120: {  	[spmem:s3] =	stream.indirect.scatter.add.f32 [tilespmem:s13], [sflag:$0x3], $0x80, s29, s12, $0xb8;
	[tilespmem:$0x1D000] =	vst v63  }
0x121: {  	_ =	swait.ge [sflag:s10], $0x4000  }
0x122: {  	[sflag:s10] =	ssyncset.done $0x0  }
0x123: {  	[sflag:s10] =	ssyncadd.s32 $0xFFFFC000  }
0x124: {  	[tilespmem:s13], [sflag:$0x1] =	stream.indirect.gather [hbm4b:s1+s12], $0x80, s30, s12, $0xb8;
	[tilespmem:$0x1D000] =	vst v63  }
0x125: {  	_ =	swait.ge [sflag:s16], $0x4000  }
0x126: {  	[sflag:s16] =	ssyncset.done $0x0  }
0x127: {  	[sflag:s16] =	ssyncadd.s32 $0xFFFFC000  }
0x128: {  	[spmem:s3] =	stream.indirect.scatter.add.f32 [tilespmem:s14], [sflag:$0x3], $0x80, s31, s12, $0xb8;
	[tilespmem:$0x1D000] =	vst v63  }
0x129: {  	_ =	swait.ge [sflag:s10], $0x4000  }
0x12a: {  	[sflag:s10] =	ssyncset.done $0x0  }
0x12b: {  	[sflag:s10] =	ssyncadd.s32 $0xFFFFC000  }
0x12c: {  	[tilespmem:s14], [sflag:$0x2] =	stream.indirect.gather [hbm4b:s1+s12], $0x80, s2, s12, $0xb8;
	[tilespmem:$0x1D000] =	vst v63  }
0x12d: {  	_ =	swait.ge [sflag:s15], $0x4000  }
0x12e: {  	[sflag:s15] =	ssyncset.done $0x0  }
0x12f: {  	[sflag:s15] =	ssyncadd.s32 $0xFFFFC000  }
0x130: {  	[spmem:s3] =	stream.indirect.scatter.add.f32 [tilespmem:s13], [sflag:$0x3], $0x80, s0, s12, $0xb8;
	[tilespmem:$0x1D000] =	vst v63  }
0x131: {  	_ =	swait.ge [sflag:s10], $0x4000  }
0x132: {  	[sflag:s10] =	ssyncset.done $0x0  }
0x133: {  	[sflag:s10] =	ssyncadd.s32 $0xFFFFC000  }
0x134: {  	p0 =	sne.s32 s6, $0x400;
	_ =	swait.ge [sflag:s16], $0x4000  }
.Ltmp0:
0x135: {  	[sflag:s16] =	ssyncset.done $0x0;
	(pc) =	sbr.rel @p0 .LBB2_2-.Ltmp0, $4  }
0x136: {  	[sflag:s16] =	ssyncadd.s32 $0xFFFFC000  }
0x137: {  	[spmem:s3] =	stream.indirect.scatter.add.f32 [tilespmem:s14], [sflag:$0x3], $0x80, s5, s12, $0xb8;
	[tilespmem:$0x1D000] =	vst v63  }
0x138: {  	s7 =	smov.u32 s6;
	s6 =	sadd.s32 $0x100, s6;
	_ =	swait.ge [sflag:s10], $0x4000  }
0x139: {  	s8 =	smov.u32 s7;
	s9 =	rddreg [dreg:$0x5];
	[sflag:s10] =	ssyncset.done $0x0  }
0x13a: {  	[sflag:s10] =	ssyncadd.s32 $0xFFFFC000;
	s6 =	sadd.s32 s8, s9  }
0x13b: {  	[tilespmem:s4], [sflag:$0x3] =	stream.linear.gather [hbm4b:s6+s4], $0x800, $0x38;
	[tilespmem:$0x1D000] =	vst v63  }
0x13c: {  	_ =	swait.ge [sflag:s10], $0x800  }
0x13d: {  	s7 =	rddreg [dreg:$0x4];
	[sflag:s10] =	ssyncset.done $0x0  }
0x13e: {  	s6 =	sadd.s32 s8, s7;
	[sflag:s10] =	ssyncadd.s32 $0xFFFFF800  }
0x13f: {  	[tilespmem:s11], [sflag:$0x3] =	stream.linear.gather [hbm4b:s6+s4], $0x800, $0x38;
	[tilespmem:$0x1D000] =	vst v63  }
0x140: {  	_ =	swait.ge [sflag:s10], $0x800  }
0x141: {  	[sflag:s10] =	ssyncset.done $0x0  }
0x142: {  	[sflag:s10] =	ssyncadd.s32 $0xFFFFF800  }
0x143: {  	[tilespmem:s13], [sflag:$0x1] =	stream.indirect.gather [hbm4b:s1+s12], $0x80, s4, s12, $0xb8;
	[tilespmem:$0x1D000] =	vst v63  }
0x144: {  	_ = 	snop  }
0x145: {  	[tilespmem:s14], [sflag:$0x2] =	stream.indirect.gather [hbm4b:s1+s12], $0x80, s12, s12, $0xb8;
	[tilespmem:$0x1D000] =	vst v63  }
0x146: {  	_ =	swait.ge [sflag:s15], $0x4000  }
0x147: {  	[sflag:s15] =	ssyncset.done $0x0  }
0x148: {  	[sflag:s15] =	ssyncadd.s32 $0xFFFFC000  }
0x149: {  	[spmem:s3] =	stream.indirect.scatter.add.f32 [tilespmem:s13], [sflag:$0x3], $0x80, s11, s12, $0xb8;
	[tilespmem:$0x1D000] =	vst v63  }
0x14a: {  	_ =	swait.ge [sflag:s10], $0x4000  }
0x14b: {  	[sflag:s10] =	ssyncset.done $0x0  }
0x14c: {  	s9 =	rddreg [dreg:$0x6];
	[sflag:s10] =	ssyncadd.s32 $0xFFFFC000  }
0x14d: {  	[tilespmem:s13], [sflag:$0x1] =	stream.indirect.gather [hbm4b:s1+s12], $0x80, s9, s12, $0xb8;
	[tilespmem:$0x1D000] =	vst v63  }
0x14e: {  	_ =	swait.ge [sflag:s16], $0x4000  }
0x14f: {  	[sflag:s16] =	ssyncset.done $0x0  }
0x150: {  	s7 =	rddreg [dreg:$0x7];
	[sflag:s16] =	ssyncadd.s32 $0xFFFFC000  }
0x151: {  	[spmem:s3] =	stream.indirect.scatter.add.f32 [tilespmem:s14], [sflag:$0x3], $0x80, s7, s12, $0xb8;
	[tilespmem:$0x1D000] =	vst v63  }
0x152: {  	_ =	swait.ge [sflag:s10], $0x4000  }
0x153: {  	[sflag:s10] =	ssyncset.done $0x0  }
0x154: {  	s8 =	rddreg [dreg:$0x8];
	[sflag:s10] =	ssyncadd.s32 $0xFFFFC000  }
0x155: {  	[tilespmem:s14], [sflag:$0x2] =	stream.indirect.gather [hbm4b:s1+s12], $0x80, s8, s12, $0xb8;
	[tilespmem:$0x1D000] =	vst v63  }
0x156: {  	_ =	swait.ge [sflag:s15], $0x4000  }
0x157: {  	[sflag:s15] =	ssyncset.done $0x0  }
0x158: {  	s9 =	rddreg [dreg:$0x9];
	[sflag:s15] =	ssyncadd.s32 $0xFFFFC000  }
0x159: {  	[spmem:s3] =	stream.indirect.scatter.add.f32 [tilespmem:s13], [sflag:$0x3], $0x80, s9, s12, $0xb8;
	[tilespmem:$0x1D000] =	vst v63  }
0x15a: {  	_ =	swait.ge [sflag:s10], $0x4000  }
0x15b: {  	[sflag:s10] =	ssyncset.done $0x0  }
0x15c: {  	s7 =	rddreg [dreg:$0xa];
	[sflag:s10] =	ssyncadd.s32 $0xFFFFC000  }
0x15d: {  	[tilespmem:s13], [sflag:$0x1] =	stream.indirect.gather [hbm4b:s1+s12], $0x80, s7, s12, $0xb8;
	[tilespmem:$0x1D000] =	vst v63  }
0x15e: {  	_ =	swait.ge [sflag:s16], $0x4000  }
0x15f: {  	[sflag:s16] =	ssyncset.done $0x0  }
0x160: {  	s8 =	rddreg [dreg:$0xb];
	[sflag:s16] =	ssyncadd.s32 $0xFFFFC000  }
0x161: {  	[spmem:s3] =	stream.indirect.scatter.add.f32 [tilespmem:s14], [sflag:$0x3], $0x80, s8, s12, $0xb8;
	[tilespmem:$0x1D000] =	vst v63  }
0x162: {  	_ =	swait.ge [sflag:s10], $0x4000  }
0x163: {  	[sflag:s10] =	ssyncset.done $0x0  }
0x164: {  	s9 =	rddreg [dreg:$0xc];
	[sflag:s10] =	ssyncadd.s32 $0xFFFFC000  }
0x165: {  	[tilespmem:s14], [sflag:$0x2] =	stream.indirect.gather [hbm4b:s1+s12], $0x80, s9, s12, $0xb8;
	[tilespmem:$0x1D000] =	vst v63  }
0x166: {  	_ =	swait.ge [sflag:s15], $0x4000  }
0x167: {  	[sflag:s15] =	ssyncset.done $0x0  }
0x168: {  	s7 =	rddreg [dreg:$0xd];
	[sflag:s15] =	ssyncadd.s32 $0xFFFFC000  }
0x169: {  	[spmem:s3] =	stream.indirect.scatter.add.f32 [tilespmem:s13], [sflag:$0x3], $0x80, s7, s12, $0xb8;
	[tilespmem:$0x1D000] =	vst v63  }
0x16a: {  	_ =	swait.ge [sflag:s10], $0x4000  }
0x16b: {  	[sflag:s10] =	ssyncset.done $0x0  }
0x16c: {  	s8 =	rddreg [dreg:$0xe];
	[sflag:s10] =	ssyncadd.s32 $0xFFFFC000  }
0x16d: {  	[tilespmem:s13], [sflag:$0x1] =	stream.indirect.gather [hbm4b:s1+s12], $0x80, s8, s12, $0xb8;
	[tilespmem:$0x1D000] =	vst v63  }
0x16e: {  	_ =	swait.ge [sflag:s16], $0x4000  }
0x16f: {  	[sflag:s16] =	ssyncset.done $0x0  }
0x170: {  	s9 =	rddreg [dreg:$0xf];
	[sflag:s16] =	ssyncadd.s32 $0xFFFFC000  }
0x171: {  	[spmem:s3] =	stream.indirect.scatter.add.f32 [tilespmem:s14], [sflag:$0x3], $0x80, s9, s12, $0xb8;
	[tilespmem:$0x1D000] =	vst v63  }
0x172: {  	_ =	swait.ge [sflag:s10], $0x4000  }
0x173: {  	[sflag:s10] =	ssyncset.done $0x0  }
0x174: {  	s7 =	rddreg [dreg:$0x10];
	[sflag:s10] =	ssyncadd.s32 $0xFFFFC000  }
0x175: {  	[tilespmem:s14], [sflag:$0x2] =	stream.indirect.gather [hbm4b:s1+s12], $0x80, s7, s12, $0xb8;
	[tilespmem:$0x1D000] =	vst v63  }
0x176: {  	_ =	swait.ge [sflag:s15], $0x4000  }
0x177: {  	[sflag:s15] =	ssyncset.done $0x0  }
0x178: {  	s8 =	rddreg [dreg:$0x11];
	[sflag:s15] =	ssyncadd.s32 $0xFFFFC000  }
0x179: {  	[spmem:s3] =	stream.indirect.scatter.add.f32 [tilespmem:s13], [sflag:$0x3], $0x80, s8, s12, $0xb8;
	[tilespmem:$0x1D000] =	vst v63  }
0x17a: {  	_ =	swait.ge [sflag:s10], $0x4000  }
0x17b: {  	[sflag:s10] =	ssyncset.done $0x0  }
0x17c: {  	[sflag:s10] =	ssyncadd.s32 $0xFFFFC000  }
0x17d: {  	[tilespmem:s13], [sflag:$0x1] =	stream.indirect.gather [hbm4b:s1+s12], $0x80, s17, s12, $0xb8;
	[tilespmem:$0x1D000] =	vst v63  }
0x17e: {  	_ =	swait.ge [sflag:s16], $0x4000  }
0x17f: {  	[sflag:s16] =	ssyncset.done $0x0  }
0x180: {  	[sflag:s16] =	ssyncadd.s32 $0xFFFFC000  }
0x181: {  	[spmem:s3] =	stream.indirect.scatter.add.f32 [tilespmem:s14], [sflag:$0x3], $0x80, s18, s12, $0xb8;
	[tilespmem:$0x1D000] =	vst v63  }
0x182: {  	_ =	swait.ge [sflag:s10], $0x4000  }
0x183: {  	[sflag:s10] =	ssyncset.done $0x0  }
0x184: {  	[sflag:s10] =	ssyncadd.s32 $0xFFFFC000  }
0x185: {  	[tilespmem:s14], [sflag:$0x2] =	stream.indirect.gather [hbm4b:s1+s12], $0x80, s19, s12, $0xb8;
	[tilespmem:$0x1D000] =	vst v63  }
0x186: {  	_ =	swait.ge [sflag:s15], $0x4000  }
0x187: {  	[sflag:s15] =	ssyncset.done $0x0  }
0x188: {  	[sflag:s15] =	ssyncadd.s32 $0xFFFFC000  }
0x189: {  	[spmem:s3] =	stream.indirect.scatter.add.f32 [tilespmem:s13], [sflag:$0x3], $0x80, s20, s12, $0xb8;
	[tilespmem:$0x1D000] =	vst v63  }
0x18a: {  	_ =	swait.ge [sflag:s10], $0x4000  }
0x18b: {  	[sflag:s10] =	ssyncset.done $0x0  }
0x18c: {  	[sflag:s10] =	ssyncadd.s32 $0xFFFFC000  }
0x18d: {  	[tilespmem:s13], [sflag:$0x1] =	stream.indirect.gather [hbm4b:s1+s12], $0x80, s21, s12, $0xb8;
	[tilespmem:$0x1D000] =	vst v63  }
0x18e: {  	_ =	swait.ge [sflag:s16], $0x4000  }
0x18f: {  	[sflag:s16] =	ssyncset.done $0x0  }
0x190: {  	[sflag:s16] =	ssyncadd.s32 $0xFFFFC000  }
0x191: {  	[spmem:s3] =	stream.indirect.scatter.add.f32 [tilespmem:s14], [sflag:$0x3], $0x80, s22, s12, $0xb8;
	[tilespmem:$0x1D000] =	vst v63  }
0x192: {  	_ =	swait.ge [sflag:s10], $0x4000  }
0x193: {  	[sflag:s10] =	ssyncset.done $0x0  }
0x194: {  	[sflag:s10] =	ssyncadd.s32 $0xFFFFC000  }
0x195: {  	[tilespmem:s14], [sflag:$0x2] =	stream.indirect.gather [hbm4b:s1+s12], $0x80, s23, s12, $0xb8;
	[tilespmem:$0x1D000] =	vst v63  }
0x196: {  	_ =	swait.ge [sflag:s15], $0x4000  }
0x197: {  	[sflag:s15] =	ssyncset.done $0x0  }
0x198: {  	[sflag:s15] =	ssyncadd.s32 $0xFFFFC000  }
0x199: {  	[spmem:s3] =	stream.indirect.scatter.add.f32 [tilespmem:s13], [sflag:$0x3], $0x80, s24, s12, $0xb8;
	[tilespmem:$0x1D000] =	vst v63  }
0x19a: {  	_ =	swait.ge [sflag:s10], $0x4000  }
0x19b: {  	[sflag:s10] =	ssyncset.done $0x0  }
0x19c: {  	[sflag:s10] =	ssyncadd.s32 $0xFFFFC000  }
0x19d: {  	[tilespmem:s13], [sflag:$0x1] =	stream.indirect.gather [hbm4b:s1+s12], $0x80, s25, s12, $0xb8;
	[tilespmem:$0x1D000] =	vst v63  }
0x19e: {  	_ =	swait.ge [sflag:s16], $0x4000  }
0x19f: {  	[sflag:s16] =	ssyncset.done $0x0  }
0x1a0: {  	[sflag:s16] =	ssyncadd.s32 $0xFFFFC000  }
0x1a1: {  	[spmem:s3] =	stream.indirect.scatter.add.f32 [tilespmem:s14], [sflag:$0x3], $0x80, s26, s12, $0xb8;
	[tilespmem:$0x1D000] =	vst v63  }
0x1a2: {  	_ =	swait.ge [sflag:s10], $0x4000  }
0x1a3: {  	[sflag:s10] =	ssyncset.done $0x0  }
0x1a4: {  	[sflag:s10] =	ssyncadd.s32 $0xFFFFC000  }
0x1a5: {  	[tilespmem:s14], [sflag:$0x2] =	stream.indirect.gather [hbm4b:s1+s12], $0x80, s28, s12, $0xb8;
	[tilespmem:$0x1D000] =	vst v63  }
0x1a6: {  	_ =	swait.ge [sflag:s15], $0x4000  }
0x1a7: {  	[sflag:s15] =	ssyncset.done $0x0  }
0x1a8: {  	[sflag:s15] =	ssyncadd.s32 $0xFFFFC000  }
0x1a9: {  	[spmem:s3] =	stream.indirect.scatter.add.f32 [tilespmem:s13], [sflag:$0x3], $0x80, s29, s12, $0xb8;
	[tilespmem:$0x1D000] =	vst v63  }
0x1aa: {  	_ =	swait.ge [sflag:s10], $0x4000  }
0x1ab: {  	[sflag:s10] =	ssyncset.done $0x0  }
0x1ac: {  	[sflag:s10] =	ssyncadd.s32 $0xFFFFC000  }
0x1ad: {  	[tilespmem:s13], [sflag:$0x1] =	stream.indirect.gather [hbm4b:s1+s12], $0x80, s30, s12, $0xb8;
	[tilespmem:$0x1D000] =	vst v63  }
0x1ae: {  	_ =	swait.ge [sflag:s16], $0x4000  }
0x1af: {  	[sflag:s16] =	ssyncset.done $0x0  }
0x1b0: {  	[sflag:s16] =	ssyncadd.s32 $0xFFFFC000  }
0x1b1: {  	[spmem:s3] =	stream.indirect.scatter.add.f32 [tilespmem:s14], [sflag:$0x3], $0x80, s31, s12, $0xb8;
	[tilespmem:$0x1D000] =	vst v63  }
0x1b2: {  	_ =	swait.ge [sflag:s10], $0x4000  }
0x1b3: {  	[sflag:s10] =	ssyncset.done $0x0  }
0x1b4: {  	[sflag:s10] =	ssyncadd.s32 $0xFFFFC000  }
0x1b5: {  	[tilespmem:s14], [sflag:$0x2] =	stream.indirect.gather [hbm4b:s1+s12], $0x80, s2, s12, $0xb8;
	[tilespmem:$0x1D000] =	vst v63  }
0x1b6: {  	_ =	swait.ge [sflag:s15], $0x4000  }
0x1b7: {  	[sflag:s15] =	ssyncset.done $0x0  }
0x1b8: {  	[sflag:s15] =	ssyncadd.s32 $0xFFFFC000  }
0x1b9: {  	[spmem:s3] =	stream.indirect.scatter.add.f32 [tilespmem:s13], [sflag:$0x3], $0x80, s0, s12, $0xb8;
	[tilespmem:$0x1D000] =	vst v63  }
0x1ba: {  	_ =	swait.ge [sflag:s10], $0x4000  }
0x1bb: {  	[sflag:s10] =	ssyncset.done $0x0  }
0x1bc: {  	[sflag:s10] =	ssyncadd.s32 $0xFFFFC000  }
0x1bd: {  	_ =	swait.ge [sflag:s16], $0x4000  }
0x1be: {  	[sflag:s16] =	ssyncset.done $0x0  }
0x1bf: {  	[sflag:s16] =	ssyncadd.s32 $0xFFFFC000  }
0x1c0: {  	[spmem:s3] =	stream.indirect.scatter.add.f32 [tilespmem:s14], [sflag:$0x3], $0x80, s5, s12, $0xb8;
	[tilespmem:$0x1D000] =	vst v63  }
0x1c1: {  	_ =	swait.ge [sflag:s10], $0x4000  }
0x1c2: {  	[sflag:s10] =	ssyncset.done $0x0  }
0x1c3: {  	[sflag:s10] =	ssyncadd.s32 $0xFFFFC000  }
0x1c4: {  	[bflag:$0x0] =	sbarrier.arrive $0xFFFF  }
0x1c5: {  	s7 =	rddreg [dreg:$0x13]  }
0x1c6: {  	s9 =	rddreg [dreg:$0x15]  }
0x1c7: {  	s8 =	rddreg [dreg:$0x16]  }
0x1c8: {  	[hbm:s9], [sflag:s7] =	dma.local [spmem:s8], $0x2800  }
0x1c9: {  	_ =	swait.ge [sflag:s10], $0x2800  }
0x1ca: {  	s6 =	rddreg [dreg:$0x17]  }
0x1cb: {  	s9 =	sadd.s32 $0x1, s6;
	s6 =	rddreg [dreg:$0x14]  }
0x1cc: {  	p0 =	sne.s32 s9, s6  }
.Ltmp1:
0x1cd: {  	_ = 	snop;
	(pc) =	sbr.rel @p0 .LBB2_1-.Ltmp1, $3  }
0x1ce: {  	_ =	sdelay $0x1  }
0x1cf: {  	[sflag:s10] =	ssyncset.done $0x0  }
0x1d0: {  	[sflag:s10] =	ssyncadd.s32 $0xFFFFD800  }
0x1d1: {  	_ =	sfence.sel $0x180000  }
0x1d2: {  	[bflag:$0x0] =	sbarrier.arrive $0xFFFF  }
0x1d3: {  	_ =	strace $0x9000004A  }
0x1d4: {  	s0 =	stileid.u32;
	[bflag:$0x2] =	sbarrier.arrive $0xFFFF  }
0x1d5: {  	p0 =	sne.s32 s0, $0x0;
	s0 =	rddreg [dreg:$0x3]  }
0x1d6: {  	s0 =	sadd.s32 @!p0 $0x100000, s0  }
0x1d7: {  	[sflag:s0] =	ssyncadd.tile.s32 @!p0 $0x1;
	_ =	shalt  }
.Lfunc_end2:
_tile_overlayer_lowered:
.L_overlay_start_2:
0x1d8: {  	(tag) =	ssettag $0x2  }
0x1d9: {  	s0 =	rddreg [dreg:$0x0];
	s2 =	stileid.u32  }
0x1da: {  	s1 =	rddreg [dreg:$0x1];
	p0 =	sne.s32 s2, $0x0  }
0x1db: {  	s3 =	rddreg [dreg:$0x2];
	[bflag:$0x3] =	sbarrier.arrive $0xFFFF;
	s2 =	simm.s32 @!p0 $0x1C03  }
0x1dc: {  	[timem:s3], [sflag:s2] =	dma.local @!p0 [hbm:s0], s1  }
0x1dd: {  	s0 =	simm.s32 @!p0 $0x3  }
0x1de: {  	_ =	swait.ge @!p0 [sflag:s0], s1  }
0x1df: {  	s1 =	ssub.s32 @!p0 $0x0, s1;
	[sflag:s0] =	ssyncset.done @!p0 $0x0  }
0x1e0: {  	[sflag:s0] =	ssyncadd.s32 @!p0 s1  }
0x1e1: {  	[bflag:$0x3] =	sbarrier.arrive $0xFFFF  }
0x1e2: {  	_ =	shalt  }

// kernel: kernel.19.cloned.1.call-start
scs
__scs_entry_jumppad:
0x0: {  	(pc) =	sbr.rel $0x88, $3  }
0x1: {  	(tag) =	ssettag $0x0;
	lr =	simm.s32 $0x1  }
0x2: {  	[smem:$0x3F95] =	sst lr;
	_ =	strace $0xD0000000  }
0x3: {  	_ = 	snop  }
0x4: {  	_ = 	snop  }
0x5: {  	_ = 	snop  }
0x6: {  	_ = 	snop  }
0x7: {  	_ = 	snop  }
__scs_overlays_trampoline_lowered:
0x8: {  	[smem:$0x3FA4] =	sst s0  }
0x9: {  	[smem:$0x3FA5] =	sst s1  }
0xa: {  	[smem:$0x3FA6] =	sst s2  }
0xb: {  	[smem:$0x3FA7] =	sst s3  }
0xc: {  	[smem:$0x3FA8] =	sst s4  }
0xd: {  	[smem:$0x3FA9] =	sst s5  }
0xe: {  	[smem:$0x3FAA] =	sst s6  }
0xf: {  	[smem:$0x3FAB] =	sst s7  }
0x10: {  	[smem:$0x3FAC] =	sst s8  }
0x11: {  	[smem:$0x3FAD] =	sst s9;
	s0 =	simm.s32 @!p0 $0x0  }
0x12: {  	s1 =	sld [smem:$0x3F93];
	s0 =	simm.s32 @p0 $0x1  }
0x13: {  	[smem:$0x3FAE] =	sst s0;
	s0 =	simm.s32 @!p1 $0x0  }
0x14: {  	s2 =	sld [smem:$0x3F92];
	s0 =	simm.s32 @p1 $0x1  }
0x15: {  	[smem:$0x3FAF] =	sst s0;
	s0 =	simm.s32 @!p2 $0x0  }
0x16: {  	s3 =	sld [smem:$0x3FDB];
	s0 =	simm.s32 @p2 $0x1  }
0x17: {  	s4 =	simm.s32 $0x1BF5;
	[smem:$0x3FB1] =	sst s0  }
0x18: {  	s0 =	sld [smem:$0x3F94];
	_ =	swait.ge [sflag:s4], $0x0  }
0x19: {  	s7 =	sld [smem:$0x3F95]  }
0x1a: {  	s8 =	sadd.s32 $0xFFFFE003, lr  }
0x1b: {  	s9 =	sadd.s32 $0xFFFFFEF7, lr;
	s5 =	simm.s32 $0xFFFFFFFF;
	p2 =	slt.u32 s8, $0xFFFFF086  }
0x1c: {  	p1 =	slt.u32 s9, $0xF7A;
	s5 =	simm.s32 @!p2 $0x0  }
0x1d: {  	s5 =	simm.s32 @p1 $0x1;
	p0 =	seq.s32 s7, s2  }
0x1e: {  	s7 =	smul.u32 @!p0 $0xF7A, s2;
	p2 =	seq.s32 @!p0 s5, $0x0  }
0x1f: {  	s9 =	smul.u32 $0xF7A, s1;
	s8 =	simm.s32 @!p0 $0x1BF5;
	p2 =	por !p2, p0  }
0x20: {  	[sflag:s8] =	ssyncset.s32 @!p0 $0xFFFFF086;
	s6 =	sadd.s32 @!p0 s3, s7;
	s7 =	simm.s32 @!p0 $0x108  }
0x21: {  	s3 =	sadd.s32 s3, s9;
	s6 =	sadd.s32 @!p0 $0x88, s6;
	s7 =	simm.s32 @p2 $0x1082  }
0x22: {  	[simem:s7], [sflag:s8] =	dma.local @!p0 [hbm:s6], $0xF7A  }
0x23: {  	s9 =	sor.u32 $0xD0000000, s2;
	s6 =	simm.s32 $0x108;
	_ =	swait.ge @!p0 [sflag:s8], $0x0  }
0x24: {  	s3 =	sadd.s32 $0x88, s3;
	s6 =	simm.s32 @!p1 $0x1082;
	[sflag:s4] =	ssyncset.s32 $0xFFFFF086  }
0x25: {  	[simem:s6], [sflag:s4] =	dma.local [hbm:s3], $0xF7A  }
0x26: {  	[smem:$0x3F95] =	sst s1;
	(tag) =	ssettag s2;
	_ =	strace s9  }
0x27: {  	s1 =	sld [smem:$0x3FA5]  }
0x28: {  	s2 =	sld [smem:$0x3FA6]  }
0x29: {  	s4 =	sld [smem:$0x3FA8]  }
0x2a: {  	p0 =	seq.s32 s5, $0x0;
	s5 =	sld [smem:$0x3FA9]  }
0x2b: {  	s6 =	sld [smem:$0x3FAA]  }
0x2c: {  	s7 =	sld [smem:$0x3FAB]  }
0x2d: {  	s3 =	simm.s32 $0x108;
	s8 =	sld [smem:$0x3FAC]  }
0x2e: {  	s3 =	simm.s32 @!p0 $0x1082;
	s9 =	sld [smem:$0x3FAD]  }
0x2f: {  	lr =	sadd.s32 s0, s3;
	s0 =	sld [smem:$0x3FA4]  }
0x30: {  	s3 =	sld [smem:$0x3FA7]  }
0x31: {  	[smem:$0x3FB0] =	sst s10  }
0x32: {  	s10 =	sld [smem:$0x3FAE];
	_ =	sdelay $0x3  }
0x33: {  	p0 =	seq.s32 s10, $0x1;
	s10 =	sld [smem:$0x3FB0];
	_ =	sdelay $0x3  }
0x34: {  	[smem:$0x3FB0] =	sst s10  }
0x35: {  	s10 =	sld [smem:$0x3FAF];
	_ =	sdelay $0x3  }
0x36: {  	p1 =	seq.s32 s10, $0x1;
	s10 =	sld [smem:$0x3FB0];
	_ =	sdelay $0x3  }
0x37: {  	[smem:$0x3FB0] =	sst s10  }
0x38: {  	s10 =	sld [smem:$0x3FB1]  }
0x39: {  	_ = 	snop;
	(pc) =	sbr.ind lr, $3  }
0x3a: {  	_ = 	snop  }
0x3b: {  	_ = 	snop  }
0x3c: {  	p2 =	seq.s32 s10, $0x1;
	s10 =	sld [smem:$0x3FB0]  }
0x3d: {  	_ =	shalt  }
0x3e: {  	_ =	shalt  }
0x3f: {  	_ =	shalt  }
0x40: {  	_ =	shalt  }
0x41: {  	_ =	shalt  }
0x42: {  	_ =	shalt  }
0x43: {  	_ =	shalt  }
0x44: {  	_ =	shalt  }
0x45: {  	_ =	shalt  }
0x46: {  	_ =	shalt  }
0x47: {  	_ =	shalt  }
0x48: {  	_ =	shalt  }
0x49: {  	_ =	shalt  }
0x4a: {  	_ =	shalt  }
0x4b: {  	_ =	shalt  }
0x4c: {  	_ =	shalt  }
0x4d: {  	_ =	shalt  }
0x4e: {  	_ =	shalt  }
0x4f: {  	_ =	shalt  }
0x50: {  	_ =	shalt  }
0x51: {  	_ =	shalt  }
0x52: {  	_ =	shalt  }
0x53: {  	_ =	shalt  }
0x54: {  	_ =	shalt  }
0x55: {  	_ =	shalt  }
0x56: {  	_ =	shalt  }
0x57: {  	_ =	shalt  }
0x58: {  	_ =	shalt  }
0x59: {  	_ =	shalt  }
0x5a: {  	_ =	shalt  }
0x5b: {  	_ =	shalt  }
0x5c: {  	_ =	shalt  }
0x5d: {  	_ =	shalt  }
0x5e: {  	_ =	shalt  }
0x5f: {  	_ =	shalt  }
0x60: {  	_ =	shalt  }
0x61: {  	_ =	shalt  }
0x62: {  	_ =	shalt  }
0x63: {  	_ =	shalt  }
0x64: {  	_ =	shalt  }
0x65: {  	_ =	shalt  }
0x66: {  	_ =	shalt  }
0x67: {  	_ =	shalt  }
0x68: {  	_ =	shalt  }
0x69: {  	_ =	shalt  }
0x6a: {  	_ =	shalt  }
0x6b: {  	_ =	shalt  }
0x6c: {  	_ =	shalt  }
0x6d: {  	_ =	shalt  }
0x6e: {  	_ =	shalt  }
0x6f: {  	_ =	shalt  }
0x70: {  	_ =	shalt  }
0x71: {  	_ =	shalt  }
0x72: {  	_ =	shalt  }
0x73: {  	_ =	shalt  }
0x74: {  	_ =	shalt  }
0x75: {  	_ =	shalt  }
0x76: {  	_ =	shalt  }
0x77: {  	_ =	shalt  }
0x78: {  	_ =	shalt  }
0x79: {  	_ =	shalt  }
0x7a: {  	_ =	shalt  }
0x7b: {  	_ =	shalt  }
0x7c: {  	_ =	shalt  }
0x7d: {  	_ =	shalt  }
0x7e: {  	_ =	shalt  }
0x7f: {  	_ =	shalt  }
0x80: {  	_ =	shalt  }
0x81: {  	_ =	shalt  }
0x82: {  	_ =	shalt  }
0x83: {  	_ =	shalt  }
0x84: {  	_ =	shalt  }
0x85: {  	_ =	shalt  }
0x86: {  	_ =	shalt  }
0x87: {  	_ =	shalt  }
.Lfunc_end0:
.L_simem_size_0:
called_computation.2_lowered:
.L_overlay_start_0:
0x88: {  	s2 =	sld [smem:$0x3FD9]  }
0x89: {  	s3 =	sld [smem:$0x3FFE];
	_ =	sdelay $0x1  }
0x8a: {  	s1 =	srdreg.scid  }
0x8b: {  	s0 =	sand.u32 $0x1, s1  }
0x8c: {  	s17 =	sshll.u32 s0, $0xA;
	s2 =	sadd.s32 s3, s2  }
0x8d: {  	s2 =	sadd.s32 s2, s17  }
0x8e: {  	[smem:$0x3FBC] =	sst s2  }
0x8f: {  	_ = 	snop  }
0x90: {  	s2 =	sld [smem:$0x3FD0];
	(tm) =	ssettm $0x1  }
0x91: {  	s18 =	sld [smem:$0x3FFB];
	_ =	sdelay $0x3  }
0x92: {  	_ =	strace s18  }
0x93: {  	s3 =	sld [smem:$0x3FFC];
	_ =	sdelay $0x3  }
0x94: {  	_ =	strace s3  }
0x95: {  	s3 =	sld [smem:$0x3FFD];
	_ =	sdelay $0x3  }
0x96: {  	_ =	strace s3  }
0x97: {  	_ =	strace $0x8FFFFFFF  }
0x98: {  	s19 =	sld [smem:$0x3FDB];
	_ =	sdelay $0x1  }
0x99: {  	s4 =	simm.s32 $_scs_section_size  }
0x9a: {  	s5 =	simm.s32 $_size__tile_overlayer_lowered;
	s6 =	simm.s32 $_tile_overlayer_lowered  }
0x9b: {  	s22 =	simm.s32 $0x1BFF;
	s21 =	sshll.u32 s6, $0x1;
	s3 =	sadd.s32 s4, s19  }
0x9c: {  	s7 =	simm.s32 $0x0;
	s20 =	sshll.u32 s5, $0x1;
	s5 =	sadd.s32 s21, s3  }
0x9d: {  	[timem:s7], [sflag:s22] =	dma.local [hbm:s5], s20  }
0x9e: {  	_ =	swait.ge [sflag:s22], s20  }
0x9f: {  	s4 =	ssub.s32 $0x0, s20;
	[sflag:s22] =	ssyncset.done $0x0  }
0xa0: {  	[sflag:s22] =	ssyncadd.s32 s4;
	_ =	sdelay $0x1  }
0xa1: {  	s23 =	simm.s32 $0x1B8B  }
0xa2: {  	_ =	swait.ge [sflag:s23], $0x1  }
0xa3: {  	[sflag:s23] =	ssyncset.done $0x0  }
0xa4: {  	s25 =	simm.s32 $0x1B8E;
	s24 =	sld [smem:$0x3FFE];
	[sflag:s23] =	ssyncadd.s32 $0xFFFFFFFF  }
0xa5: {  	s26 =	simm.s32 $execute0_lowered;
	[smem:$0x3FD2] =	sst s25  }
0xa6: {  	s5 =	sshll.u32 s26, $0x1;
	_ =	strace $0x8000004C;
	[dreg:$0x1] =	wrdreg $0xFFFFFFFF  }
0xa7: {  	s28 =	simm.s32 $_size_execute0_lowered;
	s3 =	sadd.s32 s3, s5;
	[dreg:$0x0] =	wrdreg $0x0  }
0xa8: {  	s5 =	sshll.u32 s28, $0x1;
	[dreg:$0x2] =	wrdreg s3  }
0xa9: {  	[dreg:$0x3] =	wrdreg s5  }
0xaa: {  	[dreg:$0x4] =	wrdreg $0xC0  }
0xab: {  	_ =	task [dreg:s7], $0x5FFFF  }
0xac: {  	[dreg:$0x1] =	wrdreg $0xFFFFFFFF  }
0xad: {  	[dreg:$0x0] =	wrdreg $0x60  }
0xae: {  	[dreg:$0x2] =	wrdreg s2  }
0xaf: {  	[dreg:$0x3] =	wrdreg s24  }
0xb0: {  	[dreg:$0x4] =	wrdreg $0x90000  }
0xb1: {  	[dreg:$0x5] =	wrdreg $0x9  }
0xb2: {  	_ =	task.clear_ibuf [dreg:s7], $0x6FFFF;
	_ =	strace $0x9000004C  }
0xb3: {  	s29 =	simm.s32 $0x9;
	_ =	strace $0x8000004E  }
0xb4: {  	_ =	swait.ge [sflag:s29], $0x1  }
0xb5: {  	[sflag:s29] =	ssyncadd.s32 $0xFFFFFFFF  }
0xb6: {  	_ =	strace $0x9000004E  }
0xb7: {  	_ =	sfence  }
0xb8: {  	s30 =	sld [smem:$0x0];
	_ =	sdelay $0x2  }
0xb9: {  	s31 =	sshll.u32 s1, $0xD;
	s1 =	sshrl.u32 s1, $0x2  }
0xba: {  	s3 =	sand.u32 $0x4000, s31;
	s1 =	sadd.s32 s1, s30  }
0xbb: {  	s0 =	sor.u32 s3, s0;
	s1 =	sshll.u32 s1, $0x11  }
0xbc: {  	s0 =	sor.u32 s1, s0  }
0xbd: {  	s0 =	sadd.s32 $0x8F2B, s0  }
0xbe: {  	[sflag:s0] =	ssyncadd.remote.s32 $0x1  }
0xbf: {  	_ =	sfence.sel $0xFFFF  }
0xc0: {  	[dreg:$0x0] =	wrdreg $0xFFFFFFFF;
	(pc) =	sbr.abs _section_cstart, $3  }
0xc1: {  	[dreg:$0x1] =	wrdreg $0xFFFFFFFF  }
0xc2: {  	_ =	task.clear_ibuf [dreg:s7], $0x2FFFF;
	_ =	strace $0x9FFFFFFF  }
0xc3: {  	(tm) =	ssettm $0x7FFFFFFF  }
tec
execute0_lowered:
.L_overlay_start_1:
0x0: {  	(tag) =	ssettag $0x1  }
0x1: {  	s1 =	rddreg [dreg:$0x0]  }
0x2: {  	s0 =	rddreg [dreg:$0x1];
	s2 =	srdreg.scid  }
0x3: {  	s9 =	stileid.u32;
	s3 =	rddreg [dreg:$0x2];
	s4 =	simm.s32 $0x0  }
0x4: {  	s15 =	simm.s32 $0x100;
	[smem:$0x7FF] =	sst s4;
	s8 =	sadd.s32 $0x1AA00, s0  }
0x5: {  	s16 =	simm.s32 $0x880;
	_ =	strace $0x8000004D;
	[dreg:$0x12] =	wrdreg s8  }
0x6: {  	s17 =	simm.s32 $0x180;
	s18 =	simm.s32 $0x900;
	[dreg:$0x6] =	wrdreg s15  }
0x7: {  	s19 =	simm.s32 $0x200;
	s20 =	simm.s32 $0x980;
	[dreg:$0x7] =	wrdreg s16  }
0x8: {  	s21 =	simm.s32 $0x280;
	s22 =	simm.s32 $0xA00;
	[dreg:$0x8] =	wrdreg s17  }
0x9: {  	s23 =	simm.s32 $0x300;
	s24 =	simm.s32 $0xA80;
	[dreg:$0x9] =	wrdreg s18  }
0xa: {  	s25 =	simm.s32 $0x380;
	s28 =	simm.s32 $0x680;
	[dreg:$0xa] =	wrdreg s19  }
0xb: {  	s29 =	simm.s32 $0xE00;
	s30 =	simm.s32 $0x700;
	[dreg:$0xb] =	wrdreg s20  }
0xc: {  	s31 =	simm.s32 $0xE80;
	s5 =	smul.u32 $0x5000, s9;
	[dreg:$0xc] =	wrdreg s21  }
0xd: {  	s2 =	sand.u32 $0x1, s2;
	s7 =	smul.u32 $0x50000, s9;
	[dreg:$0xd] =	wrdreg s22  }
0xe: {  	s11 =	sshll.u32 s9, $0x6;
	s14 =	smul.u32 $0x2800, s9;
	[dreg:$0xe] =	wrdreg s23  }
0xf: {  	s9 =	simm.s32 $0x0;
	s6 =	smul.u32 $0x2800, s2;
	[dreg:$0xf] =	wrdreg s24  }
0x10: {  	s26 =	ssub.s32 $0x2, s2;
	p0 =	seq.s32 s2, $0x1;
	[dreg:$0x10] =	wrdreg s25  }
0x11: {  	s15 =	simm.s32 $0x1;
	s16 =	simm.s32 $0x2;
	s17 =	simm.s32 $0x400  }
0x12: {  	s18 =	simm.s32 $0xB80;
	s19 =	simm.s32 $0x480;
	s20 =	simm.s32 $0xC00  }
0x13: {  	s21 =	simm.s32 $0x500;
	s22 =	simm.s32 $0xC80;
	s23 =	simm.s32 $0x580  }
0x14: {  	s24 =	simm.s32 $0xD00;
	s25 =	simm.s32 $0x600;
	s2 =	simm.s32 $0x780  }
0x15: {  	s10 =	sshrl.u32 s26, $0x1;
	s7 =	sshrl.u32 s7, $0x2;
	s5 =	sadd.s32 s6, s5  }
0x16: {  	s6 =	ssub.s32 s26, s10;
	s7 =	sadd.s32 s7, s3;
	s10 =	sor.u32 $0x1C03, s11  }
0x17: {  	s11 =	simm.s32 $0x800;
	s26 =	simm.s32 $0xB00;
	s5 =	sshrl.u32 s5, $0x3  }
0x18: {  	s6 =	smax.u32 s6, $0x1;
	s8 =	sshrl.u32 s7, $0x3;
	[dreg:$0x11] =	wrdreg s26  }
0x19: {  	s7 =	smov.u32 s10;
	s10 =	simm.s32 $0x3;
	[dreg:$0x14] =	wrdreg s6  }
0x1a: {  	s26 =	simm.s32 $0xD80;
	s5 =	sadd.s32 s5, s0;
	[dreg:$0x13] =	wrdreg s7  }
0x1b: {  	s6 =	simm.s32 $0x6D200;
	[dreg:$0x16] =	wrdreg s8;
	s12 =	sadd.s32 $0x10200, s5  }
0x1c: {  	s13 =	sadd.s32 $0x6200, s5;
	s6 =	simm.s32 @!p0 $0x45200;
	[dreg:$0x4] =	wrdreg s12  }
0x1d: {  	s5 =	simm.s32 $0xF80;
	[dreg:$0x5] =	wrdreg s13;
	s0 =	sadd.s32 s6, s0  }
0x1e: {  	s12 =	simm.s32 $0x80;
	s13 =	simm.s32 $0x1000;
	s0 =	sadd.s32 s0, s14  }
0x1f: {  	s14 =	simm.s32 $0x5000;
	[dreg:$0x15] =	wrdreg s0;
	s0 =	simm.s32 $0xF00  }
.LBB2_1:
0x20: {  	[dreg:$0x17] =	wrdreg s9  }
0x21: {  	s6 =	rddreg [dreg:$0x12]  }
0x22: {  	[spmem:s8], [sflag:s7] =	dma.local [hbm:s6], $0x2800  }
0x23: {  	_ =	swait.ge [sflag:s10], $0x2800  }
0x24: {  	[sflag:s10] =	ssyncset.done $0x0  }
0x25: {  	[sflag:s10] =	ssyncadd.s32 $0xFFFFD800  }
0x26: {  	[bflag:$0x0] =	sbarrier.arrive $0xFFFF  }
0x27: {  	s8 =	rddreg [dreg:$0x5]  }
0x28: {  	s6 =	sadd.s32 $0x0, s8  }
0x29: {  	[tilespmem:s4], [sflag:$0x3] =	stream.linear.gather [hbm4b:s6+s4], $0x800, $0x38;
	[tilespmem:$0x1D000] =	vst v63  }
0x2a: {  	_ =	swait.ge [sflag:s10], $0x800  }
0x2b: {  	s9 =	rddreg [dreg:$0x4];
	[sflag:s10] =	ssyncset.done $0x0  }
0x2c: {  	[sflag:s10] =	ssyncadd.s32 $0xFFFFF800;
	s6 =	sadd.s32 $0x0, s9  }
0x2d: {  	[tilespmem:s11], [sflag:$0x3] =	stream.linear.gather [hbm4b:s6+s4], $0x800, $0x38;
	[tilespmem:$0x1D000] =	vst v63  }
0x2e: {  	_ =	swait.ge [sflag:s10], $0x800  }
0x2f: {  	[sflag:s10] =	ssyncset.done $0x0  }
0x30: {  	[sflag:s10] =	ssyncadd.s32 $0xFFFFF800  }
0x31: {  	[tilespmem:s13], [sflag:$0x1] =	stream.indirect.gather [hbm4b:s1+s12], $0x80, s4, s12, $0xb8;
	[tilespmem:$0x1D000] =	vst v63  }
0x32: {  	_ = 	snop  }
0x33: {  	[tilespmem:s14], [sflag:$0x2] =	stream.indirect.gather [hbm4b:s1+s12], $0x80, s12, s12, $0xb8;
	[tilespmem:$0x1D000] =	vst v63  }
0x34: {  	_ =	swait.ge [sflag:s15], $0x4000  }
0x35: {  	[sflag:s15] =	ssyncset.done $0x0  }
0x36: {  	[sflag:s15] =	ssyncadd.s32 $0xFFFFC000  }
0x37: {  	[spmem:s3] =	stream.indirect.scatter.add.f32 [tilespmem:s13], [sflag:$0x3], $0x80, s11, s12, $0xb8;
	[tilespmem:$0x1D000] =	vst v63  }
0x38: {  	_ =	swait.ge [sflag:s10], $0x4000  }
0x39: {  	[sflag:s10] =	ssyncset.done $0x0  }
0x3a: {  	s7 =	rddreg [dreg:$0x6];
	[sflag:s10] =	ssyncadd.s32 $0xFFFFC000  }
0x3b: {  	[tilespmem:s13], [sflag:$0x1] =	stream.indirect.gather [hbm4b:s1+s12], $0x80, s7, s12, $0xb8;
	[tilespmem:$0x1D000] =	vst v63  }
0x3c: {  	_ =	swait.ge [sflag:s16], $0x4000  }
0x3d: {  	[sflag:s16] =	ssyncset.done $0x0  }
0x3e: {  	s8 =	rddreg [dreg:$0x7];
	[sflag:s16] =	ssyncadd.s32 $0xFFFFC000  }
0x3f: {  	[spmem:s3] =	stream.indirect.scatter.add.f32 [tilespmem:s14], [sflag:$0x3], $0x80, s8, s12, $0xb8;
	[tilespmem:$0x1D000] =	vst v63  }
0x40: {  	_ =	swait.ge [sflag:s10], $0x4000  }
0x41: {  	[sflag:s10] =	ssyncset.done $0x0  }
0x42: {  	s9 =	rddreg [dreg:$0x8];
	[sflag:s10] =	ssyncadd.s32 $0xFFFFC000  }
0x43: {  	[tilespmem:s14], [sflag:$0x2] =	stream.indirect.gather [hbm4b:s1+s12], $0x80, s9, s12, $0xb8;
	[tilespmem:$0x1D000] =	vst v63  }
0x44: {  	_ =	swait.ge [sflag:s15], $0x4000  }
0x45: {  	[sflag:s15] =	ssyncset.done $0x0  }
0x46: {  	s7 =	rddreg [dreg:$0x9];
	[sflag:s15] =	ssyncadd.s32 $0xFFFFC000  }
0x47: {  	[spmem:s3] =	stream.indirect.scatter.add.f32 [tilespmem:s13], [sflag:$0x3], $0x80, s7, s12, $0xb8;
	[tilespmem:$0x1D000] =	vst v63  }
0x48: {  	_ =	swait.ge [sflag:s10], $0x4000  }
0x49: {  	[sflag:s10] =	ssyncset.done $0x0  }
0x4a: {  	s8 =	rddreg [dreg:$0xa];
	[sflag:s10] =	ssyncadd.s32 $0xFFFFC000  }
0x4b: {  	[tilespmem:s13], [sflag:$0x1] =	stream.indirect.gather [hbm4b:s1+s12], $0x80, s8, s12, $0xb8;
	[tilespmem:$0x1D000] =	vst v63  }
0x4c: {  	_ =	swait.ge [sflag:s16], $0x4000  }
0x4d: {  	[sflag:s16] =	ssyncset.done $0x0  }
0x4e: {  	s9 =	rddreg [dreg:$0xb];
	[sflag:s16] =	ssyncadd.s32 $0xFFFFC000  }
0x4f: {  	[spmem:s3] =	stream.indirect.scatter.add.f32 [tilespmem:s14], [sflag:$0x3], $0x80, s9, s12, $0xb8;
	[tilespmem:$0x1D000] =	vst v63  }
0x50: {  	_ =	swait.ge [sflag:s10], $0x4000  }
0x51: {  	[sflag:s10] =	ssyncset.done $0x0  }
0x52: {  	s7 =	rddreg [dreg:$0xc];
	[sflag:s10] =	ssyncadd.s32 $0xFFFFC000  }
0x53: {  	[tilespmem:s14], [sflag:$0x2] =	stream.indirect.gather [hbm4b:s1+s12], $0x80, s7, s12, $0xb8;
	[tilespmem:$0x1D000] =	vst v63  }
0x54: {  	_ =	swait.ge [sflag:s15], $0x4000  }
0x55: {  	[sflag:s15] =	ssyncset.done $0x0  }
0x56: {  	s8 =	rddreg [dreg:$0xd];
	[sflag:s15] =	ssyncadd.s32 $0xFFFFC000  }
0x57: {  	[spmem:s3] =	stream.indirect.scatter.add.f32 [tilespmem:s13], [sflag:$0x3], $0x80, s8, s12, $0xb8;
	[tilespmem:$0x1D000] =	vst v63  }
0x58: {  	_ =	swait.ge [sflag:s10], $0x4000  }
0x59: {  	[sflag:s10] =	ssyncset.done $0x0  }
0x5a: {  	s9 =	rddreg [dreg:$0xe];
	[sflag:s10] =	ssyncadd.s32 $0xFFFFC000  }
0x5b: {  	[tilespmem:s13], [sflag:$0x1] =	stream.indirect.gather [hbm4b:s1+s12], $0x80, s9, s12, $0xb8;
	[tilespmem:$0x1D000] =	vst v63  }
0x5c: {  	_ =	swait.ge [sflag:s16], $0x4000  }
0x5d: {  	[sflag:s16] =	ssyncset.done $0x0  }
0x5e: {  	s7 =	rddreg [dreg:$0xf];
	[sflag:s16] =	ssyncadd.s32 $0xFFFFC000  }
0x5f: {  	[spmem:s3] =	stream.indirect.scatter.add.f32 [tilespmem:s14], [sflag:$0x3], $0x80, s7, s12, $0xb8;
	[tilespmem:$0x1D000] =	vst v63  }
0x60: {  	_ =	swait.ge [sflag:s10], $0x4000  }
0x61: {  	[sflag:s10] =	ssyncset.done $0x0  }
0x62: {  	s8 =	rddreg [dreg:$0x10];
	[sflag:s10] =	ssyncadd.s32 $0xFFFFC000  }
0x63: {  	[tilespmem:s14], [sflag:$0x2] =	stream.indirect.gather [hbm4b:s1+s12], $0x80, s8, s12, $0xb8;
	[tilespmem:$0x1D000] =	vst v63  }
0x64: {  	_ =	swait.ge [sflag:s15], $0x4000  }
0x65: {  	[sflag:s15] =	ssyncset.done $0x0  }
0x66: {  	s9 =	rddreg [dreg:$0x11];
	[sflag:s15] =	ssyncadd.s32 $0xFFFFC000  }
0x67: {  	[spmem:s3] =	stream.indirect.scatter.add.f32 [tilespmem:s13], [sflag:$0x3], $0x80, s9, s12, $0xb8;
	[tilespmem:$0x1D000] =	vst v63  }
0x68: {  	_ =	swait.ge [sflag:s10], $0x4000  }
0x69: {  	[sflag:s10] =	ssyncset.done $0x0  }
0x6a: {  	[sflag:s10] =	ssyncadd.s32 $0xFFFFC000  }
0x6b: {  	[tilespmem:s13], [sflag:$0x1] =	stream.indirect.gather [hbm4b:s1+s12], $0x80, s17, s12, $0xb8;
	[tilespmem:$0x1D000] =	vst v63  }
0x6c: {  	_ =	swait.ge [sflag:s16], $0x4000  }
0x6d: {  	[sflag:s16] =	ssyncset.done $0x0  }
0x6e: {  	[sflag:s16] =	ssyncadd.s32 $0xFFFFC000  }
0x6f: {  	[spmem:s3] =	stream.indirect.scatter.add.f32 [tilespmem:s14], [sflag:$0x3], $0x80, s18, s12, $0xb8;
	[tilespmem:$0x1D000] =	vst v63  }
0x70: {  	_ =	swait.ge [sflag:s10], $0x4000  }
0x71: {  	[sflag:s10] =	ssyncset.done $0x0  }
0x72: {  	[sflag:s10] =	ssyncadd.s32 $0xFFFFC000  }
0x73: {  	[tilespmem:s14], [sflag:$0x2] =	stream.indirect.gather [hbm4b:s1+s12], $0x80, s19, s12, $0xb8;
	[tilespmem:$0x1D000] =	vst v63  }
0x74: {  	_ =	swait.ge [sflag:s15], $0x4000  }
0x75: {  	[sflag:s15] =	ssyncset.done $0x0  }
0x76: {  	[sflag:s15] =	ssyncadd.s32 $0xFFFFC000  }
0x77: {  	[spmem:s3] =	stream.indirect.scatter.add.f32 [tilespmem:s13], [sflag:$0x3], $0x80, s20, s12, $0xb8;
	[tilespmem:$0x1D000] =	vst v63  }
0x78: {  	_ =	swait.ge [sflag:s10], $0x4000  }
0x79: {  	[sflag:s10] =	ssyncset.done $0x0  }
0x7a: {  	[sflag:s10] =	ssyncadd.s32 $0xFFFFC000  }
0x7b: {  	[tilespmem:s13], [sflag:$0x1] =	stream.indirect.gather [hbm4b:s1+s12], $0x80, s21, s12, $0xb8;
	[tilespmem:$0x1D000] =	vst v63  }
0x7c: {  	_ =	swait.ge [sflag:s16], $0x4000  }
0x7d: {  	[sflag:s16] =	ssyncset.done $0x0  }
0x7e: {  	[sflag:s16] =	ssyncadd.s32 $0xFFFFC000  }
0x7f: {  	[spmem:s3] =	stream.indirect.scatter.add.f32 [tilespmem:s14], [sflag:$0x3], $0x80, s22, s12, $0xb8;
	[tilespmem:$0x1D000] =	vst v63  }
0x80: {  	_ =	swait.ge [sflag:s10], $0x4000  }
0x81: {  	[sflag:s10] =	ssyncset.done $0x0  }
0x82: {  	[sflag:s10] =	ssyncadd.s32 $0xFFFFC000  }
0x83: {  	[tilespmem:s14], [sflag:$0x2] =	stream.indirect.gather [hbm4b:s1+s12], $0x80, s23, s12, $0xb8;
	[tilespmem:$0x1D000] =	vst v63  }
0x84: {  	_ =	swait.ge [sflag:s15], $0x4000  }
0x85: {  	[sflag:s15] =	ssyncset.done $0x0  }
0x86: {  	[sflag:s15] =	ssyncadd.s32 $0xFFFFC000  }
0x87: {  	[spmem:s3] =	stream.indirect.scatter.add.f32 [tilespmem:s13], [sflag:$0x3], $0x80, s24, s12, $0xb8;
	[tilespmem:$0x1D000] =	vst v63  }
0x88: {  	_ =	swait.ge [sflag:s10], $0x4000  }
0x89: {  	[sflag:s10] =	ssyncset.done $0x0  }
0x8a: {  	[sflag:s10] =	ssyncadd.s32 $0xFFFFC000  }
0x8b: {  	[tilespmem:s13], [sflag:$0x1] =	stream.indirect.gather [hbm4b:s1+s12], $0x80, s25, s12, $0xb8;
	[tilespmem:$0x1D000] =	vst v63  }
0x8c: {  	_ =	swait.ge [sflag:s16], $0x4000  }
0x8d: {  	[sflag:s16] =	ssyncset.done $0x0  }
0x8e: {  	[sflag:s16] =	ssyncadd.s32 $0xFFFFC000  }
0x8f: {  	[spmem:s3] =	stream.indirect.scatter.add.f32 [tilespmem:s14], [sflag:$0x3], $0x80, s26, s12, $0xb8;
	[tilespmem:$0x1D000] =	vst v63  }
0x90: {  	_ =	swait.ge [sflag:s10], $0x4000  }
0x91: {  	[sflag:s10] =	ssyncset.done $0x0  }
0x92: {  	[sflag:s10] =	ssyncadd.s32 $0xFFFFC000  }
0x93: {  	[tilespmem:s14], [sflag:$0x2] =	stream.indirect.gather [hbm4b:s1+s12], $0x80, s28, s12, $0xb8;
	[tilespmem:$0x1D000] =	vst v63  }
0x94: {  	_ =	swait.ge [sflag:s15], $0x4000  }
0x95: {  	[sflag:s15] =	ssyncset.done $0x0  }
0x96: {  	[sflag:s15] =	ssyncadd.s32 $0xFFFFC000  }
0x97: {  	[spmem:s3] =	stream.indirect.scatter.add.f32 [tilespmem:s13], [sflag:$0x3], $0x80, s29, s12, $0xb8;
	[tilespmem:$0x1D000] =	vst v63  }
0x98: {  	_ =	swait.ge [sflag:s10], $0x4000  }
0x99: {  	[sflag:s10] =	ssyncset.done $0x0  }
0x9a: {  	[sflag:s10] =	ssyncadd.s32 $0xFFFFC000  }
0x9b: {  	[tilespmem:s13], [sflag:$0x1] =	stream.indirect.gather [hbm4b:s1+s12], $0x80, s30, s12, $0xb8;
	[tilespmem:$0x1D000] =	vst v63  }
0x9c: {  	_ =	swait.ge [sflag:s16], $0x4000  }
0x9d: {  	[sflag:s16] =	ssyncset.done $0x0  }
0x9e: {  	[sflag:s16] =	ssyncadd.s32 $0xFFFFC000  }
0x9f: {  	[spmem:s3] =	stream.indirect.scatter.add.f32 [tilespmem:s14], [sflag:$0x3], $0x80, s31, s12, $0xb8;
	[tilespmem:$0x1D000] =	vst v63  }
0xa0: {  	_ =	swait.ge [sflag:s10], $0x4000  }
0xa1: {  	[sflag:s10] =	ssyncset.done $0x0  }
0xa2: {  	[sflag:s10] =	ssyncadd.s32 $0xFFFFC000  }
0xa3: {  	[tilespmem:s14], [sflag:$0x2] =	stream.indirect.gather [hbm4b:s1+s12], $0x80, s2, s12, $0xb8;
	[tilespmem:$0x1D000] =	vst v63  }
0xa4: {  	_ =	swait.ge [sflag:s15], $0x4000  }
0xa5: {  	[sflag:s15] =	ssyncset.done $0x0  }
0xa6: {  	[sflag:s15] =	ssyncadd.s32 $0xFFFFC000  }
0xa7: {  	[spmem:s3] =	stream.indirect.scatter.add.f32 [tilespmem:s13], [sflag:$0x3], $0x80, s0, s12, $0xb8;
	[tilespmem:$0x1D000] =	vst v63  }
0xa8: {  	_ =	swait.ge [sflag:s10], $0x4000  }
0xa9: {  	[sflag:s10] =	ssyncset.done $0x0  }
0xaa: {  	[sflag:s10] =	ssyncadd.s32 $0xFFFFC000  }
0xab: {  	_ =	swait.ge [sflag:s16], $0x4000  }
0xac: {  	[sflag:s16] =	ssyncset.done $0x0  }
0xad: {  	[sflag:s16] =	ssyncadd.s32 $0xFFFFC000  }
0xae: {  	[spmem:s3] =	stream.indirect.scatter.add.f32 [tilespmem:s14], [sflag:$0x3], $0x80, s5, s12, $0xb8;
	[tilespmem:$0x1D000] =	vst v63  }
0xaf: {  	s6 =	simm.s32 $0x200;
	_ =	swait.ge [sflag:s10], $0x4000  }
0xb0: {  	s8 =	simm.s32 $0x100;
	s9 =	rddreg [dreg:$0x5];
	[sflag:s10] =	ssyncset.done $0x0  }
.LBB2_2:
0xb1: {  	[sflag:s10] =	ssyncadd.s32 $0xFFFFC000;
	s9 =	sadd.s32 s8, s9  }
0xb2: {  	[tilespmem:s4], [sflag:$0x3] =	stream.linear.gather [hbm4b:s9+s4], $0x800, $0x38;
	[tilespmem:$0x1D000] =	vst v63  }
0xb3: {  	_ =	swait.ge [sflag:s10], $0x800  }
0xb4: {  	s9 =	rddreg [dreg:$0x4];
	[sflag:s10] =	ssyncset.done $0x0  }
0xb5: {  	[sflag:s10] =	ssyncadd.s32 $0xFFFFF800;
	s9 =	sadd.s32 s8, s9  }
0xb6: {  	[tilespmem:s11], [sflag:$0x3] =	stream.linear.gather [hbm4b:s9+s4], $0x800, $0x38;
	[tilespmem:$0x1D000] =	vst v63  }
0xb7: {  	_ =	swait.ge [sflag:s10], $0x800  }
0xb8: {  	[sflag:s10] =	ssyncset.done $0x0  }
0xb9: {  	[sflag:s10] =	ssyncadd.s32 $0xFFFFF800  }
0xba: {  	[tilespmem:s13], [sflag:$0x1] =	stream.indirect.gather [hbm4b:s1+s12], $0x80, s4, s12, $0xb8;
	[tilespmem:$0x1D000] =	vst v63  }
0xbb: {  	_ = 	snop  }
0xbc: {  	[tilespmem:s14], [sflag:$0x2] =	stream.indirect.gather [hbm4b:s1+s12], $0x80, s12, s12, $0xb8;
	[tilespmem:$0x1D000] =	vst v63  }
0xbd: {  	_ =	swait.ge [sflag:s15], $0x4000  }
0xbe: {  	[sflag:s15] =	ssyncset.done $0x0  }
0xbf: {  	[sflag:s15] =	ssyncadd.s32 $0xFFFFC000  }
0xc0: {  	[spmem:s3] =	stream.indirect.scatter.add.f32 [tilespmem:s13], [sflag:$0x3], $0x80, s11, s12, $0xb8;
	[tilespmem:$0x1D000] =	vst v63  }
0xc1: {  	_ =	swait.ge [sflag:s10], $0x4000  }
0xc2: {  	[sflag:s10] =	ssyncset.done $0x0  }
0xc3: {  	s9 =	rddreg [dreg:$0x6];
	[sflag:s10] =	ssyncadd.s32 $0xFFFFC000  }
0xc4: {  	[tilespmem:s13], [sflag:$0x1] =	stream.indirect.gather [hbm4b:s1+s12], $0x80, s9, s12, $0xb8;
	[tilespmem:$0x1D000] =	vst v63  }
0xc5: {  	_ =	swait.ge [sflag:s16], $0x4000  }
0xc6: {  	[sflag:s16] =	ssyncset.done $0x0  }
0xc7: {  	s9 =	rddreg [dreg:$0x7];
	[sflag:s16] =	ssyncadd.s32 $0xFFFFC000  }
0xc8: {  	[spmem:s3] =	stream.indirect.scatter.add.f32 [tilespmem:s14], [sflag:$0x3], $0x80, s9, s12, $0xb8;
	[tilespmem:$0x1D000] =	vst v63  }
0xc9: {  	_ =	swait.ge [sflag:s10], $0x4000  }
0xca: {  	[sflag:s10] =	ssyncset.done $0x0  }
0xcb: {  	s9 =	rddreg [dreg:$0x8];
	[sflag:s10] =	ssyncadd.s32 $0xFFFFC000  }
0xcc: {  	[tilespmem:s14], [sflag:$0x2] =	stream.indirect.gather [hbm4b:s1+s12], $0x80, s9, s12, $0xb8;
	[tilespmem:$0x1D000] =	vst v63  }
0xcd: {  	_ =	swait.ge [sflag:s15], $0x4000  }
0xce: {  	[sflag:s15] =	ssyncset.done $0x0  }
0xcf: {  	s9 =	rddreg [dreg:$0x9];
	[sflag:s15] =	ssyncadd.s32 $0xFFFFC000  }
0xd0: {  	[spmem:s3] =	stream.indirect.scatter.add.f32 [tilespmem:s13], [sflag:$0x3], $0x80, s9, s12, $0xb8;
	[tilespmem:$0x1D000] =	vst v63  }
0xd1: {  	_ =	swait.ge [sflag:s10], $0x4000  }
0xd2: {  	[sflag:s10] =	ssyncset.done $0x0  }
0xd3: {  	s9 =	rddreg [dreg:$0xa];
	[sflag:s10] =	ssyncadd.s32 $0xFFFFC000  }
0xd4: {  	[tilespmem:s13], [sflag:$0x1] =	stream.indirect.gather [hbm4b:s1+s12], $0x80, s9, s12, $0xb8;
	[tilespmem:$0x1D000] =	vst v63  }
0xd5: {  	_ =	swait.ge [sflag:s16], $0x4000  }
0xd6: {  	[sflag:s16] =	ssyncset.done $0x0  }
0xd7: {  	s9 =	rddreg [dreg:$0xb];
	[sflag:s16] =	ssyncadd.s32 $0xFFFFC000  }
0xd8: {  	[spmem:s3] =	stream.indirect.scatter.add.f32 [tilespmem:s14], [sflag:$0x3], $0x80, s9, s12, $0xb8;
	[tilespmem:$0x1D000] =	vst v63  }
0xd9: {  	_ =	swait.ge [sflag:s10], $0x4000  }
0xda: {  	[sflag:s10] =	ssyncset.done $0x0  }
0xdb: {  	s9 =	rddreg [dreg:$0xc];
	[sflag:s10] =	ssyncadd.s32 $0xFFFFC000  }
0xdc: {  	[tilespmem:s14], [sflag:$0x2] =	stream.indirect.gather [hbm4b:s1+s12], $0x80, s9, s12, $0xb8;
	[tilespmem:$0x1D000] =	vst v63  }
0xdd: {  	_ =	swait.ge [sflag:s15], $0x4000  }
0xde: {  	[sflag:s15] =	ssyncset.done $0x0  }
0xdf: {  	s9 =	rddreg [dreg:$0xd];
	[sflag:s15] =	ssyncadd.s32 $0xFFFFC000  }
0xe0: {  	[spmem:s3] =	stream.indirect.scatter.add.f32 [tilespmem:s13], [sflag:$0x3], $0x80, s9, s12, $0xb8;
	[tilespmem:$0x1D000] =	vst v63  }
0xe1: {  	_ =	swait.ge [sflag:s10], $0x4000  }
0xe2: {  	[sflag:s10] =	ssyncset.done $0x0  }
0xe3: {  	s9 =	rddreg [dreg:$0xe];
	[sflag:s10] =	ssyncadd.s32 $0xFFFFC000  }
0xe4: {  	[tilespmem:s13], [sflag:$0x1] =	stream.indirect.gather [hbm4b:s1+s12], $0x80, s9, s12, $0xb8;
	[tilespmem:$0x1D000] =	vst v63  }
0xe5: {  	_ =	swait.ge [sflag:s16], $0x4000  }
0xe6: {  	[sflag:s16] =	ssyncset.done $0x0  }
0xe7: {  	s9 =	rddreg [dreg:$0xf];
	[sflag:s16] =	ssyncadd.s32 $0xFFFFC000  }
0xe8: {  	[spmem:s3] =	stream.indirect.scatter.add.f32 [tilespmem:s14], [sflag:$0x3], $0x80, s9, s12, $0xb8;
	[tilespmem:$0x1D000] =	vst v63  }
0xe9: {  	_ =	swait.ge [sflag:s10], $0x4000  }
0xea: {  	[sflag:s10] =	ssyncset.done $0x0  }
0xeb: {  	s9 =	rddreg [dreg:$0x10];
	[sflag:s10] =	ssyncadd.s32 $0xFFFFC000  }
0xec: {  	[tilespmem:s14], [sflag:$0x2] =	stream.indirect.gather [hbm4b:s1+s12], $0x80, s9, s12, $0xb8;
	[tilespmem:$0x1D000] =	vst v63  }
0xed: {  	_ =	swait.ge [sflag:s15], $0x4000  }
0xee: {  	[sflag:s15] =	ssyncset.done $0x0  }
0xef: {  	s9 =	rddreg [dreg:$0x11];
	[sflag:s15] =	ssyncadd.s32 $0xFFFFC000  }
0xf0: {  	[spmem:s3] =	stream.indirect.scatter.add.f32 [tilespmem:s13], [sflag:$0x3], $0x80, s9, s12, $0xb8;
	[tilespmem:$0x1D000] =	vst v63  }
0xf1: {  	_ =	swait.ge [sflag:s10], $0x4000  }
0xf2: {  	[sflag:s10] =	ssyncset.done $0x0  }
0xf3: {  	[sflag:s10] =	ssyncadd.s32 $0xFFFFC000  }
0xf4: {  	[tilespmem:s13], [sflag:$0x1] =	stream.indirect.gather [hbm4b:s1+s12], $0x80, s17, s12, $0xb8;
	[tilespmem:$0x1D000] =	vst v63  }
0xf5: {  	_ =	swait.ge [sflag:s16], $0x4000  }
0xf6: {  	[sflag:s16] =	ssyncset.done $0x0  }
0xf7: {  	[sflag:s16] =	ssyncadd.s32 $0xFFFFC000  }
0xf8: {  	[spmem:s3] =	stream.indirect.scatter.add.f32 [tilespmem:s14], [sflag:$0x3], $0x80, s18, s12, $0xb8;
	[tilespmem:$0x1D000] =	vst v63  }
0xf9: {  	_ =	swait.ge [sflag:s10], $0x4000  }
0xfa: {  	[sflag:s10] =	ssyncset.done $0x0  }
0xfb: {  	[sflag:s10] =	ssyncadd.s32 $0xFFFFC000  }
0xfc: {  	[tilespmem:s14], [sflag:$0x2] =	stream.indirect.gather [hbm4b:s1+s12], $0x80, s19, s12, $0xb8;
	[tilespmem:$0x1D000] =	vst v63  }
0xfd: {  	_ =	swait.ge [sflag:s15], $0x4000  }
0xfe: {  	[sflag:s15] =	ssyncset.done $0x0  }
0xff: {  	[sflag:s15] =	ssyncadd.s32 $0xFFFFC000  }
0x100: {  	[spmem:s3] =	stream.indirect.scatter.add.f32 [tilespmem:s13], [sflag:$0x3], $0x80, s20, s12, $0xb8;
	[tilespmem:$0x1D000] =	vst v63  }
0x101: {  	_ =	swait.ge [sflag:s10], $0x4000  }
0x102: {  	[sflag:s10] =	ssyncset.done $0x0  }
0x103: {  	[sflag:s10] =	ssyncadd.s32 $0xFFFFC000  }
0x104: {  	[tilespmem:s13], [sflag:$0x1] =	stream.indirect.gather [hbm4b:s1+s12], $0x80, s21, s12, $0xb8;
	[tilespmem:$0x1D000] =	vst v63  }
0x105: {  	_ =	swait.ge [sflag:s16], $0x4000  }
0x106: {  	[sflag:s16] =	ssyncset.done $0x0  }
0x107: {  	[sflag:s16] =	ssyncadd.s32 $0xFFFFC000  }
0x108: {  	[spmem:s3] =	stream.indirect.scatter.add.f32 [tilespmem:s14], [sflag:$0x3], $0x80, s22, s12, $0xb8;
	[tilespmem:$0x1D000] =	vst v63  }
0x109: {  	_ =	swait.ge [sflag:s10], $0x4000  }
0x10a: {  	[sflag:s10] =	ssyncset.done $0x0  }
0x10b: {  	[sflag:s10] =	ssyncadd.s32 $0xFFFFC000  }
0x10c: {  	[tilespmem:s14], [sflag:$0x2] =	stream.indirect.gather [hbm4b:s1+s12], $0x80, s23, s12, $0xb8;
	[tilespmem:$0x1D000] =	vst v63  }
0x10d: {  	_ =	swait.ge [sflag:s15], $0x4000  }
0x10e: {  	[sflag:s15] =	ssyncset.done $0x0  }
0x10f: {  	[sflag:s15] =	ssyncadd.s32 $0xFFFFC000  }
0x110: {  	[spmem:s3] =	stream.indirect.scatter.add.f32 [tilespmem:s13], [sflag:$0x3], $0x80, s24, s12, $0xb8;
	[tilespmem:$0x1D000] =	vst v63  }
0x111: {  	_ =	swait.ge [sflag:s10], $0x4000  }
0x112: {  	[sflag:s10] =	ssyncset.done $0x0  }
0x113: {  	[sflag:s10] =	ssyncadd.s32 $0xFFFFC000  }
0x114: {  	[tilespmem:s13], [sflag:$0x1] =	stream.indirect.gather [hbm4b:s1+s12], $0x80, s25, s12, $0xb8;
	[tilespmem:$0x1D000] =	vst v63  }
0x115: {  	_ =	swait.ge [sflag:s16], $0x4000  }
0x116: {  	[sflag:s16] =	ssyncset.done $0x0  }
0x117: {  	[sflag:s16] =	ssyncadd.s32 $0xFFFFC000  }
0x118: {  	[spmem:s3] =	stream.indirect.scatter.add.f32 [tilespmem:s14], [sflag:$0x3], $0x80, s26, s12, $0xb8;
	[tilespmem:$0x1D000] =	vst v63  }
0x119: {  	_ =	swait.ge [sflag:s10], $0x4000  }
0x11a: {  	[sflag:s10] =	ssyncset.done $0x0  }
0x11b: {  	[sflag:s10] =	ssyncadd.s32 $0xFFFFC000  }
0x11c: {  	[tilespmem:s14], [sflag:$0x2] =	stream.indirect.gather [hbm4b:s1+s12], $0x80, s28, s12, $0xb8;
	[tilespmem:$0x1D000] =	vst v63  }
0x11d: {  	_ =	swait.ge [sflag:s15], $0x4000  }
0x11e: {  	[sflag:s15] =	ssyncset.done $0x0  }
0x11f: {  	[sflag:s15] =	ssyncadd.s32 $0xFFFFC000  }
0x120: {  	[spmem:s3] =	stream.indirect.scatter.add.f32 [tilespmem:s13], [sflag:$0x3], $0x80, s29, s12, $0xb8;
	[tilespmem:$0x1D000] =	vst v63  }
0x121: {  	_ =	swait.ge [sflag:s10], $0x4000  }
0x122: {  	[sflag:s10] =	ssyncset.done $0x0  }
0x123: {  	[sflag:s10] =	ssyncadd.s32 $0xFFFFC000  }
0x124: {  	[tilespmem:s13], [sflag:$0x1] =	stream.indirect.gather [hbm4b:s1+s12], $0x80, s30, s12, $0xb8;
	[tilespmem:$0x1D000] =	vst v63  }
0x125: {  	_ =	swait.ge [sflag:s16], $0x4000  }
0x126: {  	[sflag:s16] =	ssyncset.done $0x0  }
0x127: {  	[sflag:s16] =	ssyncadd.s32 $0xFFFFC000  }
0x128: {  	[spmem:s3] =	stream.indirect.scatter.add.f32 [tilespmem:s14], [sflag:$0x3], $0x80, s31, s12, $0xb8;
	[tilespmem:$0x1D000] =	vst v63  }
0x129: {  	_ =	swait.ge [sflag:s10], $0x4000  }
0x12a: {  	[sflag:s10] =	ssyncset.done $0x0  }
0x12b: {  	[sflag:s10] =	ssyncadd.s32 $0xFFFFC000  }
0x12c: {  	[tilespmem:s14], [sflag:$0x2] =	stream.indirect.gather [hbm4b:s1+s12], $0x80, s2, s12, $0xb8;
	[tilespmem:$0x1D000] =	vst v63  }
0x12d: {  	_ =	swait.ge [sflag:s15], $0x4000  }
0x12e: {  	[sflag:s15] =	ssyncset.done $0x0  }
0x12f: {  	[sflag:s15] =	ssyncadd.s32 $0xFFFFC000  }
0x130: {  	[spmem:s3] =	stream.indirect.scatter.add.f32 [tilespmem:s13], [sflag:$0x3], $0x80, s0, s12, $0xb8;
	[tilespmem:$0x1D000] =	vst v63  }
0x131: {  	_ =	swait.ge [sflag:s10], $0x4000  }
0x132: {  	[sflag:s10] =	ssyncset.done $0x0  }
0x133: {  	[sflag:s10] =	ssyncadd.s32 $0xFFFFC000  }
0x134: {  	p0 =	sne.s32 s6, $0x400;
	_ =	swait.ge [sflag:s16], $0x4000  }
.Ltmp0:
0x135: {  	[sflag:s16] =	ssyncset.done $0x0;
	(pc) =	sbr.rel @p0 .LBB2_2-.Ltmp0, $4  }
0x136: {  	[sflag:s16] =	ssyncadd.s32 $0xFFFFC000  }
0x137: {  	[spmem:s3] =	stream.indirect.scatter.add.f32 [tilespmem:s14], [sflag:$0x3], $0x80, s5, s12, $0xb8;
	[tilespmem:$0x1D000] =	vst v63  }
0x138: {  	s7 =	smov.u32 s6;
	s6 =	sadd.s32 $0x100, s6;
	_ =	swait.ge [sflag:s10], $0x4000  }
0x139: {  	s8 =	smov.u32 s7;
	s9 =	rddreg [dreg:$0x5];
	[sflag:s10] =	ssyncset.done $0x0  }
0x13a: {  	[sflag:s10] =	ssyncadd.s32 $0xFFFFC000;
	s6 =	sadd.s32 s8, s9  }
0x13b: {  	[tilespmem:s4], [sflag:$0x3] =	stream.linear.gather [hbm4b:s6+s4], $0x800, $0x38;
	[tilespmem:$0x1D000] =	vst v63  }
0x13c: {  	_ =	swait.ge [sflag:s10], $0x800  }
0x13d: {  	s7 =	rddreg [dreg:$0x4];
	[sflag:s10] =	ssyncset.done $0x0  }
0x13e: {  	s6 =	sadd.s32 s8, s7;
	[sflag:s10] =	ssyncadd.s32 $0xFFFFF800  }
0x13f: {  	[tilespmem:s11], [sflag:$0x3] =	stream.linear.gather [hbm4b:s6+s4], $0x800, $0x38;
	[tilespmem:$0x1D000] =	vst v63  }
0x140: {  	_ =	swait.ge [sflag:s10], $0x800  }
0x141: {  	[sflag:s10] =	ssyncset.done $0x0  }
0x142: {  	[sflag:s10] =	ssyncadd.s32 $0xFFFFF800  }
0x143: {  	[tilespmem:s13], [sflag:$0x1] =	stream.indirect.gather [hbm4b:s1+s12], $0x80, s4, s12, $0xb8;
	[tilespmem:$0x1D000] =	vst v63  }
0x144: {  	_ = 	snop  }
0x145: {  	[tilespmem:s14], [sflag:$0x2] =	stream.indirect.gather [hbm4b:s1+s12], $0x80, s12, s12, $0xb8;
	[tilespmem:$0x1D000] =	vst v63  }
0x146: {  	_ =	swait.ge [sflag:s15], $0x4000  }
0x147: {  	[sflag:s15] =	ssyncset.done $0x0  }
0x148: {  	[sflag:s15] =	ssyncadd.s32 $0xFFFFC000  }
0x149: {  	[spmem:s3] =	stream.indirect.scatter.add.f32 [tilespmem:s13], [sflag:$0x3], $0x80, s11, s12, $0xb8;
	[tilespmem:$0x1D000] =	vst v63  }
0x14a: {  	_ =	swait.ge [sflag:s10], $0x4000  }
0x14b: {  	[sflag:s10] =	ssyncset.done $0x0  }
0x14c: {  	s9 =	rddreg [dreg:$0x6];
	[sflag:s10] =	ssyncadd.s32 $0xFFFFC000  }
0x14d: {  	[tilespmem:s13], [sflag:$0x1] =	stream.indirect.gather [hbm4b:s1+s12], $0x80, s9, s12, $0xb8;
	[tilespmem:$0x1D000] =	vst v63  }
0x14e: {  	_ =	swait.ge [sflag:s16], $0x4000  }
0x14f: {  	[sflag:s16] =	ssyncset.done $0x0  }
0x150: {  	s7 =	rddreg [dreg:$0x7];
	[sflag:s16] =	ssyncadd.s32 $0xFFFFC000  }
0x151: {  	[spmem:s3] =	stream.indirect.scatter.add.f32 [tilespmem:s14], [sflag:$0x3], $0x80, s7, s12, $0xb8;
	[tilespmem:$0x1D000] =	vst v63  }
0x152: {  	_ =	swait.ge [sflag:s10], $0x4000  }
0x153: {  	[sflag:s10] =	ssyncset.done $0x0  }
0x154: {  	s8 =	rddreg [dreg:$0x8];
	[sflag:s10] =	ssyncadd.s32 $0xFFFFC000  }
0x155: {  	[tilespmem:s14], [sflag:$0x2] =	stream.indirect.gather [hbm4b:s1+s12], $0x80, s8, s12, $0xb8;
	[tilespmem:$0x1D000] =	vst v63  }
0x156: {  	_ =	swait.ge [sflag:s15], $0x4000  }
0x157: {  	[sflag:s15] =	ssyncset.done $0x0  }
0x158: {  	s9 =	rddreg [dreg:$0x9];
	[sflag:s15] =	ssyncadd.s32 $0xFFFFC000  }
0x159: {  	[spmem:s3] =	stream.indirect.scatter.add.f32 [tilespmem:s13], [sflag:$0x3], $0x80, s9, s12, $0xb8;
	[tilespmem:$0x1D000] =	vst v63  }
0x15a: {  	_ =	swait.ge [sflag:s10], $0x4000  }
0x15b: {  	[sflag:s10] =	ssyncset.done $0x0  }
0x15c: {  	s7 =	rddreg [dreg:$0xa];
	[sflag:s10] =	ssyncadd.s32 $0xFFFFC000  }
0x15d: {  	[tilespmem:s13], [sflag:$0x1] =	stream.indirect.gather [hbm4b:s1+s12], $0x80, s7, s12, $0xb8;
	[tilespmem:$0x1D000] =	vst v63  }
0x15e: {  	_ =	swait.ge [sflag:s16], $0x4000  }
0x15f: {  	[sflag:s16] =	ssyncset.done $0x0  }
0x160: {  	s8 =	rddreg [dreg:$0xb];
	[sflag:s16] =	ssyncadd.s32 $0xFFFFC000  }
0x161: {  	[spmem:s3] =	stream.indirect.scatter.add.f32 [tilespmem:s14], [sflag:$0x3], $0x80, s8, s12, $0xb8;
	[tilespmem:$0x1D000] =	vst v63  }
0x162: {  	_ =	swait.ge [sflag:s10], $0x4000  }
0x163: {  	[sflag:s10] =	ssyncset.done $0x0  }
0x164: {  	s9 =	rddreg [dreg:$0xc];
	[sflag:s10] =	ssyncadd.s32 $0xFFFFC000  }
0x165: {  	[tilespmem:s14], [sflag:$0x2] =	stream.indirect.gather [hbm4b:s1+s12], $0x80, s9, s12, $0xb8;
	[tilespmem:$0x1D000] =	vst v63  }
0x166: {  	_ =	swait.ge [sflag:s15], $0x4000  }
0x167: {  	[sflag:s15] =	ssyncset.done $0x0  }
0x168: {  	s7 =	rddreg [dreg:$0xd];
	[sflag:s15] =	ssyncadd.s32 $0xFFFFC000  }
0x169: {  	[spmem:s3] =	stream.indirect.scatter.add.f32 [tilespmem:s13], [sflag:$0x3], $0x80, s7, s12, $0xb8;
	[tilespmem:$0x1D000] =	vst v63  }
0x16a: {  	_ =	swait.ge [sflag:s10], $0x4000  }
0x16b: {  	[sflag:s10] =	ssyncset.done $0x0  }
0x16c: {  	s8 =	rddreg [dreg:$0xe];
	[sflag:s10] =	ssyncadd.s32 $0xFFFFC000  }
0x16d: {  	[tilespmem:s13], [sflag:$0x1] =	stream.indirect.gather [hbm4b:s1+s12], $0x80, s8, s12, $0xb8;
	[tilespmem:$0x1D000] =	vst v63  }
0x16e: {  	_ =	swait.ge [sflag:s16], $0x4000  }
0x16f: {  	[sflag:s16] =	ssyncset.done $0x0  }
0x170: {  	s9 =	rddreg [dreg:$0xf];
	[sflag:s16] =	ssyncadd.s32 $0xFFFFC000  }
0x171: {  	[spmem:s3] =	stream.indirect.scatter.add.f32 [tilespmem:s14], [sflag:$0x3], $0x80, s9, s12, $0xb8;
	[tilespmem:$0x1D000] =	vst v63  }
0x172: {  	_ =	swait.ge [sflag:s10], $0x4000  }
0x173: {  	[sflag:s10] =	ssyncset.done $0x0  }
0x174: {  	s7 =	rddreg [dreg:$0x10];
	[sflag:s10] =	ssyncadd.s32 $0xFFFFC000  }
0x175: {  	[tilespmem:s14], [sflag:$0x2] =	stream.indirect.gather [hbm4b:s1+s12], $0x80, s7, s12, $0xb8;
	[tilespmem:$0x1D000] =	vst v63  }
0x176: {  	_ =	swait.ge [sflag:s15], $0x4000  }
0x177: {  	[sflag:s15] =	ssyncset.done $0x0  }
0x178: {  	s8 =	rddreg [dreg:$0x11];
	[sflag:s15] =	ssyncadd.s32 $0xFFFFC000  }
0x179: {  	[spmem:s3] =	stream.indirect.scatter.add.f32 [tilespmem:s13], [sflag:$0x3], $0x80, s8, s12, $0xb8;
	[tilespmem:$0x1D000] =	vst v63  }
0x17a: {  	_ =	swait.ge [sflag:s10], $0x4000  }
0x17b: {  	[sflag:s10] =	ssyncset.done $0x0  }
0x17c: {  	[sflag:s10] =	ssyncadd.s32 $0xFFFFC000  }
0x17d: {  	[tilespmem:s13], [sflag:$0x1] =	stream.indirect.gather [hbm4b:s1+s12], $0x80, s17, s12, $0xb8;
	[tilespmem:$0x1D000] =	vst v63  }
0x17e: {  	_ =	swait.ge [sflag:s16], $0x4000  }
0x17f: {  	[sflag:s16] =	ssyncset.done $0x0  }
0x180: {  	[sflag:s16] =	ssyncadd.s32 $0xFFFFC000  }
0x181: {  	[spmem:s3] =	stream.indirect.scatter.add.f32 [tilespmem:s14], [sflag:$0x3], $0x80, s18, s12, $0xb8;
	[tilespmem:$0x1D000] =	vst v63  }
0x182: {  	_ =	swait.ge [sflag:s10], $0x4000  }
0x183: {  	[sflag:s10] =	ssyncset.done $0x0  }
0x184: {  	[sflag:s10] =	ssyncadd.s32 $0xFFFFC000  }
0x185: {  	[tilespmem:s14], [sflag:$0x2] =	stream.indirect.gather [hbm4b:s1+s12], $0x80, s19, s12, $0xb8;
	[tilespmem:$0x1D000] =	vst v63  }
0x186: {  	_ =	swait.ge [sflag:s15], $0x4000  }
0x187: {  	[sflag:s15] =	ssyncset.done $0x0  }
0x188: {  	[sflag:s15] =	ssyncadd.s32 $0xFFFFC000  }
0x189: {  	[spmem:s3] =	stream.indirect.scatter.add.f32 [tilespmem:s13], [sflag:$0x3], $0x80, s20, s12, $0xb8;
	[tilespmem:$0x1D000] =	vst v63  }
0x18a: {  	_ =	swait.ge [sflag:s10], $0x4000  }
0x18b: {  	[sflag:s10] =	ssyncset.done $0x0  }
0x18c: {  	[sflag:s10] =	ssyncadd.s32 $0xFFFFC000  }
0x18d: {  	[tilespmem:s13], [sflag:$0x1] =	stream.indirect.gather [hbm4b:s1+s12], $0x80, s21, s12, $0xb8;
	[tilespmem:$0x1D000] =	vst v63  }
0x18e: {  	_ =	swait.ge [sflag:s16], $0x4000  }
0x18f: {  	[sflag:s16] =	ssyncset.done $0x0  }
0x190: {  	[sflag:s16] =	ssyncadd.s32 $0xFFFFC000  }
0x191: {  	[spmem:s3] =	stream.indirect.scatter.add.f32 [tilespmem:s14], [sflag:$0x3], $0x80, s22, s12, $0xb8;
	[tilespmem:$0x1D000] =	vst v63  }
0x192: {  	_ =	swait.ge [sflag:s10], $0x4000  }
0x193: {  	[sflag:s10] =	ssyncset.done $0x0  }
0x194: {  	[sflag:s10] =	ssyncadd.s32 $0xFFFFC000  }
0x195: {  	[tilespmem:s14], [sflag:$0x2] =	stream.indirect.gather [hbm4b:s1+s12], $0x80, s23, s12, $0xb8;
	[tilespmem:$0x1D000] =	vst v63  }
0x196: {  	_ =	swait.ge [sflag:s15], $0x4000  }
0x197: {  	[sflag:s15] =	ssyncset.done $0x0  }
0x198: {  	[sflag:s15] =	ssyncadd.s32 $0xFFFFC000  }
0x199: {  	[spmem:s3] =	stream.indirect.scatter.add.f32 [tilespmem:s13], [sflag:$0x3], $0x80, s24, s12, $0xb8;
	[tilespmem:$0x1D000] =	vst v63  }
0x19a: {  	_ =	swait.ge [sflag:s10], $0x4000  }
0x19b: {  	[sflag:s10] =	ssyncset.done $0x0  }
0x19c: {  	[sflag:s10] =	ssyncadd.s32 $0xFFFFC000  }
0x19d: {  	[tilespmem:s13], [sflag:$0x1] =	stream.indirect.gather [hbm4b:s1+s12], $0x80, s25, s12, $0xb8;
	[tilespmem:$0x1D000] =	vst v63  }
0x19e: {  	_ =	swait.ge [sflag:s16], $0x4000  }
0x19f: {  	[sflag:s16] =	ssyncset.done $0x0  }
0x1a0: {  	[sflag:s16] =	ssyncadd.s32 $0xFFFFC000  }
0x1a1: {  	[spmem:s3] =	stream.indirect.scatter.add.f32 [tilespmem:s14], [sflag:$0x3], $0x80, s26, s12, $0xb8;
	[tilespmem:$0x1D000] =	vst v63  }
0x1a2: {  	_ =	swait.ge [sflag:s10], $0x4000  }
0x1a3: {  	[sflag:s10] =	ssyncset.done $0x0  }
0x1a4: {  	[sflag:s10] =	ssyncadd.s32 $0xFFFFC000  }
0x1a5: {  	[tilespmem:s14], [sflag:$0x2] =	stream.indirect.gather [hbm4b:s1+s12], $0x80, s28, s12, $0xb8;
	[tilespmem:$0x1D000] =	vst v63  }
0x1a6: {  	_ =	swait.ge [sflag:s15], $0x4000  }
0x1a7: {  	[sflag:s15] =	ssyncset.done $0x0  }
0x1a8: {  	[sflag:s15] =	ssyncadd.s32 $0xFFFFC000  }
0x1a9: {  	[spmem:s3] =	stream.indirect.scatter.add.f32 [tilespmem:s13], [sflag:$0x3], $0x80, s29, s12, $0xb8;
	[tilespmem:$0x1D000] =	vst v63  }
0x1aa: {  	_ =	swait.ge [sflag:s10], $0x4000  }
0x1ab: {  	[sflag:s10] =	ssyncset.done $0x0  }
0x1ac: {  	[sflag:s10] =	ssyncadd.s32 $0xFFFFC000  }
0x1ad: {  	[tilespmem:s13], [sflag:$0x1] =	stream.indirect.gather [hbm4b:s1+s12], $0x80, s30, s12, $0xb8;
	[tilespmem:$0x1D000] =	vst v63  }
0x1ae: {  	_ =	swait.ge [sflag:s16], $0x4000  }
0x1af: {  	[sflag:s16] =	ssyncset.done $0x0  }
0x1b0: {  	[sflag:s16] =	ssyncadd.s32 $0xFFFFC000  }
0x1b1: {  	[spmem:s3] =	stream.indirect.scatter.add.f32 [tilespmem:s14], [sflag:$0x3], $0x80, s31, s12, $0xb8;
	[tilespmem:$0x1D000] =	vst v63  }
0x1b2: {  	_ =	swait.ge [sflag:s10], $0x4000  }
0x1b3: {  	[sflag:s10] =	ssyncset.done $0x0  }
0x1b4: {  	[sflag:s10] =	ssyncadd.s32 $0xFFFFC000  }
0x1b5: {  	[tilespmem:s14], [sflag:$0x2] =	stream.indirect.gather [hbm4b:s1+s12], $0x80, s2, s12, $0xb8;
	[tilespmem:$0x1D000] =	vst v63  }
0x1b6: {  	_ =	swait.ge [sflag:s15], $0x4000  }
0x1b7: {  	[sflag:s15] =	ssyncset.done $0x0  }
0x1b8: {  	[sflag:s15] =	ssyncadd.s32 $0xFFFFC000  }
0x1b9: {  	[spmem:s3] =	stream.indirect.scatter.add.f32 [tilespmem:s13], [sflag:$0x3], $0x80, s0, s12, $0xb8;
	[tilespmem:$0x1D000] =	vst v63  }
0x1ba: {  	_ =	swait.ge [sflag:s10], $0x4000  }
0x1bb: {  	[sflag:s10] =	ssyncset.done $0x0  }
0x1bc: {  	[sflag:s10] =	ssyncadd.s32 $0xFFFFC000  }
0x1bd: {  	_ =	swait.ge [sflag:s16], $0x4000  }
0x1be: {  	[sflag:s16] =	ssyncset.done $0x0  }
0x1bf: {  	[sflag:s16] =	ssyncadd.s32 $0xFFFFC000  }
0x1c0: {  	[spmem:s3] =	stream.indirect.scatter.add.f32 [tilespmem:s14], [sflag:$0x3], $0x80, s5, s12, $0xb8;
	[tilespmem:$0x1D000] =	vst v63  }
0x1c1: {  	_ =	swait.ge [sflag:s10], $0x4000  }
0x1c2: {  	[sflag:s10] =	ssyncset.done $0x0  }
0x1c3: {  	[sflag:s10] =	ssyncadd.s32 $0xFFFFC000  }
0x1c4: {  	[bflag:$0x0] =	sbarrier.arrive $0xFFFF  }
0x1c5: {  	s7 =	rddreg [dreg:$0x13]  }
0x1c6: {  	s9 =	rddreg [dreg:$0x15]  }
0x1c7: {  	s8 =	rddreg [dreg:$0x16]  }
0x1c8: {  	[hbm:s9], [sflag:s7] =	dma.local [spmem:s8], $0x2800  }
0x1c9: {  	_ =	swait.ge [sflag:s10], $0x2800  }
0x1ca: {  	s6 =	rddreg [dreg:$0x17]  }
0x1cb: {  	s9 =	sadd.s32 $0x1, s6;
	s6 =	rddreg [dreg:$0x14]  }
0x1cc: {  	p0 =	sne.s32 s9, s6  }
.Ltmp1:
0x1cd: {  	_ = 	snop;
	(pc) =	sbr.rel @p0 .LBB2_1-.Ltmp1, $3  }
0x1ce: {  	_ =	sdelay $0x1  }
0x1cf: {  	[sflag:s10] =	ssyncset.done $0x0  }
0x1d0: {  	[sflag:s10] =	ssyncadd.s32 $0xFFFFD800  }
0x1d1: {  	_ =	sfence.sel $0x180000  }
0x1d2: {  	[bflag:$0x0] =	sbarrier.arrive $0xFFFF  }
0x1d3: {  	_ =	strace $0x9000004D  }
0x1d4: {  	s0 =	stileid.u32;
	[bflag:$0x2] =	sbarrier.arrive $0xFFFF  }
0x1d5: {  	p0 =	sne.s32 s0, $0x0;
	s0 =	rddreg [dreg:$0x3]  }
0x1d6: {  	s0 =	sadd.s32 @!p0 $0x100000, s0  }
0x1d7: {  	[sflag:s0] =	ssyncadd.tile.s32 @!p0 $0x1;
	_ =	shalt  }
.Lfunc_end2:
_tile_overlayer_lowered:
.L_overlay_start_2:
0x1d8: {  	(tag) =	ssettag $0x2  }
0x1d9: {  	s0 =	rddreg [dreg:$0x0];
	s2 =	stileid.u32  }
0x1da: {  	s1 =	rddreg [dreg:$0x1];
	p0 =	sne.s32 s2, $0x0  }
0x1db: {  	s3 =	rddreg [dreg:$0x2];
	[bflag:$0x3] =	sbarrier.arrive $0xFFFF;
	s2 =	simm.s32 @!p0 $0x1C03  }
0x1dc: {  	[timem:s3], [sflag:s2] =	dma.local @!p0 [hbm:s0], s1  }
0x1dd: {  	s0 =	simm.s32 @!p0 $0x3  }
0x1de: {  	_ =	swait.ge @!p0 [sflag:s0], s1  }
0x1df: {  	s1 =	ssub.s32 @!p0 $0x0, s1;
	[sflag:s0] =	ssyncset.done @!p0 $0x0  }
0x1e0: {  	[sflag:s0] =	ssyncadd.s32 @!p0 s1  }
0x1e1: {  	[bflag:$0x3] =	sbarrier.arrive $0xFFFF  }
0x1e2: {  	_ =	shalt  }

// kernel: kernel.22.cloned.1.call-start
scs
__scs_entry_jumppad:
0x0: {  	(pc) =	sbr.rel $0x88, $3  }
0x1: {  	(tag) =	ssettag $0x0;
	lr =	simm.s32 $0x1  }
0x2: {  	[smem:$0x3F95] =	sst lr;
	_ =	strace $0xD0000000  }
0x3: {  	_ = 	snop  }
0x4: {  	_ = 	snop  }
0x5: {  	_ = 	snop  }
0x6: {  	_ = 	snop  }
0x7: {  	_ = 	snop  }
__scs_overlays_trampoline_lowered:
0x8: {  	[smem:$0x3FA4] =	sst s0  }
0x9: {  	[smem:$0x3FA5] =	sst s1  }
0xa: {  	[smem:$0x3FA6] =	sst s2  }
0xb: {  	[smem:$0x3FA7] =	sst s3  }
0xc: {  	[smem:$0x3FA8] =	sst s4  }
0xd: {  	[smem:$0x3FA9] =	sst s5  }
0xe: {  	[smem:$0x3FAA] =	sst s6  }
0xf: {  	[smem:$0x3FAB] =	sst s7  }
0x10: {  	[smem:$0x3FAC] =	sst s8  }
0x11: {  	[smem:$0x3FAD] =	sst s9;
	s0 =	simm.s32 @!p0 $0x0  }
0x12: {  	s1 =	sld [smem:$0x3F93];
	s0 =	simm.s32 @p0 $0x1  }
0x13: {  	[smem:$0x3FAE] =	sst s0;
	s0 =	simm.s32 @!p1 $0x0  }
0x14: {  	s2 =	sld [smem:$0x3F92];
	s0 =	simm.s32 @p1 $0x1  }
0x15: {  	[smem:$0x3FAF] =	sst s0;
	s0 =	simm.s32 @!p2 $0x0  }
0x16: {  	s3 =	sld [smem:$0x3FDB];
	s0 =	simm.s32 @p2 $0x1  }
0x17: {  	s4 =	simm.s32 $0x1BF5;
	[smem:$0x3FB1] =	sst s0  }
0x18: {  	s0 =	sld [smem:$0x3F94];
	_ =	swait.ge [sflag:s4], $0x0  }
0x19: {  	s7 =	sld [smem:$0x3F95]  }
0x1a: {  	s8 =	sadd.s32 $0xFFFFE003, lr  }
0x1b: {  	s9 =	sadd.s32 $0xFFFFFEF7, lr;
	s5 =	simm.s32 $0xFFFFFFFF;
	p2 =	slt.u32 s8, $0xFFFFF086  }
0x1c: {  	p1 =	slt.u32 s9, $0xF7A;
	s5 =	simm.s32 @!p2 $0x0  }
0x1d: {  	s5 =	simm.s32 @p1 $0x1;
	p0 =	seq.s32 s7, s2  }
0x1e: {  	s7 =	smul.u32 @!p0 $0xF7A, s2;
	p2 =	seq.s32 @!p0 s5, $0x0  }
0x1f: {  	s9 =	smul.u32 $0xF7A, s1;
	s8 =	simm.s32 @!p0 $0x1BF5;
	p2 =	por !p2, p0  }
0x20: {  	[sflag:s8] =	ssyncset.s32 @!p0 $0xFFFFF086;
	s6 =	sadd.s32 @!p0 s3, s7;
	s7 =	simm.s32 @!p0 $0x108  }
0x21: {  	s3 =	sadd.s32 s3, s9;
	s6 =	sadd.s32 @!p0 $0x88, s6;
	s7 =	simm.s32 @p2 $0x1082  }
0x22: {  	[simem:s7], [sflag:s8] =	dma.local @!p0 [hbm:s6], $0xF7A  }
0x23: {  	s9 =	sor.u32 $0xD0000000, s2;
	s6 =	simm.s32 $0x108;
	_ =	swait.ge @!p0 [sflag:s8], $0x0  }
0x24: {  	s3 =	sadd.s32 $0x88, s3;
	s6 =	simm.s32 @!p1 $0x1082;
	[sflag:s4] =	ssyncset.s32 $0xFFFFF086  }
0x25: {  	[simem:s6], [sflag:s4] =	dma.local [hbm:s3], $0xF7A  }
0x26: {  	[smem:$0x3F95] =	sst s1;
	(tag) =	ssettag s2;
	_ =	strace s9  }
0x27: {  	s1 =	sld [smem:$0x3FA5]  }
0x28: {  	s2 =	sld [smem:$0x3FA6]  }
0x29: {  	s4 =	sld [smem:$0x3FA8]  }
0x2a: {  	p0 =	seq.s32 s5, $0x0;
	s5 =	sld [smem:$0x3FA9]  }
0x2b: {  	s6 =	sld [smem:$0x3FAA]  }
0x2c: {  	s7 =	sld [smem:$0x3FAB]  }
0x2d: {  	s3 =	simm.s32 $0x108;
	s8 =	sld [smem:$0x3FAC]  }
0x2e: {  	s3 =	simm.s32 @!p0 $0x1082;
	s9 =	sld [smem:$0x3FAD]  }
0x2f: {  	lr =	sadd.s32 s0, s3;
	s0 =	sld [smem:$0x3FA4]  }
0x30: {  	s3 =	sld [smem:$0x3FA7]  }
0x31: {  	[smem:$0x3FB0] =	sst s10  }
0x32: {  	s10 =	sld [smem:$0x3FAE];
	_ =	sdelay $0x3  }
0x33: {  	p0 =	seq.s32 s10, $0x1;
	s10 =	sld [smem:$0x3FB0];
	_ =	sdelay $0x3  }
0x34: {  	[smem:$0x3FB0] =	sst s10  }
0x35: {  	s10 =	sld [smem:$0x3FAF];
	_ =	sdelay $0x3  }
0x36: {  	p1 =	seq.s32 s10, $0x1;
	s10 =	sld [smem:$0x3FB0];
	_ =	sdelay $0x3  }
0x37: {  	[smem:$0x3FB0] =	sst s10  }
0x38: {  	s10 =	sld [smem:$0x3FB1]  }
0x39: {  	_ = 	snop;
	(pc) =	sbr.ind lr, $3  }
0x3a: {  	_ = 	snop  }
0x3b: {  	_ = 	snop  }
0x3c: {  	p2 =	seq.s32 s10, $0x1;
	s10 =	sld [smem:$0x3FB0]  }
0x3d: {  	_ =	shalt  }
0x3e: {  	_ =	shalt  }
0x3f: {  	_ =	shalt  }
0x40: {  	_ =	shalt  }
0x41: {  	_ =	shalt  }
0x42: {  	_ =	shalt  }
0x43: {  	_ =	shalt  }
0x44: {  	_ =	shalt  }
0x45: {  	_ =	shalt  }
0x46: {  	_ =	shalt  }
0x47: {  	_ =	shalt  }
0x48: {  	_ =	shalt  }
0x49: {  	_ =	shalt  }
0x4a: {  	_ =	shalt  }
0x4b: {  	_ =	shalt  }
0x4c: {  	_ =	shalt  }
0x4d: {  	_ =	shalt  }
0x4e: {  	_ =	shalt  }
0x4f: {  	_ =	shalt  }
0x50: {  	_ =	shalt  }
0x51: {  	_ =	shalt  }
0x52: {  	_ =	shalt  }
0x53: {  	_ =	shalt  }
0x54: {  	_ =	shalt  }
0x55: {  	_ =	shalt  }
0x56: {  	_ =	shalt  }
0x57: {  	_ =	shalt  }
0x58: {  	_ =	shalt  }
0x59: {  	_ =	shalt  }
0x5a: {  	_ =	shalt  }
0x5b: {  	_ =	shalt  }
0x5c: {  	_ =	shalt  }
0x5d: {  	_ =	shalt  }
0x5e: {  	_ =	shalt  }
0x5f: {  	_ =	shalt  }
0x60: {  	_ =	shalt  }
0x61: {  	_ =	shalt  }
0x62: {  	_ =	shalt  }
0x63: {  	_ =	shalt  }
0x64: {  	_ =	shalt  }
0x65: {  	_ =	shalt  }
0x66: {  	_ =	shalt  }
0x67: {  	_ =	shalt  }
0x68: {  	_ =	shalt  }
0x69: {  	_ =	shalt  }
0x6a: {  	_ =	shalt  }
0x6b: {  	_ =	shalt  }
0x6c: {  	_ =	shalt  }
0x6d: {  	_ =	shalt  }
0x6e: {  	_ =	shalt  }
0x6f: {  	_ =	shalt  }
0x70: {  	_ =	shalt  }
0x71: {  	_ =	shalt  }
0x72: {  	_ =	shalt  }
0x73: {  	_ =	shalt  }
0x74: {  	_ =	shalt  }
0x75: {  	_ =	shalt  }
0x76: {  	_ =	shalt  }
0x77: {  	_ =	shalt  }
0x78: {  	_ =	shalt  }
0x79: {  	_ =	shalt  }
0x7a: {  	_ =	shalt  }
0x7b: {  	_ =	shalt  }
0x7c: {  	_ =	shalt  }
0x7d: {  	_ =	shalt  }
0x7e: {  	_ =	shalt  }
0x7f: {  	_ =	shalt  }
0x80: {  	_ =	shalt  }
0x81: {  	_ =	shalt  }
0x82: {  	_ =	shalt  }
0x83: {  	_ =	shalt  }
0x84: {  	_ =	shalt  }
0x85: {  	_ =	shalt  }
0x86: {  	_ =	shalt  }
0x87: {  	_ =	shalt  }
.Lfunc_end0:
.L_simem_size_0:
called_computation.3_lowered:
.L_overlay_start_0:
0x88: {  	s2 =	sld [smem:$0x3FD9]  }
0x89: {  	s3 =	sld [smem:$0x3FFE];
	_ =	sdelay $0x1  }
0x8a: {  	s1 =	srdreg.scid  }
0x8b: {  	s0 =	sand.u32 $0x1, s1  }
0x8c: {  	s17 =	sshll.u32 s0, $0xA;
	s2 =	sadd.s32 s3, s2  }
0x8d: {  	s2 =	sadd.s32 s2, s17  }
0x8e: {  	[smem:$0x3FBC] =	sst s2  }
0x8f: {  	_ = 	snop  }
0x90: {  	s2 =	sld [smem:$0x3FD0];
	(tm) =	ssettm $0x1  }
0x91: {  	s18 =	sld [smem:$0x3FFB];
	_ =	sdelay $0x3  }
0x92: {  	_ =	strace s18  }
0x93: {  	s3 =	sld [smem:$0x3FFC];
	_ =	sdelay $0x3  }
0x94: {  	_ =	strace s3  }
0x95: {  	s3 =	sld [smem:$0x3FFD];
	_ =	sdelay $0x3  }
0x96: {  	_ =	strace s3  }
0x97: {  	_ =	strace $0x8FFFFFFF  }
0x98: {  	s19 =	sld [smem:$0x3FDB];
	_ =	sdelay $0x1  }
0x99: {  	s4 =	simm.s32 $_scs_section_size  }
0x9a: {  	s5 =	simm.s32 $_size__tile_overlayer_lowered;
	s6 =	simm.s32 $_tile_overlayer_lowered  }
0x9b: {  	s22 =	simm.s32 $0x1BFF;
	s21 =	sshll.u32 s6, $0x1;
	s3 =	sadd.s32 s4, s19  }
0x9c: {  	s7 =	simm.s32 $0x0;
	s20 =	sshll.u32 s5, $0x1;
	s5 =	sadd.s32 s21, s3  }
0x9d: {  	[timem:s7], [sflag:s22] =	dma.local [hbm:s5], s20  }
0x9e: {  	_ =	swait.ge [sflag:s22], s20  }
0x9f: {  	s4 =	ssub.s32 $0x0, s20;
	[sflag:s22] =	ssyncset.done $0x0  }
0xa0: {  	[sflag:s22] =	ssyncadd.s32 s4;
	_ =	sdelay $0x1  }
0xa1: {  	s23 =	simm.s32 $0x1B8B  }
0xa2: {  	_ =	swait.ge [sflag:s23], $0x1  }
0xa3: {  	[sflag:s23] =	ssyncset.done $0x0  }
0xa4: {  	s25 =	simm.s32 $0x1B8E;
	s24 =	sld [smem:$0x3FFE];
	[sflag:s23] =	ssyncadd.s32 $0xFFFFFFFF  }
0xa5: {  	s26 =	simm.s32 $execute0_lowered;
	[smem:$0x3FD2] =	sst s25  }
0xa6: {  	s5 =	sshll.u32 s26, $0x1;
	_ =	strace $0x8000004F;
	[dreg:$0x1] =	wrdreg $0xFFFFFFFF  }
0xa7: {  	s28 =	simm.s32 $_size_execute0_lowered;
	s3 =	sadd.s32 s3, s5;
	[dreg:$0x0] =	wrdreg $0x0  }
0xa8: {  	s5 =	sshll.u32 s28, $0x1;
	[dreg:$0x2] =	wrdreg s3  }
0xa9: {  	[dreg:$0x3] =	wrdreg s5  }
0xaa: {  	[dreg:$0x4] =	wrdreg $0xC0  }
0xab: {  	_ =	task [dreg:s7], $0x5FFFF  }
0xac: {  	[dreg:$0x1] =	wrdreg $0xFFFFFFFF  }
0xad: {  	[dreg:$0x0] =	wrdreg $0x60  }
0xae: {  	[dreg:$0x2] =	wrdreg s2  }
0xaf: {  	[dreg:$0x3] =	wrdreg s24  }
0xb0: {  	[dreg:$0x4] =	wrdreg $0x90000  }
0xb1: {  	[dreg:$0x5] =	wrdreg $0x9  }
0xb2: {  	_ =	task.clear_ibuf [dreg:s7], $0x6FFFF;
	_ =	strace $0x9000004F  }
0xb3: {  	s29 =	simm.s32 $0x9;
	_ =	strace $0x80000051  }
0xb4: {  	_ =	swait.ge [sflag:s29], $0x1  }
0xb5: {  	[sflag:s29] =	ssyncadd.s32 $0xFFFFFFFF  }
0xb6: {  	_ =	strace $0x90000051  }
0xb7: {  	_ =	sfence  }
0xb8: {  	s30 =	sld [smem:$0x0];
	_ =	sdelay $0x2  }
0xb9: {  	s31 =	sshll.u32 s1, $0xD;
	s1 =	sshrl.u32 s1, $0x2  }
0xba: {  	s3 =	sand.u32 $0x4000, s31;
	s1 =	sadd.s32 s1, s30  }
0xbb: {  	s0 =	sor.u32 s3, s0;
	s1 =	sshll.u32 s1, $0x11  }
0xbc: {  	s0 =	sor.u32 s1, s0  }
0xbd: {  	s0 =	sadd.s32 $0x8F2B, s0  }
0xbe: {  	[sflag:s0] =	ssyncadd.remote.s32 $0x1  }
0xbf: {  	_ =	sfence.sel $0xFFFF  }
0xc0: {  	[dreg:$0x0] =	wrdreg $0xFFFFFFFF;
	(pc) =	sbr.abs _section_cstart, $3  }
0xc1: {  	[dreg:$0x1] =	wrdreg $0xFFFFFFFF  }
0xc2: {  	_ =	task.clear_ibuf [dreg:s7], $0x2FFFF;
	_ =	strace $0x9FFFFFFF  }
0xc3: {  	(tm) =	ssettm $0x7FFFFFFF  }
tec
execute0_lowered:
.L_overlay_start_1:
0x0: {  	(tag) =	ssettag $0x1  }
0x1: {  	s1 =	rddreg [dreg:$0x0]  }
0x2: {  	s0 =	rddreg [dreg:$0x1];
	s2 =	srdreg.scid  }
0x3: {  	s9 =	stileid.u32;
	s3 =	rddreg [dreg:$0x2];
	s4 =	simm.s32 $0x0  }
0x4: {  	s15 =	simm.s32 $0x100;
	[smem:$0x7FF] =	sst s4;
	s8 =	sadd.s32 $0x1AA00, s0  }
0x5: {  	s16 =	simm.s32 $0x880;
	_ =	strace $0x80000050;
	[dreg:$0x12] =	wrdreg s8  }
0x6: {  	s17 =	simm.s32 $0x180;
	s18 =	simm.s32 $0x900;
	[dreg:$0x6] =	wrdreg s15  }
0x7: {  	s19 =	simm.s32 $0x200;
	s20 =	simm.s32 $0x980;
	[dreg:$0x7] =	wrdreg s16  }
0x8: {  	s21 =	simm.s32 $0x280;
	s22 =	simm.s32 $0xA00;
	[dreg:$0x8] =	wrdreg s17  }
0x9: {  	s23 =	simm.s32 $0x300;
	s24 =	simm.s32 $0xA80;
	[dreg:$0x9] =	wrdreg s18  }
0xa: {  	s25 =	simm.s32 $0x380;
	s28 =	simm.s32 $0x680;
	[dreg:$0xa] =	wrdreg s19  }
0xb: {  	s29 =	simm.s32 $0xE00;
	s30 =	simm.s32 $0x700;
	[dreg:$0xb] =	wrdreg s20  }
0xc: {  	s31 =	simm.s32 $0xE80;
	s5 =	smul.u32 $0x5000, s9;
	[dreg:$0xc] =	wrdreg s21  }
0xd: {  	s2 =	sand.u32 $0x1, s2;
	s7 =	smul.u32 $0x50000, s9;
	[dreg:$0xd] =	wrdreg s22  }
0xe: {  	s11 =	sshll.u32 s9, $0x6;
	s14 =	smul.u32 $0x2800, s9;
	[dreg:$0xe] =	wrdreg s23  }
0xf: {  	s9 =	simm.s32 $0x0;
	s6 =	smul.u32 $0x2800, s2;
	[dreg:$0xf] =	wrdreg s24  }
0x10: {  	s26 =	ssub.s32 $0x2, s2;
	p0 =	seq.s32 s2, $0x1;
	[dreg:$0x10] =	wrdreg s25  }
0x11: {  	s15 =	simm.s32 $0x1;
	s16 =	simm.s32 $0x2;
	s17 =	simm.s32 $0x400  }
0x12: {  	s18 =	simm.s32 $0xB80;
	s19 =	simm.s32 $0x480;
	s20 =	simm.s32 $0xC00  }
0x13: {  	s21 =	simm.s32 $0x500;
	s22 =	simm.s32 $0xC80;
	s23 =	simm.s32 $0x580  }
0x14: {  	s24 =	simm.s32 $0xD00;
	s25 =	simm.s32 $0x600;
	s2 =	simm.s32 $0x780  }
0x15: {  	s10 =	sshrl.u32 s26, $0x1;
	s7 =	sshrl.u32 s7, $0x2;
	s5 =	sadd.s32 s6, s5  }
0x16: {  	s6 =	ssub.s32 s26, s10;
	s7 =	sadd.s32 s7, s3;
	s10 =	sor.u32 $0x1C03, s11  }
0x17: {  	s11 =	simm.s32 $0x800;
	s26 =	simm.s32 $0xB00;
	s5 =	sshrl.u32 s5, $0x3  }
0x18: {  	s6 =	smax.u32 s6, $0x1;
	s8 =	sshrl.u32 s7, $0x3;
	[dreg:$0x11] =	wrdreg s26  }
0x19: {  	s7 =	smov.u32 s10;
	s10 =	simm.s32 $0x3;
	[dreg:$0x14] =	wrdreg s6  }
0x1a: {  	s26 =	simm.s32 $0xD80;
	s5 =	sadd.s32 s5, s0;
	[dreg:$0x13] =	wrdreg s7  }
0x1b: {  	s6 =	simm.s32 $0x6D200;
	[dreg:$0x16] =	wrdreg s8;
	s12 =	sadd.s32 $0x10200, s5  }
0x1c: {  	s13 =	sadd.s32 $0x6200, s5;
	s6 =	simm.s32 @!p0 $0x45200;
	[dreg:$0x4] =	wrdreg s12  }
0x1d: {  	s5 =	simm.s32 $0xF80;
	[dreg:$0x5] =	wrdreg s13;
	s0 =	sadd.s32 s6, s0  }
0x1e: {  	s12 =	simm.s32 $0x80;
	s13 =	simm.s32 $0x1000;
	s0 =	sadd.s32 s0, s14  }
0x1f: {  	s14 =	simm.s32 $0x5000;
	[dreg:$0x15] =	wrdreg s0;
	s0 =	simm.s32 $0xF00  }
.LBB2_1:
0x20: {  	[dreg:$0x17] =	wrdreg s9  }
0x21: {  	s6 =	rddreg [dreg:$0x12]  }
0x22: {  	[spmem:s8], [sflag:s7] =	dma.local [hbm:s6], $0x2800  }
0x23: {  	_ =	swait.ge [sflag:s10], $0x2800  }
0x24: {  	[sflag:s10] =	ssyncset.done $0x0  }
0x25: {  	[sflag:s10] =	ssyncadd.s32 $0xFFFFD800  }
0x26: {  	[bflag:$0x0] =	sbarrier.arrive $0xFFFF  }
0x27: {  	s8 =	rddreg [dreg:$0x5]  }
0x28: {  	s6 =	sadd.s32 $0x0, s8  }
0x29: {  	[tilespmem:s4], [sflag:$0x3] =	stream.linear.gather [hbm4b:s6+s4], $0x800, $0x38;
	[tilespmem:$0x1D000] =	vst v63  }
0x2a: {  	_ =	swait.ge [sflag:s10], $0x800  }
0x2b: {  	s9 =	rddreg [dreg:$0x4];
	[sflag:s10] =	ssyncset.done $0x0  }
0x2c: {  	[sflag:s10] =	ssyncadd.s32 $0xFFFFF800;
	s6 =	sadd.s32 $0x0, s9  }
0x2d: {  	[tilespmem:s11], [sflag:$0x3] =	stream.linear.gather [hbm4b:s6+s4], $0x800, $0x38;
	[tilespmem:$0x1D000] =	vst v63  }
0x2e: {  	_ =	swait.ge [sflag:s10], $0x800  }
0x2f: {  	[sflag:s10] =	ssyncset.done $0x0  }
0x30: {  	[sflag:s10] =	ssyncadd.s32 $0xFFFFF800  }
0x31: {  	[tilespmem:s13], [sflag:$0x1] =	stream.indirect.gather [hbm4b:s1+s12], $0x80, s4, s12, $0xb8;
	[tilespmem:$0x1D000] =	vst v63  }
0x32: {  	_ = 	snop  }
0x33: {  	[tilespmem:s14], [sflag:$0x2] =	stream.indirect.gather [hbm4b:s1+s12], $0x80, s12, s12, $0xb8;
	[tilespmem:$0x1D000] =	vst v63  }
0x34: {  	_ =	swait.ge [sflag:s15], $0x4000  }
0x35: {  	[sflag:s15] =	ssyncset.done $0x0  }
0x36: {  	[sflag:s15] =	ssyncadd.s32 $0xFFFFC000  }
0x37: {  	[spmem:s3] =	stream.indirect.scatter.add.f32 [tilespmem:s13], [sflag:$0x3], $0x80, s11, s12, $0xb8;
	[tilespmem:$0x1D000] =	vst v63  }
0x38: {  	_ =	swait.ge [sflag:s10], $0x4000  }
0x39: {  	[sflag:s10] =	ssyncset.done $0x0  }
0x3a: {  	s7 =	rddreg [dreg:$0x6];
	[sflag:s10] =	ssyncadd.s32 $0xFFFFC000  }
0x3b: {  	[tilespmem:s13], [sflag:$0x1] =	stream.indirect.gather [hbm4b:s1+s12], $0x80, s7, s12, $0xb8;
	[tilespmem:$0x1D000] =	vst v63  }
0x3c: {  	_ =	swait.ge [sflag:s16], $0x4000  }
0x3d: {  	[sflag:s16] =	ssyncset.done $0x0  }
0x3e: {  	s8 =	rddreg [dreg:$0x7];
	[sflag:s16] =	ssyncadd.s32 $0xFFFFC000  }
0x3f: {  	[spmem:s3] =	stream.indirect.scatter.add.f32 [tilespmem:s14], [sflag:$0x3], $0x80, s8, s12, $0xb8;
	[tilespmem:$0x1D000] =	vst v63  }
0x40: {  	_ =	swait.ge [sflag:s10], $0x4000  }
0x41: {  	[sflag:s10] =	ssyncset.done $0x0  }
0x42: {  	s9 =	rddreg [dreg:$0x8];
	[sflag:s10] =	ssyncadd.s32 $0xFFFFC000  }
0x43: {  	[tilespmem:s14], [sflag:$0x2] =	stream.indirect.gather [hbm4b:s1+s12], $0x80, s9, s12, $0xb8;
	[tilespmem:$0x1D000] =	vst v63  }
0x44: {  	_ =	swait.ge [sflag:s15], $0x4000  }
0x45: {  	[sflag:s15] =	ssyncset.done $0x0  }
0x46: {  	s7 =	rddreg [dreg:$0x9];
	[sflag:s15] =	ssyncadd.s32 $0xFFFFC000  }
0x47: {  	[spmem:s3] =	stream.indirect.scatter.add.f32 [tilespmem:s13], [sflag:$0x3], $0x80, s7, s12, $0xb8;
	[tilespmem:$0x1D000] =	vst v63  }
0x48: {  	_ =	swait.ge [sflag:s10], $0x4000  }
0x49: {  	[sflag:s10] =	ssyncset.done $0x0  }
0x4a: {  	s8 =	rddreg [dreg:$0xa];
	[sflag:s10] =	ssyncadd.s32 $0xFFFFC000  }
0x4b: {  	[tilespmem:s13], [sflag:$0x1] =	stream.indirect.gather [hbm4b:s1+s12], $0x80, s8, s12, $0xb8;
	[tilespmem:$0x1D000] =	vst v63  }
0x4c: {  	_ =	swait.ge [sflag:s16], $0x4000  }
0x4d: {  	[sflag:s16] =	ssyncset.done $0x0  }
0x4e: {  	s9 =	rddreg [dreg:$0xb];
	[sflag:s16] =	ssyncadd.s32 $0xFFFFC000  }
0x4f: {  	[spmem:s3] =	stream.indirect.scatter.add.f32 [tilespmem:s14], [sflag:$0x3], $0x80, s9, s12, $0xb8;
	[tilespmem:$0x1D000] =	vst v63  }
0x50: {  	_ =	swait.ge [sflag:s10], $0x4000  }
0x51: {  	[sflag:s10] =	ssyncset.done $0x0  }
0x52: {  	s7 =	rddreg [dreg:$0xc];
	[sflag:s10] =	ssyncadd.s32 $0xFFFFC000  }
0x53: {  	[tilespmem:s14], [sflag:$0x2] =	stream.indirect.gather [hbm4b:s1+s12], $0x80, s7, s12, $0xb8;
	[tilespmem:$0x1D000] =	vst v63  }
0x54: {  	_ =	swait.ge [sflag:s15], $0x4000  }
0x55: {  	[sflag:s15] =	ssyncset.done $0x0  }
0x56: {  	s8 =	rddreg [dreg:$0xd];
	[sflag:s15] =	ssyncadd.s32 $0xFFFFC000  }
0x57: {  	[spmem:s3] =	stream.indirect.scatter.add.f32 [tilespmem:s13], [sflag:$0x3], $0x80, s8, s12, $0xb8;
	[tilespmem:$0x1D000] =	vst v63  }
0x58: {  	_ =	swait.ge [sflag:s10], $0x4000  }
0x59: {  	[sflag:s10] =	ssyncset.done $0x0  }
0x5a: {  	s9 =	rddreg [dreg:$0xe];
	[sflag:s10] =	ssyncadd.s32 $0xFFFFC000  }
0x5b: {  	[tilespmem:s13], [sflag:$0x1] =	stream.indirect.gather [hbm4b:s1+s12], $0x80, s9, s12, $0xb8;
	[tilespmem:$0x1D000] =	vst v63  }
0x5c: {  	_ =	swait.ge [sflag:s16], $0x4000  }
0x5d: {  	[sflag:s16] =	ssyncset.done $0x0  }
0x5e: {  	s7 =	rddreg [dreg:$0xf];
	[sflag:s16] =	ssyncadd.s32 $0xFFFFC000  }
0x5f: {  	[spmem:s3] =	stream.indirect.scatter.add.f32 [tilespmem:s14], [sflag:$0x3], $0x80, s7, s12, $0xb8;
	[tilespmem:$0x1D000] =	vst v63  }
0x60: {  	_ =	swait.ge [sflag:s10], $0x4000  }
0x61: {  	[sflag:s10] =	ssyncset.done $0x0  }
0x62: {  	s8 =	rddreg [dreg:$0x10];
	[sflag:s10] =	ssyncadd.s32 $0xFFFFC000  }
0x63: {  	[tilespmem:s14], [sflag:$0x2] =	stream.indirect.gather [hbm4b:s1+s12], $0x80, s8, s12, $0xb8;
	[tilespmem:$0x1D000] =	vst v63  }
0x64: {  	_ =	swait.ge [sflag:s15], $0x4000  }
0x65: {  	[sflag:s15] =	ssyncset.done $0x0  }
0x66: {  	s9 =	rddreg [dreg:$0x11];
	[sflag:s15] =	ssyncadd.s32 $0xFFFFC000  }
0x67: {  	[spmem:s3] =	stream.indirect.scatter.add.f32 [tilespmem:s13], [sflag:$0x3], $0x80, s9, s12, $0xb8;
	[tilespmem:$0x1D000] =	vst v63  }
0x68: {  	_ =	swait.ge [sflag:s10], $0x4000  }
0x69: {  	[sflag:s10] =	ssyncset.done $0x0  }
0x6a: {  	[sflag:s10] =	ssyncadd.s32 $0xFFFFC000  }
0x6b: {  	[tilespmem:s13], [sflag:$0x1] =	stream.indirect.gather [hbm4b:s1+s12], $0x80, s17, s12, $0xb8;
	[tilespmem:$0x1D000] =	vst v63  }
0x6c: {  	_ =	swait.ge [sflag:s16], $0x4000  }
0x6d: {  	[sflag:s16] =	ssyncset.done $0x0  }
0x6e: {  	[sflag:s16] =	ssyncadd.s32 $0xFFFFC000  }
0x6f: {  	[spmem:s3] =	stream.indirect.scatter.add.f32 [tilespmem:s14], [sflag:$0x3], $0x80, s18, s12, $0xb8;
	[tilespmem:$0x1D000] =	vst v63  }
0x70: {  	_ =	swait.ge [sflag:s10], $0x4000  }
0x71: {  	[sflag:s10] =	ssyncset.done $0x0  }
0x72: {  	[sflag:s10] =	ssyncadd.s32 $0xFFFFC000  }
0x73: {  	[tilespmem:s14], [sflag:$0x2] =	stream.indirect.gather [hbm4b:s1+s12], $0x80, s19, s12, $0xb8;
	[tilespmem:$0x1D000] =	vst v63  }
0x74: {  	_ =	swait.ge [sflag:s15], $0x4000  }
0x75: {  	[sflag:s15] =	ssyncset.done $0x0  }
0x76: {  	[sflag:s15] =	ssyncadd.s32 $0xFFFFC000  }
0x77: {  	[spmem:s3] =	stream.indirect.scatter.add.f32 [tilespmem:s13], [sflag:$0x3], $0x80, s20, s12, $0xb8;
	[tilespmem:$0x1D000] =	vst v63  }
0x78: {  	_ =	swait.ge [sflag:s10], $0x4000  }
0x79: {  	[sflag:s10] =	ssyncset.done $0x0  }
0x7a: {  	[sflag:s10] =	ssyncadd.s32 $0xFFFFC000  }
0x7b: {  	[tilespmem:s13], [sflag:$0x1] =	stream.indirect.gather [hbm4b:s1+s12], $0x80, s21, s12, $0xb8;
	[tilespmem:$0x1D000] =	vst v63  }
0x7c: {  	_ =	swait.ge [sflag:s16], $0x4000  }
0x7d: {  	[sflag:s16] =	ssyncset.done $0x0  }
0x7e: {  	[sflag:s16] =	ssyncadd.s32 $0xFFFFC000  }
0x7f: {  	[spmem:s3] =	stream.indirect.scatter.add.f32 [tilespmem:s14], [sflag:$0x3], $0x80, s22, s12, $0xb8;
	[tilespmem:$0x1D000] =	vst v63  }
0x80: {  	_ =	swait.ge [sflag:s10], $0x4000  }
0x81: {  	[sflag:s10] =	ssyncset.done $0x0  }
0x82: {  	[sflag:s10] =	ssyncadd.s32 $0xFFFFC000  }
0x83: {  	[tilespmem:s14], [sflag:$0x2] =	stream.indirect.gather [hbm4b:s1+s12], $0x80, s23, s12, $0xb8;
	[tilespmem:$0x1D000] =	vst v63  }
0x84: {  	_ =	swait.ge [sflag:s15], $0x4000  }
0x85: {  	[sflag:s15] =	ssyncset.done $0x0  }
0x86: {  	[sflag:s15] =	ssyncadd.s32 $0xFFFFC000  }
0x87: {  	[spmem:s3] =	stream.indirect.scatter.add.f32 [tilespmem:s13], [sflag:$0x3], $0x80, s24, s12, $0xb8;
	[tilespmem:$0x1D000] =	vst v63  }
0x88: {  	_ =	swait.ge [sflag:s10], $0x4000  }
0x89: {  	[sflag:s10] =	ssyncset.done $0x0  }
0x8a: {  	[sflag:s10] =	ssyncadd.s32 $0xFFFFC000  }
0x8b: {  	[tilespmem:s13], [sflag:$0x1] =	stream.indirect.gather [hbm4b:s1+s12], $0x80, s25, s12, $0xb8;
	[tilespmem:$0x1D000] =	vst v63  }
0x8c: {  	_ =	swait.ge [sflag:s16], $0x4000  }
0x8d: {  	[sflag:s16] =	ssyncset.done $0x0  }
0x8e: {  	[sflag:s16] =	ssyncadd.s32 $0xFFFFC000  }
0x8f: {  	[spmem:s3] =	stream.indirect.scatter.add.f32 [tilespmem:s14], [sflag:$0x3], $0x80, s26, s12, $0xb8;
	[tilespmem:$0x1D000] =	vst v63  }
0x90: {  	_ =	swait.ge [sflag:s10], $0x4000  }
0x91: {  	[sflag:s10] =	ssyncset.done $0x0  }
0x92: {  	[sflag:s10] =	ssyncadd.s32 $0xFFFFC000  }
0x93: {  	[tilespmem:s14], [sflag:$0x2] =	stream.indirect.gather [hbm4b:s1+s12], $0x80, s28, s12, $0xb8;
	[tilespmem:$0x1D000] =	vst v63  }
0x94: {  	_ =	swait.ge [sflag:s15], $0x4000  }
0x95: {  	[sflag:s15] =	ssyncset.done $0x0  }
0x96: {  	[sflag:s15] =	ssyncadd.s32 $0xFFFFC000  }
0x97: {  	[spmem:s3] =	stream.indirect.scatter.add.f32 [tilespmem:s13], [sflag:$0x3], $0x80, s29, s12, $0xb8;
	[tilespmem:$0x1D000] =	vst v63  }
0x98: {  	_ =	swait.ge [sflag:s10], $0x4000  }
0x99: {  	[sflag:s10] =	ssyncset.done $0x0  }
0x9a: {  	[sflag:s10] =	ssyncadd.s32 $0xFFFFC000  }
0x9b: {  	[tilespmem:s13], [sflag:$0x1] =	stream.indirect.gather [hbm4b:s1+s12], $0x80, s30, s12, $0xb8;
	[tilespmem:$0x1D000] =	vst v63  }
0x9c: {  	_ =	swait.ge [sflag:s16], $0x4000  }
0x9d: {  	[sflag:s16] =	ssyncset.done $0x0  }
0x9e: {  	[sflag:s16] =	ssyncadd.s32 $0xFFFFC000  }
0x9f: {  	[spmem:s3] =	stream.indirect.scatter.add.f32 [tilespmem:s14], [sflag:$0x3], $0x80, s31, s12, $0xb8;
	[tilespmem:$0x1D000] =	vst v63  }
0xa0: {  	_ =	swait.ge [sflag:s10], $0x4000  }
0xa1: {  	[sflag:s10] =	ssyncset.done $0x0  }
0xa2: {  	[sflag:s10] =	ssyncadd.s32 $0xFFFFC000  }
0xa3: {  	[tilespmem:s14], [sflag:$0x2] =	stream.indirect.gather [hbm4b:s1+s12], $0x80, s2, s12, $0xb8;
	[tilespmem:$0x1D000] =	vst v63  }
0xa4: {  	_ =	swait.ge [sflag:s15], $0x4000  }
0xa5: {  	[sflag:s15] =	ssyncset.done $0x0  }
0xa6: {  	[sflag:s15] =	ssyncadd.s32 $0xFFFFC000  }
0xa7: {  	[spmem:s3] =	stream.indirect.scatter.add.f32 [tilespmem:s13], [sflag:$0x3], $0x80, s0, s12, $0xb8;
	[tilespmem:$0x1D000] =	vst v63  }
0xa8: {  	_ =	swait.ge [sflag:s10], $0x4000  }
0xa9: {  	[sflag:s10] =	ssyncset.done $0x0  }
0xaa: {  	[sflag:s10] =	ssyncadd.s32 $0xFFFFC000  }
0xab: {  	_ =	swait.ge [sflag:s16], $0x4000  }
0xac: {  	[sflag:s16] =	ssyncset.done $0x0  }
0xad: {  	[sflag:s16] =	ssyncadd.s32 $0xFFFFC000  }
0xae: {  	[spmem:s3] =	stream.indirect.scatter.add.f32 [tilespmem:s14], [sflag:$0x3], $0x80, s5, s12, $0xb8;
	[tilespmem:$0x1D000] =	vst v63  }
0xaf: {  	s6 =	simm.s32 $0x200;
	_ =	swait.ge [sflag:s10], $0x4000  }
0xb0: {  	s8 =	simm.s32 $0x100;
	s9 =	rddreg [dreg:$0x5];
	[sflag:s10] =	ssyncset.done $0x0  }
.LBB2_2:
0xb1: {  	[sflag:s10] =	ssyncadd.s32 $0xFFFFC000;
	s9 =	sadd.s32 s8, s9  }
0xb2: {  	[tilespmem:s4], [sflag:$0x3] =	stream.linear.gather [hbm4b:s9+s4], $0x800, $0x38;
	[tilespmem:$0x1D000] =	vst v63  }
0xb3: {  	_ =	swait.ge [sflag:s10], $0x800  }
0xb4: {  	s9 =	rddreg [dreg:$0x4];
	[sflag:s10] =	ssyncset.done $0x0  }
0xb5: {  	[sflag:s10] =	ssyncadd.s32 $0xFFFFF800;
	s9 =	sadd.s32 s8, s9  }
0xb6: {  	[tilespmem:s11], [sflag:$0x3] =	stream.linear.gather [hbm4b:s9+s4], $0x800, $0x38;
	[tilespmem:$0x1D000] =	vst v63  }
0xb7: {  	_ =	swait.ge [sflag:s10], $0x800  }
0xb8: {  	[sflag:s10] =	ssyncset.done $0x0  }
0xb9: {  	[sflag:s10] =	ssyncadd.s32 $0xFFFFF800  }
0xba: {  	[tilespmem:s13], [sflag:$0x1] =	stream.indirect.gather [hbm4b:s1+s12], $0x80, s4, s12, $0xb8;
	[tilespmem:$0x1D000] =	vst v63  }
0xbb: {  	_ = 	snop  }
0xbc: {  	[tilespmem:s14], [sflag:$0x2] =	stream.indirect.gather [hbm4b:s1+s12], $0x80, s12, s12, $0xb8;
	[tilespmem:$0x1D000] =	vst v63  }
0xbd: {  	_ =	swait.ge [sflag:s15], $0x4000  }
0xbe: {  	[sflag:s15] =	ssyncset.done $0x0  }
0xbf: {  	[sflag:s15] =	ssyncadd.s32 $0xFFFFC000  }
0xc0: {  	[spmem:s3] =	stream.indirect.scatter.add.f32 [tilespmem:s13], [sflag:$0x3], $0x80, s11, s12, $0xb8;
	[tilespmem:$0x1D000] =	vst v63  }
0xc1: {  	_ =	swait.ge [sflag:s10], $0x4000  }
0xc2: {  	[sflag:s10] =	ssyncset.done $0x0  }
0xc3: {  	s9 =	rddreg [dreg:$0x6];
	[sflag:s10] =	ssyncadd.s32 $0xFFFFC000  }
0xc4: {  	[tilespmem:s13], [sflag:$0x1] =	stream.indirect.gather [hbm4b:s1+s12], $0x80, s9, s12, $0xb8;
	[tilespmem:$0x1D000] =	vst v63  }
0xc5: {  	_ =	swait.ge [sflag:s16], $0x4000  }
0xc6: {  	[sflag:s16] =	ssyncset.done $0x0  }
0xc7: {  	s9 =	rddreg [dreg:$0x7];
	[sflag:s16] =	ssyncadd.s32 $0xFFFFC000  }
0xc8: {  	[spmem:s3] =	stream.indirect.scatter.add.f32 [tilespmem:s14], [sflag:$0x3], $0x80, s9, s12, $0xb8;
	[tilespmem:$0x1D000] =	vst v63  }
0xc9: {  	_ =	swait.ge [sflag:s10], $0x4000  }
0xca: {  	[sflag:s10] =	ssyncset.done $0x0  }
0xcb: {  	s9 =	rddreg [dreg:$0x8];
	[sflag:s10] =	ssyncadd.s32 $0xFFFFC000  }
0xcc: {  	[tilespmem:s14], [sflag:$0x2] =	stream.indirect.gather [hbm4b:s1+s12], $0x80, s9, s12, $0xb8;
	[tilespmem:$0x1D000] =	vst v63  }
0xcd: {  	_ =	swait.ge [sflag:s15], $0x4000  }
0xce: {  	[sflag:s15] =	ssyncset.done $0x0  }
0xcf: {  	s9 =	rddreg [dreg:$0x9];
	[sflag:s15] =	ssyncadd.s32 $0xFFFFC000  }
0xd0: {  	[spmem:s3] =	stream.indirect.scatter.add.f32 [tilespmem:s13], [sflag:$0x3], $0x80, s9, s12, $0xb8;
	[tilespmem:$0x1D000] =	vst v63  }
0xd1: {  	_ =	swait.ge [sflag:s10], $0x4000  }
0xd2: {  	[sflag:s10] =	ssyncset.done $0x0  }
0xd3: {  	s9 =	rddreg [dreg:$0xa];
	[sflag:s10] =	ssyncadd.s32 $0xFFFFC000  }
0xd4: {  	[tilespmem:s13], [sflag:$0x1] =	stream.indirect.gather [hbm4b:s1+s12], $0x80, s9, s12, $0xb8;
	[tilespmem:$0x1D000] =	vst v63  }
0xd5: {  	_ =	swait.ge [sflag:s16], $0x4000  }
0xd6: {  	[sflag:s16] =	ssyncset.done $0x0  }
0xd7: {  	s9 =	rddreg [dreg:$0xb];
	[sflag:s16] =	ssyncadd.s32 $0xFFFFC000  }
0xd8: {  	[spmem:s3] =	stream.indirect.scatter.add.f32 [tilespmem:s14], [sflag:$0x3], $0x80, s9, s12, $0xb8;
	[tilespmem:$0x1D000] =	vst v63  }
0xd9: {  	_ =	swait.ge [sflag:s10], $0x4000  }
0xda: {  	[sflag:s10] =	ssyncset.done $0x0  }
0xdb: {  	s9 =	rddreg [dreg:$0xc];
	[sflag:s10] =	ssyncadd.s32 $0xFFFFC000  }
0xdc: {  	[tilespmem:s14], [sflag:$0x2] =	stream.indirect.gather [hbm4b:s1+s12], $0x80, s9, s12, $0xb8;
	[tilespmem:$0x1D000] =	vst v63  }
0xdd: {  	_ =	swait.ge [sflag:s15], $0x4000  }
0xde: {  	[sflag:s15] =	ssyncset.done $0x0  }
0xdf: {  	s9 =	rddreg [dreg:$0xd];
	[sflag:s15] =	ssyncadd.s32 $0xFFFFC000  }
0xe0: {  	[spmem:s3] =	stream.indirect.scatter.add.f32 [tilespmem:s13], [sflag:$0x3], $0x80, s9, s12, $0xb8;
	[tilespmem:$0x1D000] =	vst v63  }
0xe1: {  	_ =	swait.ge [sflag:s10], $0x4000  }
0xe2: {  	[sflag:s10] =	ssyncset.done $0x0  }
0xe3: {  	s9 =	rddreg [dreg:$0xe];
	[sflag:s10] =	ssyncadd.s32 $0xFFFFC000  }
0xe4: {  	[tilespmem:s13], [sflag:$0x1] =	stream.indirect.gather [hbm4b:s1+s12], $0x80, s9, s12, $0xb8;
	[tilespmem:$0x1D000] =	vst v63  }
0xe5: {  	_ =	swait.ge [sflag:s16], $0x4000  }
0xe6: {  	[sflag:s16] =	ssyncset.done $0x0  }
0xe7: {  	s9 =	rddreg [dreg:$0xf];
	[sflag:s16] =	ssyncadd.s32 $0xFFFFC000  }
0xe8: {  	[spmem:s3] =	stream.indirect.scatter.add.f32 [tilespmem:s14], [sflag:$0x3], $0x80, s9, s12, $0xb8;
	[tilespmem:$0x1D000] =	vst v63  }
0xe9: {  	_ =	swait.ge [sflag:s10], $0x4000  }
0xea: {  	[sflag:s10] =	ssyncset.done $0x0  }
0xeb: {  	s9 =	rddreg [dreg:$0x10];
	[sflag:s10] =	ssyncadd.s32 $0xFFFFC000  }
0xec: {  	[tilespmem:s14], [sflag:$0x2] =	stream.indirect.gather [hbm4b:s1+s12], $0x80, s9, s12, $0xb8;
	[tilespmem:$0x1D000] =	vst v63  }
0xed: {  	_ =	swait.ge [sflag:s15], $0x4000  }
0xee: {  	[sflag:s15] =	ssyncset.done $0x0  }
0xef: {  	s9 =	rddreg [dreg:$0x11];
	[sflag:s15] =	ssyncadd.s32 $0xFFFFC000  }
0xf0: {  	[spmem:s3] =	stream.indirect.scatter.add.f32 [tilespmem:s13], [sflag:$0x3], $0x80, s9, s12, $0xb8;
	[tilespmem:$0x1D000] =	vst v63  }
0xf1: {  	_ =	swait.ge [sflag:s10], $0x4000  }
0xf2: {  	[sflag:s10] =	ssyncset.done $0x0  }
0xf3: {  	[sflag:s10] =	ssyncadd.s32 $0xFFFFC000  }
0xf4: {  	[tilespmem:s13], [sflag:$0x1] =	stream.indirect.gather [hbm4b:s1+s12], $0x80, s17, s12, $0xb8;
	[tilespmem:$0x1D000] =	vst v63  }
0xf5: {  	_ =	swait.ge [sflag:s16], $0x4000  }
0xf6: {  	[sflag:s16] =	ssyncset.done $0x0  }
0xf7: {  	[sflag:s16] =	ssyncadd.s32 $0xFFFFC000  }
0xf8: {  	[spmem:s3] =	stream.indirect.scatter.add.f32 [tilespmem:s14], [sflag:$0x3], $0x80, s18, s12, $0xb8;
	[tilespmem:$0x1D000] =	vst v63  }
0xf9: {  	_ =	swait.ge [sflag:s10], $0x4000  }
0xfa: {  	[sflag:s10] =	ssyncset.done $0x0  }
0xfb: {  	[sflag:s10] =	ssyncadd.s32 $0xFFFFC000  }
0xfc: {  	[tilespmem:s14], [sflag:$0x2] =	stream.indirect.gather [hbm4b:s1+s12], $0x80, s19, s12, $0xb8;
	[tilespmem:$0x1D000] =	vst v63  }
0xfd: {  	_ =	swait.ge [sflag:s15], $0x4000  }
0xfe: {  	[sflag:s15] =	ssyncset.done $0x0  }
0xff: {  	[sflag:s15] =	ssyncadd.s32 $0xFFFFC000  }
0x100: {  	[spmem:s3] =	stream.indirect.scatter.add.f32 [tilespmem:s13], [sflag:$0x3], $0x80, s20, s12, $0xb8;
	[tilespmem:$0x1D000] =	vst v63  }
0x101: {  	_ =	swait.ge [sflag:s10], $0x4000  }
0x102: {  	[sflag:s10] =	ssyncset.done $0x0  }
0x103: {  	[sflag:s10] =	ssyncadd.s32 $0xFFFFC000  }
0x104: {  	[tilespmem:s13], [sflag:$0x1] =	stream.indirect.gather [hbm4b:s1+s12], $0x80, s21, s12, $0xb8;
	[tilespmem:$0x1D000] =	vst v63  }
0x105: {  	_ =	swait.ge [sflag:s16], $0x4000  }
0x106: {  	[sflag:s16] =	ssyncset.done $0x0  }
0x107: {  	[sflag:s16] =	ssyncadd.s32 $0xFFFFC000  }
0x108: {  	[spmem:s3] =	stream.indirect.scatter.add.f32 [tilespmem:s14], [sflag:$0x3], $0x80, s22, s12, $0xb8;
	[tilespmem:$0x1D000] =	vst v63  }
0x109: {  	_ =	swait.ge [sflag:s10], $0x4000  }
0x10a: {  	[sflag:s10] =	ssyncset.done $0x0  }
0x10b: {  	[sflag:s10] =	ssyncadd.s32 $0xFFFFC000  }
0x10c: {  	[tilespmem:s14], [sflag:$0x2] =	stream.indirect.gather [hbm4b:s1+s12], $0x80, s23, s12, $0xb8;
	[tilespmem:$0x1D000] =	vst v63  }
0x10d: {  	_ =	swait.ge [sflag:s15], $0x4000  }
0x10e: {  	[sflag:s15] =	ssyncset.done $0x0  }
0x10f: {  	[sflag:s15] =	ssyncadd.s32 $0xFFFFC000  }
0x110: {  	[spmem:s3] =	stream.indirect.scatter.add.f32 [tilespmem:s13], [sflag:$0x3], $0x80, s24, s12, $0xb8;
	[tilespmem:$0x1D000] =	vst v63  }
0x111: {  	_ =	swait.ge [sflag:s10], $0x4000  }
0x112: {  	[sflag:s10] =	ssyncset.done $0x0  }
0x113: {  	[sflag:s10] =	ssyncadd.s32 $0xFFFFC000  }
0x114: {  	[tilespmem:s13], [sflag:$0x1] =	stream.indirect.gather [hbm4b:s1+s12], $0x80, s25, s12, $0xb8;
	[tilespmem:$0x1D000] =	vst v63  }
0x115: {  	_ =	swait.ge [sflag:s16], $0x4000  }
0x116: {  	[sflag:s16] =	ssyncset.done $0x0  }
0x117: {  	[sflag:s16] =	ssyncadd.s32 $0xFFFFC000  }
0x118: {  	[spmem:s3] =	stream.indirect.scatter.add.f32 [tilespmem:s14], [sflag:$0x3], $0x80, s26, s12, $0xb8;
	[tilespmem:$0x1D000] =	vst v63  }
0x119: {  	_ =	swait.ge [sflag:s10], $0x4000  }
0x11a: {  	[sflag:s10] =	ssyncset.done $0x0  }
0x11b: {  	[sflag:s10] =	ssyncadd.s32 $0xFFFFC000  }
0x11c: {  	[tilespmem:s14], [sflag:$0x2] =	stream.indirect.gather [hbm4b:s1+s12], $0x80, s28, s12, $0xb8;
	[tilespmem:$0x1D000] =	vst v63  }
0x11d: {  	_ =	swait.ge [sflag:s15], $0x4000  }
0x11e: {  	[sflag:s15] =	ssyncset.done $0x0  }
0x11f: {  	[sflag:s15] =	ssyncadd.s32 $0xFFFFC000  }
0x120: {  	[spmem:s3] =	stream.indirect.scatter.add.f32 [tilespmem:s13], [sflag:$0x3], $0x80, s29, s12, $0xb8;
	[tilespmem:$0x1D000] =	vst v63  }
0x121: {  	_ =	swait.ge [sflag:s10], $0x4000  }
0x122: {  	[sflag:s10] =	ssyncset.done $0x0  }
0x123: {  	[sflag:s10] =	ssyncadd.s32 $0xFFFFC000  }
0x124: {  	[tilespmem:s13], [sflag:$0x1] =	stream.indirect.gather [hbm4b:s1+s12], $0x80, s30, s12, $0xb8;
	[tilespmem:$0x1D000] =	vst v63  }
0x125: {  	_ =	swait.ge [sflag:s16], $0x4000  }
0x126: {  	[sflag:s16] =	ssyncset.done $0x0  }
0x127: {  	[sflag:s16] =	ssyncadd.s32 $0xFFFFC000  }
0x128: {  	[spmem:s3] =	stream.indirect.scatter.add.f32 [tilespmem:s14], [sflag:$0x3], $0x80, s31, s12, $0xb8;
	[tilespmem:$0x1D000] =	vst v63  }
0x129: {  	_ =	swait.ge [sflag:s10], $0x4000  }
0x12a: {  	[sflag:s10] =	ssyncset.done $0x0  }
0x12b: {  	[sflag:s10] =	ssyncadd.s32 $0xFFFFC000  }
0x12c: {  	[tilespmem:s14], [sflag:$0x2] =	stream.indirect.gather [hbm4b:s1+s12], $0x80, s2, s12, $0xb8;
	[tilespmem:$0x1D000] =	vst v63  }
0x12d: {  	_ =	swait.ge [sflag:s15], $0x4000  }
0x12e: {  	[sflag:s15] =	ssyncset.done $0x0  }
0x12f: {  	[sflag:s15] =	ssyncadd.s32 $0xFFFFC000  }
0x130: {  	[spmem:s3] =	stream.indirect.scatter.add.f32 [tilespmem:s13], [sflag:$0x3], $0x80, s0, s12, $0xb8;
	[tilespmem:$0x1D000] =	vst v63  }
0x131: {  	_ =	swait.ge [sflag:s10], $0x4000  }
0x132: {  	[sflag:s10] =	ssyncset.done $0x0  }
0x133: {  	[sflag:s10] =	ssyncadd.s32 $0xFFFFC000  }
0x134: {  	p0 =	sne.s32 s6, $0x400;
	_ =	swait.ge [sflag:s16], $0x4000  }
.Ltmp0:
0x135: {  	[sflag:s16] =	ssyncset.done $0x0;
	(pc) =	sbr.rel @p0 .LBB2_2-.Ltmp0, $4  }
0x136: {  	[sflag:s16] =	ssyncadd.s32 $0xFFFFC000  }
0x137: {  	[spmem:s3] =	stream.indirect.scatter.add.f32 [tilespmem:s14], [sflag:$0x3], $0x80, s5, s12, $0xb8;
	[tilespmem:$0x1D000] =	vst v63  }
0x138: {  	s7 =	smov.u32 s6;
	s6 =	sadd.s32 $0x100, s6;
	_ =	swait.ge [sflag:s10], $0x4000  }
0x139: {  	s8 =	smov.u32 s7;
	s9 =	rddreg [dreg:$0x5];
	[sflag:s10] =	ssyncset.done $0x0  }
0x13a: {  	[sflag:s10] =	ssyncadd.s32 $0xFFFFC000;
	s6 =	sadd.s32 s8, s9  }
0x13b: {  	[tilespmem:s4], [sflag:$0x3] =	stream.linear.gather [hbm4b:s6+s4], $0x800, $0x38;
	[tilespmem:$0x1D000] =	vst v63  }
0x13c: {  	_ =	swait.ge [sflag:s10], $0x800  }
0x13d: {  	s7 =	rddreg [dreg:$0x4];
	[sflag:s10] =	ssyncset.done $0x0  }
0x13e: {  	s6 =	sadd.s32 s8, s7;
	[sflag:s10] =	ssyncadd.s32 $0xFFFFF800  }
0x13f: {  	[tilespmem:s11], [sflag:$0x3] =	stream.linear.gather [hbm4b:s6+s4], $0x800, $0x38;
	[tilespmem:$0x1D000] =	vst v63  }
0x140: {  	_ =	swait.ge [sflag:s10], $0x800  }
0x141: {  	[sflag:s10] =	ssyncset.done $0x0  }
0x142: {  	[sflag:s10] =	ssyncadd.s32 $0xFFFFF800  }
0x143: {  	[tilespmem:s13], [sflag:$0x1] =	stream.indirect.gather [hbm4b:s1+s12], $0x80, s4, s12, $0xb8;
	[tilespmem:$0x1D000] =	vst v63  }
0x144: {  	_ = 	snop  }
0x145: {  	[tilespmem:s14], [sflag:$0x2] =	stream.indirect.gather [hbm4b:s1+s12], $0x80, s12, s12, $0xb8;
	[tilespmem:$0x1D000] =	vst v63  }
0x146: {  	_ =	swait.ge [sflag:s15], $0x4000  }
0x147: {  	[sflag:s15] =	ssyncset.done $0x0  }
0x148: {  	[sflag:s15] =	ssyncadd.s32 $0xFFFFC000  }
0x149: {  	[spmem:s3] =	stream.indirect.scatter.add.f32 [tilespmem:s13], [sflag:$0x3], $0x80, s11, s12, $0xb8;
	[tilespmem:$0x1D000] =	vst v63  }
0x14a: {  	_ =	swait.ge [sflag:s10], $0x4000  }
0x14b: {  	[sflag:s10] =	ssyncset.done $0x0  }
0x14c: {  	s9 =	rddreg [dreg:$0x6];
	[sflag:s10] =	ssyncadd.s32 $0xFFFFC000  }
0x14d: {  	[tilespmem:s13], [sflag:$0x1] =	stream.indirect.gather [hbm4b:s1+s12], $0x80, s9, s12, $0xb8;
	[tilespmem:$0x1D000] =	vst v63  }
0x14e: {  	_ =	swait.ge [sflag:s16], $0x4000  }
0x14f: {  	[sflag:s16] =	ssyncset.done $0x0  }
0x150: {  	s7 =	rddreg [dreg:$0x7];
	[sflag:s16] =	ssyncadd.s32 $0xFFFFC000  }
0x151: {  	[spmem:s3] =	stream.indirect.scatter.add.f32 [tilespmem:s14], [sflag:$0x3], $0x80, s7, s12, $0xb8;
	[tilespmem:$0x1D000] =	vst v63  }
0x152: {  	_ =	swait.ge [sflag:s10], $0x4000  }
0x153: {  	[sflag:s10] =	ssyncset.done $0x0  }
0x154: {  	s8 =	rddreg [dreg:$0x8];
	[sflag:s10] =	ssyncadd.s32 $0xFFFFC000  }
0x155: {  	[tilespmem:s14], [sflag:$0x2] =	stream.indirect.gather [hbm4b:s1+s12], $0x80, s8, s12, $0xb8;
	[tilespmem:$0x1D000] =	vst v63  }
0x156: {  	_ =	swait.ge [sflag:s15], $0x4000  }
0x157: {  	[sflag:s15] =	ssyncset.done $0x0  }
0x158: {  	s9 =	rddreg [dreg:$0x9];
	[sflag:s15] =	ssyncadd.s32 $0xFFFFC000  }
0x159: {  	[spmem:s3] =	stream.indirect.scatter.add.f32 [tilespmem:s13], [sflag:$0x3], $0x80, s9, s12, $0xb8;
	[tilespmem:$0x1D000] =	vst v63  }
0x15a: {  	_ =	swait.ge [sflag:s10], $0x4000  }
0x15b: {  	[sflag:s10] =	ssyncset.done $0x0  }
0x15c: {  	s7 =	rddreg [dreg:$0xa];
	[sflag:s10] =	ssyncadd.s32 $0xFFFFC000  }
0x15d: {  	[tilespmem:s13], [sflag:$0x1] =	stream.indirect.gather [hbm4b:s1+s12], $0x80, s7, s12, $0xb8;
	[tilespmem:$0x1D000] =	vst v63  }
0x15e: {  	_ =	swait.ge [sflag:s16], $0x4000  }
0x15f: {  	[sflag:s16] =	ssyncset.done $0x0  }
0x160: {  	s8 =	rddreg [dreg:$0xb];
	[sflag:s16] =	ssyncadd.s32 $0xFFFFC000  }
0x161: {  	[spmem:s3] =	stream.indirect.scatter.add.f32 [tilespmem:s14], [sflag:$0x3], $0x80, s8, s12, $0xb8;
	[tilespmem:$0x1D000] =	vst v63  }
0x162: {  	_ =	swait.ge [sflag:s10], $0x4000  }
0x163: {  	[sflag:s10] =	ssyncset.done $0x0  }
0x164: {  	s9 =	rddreg [dreg:$0xc];
	[sflag:s10] =	ssyncadd.s32 $0xFFFFC000  }
0x165: {  	[tilespmem:s14], [sflag:$0x2] =	stream.indirect.gather [hbm4b:s1+s12], $0x80, s9, s12, $0xb8;
	[tilespmem:$0x1D000] =	vst v63  }
0x166: {  	_ =	swait.ge [sflag:s15], $0x4000  }
0x167: {  	[sflag:s15] =	ssyncset.done $0x0  }
0x168: {  	s7 =	rddreg [dreg:$0xd];
	[sflag:s15] =	ssyncadd.s32 $0xFFFFC000  }
0x169: {  	[spmem:s3] =	stream.indirect.scatter.add.f32 [tilespmem:s13], [sflag:$0x3], $0x80, s7, s12, $0xb8;
	[tilespmem:$0x1D000] =	vst v63  }
0x16a: {  	_ =	swait.ge [sflag:s10], $0x4000  }
0x16b: {  	[sflag:s10] =	ssyncset.done $0x0  }
0x16c: {  	s8 =	rddreg [dreg:$0xe];
	[sflag:s10] =	ssyncadd.s32 $0xFFFFC000  }
0x16d: {  	[tilespmem:s13], [sflag:$0x1] =	stream.indirect.gather [hbm4b:s1+s12], $0x80, s8, s12, $0xb8;
	[tilespmem:$0x1D000] =	vst v63  }
0x16e: {  	_ =	swait.ge [sflag:s16], $0x4000  }
0x16f: {  	[sflag:s16] =	ssyncset.done $0x0  }
0x170: {  	s9 =	rddreg [dreg:$0xf];
	[sflag:s16] =	ssyncadd.s32 $0xFFFFC000  }
0x171: {  	[spmem:s3] =	stream.indirect.scatter.add.f32 [tilespmem:s14], [sflag:$0x3], $0x80, s9, s12, $0xb8;
	[tilespmem:$0x1D000] =	vst v63  }
0x172: {  	_ =	swait.ge [sflag:s10], $0x4000  }
0x173: {  	[sflag:s10] =	ssyncset.done $0x0  }
0x174: {  	s7 =	rddreg [dreg:$0x10];
	[sflag:s10] =	ssyncadd.s32 $0xFFFFC000  }
0x175: {  	[tilespmem:s14], [sflag:$0x2] =	stream.indirect.gather [hbm4b:s1+s12], $0x80, s7, s12, $0xb8;
	[tilespmem:$0x1D000] =	vst v63  }
0x176: {  	_ =	swait.ge [sflag:s15], $0x4000  }
0x177: {  	[sflag:s15] =	ssyncset.done $0x0  }
0x178: {  	s8 =	rddreg [dreg:$0x11];
	[sflag:s15] =	ssyncadd.s32 $0xFFFFC000  }
0x179: {  	[spmem:s3] =	stream.indirect.scatter.add.f32 [tilespmem:s13], [sflag:$0x3], $0x80, s8, s12, $0xb8;
	[tilespmem:$0x1D000] =	vst v63  }
0x17a: {  	_ =	swait.ge [sflag:s10], $0x4000  }
0x17b: {  	[sflag:s10] =	ssyncset.done $0x0  }
0x17c: {  	[sflag:s10] =	ssyncadd.s32 $0xFFFFC000  }
0x17d: {  	[tilespmem:s13], [sflag:$0x1] =	stream.indirect.gather [hbm4b:s1+s12], $0x80, s17, s12, $0xb8;
	[tilespmem:$0x1D000] =	vst v63  }
0x17e: {  	_ =	swait.ge [sflag:s16], $0x4000  }
0x17f: {  	[sflag:s16] =	ssyncset.done $0x0  }
0x180: {  	[sflag:s16] =	ssyncadd.s32 $0xFFFFC000  }
0x181: {  	[spmem:s3] =	stream.indirect.scatter.add.f32 [tilespmem:s14], [sflag:$0x3], $0x80, s18, s12, $0xb8;
	[tilespmem:$0x1D000] =	vst v63  }
0x182: {  	_ =	swait.ge [sflag:s10], $0x4000  }
0x183: {  	[sflag:s10] =	ssyncset.done $0x0  }
0x184: {  	[sflag:s10] =	ssyncadd.s32 $0xFFFFC000  }
0x185: {  	[tilespmem:s14], [sflag:$0x2] =	stream.indirect.gather [hbm4b:s1+s12], $0x80, s19, s12, $0xb8;
	[tilespmem:$0x1D000] =	vst v63  }
0x186: {  	_ =	swait.ge [sflag:s15], $0x4000  }
0x187: {  	[sflag:s15] =	ssyncset.done $0x0  }
0x188: {  	[sflag:s15] =	ssyncadd.s32 $0xFFFFC000  }
0x189: {  	[spmem:s3] =	stream.indirect.scatter.add.f32 [tilespmem:s13], [sflag:$0x3], $0x80, s20, s12, $0xb8;
	[tilespmem:$0x1D000] =	vst v63  }
0x18a: {  	_ =	swait.ge [sflag:s10], $0x4000  }
0x18b: {  	[sflag:s10] =	ssyncset.done $0x0  }
0x18c: {  	[sflag:s10] =	ssyncadd.s32 $0xFFFFC000  }
0x18d: {  	[tilespmem:s13], [sflag:$0x1] =	stream.indirect.gather [hbm4b:s1+s12], $0x80, s21, s12, $0xb8;
	[tilespmem:$0x1D000] =	vst v63  }
0x18e: {  	_ =	swait.ge [sflag:s16], $0x4000  }
0x18f: {  	[sflag:s16] =	ssyncset.done $0x0  }
0x190: {  	[sflag:s16] =	ssyncadd.s32 $0xFFFFC000  }
0x191: {  	[spmem:s3] =	stream.indirect.scatter.add.f32 [tilespmem:s14], [sflag:$0x3], $0x80, s22, s12, $0xb8;
	[tilespmem:$0x1D000] =	vst v63  }
0x192: {  	_ =	swait.ge [sflag:s10], $0x4000  }
0x193: {  	[sflag:s10] =	ssyncset.done $0x0  }
0x194: {  	[sflag:s10] =	ssyncadd.s32 $0xFFFFC000  }
0x195: {  	[tilespmem:s14], [sflag:$0x2] =	stream.indirect.gather [hbm4b:s1+s12], $0x80, s23, s12, $0xb8;
	[tilespmem:$0x1D000] =	vst v63  }
0x196: {  	_ =	swait.ge [sflag:s15], $0x4000  }
0x197: {  	[sflag:s15] =	ssyncset.done $0x0  }
0x198: {  	[sflag:s15] =	ssyncadd.s32 $0xFFFFC000  }
0x199: {  	[spmem:s3] =	stream.indirect.scatter.add.f32 [tilespmem:s13], [sflag:$0x3], $0x80, s24, s12, $0xb8;
	[tilespmem:$0x1D000] =	vst v63  }
0x19a: {  	_ =	swait.ge [sflag:s10], $0x4000  }
0x19b: {  	[sflag:s10] =	ssyncset.done $0x0  }
0x19c: {  	[sflag:s10] =	ssyncadd.s32 $0xFFFFC000  }
0x19d: {  	[tilespmem:s13], [sflag:$0x1] =	stream.indirect.gather [hbm4b:s1+s12], $0x80, s25, s12, $0xb8;
	[tilespmem:$0x1D000] =	vst v63  }
0x19e: {  	_ =	swait.ge [sflag:s16], $0x4000  }
0x19f: {  	[sflag:s16] =	ssyncset.done $0x0  }
0x1a0: {  	[sflag:s16] =	ssyncadd.s32 $0xFFFFC000  }
0x1a1: {  	[spmem:s3] =	stream.indirect.scatter.add.f32 [tilespmem:s14], [sflag:$0x3], $0x80, s26, s12, $0xb8;
	[tilespmem:$0x1D000] =	vst v63  }
0x1a2: {  	_ =	swait.ge [sflag:s10], $0x4000  }
0x1a3: {  	[sflag:s10] =	ssyncset.done $0x0  }
0x1a4: {  	[sflag:s10] =	ssyncadd.s32 $0xFFFFC000  }
0x1a5: {  	[tilespmem:s14], [sflag:$0x2] =	stream.indirect.gather [hbm4b:s1+s12], $0x80, s28, s12, $0xb8;
	[tilespmem:$0x1D000] =	vst v63  }
0x1a6: {  	_ =	swait.ge [sflag:s15], $0x4000  }
0x1a7: {  	[sflag:s15] =	ssyncset.done $0x0  }
0x1a8: {  	[sflag:s15] =	ssyncadd.s32 $0xFFFFC000  }
0x1a9: {  	[spmem:s3] =	stream.indirect.scatter.add.f32 [tilespmem:s13], [sflag:$0x3], $0x80, s29, s12, $0xb8;
	[tilespmem:$0x1D000] =	vst v63  }
0x1aa: {  	_ =	swait.ge [sflag:s10], $0x4000  }
0x1ab: {  	[sflag:s10] =	ssyncset.done $0x0  }
0x1ac: {  	[sflag:s10] =	ssyncadd.s32 $0xFFFFC000  }
0x1ad: {  	[tilespmem:s13], [sflag:$0x1] =	stream.indirect.gather [hbm4b:s1+s12], $0x80, s30, s12, $0xb8;
	[tilespmem:$0x1D000] =	vst v63  }
0x1ae: {  	_ =	swait.ge [sflag:s16], $0x4000  }
0x1af: {  	[sflag:s16] =	ssyncset.done $0x0  }
0x1b0: {  	[sflag:s16] =	ssyncadd.s32 $0xFFFFC000  }
0x1b1: {  	[spmem:s3] =	stream.indirect.scatter.add.f32 [tilespmem:s14], [sflag:$0x3], $0x80, s31, s12, $0xb8;
	[tilespmem:$0x1D000] =	vst v63  }
0x1b2: {  	_ =	swait.ge [sflag:s10], $0x4000  }
0x1b3: {  	[sflag:s10] =	ssyncset.done $0x0  }
0x1b4: {  	[sflag:s10] =	ssyncadd.s32 $0xFFFFC000  }
0x1b5: {  	[tilespmem:s14], [sflag:$0x2] =	stream.indirect.gather [hbm4b:s1+s12], $0x80, s2, s12, $0xb8;
	[tilespmem:$0x1D000] =	vst v63  }
0x1b6: {  	_ =	swait.ge [sflag:s15], $0x4000  }
0x1b7: {  	[sflag:s15] =	ssyncset.done $0x0  }
0x1b8: {  	[sflag:s15] =	ssyncadd.s32 $0xFFFFC000  }
0x1b9: {  	[spmem:s3] =	stream.indirect.scatter.add.f32 [tilespmem:s13], [sflag:$0x3], $0x80, s0, s12, $0xb8;
	[tilespmem:$0x1D000] =	vst v63  }
0x1ba: {  	_ =	swait.ge [sflag:s10], $0x4000  }
0x1bb: {  	[sflag:s10] =	ssyncset.done $0x0  }
0x1bc: {  	[sflag:s10] =	ssyncadd.s32 $0xFFFFC000  }
0x1bd: {  	_ =	swait.ge [sflag:s16], $0x4000  }
0x1be: {  	[sflag:s16] =	ssyncset.done $0x0  }
0x1bf: {  	[sflag:s16] =	ssyncadd.s32 $0xFFFFC000  }
0x1c0: {  	[spmem:s3] =	stream.indirect.scatter.add.f32 [tilespmem:s14], [sflag:$0x3], $0x80, s5, s12, $0xb8;
	[tilespmem:$0x1D000] =	vst v63  }
0x1c1: {  	_ =	swait.ge [sflag:s10], $0x4000  }
0x1c2: {  	[sflag:s10] =	ssyncset.done $0x0  }
0x1c3: {  	[sflag:s10] =	ssyncadd.s32 $0xFFFFC000  }
0x1c4: {  	[bflag:$0x0] =	sbarrier.arrive $0xFFFF  }
0x1c5: {  	s7 =	rddreg [dreg:$0x13]  }
0x1c6: {  	s9 =	rddreg [dreg:$0x15]  }
0x1c7: {  	s8 =	rddreg [dreg:$0x16]  }
0x1c8: {  	[hbm:s9], [sflag:s7] =	dma.local [spmem:s8], $0x2800  }
0x1c9: {  	_ =	swait.ge [sflag:s10], $0x2800  }
0x1ca: {  	s6 =	rddreg [dreg:$0x17]  }
0x1cb: {  	s9 =	sadd.s32 $0x1, s6;
	s6 =	rddreg [dreg:$0x14]  }
0x1cc: {  	p0 =	sne.s32 s9, s6  }
.Ltmp1:
0x1cd: {  	_ = 	snop;
	(pc) =	sbr.rel @p0 .LBB2_1-.Ltmp1, $3  }
0x1ce: {  	_ =	sdelay $0x1  }
0x1cf: {  	[sflag:s10] =	ssyncset.done $0x0  }
0x1d0: {  	[sflag:s10] =	ssyncadd.s32 $0xFFFFD800  }
0x1d1: {  	_ =	sfence.sel $0x180000  }
0x1d2: {  	[bflag:$0x0] =	sbarrier.arrive $0xFFFF  }
0x1d3: {  	_ =	strace $0x90000050  }
0x1d4: {  	s0 =	stileid.u32;
	[bflag:$0x2] =	sbarrier.arrive $0xFFFF  }
0x1d5: {  	p0 =	sne.s32 s0, $0x0;
	s0 =	rddreg [dreg:$0x3]  }
0x1d6: {  	s0 =	sadd.s32 @!p0 $0x100000, s0  }
0x1d7: {  	[sflag:s0] =	ssyncadd.tile.s32 @!p0 $0x1;
	_ =	shalt  }
.Lfunc_end2:
_tile_overlayer_lowered:
.L_overlay_start_2:
0x1d8: {  	(tag) =	ssettag $0x2  }
0x1d9: {  	s0 =	rddreg [dreg:$0x0];
	s2 =	stileid.u32  }
0x1da: {  	s1 =	rddreg [dreg:$0x1];
	p0 =	sne.s32 s2, $0x0  }
0x1db: {  	s3 =	rddreg [dreg:$0x2];
	[bflag:$0x3] =	sbarrier.arrive $0xFFFF;
	s2 =	simm.s32 @!p0 $0x1C03  }
0x1dc: {  	[timem:s3], [sflag:s2] =	dma.local @!p0 [hbm:s0], s1  }
0x1dd: {  	s0 =	simm.s32 @!p0 $0x3  }
0x1de: {  	_ =	swait.ge @!p0 [sflag:s0], s1  }
0x1df: {  	s1 =	ssub.s32 @!p0 $0x0, s1;
	[sflag:s0] =	ssyncset.done @!p0 $0x0  }
0x1e0: {  	[sflag:s0] =	ssyncadd.s32 @!p0 s1  }
0x1e1: {  	[bflag:$0x3] =	sbarrier.arrive $0xFFFF  }
0x1e2: {  	_ =	shalt  }

// kernel: kernel.25.cloned.1.call-start
scs
__scs_entry_jumppad:
0x0: {  	(pc) =	sbr.rel $0x88, $3  }
0x1: {  	(tag) =	ssettag $0x0;
	lr =	simm.s32 $0x1  }
0x2: {  	[smem:$0x3F95] =	sst lr;
	_ =	strace $0xD0000000  }
0x3: {  	_ = 	snop  }
0x4: {  	_ = 	snop  }
0x5: {  	_ = 	snop  }
0x6: {  	_ = 	snop  }
0x7: {  	_ = 	snop  }
__scs_overlays_trampoline_lowered:
0x8: {  	[smem:$0x3FA4] =	sst s0  }
0x9: {  	[smem:$0x3FA5] =	sst s1  }
0xa: {  	[smem:$0x3FA6] =	sst s2  }
0xb: {  	[smem:$0x3FA7] =	sst s3  }
0xc: {  	[smem:$0x3FA8] =	sst s4  }
0xd: {  	[smem:$0x3FA9] =	sst s5  }
0xe: {  	[smem:$0x3FAA] =	sst s6  }
0xf: {  	[smem:$0x3FAB] =	sst s7  }
0x10: {  	[smem:$0x3FAC] =	sst s8  }
0x11: {  	[smem:$0x3FAD] =	sst s9;
	s0 =	simm.s32 @!p0 $0x0  }
0x12: {  	s1 =	sld [smem:$0x3F93];
	s0 =	simm.s32 @p0 $0x1  }
0x13: {  	[smem:$0x3FAE] =	sst s0;
	s0 =	simm.s32 @!p1 $0x0  }
0x14: {  	s2 =	sld [smem:$0x3F92];
	s0 =	simm.s32 @p1 $0x1  }
0x15: {  	[smem:$0x3FAF] =	sst s0;
	s0 =	simm.s32 @!p2 $0x0  }
0x16: {  	s3 =	sld [smem:$0x3FDB];
	s0 =	simm.s32 @p2 $0x1  }
0x17: {  	s4 =	simm.s32 $0x1BF5;
	[smem:$0x3FB1] =	sst s0  }
0x18: {  	s0 =	sld [smem:$0x3F94];
	_ =	swait.ge [sflag:s4], $0x0  }
0x19: {  	s7 =	sld [smem:$0x3F95]  }
0x1a: {  	s8 =	sadd.s32 $0xFFFFE003, lr  }
0x1b: {  	s9 =	sadd.s32 $0xFFFFFEF7, lr;
	s5 =	simm.s32 $0xFFFFFFFF;
	p2 =	slt.u32 s8, $0xFFFFF086  }
0x1c: {  	p1 =	slt.u32 s9, $0xF7A;
	s5 =	simm.s32 @!p2 $0x0  }
0x1d: {  	s5 =	simm.s32 @p1 $0x1;
	p0 =	seq.s32 s7, s2  }
0x1e: {  	s7 =	smul.u32 @!p0 $0xF7A, s2;
	p2 =	seq.s32 @!p0 s5, $0x0  }
0x1f: {  	s9 =	smul.u32 $0xF7A, s1;
	s8 =	simm.s32 @!p0 $0x1BF5;
	p2 =	por !p2, p0  }
0x20: {  	[sflag:s8] =	ssyncset.s32 @!p0 $0xFFFFF086;
	s6 =	sadd.s32 @!p0 s3, s7;
	s7 =	simm.s32 @!p0 $0x108  }
0x21: {  	s3 =	sadd.s32 s3, s9;
	s6 =	sadd.s32 @!p0 $0x88, s6;
	s7 =	simm.s32 @p2 $0x1082  }
0x22: {  	[simem:s7], [sflag:s8] =	dma.local @!p0 [hbm:s6], $0xF7A  }
0x23: {  	s9 =	sor.u32 $0xD0000000, s2;
	s6 =	simm.s32 $0x108;
	_ =	swait.ge @!p0 [sflag:s8], $0x0  }
0x24: {  	s3 =	sadd.s32 $0x88, s3;
	s6 =	simm.s32 @!p1 $0x1082;
	[sflag:s4] =	ssyncset.s32 $0xFFFFF086  }
0x25: {  	[simem:s6], [sflag:s4] =	dma.local [hbm:s3], $0xF7A  }
0x26: {  	[smem:$0x3F95] =	sst s1;
	(tag) =	ssettag s2;
	_ =	strace s9  }
0x27: {  	s1 =	sld [smem:$0x3FA5]  }
0x28: {  	s2 =	sld [smem:$0x3FA6]  }
0x29: {  	s4 =	sld [smem:$0x3FA8]  }
0x2a: {  	p0 =	seq.s32 s5, $0x0;
	s5 =	sld [smem:$0x3FA9]  }
0x2b: {  	s6 =	sld [smem:$0x3FAA]  }
0x2c: {  	s7 =	sld [smem:$0x3FAB]  }
0x2d: {  	s3 =	simm.s32 $0x108;
	s8 =	sld [smem:$0x3FAC]  }
0x2e: {  	s3 =	simm.s32 @!p0 $0x1082;
	s9 =	sld [smem:$0x3FAD]  }
0x2f: {  	lr =	sadd.s32 s0, s3;
	s0 =	sld [smem:$0x3FA4]  }
0x30: {  	s3 =	sld [smem:$0x3FA7]  }
0x31: {  	[smem:$0x3FB0] =	sst s10  }
0x32: {  	s10 =	sld [smem:$0x3FAE];
	_ =	sdelay $0x3  }
0x33: {  	p0 =	seq.s32 s10, $0x1;
	s10 =	sld [smem:$0x3FB0];
	_ =	sdelay $0x3  }
0x34: {  	[smem:$0x3FB0] =	sst s10  }
0x35: {  	s10 =	sld [smem:$0x3FAF];
	_ =	sdelay $0x3  }
0x36: {  	p1 =	seq.s32 s10, $0x1;
	s10 =	sld [smem:$0x3FB0];
	_ =	sdelay $0x3  }
0x37: {  	[smem:$0x3FB0] =	sst s10  }
0x38: {  	s10 =	sld [smem:$0x3FB1]  }
0x39: {  	_ = 	snop;
	(pc) =	sbr.ind lr, $3  }
0x3a: {  	_ = 	snop  }
0x3b: {  	_ = 	snop  }
0x3c: {  	p2 =	seq.s32 s10, $0x1;
	s10 =	sld [smem:$0x3FB0]  }
0x3d: {  	_ =	shalt  }
0x3e: {  	_ =	shalt  }
0x3f: {  	_ =	shalt  }
0x40: {  	_ =	shalt  }
0x41: {  	_ =	shalt  }
0x42: {  	_ =	shalt  }
0x43: {  	_ =	shalt  }
0x44: {  	_ =	shalt  }
0x45: {  	_ =	shalt  }
0x46: {  	_ =	shalt  }
0x47: {  	_ =	shalt  }
0x48: {  	_ =	shalt  }
0x49: {  	_ =	shalt  }
0x4a: {  	_ =	shalt  }
0x4b: {  	_ =	shalt  }
0x4c: {  	_ =	shalt  }
0x4d: {  	_ =	shalt  }
0x4e: {  	_ =	shalt  }
0x4f: {  	_ =	shalt  }
0x50: {  	_ =	shalt  }
0x51: {  	_ =	shalt  }
0x52: {  	_ =	shalt  }
0x53: {  	_ =	shalt  }
0x54: {  	_ =	shalt  }
0x55: {  	_ =	shalt  }
0x56: {  	_ =	shalt  }
0x57: {  	_ =	shalt  }
0x58: {  	_ =	shalt  }
0x59: {  	_ =	shalt  }
0x5a: {  	_ =	shalt  }
0x5b: {  	_ =	shalt  }
0x5c: {  	_ =	shalt  }
0x5d: {  	_ =	shalt  }
0x5e: {  	_ =	shalt  }
0x5f: {  	_ =	shalt  }
0x60: {  	_ =	shalt  }
0x61: {  	_ =	shalt  }
0x62: {  	_ =	shalt  }
0x63: {  	_ =	shalt  }
0x64: {  	_ =	shalt  }
0x65: {  	_ =	shalt  }
0x66: {  	_ =	shalt  }
0x67: {  	_ =	shalt  }
0x68: {  	_ =	shalt  }
0x69: {  	_ =	shalt  }
0x6a: {  	_ =	shalt  }
0x6b: {  	_ =	shalt  }
0x6c: {  	_ =	shalt  }
0x6d: {  	_ =	shalt  }
0x6e: {  	_ =	shalt  }
0x6f: {  	_ =	shalt  }
0x70: {  	_ =	shalt  }
0x71: {  	_ =	shalt  }
0x72: {  	_ =	shalt  }
0x73: {  	_ =	shalt  }
0x74: {  	_ =	shalt  }
0x75: {  	_ =	shalt  }
0x76: {  	_ =	shalt  }
0x77: {  	_ =	shalt  }
0x78: {  	_ =	shalt  }
0x79: {  	_ =	shalt  }
0x7a: {  	_ =	shalt  }
0x7b: {  	_ =	shalt  }
0x7c: {  	_ =	shalt  }
0x7d: {  	_ =	shalt  }
0x7e: {  	_ =	shalt  }
0x7f: {  	_ =	shalt  }
0x80: {  	_ =	shalt  }
0x81: {  	_ =	shalt  }
0x82: {  	_ =	shalt  }
0x83: {  	_ =	shalt  }
0x84: {  	_ =	shalt  }
0x85: {  	_ =	shalt  }
0x86: {  	_ =	shalt  }
0x87: {  	_ =	shalt  }
.Lfunc_end0:
.L_simem_size_0:
called_computation.4_lowered:
.L_overlay_start_0:
0x88: {  	s2 =	sld [smem:$0x3FD9]  }
0x89: {  	s3 =	sld [smem:$0x3FFE];
	_ =	sdelay $0x1  }
0x8a: {  	s1 =	srdreg.scid  }
0x8b: {  	s0 =	sand.u32 $0x1, s1  }
0x8c: {  	s17 =	sshll.u32 s0, $0xA;
	s2 =	sadd.s32 s3, s2  }
0x8d: {  	s2 =	sadd.s32 s2, s17  }
0x8e: {  	[smem:$0x3FBC] =	sst s2  }
0x8f: {  	_ = 	snop  }
0x90: {  	s2 =	sld [smem:$0x3FD0];
	(tm) =	ssettm $0x1  }
0x91: {  	s18 =	sld [smem:$0x3FFB];
	_ =	sdelay $0x3  }
0x92: {  	_ =	strace s18  }
0x93: {  	s3 =	sld [smem:$0x3FFC];
	_ =	sdelay $0x3  }
0x94: {  	_ =	strace s3  }
0x95: {  	s3 =	sld [smem:$0x3FFD];
	_ =	sdelay $0x3  }
0x96: {  	_ =	strace s3  }
0x97: {  	_ =	strace $0x8FFFFFFF  }
0x98: {  	s19 =	sld [smem:$0x3FDB];
	_ =	sdelay $0x1  }
0x99: {  	s4 =	simm.s32 $_scs_section_size  }
0x9a: {  	s5 =	simm.s32 $_size__tile_overlayer_lowered;
	s6 =	simm.s32 $_tile_overlayer_lowered  }
0x9b: {  	s22 =	simm.s32 $0x1BFF;
	s21 =	sshll.u32 s6, $0x1;
	s3 =	sadd.s32 s4, s19  }
0x9c: {  	s7 =	simm.s32 $0x0;
	s20 =	sshll.u32 s5, $0x1;
	s5 =	sadd.s32 s21, s3  }
0x9d: {  	[timem:s7], [sflag:s22] =	dma.local [hbm:s5], s20  }
0x9e: {  	_ =	swait.ge [sflag:s22], s20  }
0x9f: {  	s4 =	ssub.s32 $0x0, s20;
	[sflag:s22] =	ssyncset.done $0x0  }
0xa0: {  	[sflag:s22] =	ssyncadd.s32 s4;
	_ =	sdelay $0x1  }
0xa1: {  	s23 =	simm.s32 $0x1B8B  }
0xa2: {  	_ =	swait.ge [sflag:s23], $0x1  }
0xa3: {  	[sflag:s23] =	ssyncset.done $0x0  }
0xa4: {  	s25 =	simm.s32 $0x1B8E;
	s24 =	sld [smem:$0x3FFE];
	[sflag:s23] =	ssyncadd.s32 $0xFFFFFFFF  }
0xa5: {  	s26 =	simm.s32 $execute0_lowered;
	[smem:$0x3FD2] =	sst s25  }
0xa6: {  	s5 =	sshll.u32 s26, $0x1;
	_ =	strace $0x80000052;
	[dreg:$0x1] =	wrdreg $0xFFFFFFFF  }
0xa7: {  	s28 =	simm.s32 $_size_execute0_lowered;
	s3 =	sadd.s32 s3, s5;
	[dreg:$0x0] =	wrdreg $0x0  }
0xa8: {  	s5 =	sshll.u32 s28, $0x1;
	[dreg:$0x2] =	wrdreg s3  }
0xa9: {  	[dreg:$0x3] =	wrdreg s5  }
0xaa: {  	[dreg:$0x4] =	wrdreg $0xC0  }
0xab: {  	_ =	task [dreg:s7], $0x5FFFF  }
0xac: {  	[dreg:$0x1] =	wrdreg $0xFFFFFFFF  }
0xad: {  	[dreg:$0x0] =	wrdreg $0x60  }
0xae: {  	[dreg:$0x2] =	wrdreg s2  }
0xaf: {  	[dreg:$0x3] =	wrdreg s24  }
0xb0: {  	[dreg:$0x4] =	wrdreg $0x9  }
0xb1: {  	_ =	task.clear_ibuf [dreg:s7], $0x5FFFF;
	_ =	strace $0x90000052  }
0xb2: {  	s29 =	simm.s32 $0x9;
	_ =	strace $0x80000054  }
0xb3: {  	_ =	swait.ge [sflag:s29], $0x1  }
0xb4: {  	[sflag:s29] =	ssyncadd.s32 $0xFFFFFFFF  }
0xb5: {  	_ =	strace $0x90000054  }
0xb6: {  	_ =	sfence  }
0xb7: {  	s30 =	sld [smem:$0x0];
	_ =	sdelay $0x2  }
0xb8: {  	s31 =	sshll.u32 s1, $0xD;
	s1 =	sshrl.u32 s1, $0x2  }
0xb9: {  	s3 =	sand.u32 $0x4000, s31;
	s1 =	sadd.s32 s1, s30  }
0xba: {  	s0 =	sor.u32 s3, s0;
	s1 =	sshll.u32 s1, $0x11  }
0xbb: {  	s0 =	sor.u32 s1, s0  }
0xbc: {  	s0 =	sadd.s32 $0x8F2B, s0  }
0xbd: {  	[sflag:s0] =	ssyncadd.remote.s32 $0x1  }
0xbe: {  	_ =	sfence.sel $0xFFFF  }
0xbf: {  	[dreg:$0x0] =	wrdreg $0xFFFFFFFF;
	(pc) =	sbr.abs _section_cstart, $3  }
0xc0: {  	[dreg:$0x1] =	wrdreg $0xFFFFFFFF  }
0xc1: {  	_ =	task.clear_ibuf [dreg:s7], $0x2FFFF;
	_ =	strace $0x9FFFFFFF  }
0xc2: {  	(tm) =	ssettm $0x7FFFFFFF  }
0xc3: {  	_ =	shalt  }
tec
execute0_lowered:
.L_overlay_start_1:
0x0: {  	(tag) =	ssettag $0x1  }
0x1: {  	s2 =	rddreg [dreg:$0x0]  }
0x2: {  	s0 =	rddreg [dreg:$0x1];
	s1 =	srdreg.scid  }
0x3: {  	s8 =	stileid.u32;
	s3 =	simm.s32 $0x0;
	s15 =	simm.s32 $0x5  }
0x4: {  	s16 =	simm.s32 $0x800;
	s17 =	simm.s32 $0x80;
	s18 =	simm.s32 $0x1000  }
0x5: {  	s19 =	simm.s32 $0x9000;
	s20 =	simm.s32 $0x5000;
	s22 =	simm.s32 $0xD000  }
0x6: {  	s1 =	sand.u32 $0x1, s1;
	s4 =	sshll.u32 s8, $0x1;
	[smem:$0x7FF] =	sst s3  }
0x7: {  	s5 =	sadd.s32 $0x1A200, s0;
	s6 =	sadd.s32 $0x6200, s0;
	s10 =	smul.u32 $0x50000, s8  }
0x8: {  	s7 =	sadd.s32 $0x10200, s0;
	s12 =	smul.u32 $0xA0, s8;
	s8 =	sadd.s32 $0x42200, s0  }
0x9: {  	s9 =	sadd.s32 $0x542200, s0;
	s4 =	sor.u32 s1, s4;
	s14 =	smul.u32 $0x50, s1  }
0xa: {  	_ =	strace $0x80000053;
	s11 =	ssub.s32 $0x2, s1;
	s1 =	smul.u32 $0x28000, s1  }
0xb: {  	s4 =	smul.u32 $0x50, s4;
	s13 =	sshrl.u32 s11, $0x1;
	s24 =	sadd.s32 s10, s9  }
0xc: {  	s26 =	sadd.s32 s10, s8;
	s23 =	ssub.s32 s11, s13;
	s25 =	sadd.s32 s14, s12  }
0xd: {  	s0 =	smax.u32 s23, $0x1;
	s28 =	sshll.u32 s25, $0xB;
	s23 =	simm.s32 $0x1  }
0xe: {  	s25 =	simm.s32 $0x2;
	[dreg:$0x3] =	wrdreg s0;
	s0 =	sadd.s32 s1, s24  }
0xf: {  	s30 =	sadd.s32 s28, s9;
	[dreg:$0x4] =	wrdreg s0;
	s0 =	sadd.s32 s1, s26  }
0x10: {  	s29 =	sadd.s32 s28, s8;
	s31 =	sadd.s32 $0x800, s30;
	[dreg:$0x5] =	wrdreg s0  }
0x11: {  	s24 =	simm.s32 $0x3;
	s0 =	sadd.s32 $0x800, s29;
	[dreg:$0x7] =	wrdreg s31  }
0x12: {  	s26 =	simm.s32 $0x4;
	s1 =	simm.s32 $0x0;
	[dreg:$0x6] =	wrdreg s0  }
.LBB2_1:
0x13: {  	[dreg:$0x8] =	wrdreg s1  }
0x14: {  	s29 =	rddreg [dreg:$0x7]  }
0x15: {  	s30 =	rddreg [dreg:$0x6]  }
0x16: {  	s31 =	rddreg [dreg:$0x5]  }
0x17: {  	s11 =	rddreg [dreg:$0x4];
	s1 =	simm.s32 $0x0  }
.LBB2_2:
0x18: {  	s0 =	sshll.u32 s1, $0x4  }
0x19: {  	s10 =	sadd.s32 s4, s0  }
0x1a: {  	s0 =	sshll.u32 s10, $0x4  }
0x1b: {  	s13 =	simm.s32 $0x0;
	s12 =	sadd.s32 s6, s0  }
0x1c: {  	[tilespmem:s13], [sflag:$0x5] =	stream.linear.gather [hbm4b:s12+s13], $0x800, $0x38;
	[tilespmem:$0x11000] =	vst v63  }
0x1d: {  	_ =	swait.ge [sflag:s15], $0x800  }
0x1e: {  	[sflag:s15] =	ssyncset.done $0x0  }
0x1f: {  	s0 =	sadd.s32 s7, s0;
	[sflag:s15] =	ssyncadd.s32 $0xFFFFF800  }
0x20: {  	[tilespmem:s16], [sflag:$0x5] =	stream.linear.gather [hbm4b:s0+s13], $0x800, $0x38;
	[tilespmem:$0x11000] =	vst v63  }
0x21: {  	_ =	swait.ge [sflag:s15], $0x800  }
0x22: {  	[sflag:s15] =	ssyncset.done $0x0  }
0x23: {  	[sflag:s15] =	ssyncadd.s32 $0xFFFFF800  }
0x24: {  	[tilespmem:s18], [sflag:$0x1] =	stream.indirect.gather [hbm4b:s2+s17], $0x80, s13, s17, $0xb8;
	[tilespmem:$0x11000] =	vst v63  }
0x25: {  	_ = 	snop  }
0x26: {  	[tilespmem:s19], [sflag:$0x3] =	stream.indirect.gather [hbm4b:s5+s17], $0x80, s16, s17, $0xb8;
	[tilespmem:$0x11000] =	vst v63  }
0x27: {  	_ = 	snop  }
0x28: {  	[tilespmem:s20], [sflag:$0x2] =	stream.indirect.gather [hbm4b:s2+s17], $0x80, s17, s17, $0xb8;
	[tilespmem:$0x11000] =	vst v63  }
0x29: {  	s14 =	simm.s32 $0x880  }
0x2a: {  	[tilespmem:s22], [sflag:$0x4] =	stream.indirect.gather [hbm4b:s5+s17], $0x80, s14, s17, $0xb8;
	[tilespmem:$0x11000] =	vst v63  }
0x2b: {  	_ =	swait.ge [sflag:s23], $0x4000  }
0x2c: {  	[sflag:s23] =	ssyncset.done $0x0  }
0x2d: {  	s21 =	sadd.s32 $0x0, s31;
	[sflag:s23] =	ssyncadd.s32 $0xFFFFC000  }
0x2e: {  	[hbm4b:s21+s3] =	stream.linear.scatter [tilespmem:s18], [sflag:$0x5], $0x4000, $0x38;
	[tilespmem:$0x11000] =	vst v63  }
0x2f: {  	_ =	swait.ge [sflag:s15], $0x4000  }
0x30: {  	[sflag:s15] =	ssyncset.done $0x0  }
0x31: {  	[sflag:s15] =	ssyncadd.s32 $0xFFFFC000  }
0x32: {  	_ =	swait.ge [sflag:s24], $0x4000  }
0x33: {  	[sflag:s24] =	ssyncset.done $0x0  }
0x34: {  	s28 =	sadd.s32 $0x0, s11;
	[sflag:s24] =	ssyncadd.s32 $0xFFFFC000  }
0x35: {  	[hbm4b:s28+s3] =	stream.linear.scatter [tilespmem:s19], [sflag:$0x5], $0x4000, $0x38;
	[tilespmem:$0x11000] =	vst v63  }
0x36: {  	_ =	swait.ge [sflag:s15], $0x4000  }
0x37: {  	[sflag:s15] =	ssyncset.done $0x0  }
0x38: {  	s12 =	simm.s32 $0x100;
	[sflag:s15] =	ssyncadd.s32 $0xFFFFC000  }
0x39: {  	[tilespmem:s18], [sflag:$0x1] =	stream.indirect.gather [hbm4b:s2+s17], $0x80, s12, s17, $0xb8;
	[tilespmem:$0x11000] =	vst v63  }
0x3a: {  	s13 =	simm.s32 $0x900  }
0x3b: {  	[tilespmem:s19], [sflag:$0x3] =	stream.indirect.gather [hbm4b:s5+s17], $0x80, s13, s17, $0xb8;
	[tilespmem:$0x11000] =	vst v63  }
0x3c: {  	_ =	swait.ge [sflag:s25], $0x4000  }
0x3d: {  	[sflag:s25] =	ssyncset.done $0x0  }
0x3e: {  	s14 =	sadd.s32 $0x0, s30;
	[sflag:s25] =	ssyncadd.s32 $0xFFFFC000  }
0x3f: {  	[hbm4b:s14+s3] =	stream.linear.scatter [tilespmem:s20], [sflag:$0x5], $0x4000, $0x38;
	[tilespmem:$0x11000] =	vst v63  }
0x40: {  	_ =	swait.ge [sflag:s15], $0x4000  }
0x41: {  	[sflag:s15] =	ssyncset.done $0x0  }
0x42: {  	[sflag:s15] =	ssyncadd.s32 $0xFFFFC000  }
0x43: {  	_ =	swait.ge [sflag:s26], $0x4000  }
0x44: {  	[sflag:s26] =	ssyncset.done $0x0  }
0x45: {  	s21 =	sadd.s32 $0x0, s29;
	[sflag:s26] =	ssyncadd.s32 $0xFFFFC000  }
0x46: {  	[hbm4b:s21+s3] =	stream.linear.scatter [tilespmem:s22], [sflag:$0x5], $0x4000, $0x38;
	[tilespmem:$0x11000] =	vst v63  }
0x47: {  	s0 =	simm.s32 $0x980;
	_ =	swait.ge [sflag:s15], $0x4000  }
0x48: {  	s28 =	simm.s32 $0x180;
	s12 =	simm.s32 $0x1000;
	[sflag:s15] =	ssyncset.done $0x0  }
0x49: {  	s13 =	simm.s32 $0xA80;
	s14 =	simm.s32 $0x280;
	[sflag:s15] =	ssyncadd.s32 $0xFFFFC000  }
0x4a: {  	[tilespmem:s20], [sflag:$0x2] =	stream.indirect.gather [hbm4b:s2+s17], $0x80, s28, s17, $0xb8;
	[tilespmem:$0x11000] =	vst v63  }
.LBB2_3:
0x4b: {  	[tilespmem:s22], [sflag:$0x4] =	stream.indirect.gather [hbm4b:s5+s17], $0x80, s0, s17, $0xb8;
	[tilespmem:$0x11000] =	vst v63  }
0x4c: {  	s28 =	smov.u32 s12;
	s0 =	smov.u32 s13  }
0x4d: {  	p0 =	sne.s32 s12, $0x6000;
	s12 =	sadd.s32 $0x1000, s12;
	_ =	swait.ge [sflag:s23], $0x4000  }
0x4e: {  	[sflag:s23] =	ssyncset.done $0x0  }
0x4f: {  	s21 =	sadd.s32 s28, s31;
	[sflag:s23] =	ssyncadd.s32 $0xFFFFC000  }
0x50: {  	[hbm4b:s21+s3] =	stream.linear.scatter [tilespmem:s18], [sflag:$0x5], $0x4000, $0x38;
	[tilespmem:$0x11000] =	vst v63  }
0x51: {  	_ =	swait.ge [sflag:s15], $0x4000  }
0x52: {  	[sflag:s15] =	ssyncset.done $0x0  }
0x53: {  	[sflag:s15] =	ssyncadd.s32 $0xFFFFC000  }
0x54: {  	_ =	swait.ge [sflag:s24], $0x4000  }
0x55: {  	[sflag:s24] =	ssyncset.done $0x0  }
0x56: {  	s21 =	sadd.s32 s28, s11;
	[sflag:s24] =	ssyncadd.s32 $0xFFFFC000  }
0x57: {  	[hbm4b:s21+s3] =	stream.linear.scatter [tilespmem:s19], [sflag:$0x5], $0x4000, $0x38;
	[tilespmem:$0x11000] =	vst v63  }
0x58: {  	_ =	swait.ge [sflag:s15], $0x4000  }
0x59: {  	[sflag:s15] =	ssyncset.done $0x0  }
0x5a: {  	s21 =	sadd.s32 $0xFFFFFF80, s14;
	[sflag:s15] =	ssyncadd.s32 $0xFFFFC000  }
0x5b: {  	[tilespmem:s18], [sflag:$0x1] =	stream.indirect.gather [hbm4b:s2+s17], $0x80, s21, s17, $0xb8;
	[tilespmem:$0x11000] =	vst v63  }
0x5c: {  	s21 =	sadd.s32 $0xFFFFFF80, s13  }
0x5d: {  	[tilespmem:s19], [sflag:$0x3] =	stream.indirect.gather [hbm4b:s5+s17], $0x80, s21, s17, $0xb8;
	[tilespmem:$0x11000] =	vst v63  }
0x5e: {  	_ =	swait.ge [sflag:s25], $0x4000  }
0x5f: {  	[sflag:s25] =	ssyncset.done $0x0  }
0x60: {  	s21 =	sadd.s32 s28, s30;
	[sflag:s25] =	ssyncadd.s32 $0xFFFFC000  }
0x61: {  	[hbm4b:s21+s3] =	stream.linear.scatter [tilespmem:s20], [sflag:$0x5], $0x4000, $0x38;
	[tilespmem:$0x11000] =	vst v63  }
0x62: {  	_ =	swait.ge [sflag:s15], $0x4000  }
0x63: {  	[sflag:s15] =	ssyncset.done $0x0  }
0x64: {  	[sflag:s15] =	ssyncadd.s32 $0xFFFFC000  }
0x65: {  	_ =	swait.ge [sflag:s26], $0x4000  }
0x66: {  	[sflag:s26] =	ssyncset.done $0x0  }
0x67: {  	s21 =	sadd.s32 s28, s29;
	[sflag:s26] =	ssyncadd.s32 $0xFFFFC000  }
0x68: {  	[hbm4b:s21+s3] =	stream.linear.scatter [tilespmem:s22], [sflag:$0x5], $0x4000, $0x38;
	[tilespmem:$0x11000] =	vst v63  }
.Ltmp0:
0x69: {  	_ =	swait.ge [sflag:s15], $0x4000;
	(pc) =	sbr.rel @p0 .LBB2_3-.Ltmp0, $4  }
0x6a: {  	[sflag:s15] =	ssyncset.done $0x0  }
0x6b: {  	[sflag:s15] =	ssyncadd.s32 $0xFFFFC000  }
0x6c: {  	[tilespmem:s20], [sflag:$0x2] =	stream.indirect.gather [hbm4b:s2+s17], $0x80, s14, s17, $0xb8;
	[tilespmem:$0x11000] =	vst v63  }
0x6d: {  	s13 =	sadd.s32 $0x100, s13;
	s14 =	sadd.s32 $0x100, s14  }
0x6e: {  	[tilespmem:s22], [sflag:$0x4] =	stream.indirect.gather [hbm4b:s5+s17], $0x80, s0, s17, $0xb8;
	[tilespmem:$0x11000] =	vst v63  }
0x6f: {  	s21 =	sshll.u32 s10, $0xB;
	_ =	swait.ge [sflag:s23], $0x4000  }
0x70: {  	s10 =	sor.u32 $0x7000, s21;
	[sflag:s23] =	ssyncset.done $0x0  }
0x71: {  	s12 =	sadd.s32 s8, s10;
	[sflag:s23] =	ssyncadd.s32 $0xFFFFC000  }
0x72: {  	[hbm4b:s12+s3] =	stream.linear.scatter [tilespmem:s18], [sflag:$0x5], $0x4000, $0x38;
	[tilespmem:$0x11000] =	vst v63  }
0x73: {  	_ =	swait.ge [sflag:s15], $0x4000  }
0x74: {  	[sflag:s15] =	ssyncset.done $0x0  }
0x75: {  	[sflag:s15] =	ssyncadd.s32 $0xFFFFC000  }
0x76: {  	_ =	swait.ge [sflag:s24], $0x4000  }
0x77: {  	[sflag:s24] =	ssyncset.done $0x0  }
0x78: {  	s10 =	sadd.s32 s9, s10;
	[sflag:s24] =	ssyncadd.s32 $0xFFFFC000  }
0x79: {  	[hbm4b:s10+s3] =	stream.linear.scatter [tilespmem:s19], [sflag:$0x5], $0x4000, $0x38;
	[tilespmem:$0x11000] =	vst v63  }
0x7a: {  	_ =	swait.ge [sflag:s15], $0x4000  }
0x7b: {  	[sflag:s15] =	ssyncset.done $0x0  }
0x7c: {  	[sflag:s15] =	ssyncadd.s32 $0xFFFFC000  }
0x7d: {  	s0 =	sand.u32 $0x1FFF8000, s21;
	_ =	swait.ge [sflag:s25], $0x4000  }
0x7e: {  	s0 =	sor.u32 $0x7800, s0;
	[sflag:s25] =	ssyncset.done $0x0  }
0x7f: {  	s28 =	sadd.s32 s8, s0;
	[sflag:s25] =	ssyncadd.s32 $0xFFFFC000  }
0x80: {  	[hbm4b:s28+s3] =	stream.linear.scatter [tilespmem:s20], [sflag:$0x5], $0x4000, $0x38;
	[tilespmem:$0x11000] =	vst v63  }
0x81: {  	_ =	swait.ge [sflag:s15], $0x4000  }
0x82: {  	[sflag:s15] =	ssyncset.done $0x0  }
0x83: {  	[sflag:s15] =	ssyncadd.s32 $0xFFFFC000  }
0x84: {  	s1 =	sadd.s32 $0x1, s1;
	_ =	swait.ge [sflag:s26], $0x4000  }
0x85: {  	p0 =	sne.s32 s1, $0x5;
	[sflag:s26] =	ssyncset.done $0x0  }
.Ltmp1:
0x86: {  	s0 =	sadd.s32 s9, s0;
	[sflag:s26] =	ssyncadd.s32 $0xFFFFC000;
	(pc) =	sbr.rel @p0 .LBB2_2-.Ltmp1, $4  }
0x87: {  	[hbm4b:s0+s3] =	stream.linear.scatter [tilespmem:s22], [sflag:$0x5], $0x4000, $0x38;
	[tilespmem:$0x11000] =	vst v63  }
0x88: {  	_ =	swait.ge [sflag:s15], $0x4000  }
0x89: {  	s11 =	sadd.s32 $0x8000, s11;
	s31 =	sadd.s32 $0x8000, s31;
	[sflag:s15] =	ssyncset.done $0x0  }
0x8a: {  	s30 =	sadd.s32 $0x8000, s30;
	s29 =	sadd.s32 $0x8000, s29;
	[sflag:s15] =	ssyncadd.s32 $0xFFFFC000  }
0x8b: {  	s1 =	rddreg [dreg:$0x8]  }
0x8c: {  	s0 =	rddreg [dreg:$0x3];
	s1 =	sadd.s32 $0x1, s1  }
0x8d: {  	p0 =	sne.s32 s1, s0  }
.Ltmp2:
0x8e: {  	_ = 	snop;
	(pc) =	sbr.rel @p0 .LBB2_1-.Ltmp2, $1  }
0x8f: {  	_ =	sdelay $0x3  }
0x90: {  	_ =	sfence.sel $0x180000  }
0x91: {  	[bflag:$0x0] =	sbarrier.arrive $0xFFFF  }
0x92: {  	_ =	strace $0x90000053  }
0x93: {  	s0 =	stileid.u32;
	[bflag:$0x2] =	sbarrier.arrive $0xFFFF  }
0x94: {  	p0 =	sne.s32 s0, $0x0;
	s0 =	rddreg [dreg:$0x2]  }
0x95: {  	s0 =	sadd.s32 @!p0 $0x100000, s0  }
0x96: {  	[sflag:s0] =	ssyncadd.tile.s32 @!p0 $0x1;
	_ =	shalt  }
.Lfunc_end2:
_tile_overlayer_lowered:
.L_overlay_start_2:
0x97: {  	(tag) =	ssettag $0x2  }
0x98: {  	s0 =	rddreg [dreg:$0x0];
	s2 =	stileid.u32  }
0x99: {  	s1 =	rddreg [dreg:$0x1];
	p0 =	sne.s32 s2, $0x0  }
0x9a: {  	s3 =	rddreg [dreg:$0x2];
	[bflag:$0x3] =	sbarrier.arrive $0xFFFF;
	s2 =	simm.s32 @!p0 $0x1C05  }
0x9b: {  	[timem:s3], [sflag:s2] =	dma.local @!p0 [hbm:s0], s1  }
0x9c: {  	s0 =	simm.s32 @!p0 $0x5  }
0x9d: {  	_ =	swait.ge @!p0 [sflag:s0], s1  }
0x9e: {  	s1 =	ssub.s32 @!p0 $0x0, s1;
	[sflag:s0] =	ssyncset.done @!p0 $0x0  }
0x9f: {  	[sflag:s0] =	ssyncadd.s32 @!p0 s1  }
0xa0: {  	[bflag:$0x3] =	sbarrier.arrive $0xFFFF  }
0xa1: {  	_ =	shalt  }

</sc_bundles>
